<compile_context>
chip_gen: v7x
topology: tpu7x:2x2x1
jax: 0.10.2.dev20260603
libtpu: 0.0.44.dev20260713+nightly
codegen_flags: <defaults>
</compile_context>

<pallas_src>
import functools

import jax
import jax.numpy as jnp
from jax import lax
from jax.experimental import pallas as pl
from jax.experimental.pallas import tpu as pltpu
from jax.experimental.pallas import tpu_sc as plsc

N = 10000
E = 320000
F = 128
NC = 2
NS = 16
NW = NC * NS
EW = E // NW
CH = 128
T = 80
EP = T * CH
DUMMY = N
NX = 10016
NPAD = 10240
DS = 16
BK = 8

_mesh = plsc.VectorSubcoreMesh(
    core_axis_name="c", subcore_axis_name="s", num_cores=NC, num_subcores=NS
)


def _zero_rows(buf, rows):
    z = jnp.zeros((16,), jnp.float32)
    w = buf.shape[1]
    for r in range(rows):
        for c in range(w // 16):
            buf[r, pl.ds(c * 16, 16)] = z


def _deg_body(src_hbm, dst_hbm, dego_hbm, degi_hbm,
              sidx, didx, ones_v, obuf, acco, acci, semz):
    c = lax.axis_index("c")
    s = lax.axis_index("s")
    wid = c * NS + s
    one = jnp.ones((16,), jnp.float32)
    zero = jnp.zeros((16,), jnp.float32)
    for r in range(CH // 16):
        ones_v[pl.ds(r * 16, 16)] = one
    for r in range(8):
        obuf[pl.ds(r * 16, 16)] = zero

    @pl.loop(0, NPAD // NS // 128)
    def _zero(i):
        base = s * (NPAD // NS) + i * 128
        pltpu.sync_copy(obuf, acco.at[pl.ds(base, 128)])
        pltpu.sync_copy(obuf, acci.at[pl.ds(base, 128)])

    plsc.subcore_barrier()

    @pl.loop(0, T // BK)
    def _scat(o):
        pltpu.sync_copy(src_hbm.at[wid, pl.ds(o * BK, BK)], sidx)
        pltpu.sync_copy(dst_hbm.at[wid, pl.ds(o * BK, BK)], didx)
        for k in range(BK):
            pltpu.sync_copy(ones_v, acco.at[sidx.at[k]], add=True)
            pltpu.sync_copy(ones_v, acci.at[didx.at[k]], add=True)

    plsc.subcore_barrier()

    @pl.loop(0, 5)
    def _out(i):
        base = s * (NPAD // NS) + i * 128
        pltpu.sync_copy(acco.at[pl.ds(base, 128)], obuf)
        pltpu.sync_copy(obuf, dego_hbm.at[c, pl.ds(base, 128)])
        pltpu.sync_copy(acci.at[pl.ds(base, 128)], obuf)
        pltpu.sync_copy(obuf, degi_hbm.at[c, pl.ds(base, 128)])


_deg_kernel = pl.kernel(
    _deg_body,
    out_type=(
        jax.ShapeDtypeStruct((NC, NPAD), jnp.float32),
        jax.ShapeDtypeStruct((NC, NPAD), jnp.float32),
    ),
    mesh=_mesh,
    scratch_types=[
        pltpu.VMEM((BK, CH), jnp.int32),
        pltpu.VMEM((BK, CH), jnp.int32),
        pltpu.VMEM((CH,), jnp.float32),
        pltpu.VMEM((128,), jnp.float32),
        pltpu.VMEM_SHARED((NPAD,), jnp.float32),
        pltpu.VMEM_SHARED((NPAD,), jnp.float32),
        pltpu.SemaphoreType.DMA,
    ],
)


def _prop_body(x_hbm, src_hbm, dst_hbm, out_hbm,
               sidx, didx, buf0, buf1, acc, gsem):
    c = lax.axis_index("c")
    s = lax.axis_index("s")
    wid = c * NS + s
    _zero_rows(buf0, 16)

    @pl.loop(0, NPAD // NS // 16)
    def _zero(i):
        base = s * (NPAD // NS) + i * 16
        pltpu.sync_copy(buf0.at[pl.ds(0, 16)], acc.at[pl.ds(base, 16)])

    plsc.subcore_barrier()

    @pl.loop(0, T // BK)
    def _blk(o):
        pltpu.sync_copy(src_hbm.at[wid, pl.ds(o * BK, BK)], sidx)
        pltpu.sync_copy(dst_hbm.at[wid, pl.ds(o * BK, BK)], didx)
        pltpu.async_copy(x_hbm.at[sidx.at[0]], buf0, gsem).wait()
        for k in range(0, BK, 2):
            cp1 = pltpu.async_copy(x_hbm.at[sidx.at[k + 1]], buf1, gsem)
            pltpu.sync_copy(buf0, acc.at[didx.at[k]], add=True)
            cp1.wait()
            if k + 2 < BK:
                cp2 = pltpu.async_copy(x_hbm.at[sidx.at[k + 2]], buf0, gsem)
                pltpu.sync_copy(buf1, acc.at[didx.at[k + 1]], add=True)
                cp2.wait()
            else:
                pltpu.sync_copy(buf1, acc.at[didx.at[k + 1]], add=True)

    plsc.subcore_barrier()

    @pl.loop(0, NPAD // NS // CH)
    def _out(i):
        base = s * (NPAD // NS) + i * CH
        pltpu.sync_copy(acc.at[pl.ds(base, CH)], out_hbm.at[c, pl.ds(base, CH)])


_prop_kernel = pl.kernel(
    _prop_body,
    out_type=jax.ShapeDtypeStruct((NC, NPAD, F), jnp.float32),
    mesh=_mesh,
    scratch_types=[
        pltpu.VMEM((BK, CH), jnp.int32),
        pltpu.VMEM((BK, CH), jnp.int32),
        pltpu.VMEM((CH, F), jnp.float32),
        pltpu.VMEM((CH, F), jnp.float32),
        pltpu.VMEM_SHARED((NPAD, F), jnp.float32),
        pltpu.SemaphoreType.DMA,
    ],
)


def _rsqrt_deg(deg_ref):
    d = deg_ref[...]
    cnt = d[0, :N] + d[1, :N]
    return lax.rsqrt(jnp.maximum(cnt, 1.0))[:, None]


def _scale_body(x_ref, dego_ref, o_ref):
    xs = x_ref[...] * _rsqrt_deg(dego_ref)
    o_ref[pl.ds(0, N), :] = xs
    o_ref[pl.ds(N, NX - N), :] = jnp.zeros((NX - N, F), jnp.float32)


def _mid_body(yp_ref, degi_ref, dego_ref, w_ref, b_ref, o_ref):
    yp = yp_ref[...]
    y = (yp[0, :N] + yp[1, :N]) * _rsqrt_deg(degi_ref)
    z = jnp.dot(y, w_ref[...], preferred_element_type=jnp.float32) + b_ref[...]
    z = jnp.maximum(z, 0.0) * _rsqrt_deg(dego_ref)
    o_ref[pl.ds(0, N), :] = z
    o_ref[pl.ds(N, NX - N), :] = jnp.zeros((NX - N, F), jnp.float32)


def _fin_body(yp_ref, degi_ref, w_ref, b_ref, o_ref):
    yp = yp_ref[...]
    y = (yp[0, :N] + yp[1, :N]) * _rsqrt_deg(degi_ref)
    o_ref[...] = (
        jnp.dot(y, w_ref[...], preferred_element_type=jnp.float32) + b_ref[...]
    )


def _pad_edges(idx):
    w = idx.reshape(NW, EW)
    pad = jnp.full((NW, EP - EW), DUMMY, jnp.int32)
    return jnp.concatenate([w, pad], axis=1).reshape(NW, T, CH)


def kernel(h, edge_index, W1, b1, W2, b2):
    srcp = _pad_edges(edge_index[0])
    dstp = _pad_edges(edge_index[1])
    dego, degi = _deg_kernel(srcp, dstp)

    x0 = h.T
    xs = pl.pallas_call(
        _scale_body, out_shape=jax.ShapeDtypeStruct((NX, F), jnp.float32)
    )(x0, dego)
    y1 = _prop_kernel(xs, srcp, dstp)
    z1 = pl.pallas_call(
        _mid_body, out_shape=jax.ShapeDtypeStruct((NX, F), jnp.float32)
    )(y1, degi, dego, W1, b1.reshape(1, F))
    y2 = _prop_kernel(z1, srcp, dstp)
    out = pl.pallas_call(
        _fin_body, out_shape=jax.ShapeDtypeStruct((N, F), jnp.float32)
    )(y2, degi, W2, b2.reshape(1, F))
    return out.T

# --- scband reference (transcript-rebuilt; emitter-appended) ---
"""Pipeline reference for scband-gcnn-2-l-31250182045887 (READ-ONLY COPY).

The authoritative reference and input builder live on the scoring server;
editing this copy changes nothing except your own understanding.
"""

import jax, jax.numpy as jnp
import numpy as np

N_NODES = 10000
N_EDGES = 320000
IN_DIM = 128
HID_DIM = 128
OUT_DIM = 128


def setup_inputs(seed: int = 0) -> dict:
    key = jax.random.key(seed)
    k1, k2, k3, k4, k5, k6 = jax.random.split(key, 6)
    h = jax.random.normal(k1, (IN_DIM, N_NODES), dtype=jnp.float32)
    edge_index = jax.random.randint(k2, (2, N_EDGES), 0, N_NODES, dtype=jnp.int32)
    W1 = jax.random.normal(k3, (IN_DIM, HID_DIM), dtype=jnp.float32) * (1.0 / np.sqrt(IN_DIM))
    b1 = jnp.zeros((HID_DIM,), dtype=jnp.float32)
    W2 = jax.random.normal(k4, (HID_DIM, OUT_DIM), dtype=jnp.float32) * (1.0 / np.sqrt(HID_DIM))
    b2 = jnp.zeros((OUT_DIM,), dtype=jnp.float32)
    return {"h": h, "edge_index": edge_index, "W1": W1, "b1": b1, "W2": W2, "b2": b2}


def _gcn_layer(x, W, b, src, dst, n_nodes):
    # DGL GraphConv with norm='both': D_dst^{-1/2} A D_src^{-1/2} X W + b
    deg_out = jnp.clip(jnp.bincount(src, length=n_nodes), 1).astype(x.dtype)
    deg_in = jnp.clip(jnp.bincount(dst, length=n_nodes), 1).astype(x.dtype)
    x = x * jax.lax.rsqrt(deg_out)[:, None]
    msg = jax.ops.segment_sum(jnp.take(x, src, axis=0), dst, num_segments=n_nodes)
    msg = msg * jax.lax.rsqrt(deg_in)[:, None]
    return msg @ W + b


def reference(h, edge_index, W1, b1, W2, b2):
    src = edge_index[0]
    dst = edge_index[1]
    x = h.T  # [N, in_dim]
    x = _gcn_layer(x, W1, b1, src, dst, N_NODES)
    x = jax.nn.relu(x)
    # dropout p=0 -> identity
    x = _gcn_layer(x, W2, b2, src, dst, N_NODES)
    return x.T  # [out_dim, N]

if __name__ == "__main__":
    import jax
    _d = setup_inputs()
    print(jax.jit(kernel)(*tuple(_d.values())))

</pallas_src>

<mosaic_0001>
#map = affine_map<(d0, d1) -> (0, 0, 0)>
#map1 = affine_map<(d0, d1) -> (0, 0)>
module attributes {stable_mosaic.version = 14 : i64} {
  func.func @_deg_body(%arg0: i32, %arg1: i32, %arg2: memref<32x80x128xi32, #tpu.memory_space<hbm>>, %arg3: memref<32x80x128xi32, #tpu.memory_space<hbm>>, %arg4: memref<2x10240xf32, #tpu.memory_space<hbm>>, %arg5: memref<2x10240xf32, #tpu.memory_space<hbm>>, %arg6: memref<8x128xi32, #tpu.memory_space<vmem>>, %arg7: memref<8x128xi32, #tpu.memory_space<vmem>>, %arg8: memref<128xf32, #tpu.memory_space<vmem>>, %arg9: memref<128xf32, #tpu.memory_space<vmem>>, %arg10: memref<10240xf32, #tpu.memory_space<vmem_shared>>, %arg11: memref<10240xf32, #tpu.memory_space<vmem_shared>>, %arg12: memref<!tpu.dma_semaphore, #tpu.memory_space<semaphore_mem>>) attributes {dimension_semantics = [#tpu.dimension_semantics<core_parallel>, #tpu.dimension_semantics<subcore_parallel>], iteration_bounds = array<i64: 2, 16>, scalar_prefetch = 0 : i64, scratch_operands = 7 : i64, tpu.core_type = #tpu.core_type<sc_vector_subcore>, window_params = [{transform_indices = #map}, {transform_indices = #map}, {transform_indices = #map1}, {transform_indices = #map1}]} {
    %mul3A = arith.constant 16 : i32
    %mul3A_0 = arith.muli %arg0, %mul3A : i32
    %add3A = arith.addi %mul3A_0, %arg1 : i32
    %broadcast_in_dim3A = arith.constant 1.000000e+00 : f32
    %broadcast_in_dim3A_1 = vector.broadcast %broadcast_in_dim3A : f32 to vector<16xf32>
    %broadcast_in_dim3A_2 = arith.constant 0.000000e+00 : f32
    %broadcast_in_dim3A_3 = vector.broadcast %broadcast_in_dim3A_2 : f32 to vector<16xf32>
    %swap3A = arith.constant 0 : index
    %swap3A_4 = tpu.vector_load %arg8[%swap3A] {strides = array<i32>} : memref<128xf32, #tpu.memory_space<vmem>>, vector<16xf32>,
    %swap3A_5 = vector.shape_cast %swap3A_4 : vector<16xf32> to vector<16xf32>
    %swap3A_6 = vector.shape_cast %broadcast_in_dim3A_1 : vector<16xf32> to vector<16xf32>
    tpu.vector_store %arg8[%swap3A], %swap3A_6 {strides = array<i32>} : memref<128xf32, #tpu.memory_space<vmem>>, vector<16xf32>,
    %swap3A_7 = arith.constant 16 : index
    %swap3A_8 = tpu.vector_load %arg8[%swap3A_7] {strides = array<i32>} : memref<128xf32, #tpu.memory_space<vmem>>, vector<16xf32>,
    %swap3A_9 = vector.shape_cast %swap3A_8 : vector<16xf32> to vector<16xf32>
    %swap3A_10 = vector.shape_cast %broadcast_in_dim3A_1 : vector<16xf32> to vector<16xf32>
    tpu.vector_store %arg8[%swap3A_7], %swap3A_10 {strides = array<i32>} : memref<128xf32, #tpu.memory_space<vmem>>, vector<16xf32>,
    %swap3A_11 = arith.constant 32 : index
    %swap3A_12 = tpu.vector_load %arg8[%swap3A_11] {strides = array<i32>} : memref<128xf32, #tpu.memory_space<vmem>>, vector<16xf32>,
    %swap3A_13 = vector.shape_cast %swap3A_12 : vector<16xf32> to vector<16xf32>
    %swap3A_14 = vector.shape_cast %broadcast_in_dim3A_1 : vector<16xf32> to vector<16xf32>
    tpu.vector_store %arg8[%swap3A_11], %swap3A_14 {strides = array<i32>} : memref<128xf32, #tpu.memory_space<vmem>>, vector<16xf32>,
    %swap3A_15 = arith.constant 48 : index
    %swap3A_16 = tpu.vector_load %arg8[%swap3A_15] {strides = array<i32>} : memref<128xf32, #tpu.memory_space<vmem>>, vector<16xf32>,
    %swap3A_17 = vector.shape_cast %swap3A_16 : vector<16xf32> to vector<16xf32>
    %swap3A_18 = vector.shape_cast %broadcast_in_dim3A_1 : vector<16xf32> to vector<16xf32>
    tpu.vector_store %arg8[%swap3A_15], %swap3A_18 {strides = array<i32>} : memref<128xf32, #tpu.memory_space<vmem>>, vector<16xf32>,
    %swap3A_19 = arith.constant 64 : index
    %swap3A_20 = tpu.vector_load %arg8[%swap3A_19] {strides = array<i32>} : memref<128xf32, #tpu.memory_space<vmem>>, vector<16xf32>,
    %swap3A_21 = vector.shape_cast %swap3A_20 : vector<16xf32> to vector<16xf32>
    %swap3A_22 = vector.shape_cast %broadcast_in_dim3A_1 : vector<16xf32> to vector<16xf32>
    tpu.vector_store %arg8[%swap3A_19], %swap3A_22 {strides = array<i32>} : memref<128xf32, #tpu.memory_space<vmem>>, vector<16xf32>,
    %swap3A_23 = arith.constant 80 : index
    %swap3A_24 = tpu.vector_load %arg8[%swap3A_23] {strides = array<i32>} : memref<128xf32, #tpu.memory_space<vmem>>, vector<16xf32>,
    %swap3A_25 = vector.shape_cast %swap3A_24 : vector<16xf32> to vector<16xf32>
    %swap3A_26 = vector.shape_cast %broadcast_in_dim3A_1 : vector<16xf32> to vector<16xf32>
    tpu.vector_store %arg8[%swap3A_23], %swap3A_26 {strides = array<i32>} : memref<128xf32, #tpu.memory_space<vmem>>, vector<16xf32>,
    %swap3A_27 = arith.constant 96 : index
    %swap3A_28 = tpu.vector_load %arg8[%swap3A_27] {strides = array<i32>} : memref<128xf32, #tpu.memory_space<vmem>>, vector<16xf32>,
    %swap3A_29 = vector.shape_cast %swap3A_28 : vector<16xf32> to vector<16xf32>
    %swap3A_30 = vector.shape_cast %broadcast_in_dim3A_1 : vector<16xf32> to vector<16xf32>
    tpu.vector_store %arg8[%swap3A_27], %swap3A_30 {strides = array<i32>} : memref<128xf32, #tpu.memory_space<vmem>>, vector<16xf32>,
    %swap3A_31 = arith.constant 112 : index
    %swap3A_32 = tpu.vector_load %arg8[%swap3A_31] {strides = array<i32>} : memref<128xf32, #tpu.memory_space<vmem>>, vector<16xf32>,
    %swap3A_33 = vector.shape_cast %swap3A_32 : vector<16xf32> to vector<16xf32>
    %swap3A_34 = vector.shape_cast %broadcast_in_dim3A_1 : vector<16xf32> to vector<16xf32>
    tpu.vector_store %arg8[%swap3A_31], %swap3A_34 {strides = array<i32>} : memref<128xf32, #tpu.memory_space<vmem>>, vector<16xf32>,
    %swap3A_35 = arith.constant 0 : index
    %swap3A_36 = tpu.vector_load %arg9[%swap3A_35] {strides = array<i32>} : memref<128xf32, #tpu.memory_space<vmem>>, vector<16xf32>,
    %swap3A_37 = vector.shape_cast %swap3A_36 : vector<16xf32> to vector<16xf32>
    %swap3A_38 = vector.shape_cast %broadcast_in_dim3A_3 : vector<16xf32> to vector<16xf32>
    tpu.vector_store %arg9[%swap3A_35], %swap3A_38 {strides = array<i32>} : memref<128xf32, #tpu.memory_space<vmem>>, vector<16xf32>,
    %swap3A_39 = arith.constant 16 : index
    %swap3A_40 = tpu.vector_load %arg9[%swap3A_39] {strides = array<i32>} : memref<128xf32, #tpu.memory_space<vmem>>, vector<16xf32>,
    %swap3A_41 = vector.shape_cast %swap3A_40 : vector<16xf32> to vector<16xf32>
    %swap3A_42 = vector.shape_cast %broadcast_in_dim3A_3 : vector<16xf32> to vector<16xf32>
    tpu.vector_store %arg9[%swap3A_39], %swap3A_42 {strides = array<i32>} : memref<128xf32, #tpu.memory_space<vmem>>, vector<16xf32>,
    %swap3A_43 = arith.constant 32 : index
    %swap3A_44 = tpu.vector_load %arg9[%swap3A_43] {strides = array<i32>} : memref<128xf32, #tpu.memory_space<vmem>>, vector<16xf32>,
    %swap3A_45 = vector.shape_cast %swap3A_44 : vector<16xf32> to vector<16xf32>
    %swap3A_46 = vector.shape_cast %broadcast_in_dim3A_3 : vector<16xf32> to vector<16xf32>
    tpu.vector_store %arg9[%swap3A_43], %swap3A_46 {strides = array<i32>} : memref<128xf32, #tpu.memory_space<vmem>>, vector<16xf32>,
    %swap3A_47 = arith.constant 48 : index
    %swap3A_48 = tpu.vector_load %arg9[%swap3A_47] {strides = array<i32>} : memref<128xf32, #tpu.memory_space<vmem>>, vector<16xf32>,
    %swap3A_49 = vector.shape_cast %swap3A_48 : vector<16xf32> to vector<16xf32>
    %swap3A_50 = vector.shape_cast %broadcast_in_dim3A_3 : vector<16xf32> to vector<16xf32>
    tpu.vector_store %arg9[%swap3A_47], %swap3A_50 {strides = array<i32>} : memref<128xf32, #tpu.memory_space<vmem>>, vector<16xf32>,
    %swap3A_51 = arith.constant 64 : index
    %swap3A_52 = tpu.vector_load %arg9[%swap3A_51] {strides = array<i32>} : memref<128xf32, #tpu.memory_space<vmem>>, vector<16xf32>,
    %swap3A_53 = vector.shape_cast %swap3A_52 : vector<16xf32> to vector<16xf32>
    %swap3A_54 = vector.shape_cast %broadcast_in_dim3A_3 : vector<16xf32> to vector<16xf32>
    tpu.vector_store %arg9[%swap3A_51], %swap3A_54 {strides = array<i32>} : memref<128xf32, #tpu.memory_space<vmem>>, vector<16xf32>,
    %swap3A_55 = arith.constant 80 : index
    %swap3A_56 = tpu.vector_load %arg9[%swap3A_55] {strides = array<i32>} : memref<128xf32, #tpu.memory_space<vmem>>, vector<16xf32>,
    %swap3A_57 = vector.shape_cast %swap3A_56 : vector<16xf32> to vector<16xf32>
    %swap3A_58 = vector.shape_cast %broadcast_in_dim3A_3 : vector<16xf32> to vector<16xf32>
    tpu.vector_store %arg9[%swap3A_55], %swap3A_58 {strides = array<i32>} : memref<128xf32, #tpu.memory_space<vmem>>, vector<16xf32>,
    %swap3A_59 = arith.constant 96 : index
    %swap3A_60 = tpu.vector_load %arg9[%swap3A_59] {strides = array<i32>} : memref<128xf32, #tpu.memory_space<vmem>>, vector<16xf32>,
    %swap3A_61 = vector.shape_cast %swap3A_60 : vector<16xf32> to vector<16xf32>
    %swap3A_62 = vector.shape_cast %broadcast_in_dim3A_3 : vector<16xf32> to vector<16xf32>
    tpu.vector_store %arg9[%swap3A_59], %swap3A_62 {strides = array<i32>} : memref<128xf32, #tpu.memory_space<vmem>>, vector<16xf32>,
    %swap3A_63 = arith.constant 112 : index
    %swap3A_64 = tpu.vector_load %arg9[%swap3A_63] {strides = array<i32>} : memref<128xf32, #tpu.memory_space<vmem>>, vector<16xf32>,
    %swap3A_65 = vector.shape_cast %swap3A_64 : vector<16xf32> to vector<16xf32>
    %swap3A_66 = vector.shape_cast %broadcast_in_dim3A_3 : vector<16xf32> to vector<16xf32>
    tpu.vector_store %arg9[%swap3A_63], %swap3A_66 {strides = array<i32>} : memref<128xf32, #tpu.memory_space<vmem>>, vector<16xf32>,
    %scan3A = arith.constant 0 : i32
    %scan3A_67 = arith.constant 5 : i32
    %scan3A_68 = arith.addi %scan3A, %scan3A_67 : i32
    %scan3A_69 = arith.constant 1 : i32
    scf.for %scan3A_82 = %scan3A to %scan3A_68 step %scan3A_69  : i32 {
      %mul3A_83 = arith.constant 1 : i32
      %mul3A_84 = arith.muli %scan3A_82, %mul3A_83 : i32
      %add3A_85 = arith.constant 0 : i32
      %add3A_86 = arith.addi %add3A_85, %mul3A_84 : i32
      %mul3A_87 = arith.constant 640 : i32
      %mul3A_88 = arith.muli %arg1, %mul3A_87 : i32
      %mul3A_89 = arith.constant 128 : i32
      %mul3A_90 = arith.muli %add3A_86, %mul3A_89 : i32
      %add3A_91 = arith.addi %mul3A_88, %mul3A_90 : i32
      "tpu.region"() ({
        %run_scoped3A = tpu.sem_alloc : memref<!tpu.dma_semaphore, #tpu.memory_space<semaphore_mem>>
        %dma_start3A = tpu.memref_slice %arg10[%add3A_91] : memref<10240xf32, #tpu.memory_space<vmem_shared>> -> memref<128xf32, #tpu.memory_space<vmem_shared>>
        %dma_start3A_92 = tpu.memref_slice %arg10[%add3A_91] : memref<10240xf32, #tpu.memory_space<vmem_shared>> -> memref<128xf32, #tpu.memory_space<vmem_shared>>
        tpu.enqueue_dma source(%arg9 : memref<128xf32, #tpu.memory_space<vmem>>) target(%dma_start3A_92 : memref<128xf32, #tpu.memory_space<vmem_shared>>) target_semaphore(%run_scoped3A : memref<!tpu.dma_semaphore, #tpu.memory_space<semaphore_mem>>)
        %dma_wait3A = tpu.memref_slice %arg10[%add3A_91] : memref<10240xf32, #tpu.memory_space<vmem_shared>> -> memref<128xf32, #tpu.memory_space<vmem_shared>>
        %dma_wait3A_93 = tpu.memref_slice %arg10[%add3A_91] : memref<10240xf32, #tpu.memory_space<vmem_shared>> -> memref<128xf32, #tpu.memory_space<vmem_shared>>
        tpu.wait_dma2 semaphore(%run_scoped3A : memref<!tpu.dma_semaphore, #tpu.memory_space<semaphore_mem>>) src(%arg9 : memref<128xf32, #tpu.memory_space<vmem>>) dst(%dma_wait3A_93 : memref<128xf32, #tpu.memory_space<vmem_shared>>)
        tpu.yield
      }) : () -> ()
      "tpu.region"() ({
        %run_scoped3A = tpu.sem_alloc : memref<!tpu.dma_semaphore, #tpu.memory_space<semaphore_mem>>
        %dma_start3A = tpu.memref_slice %arg11[%add3A_91] : memref<10240xf32, #tpu.memory_space<vmem_shared>> -> memref<128xf32, #tpu.memory_space<vmem_shared>>
        %dma_start3A_92 = tpu.memref_slice %arg11[%add3A_91] : memref<10240xf32, #tpu.memory_space<vmem_shared>> -> memref<128xf32, #tpu.memory_space<vmem_shared>>
        tpu.enqueue_dma source(%arg9 : memref<128xf32, #tpu.memory_space<vmem>>) target(%dma_start3A_92 : memref<128xf32, #tpu.memory_space<vmem_shared>>) target_semaphore(%run_scoped3A : memref<!tpu.dma_semaphore, #tpu.memory_space<semaphore_mem>>)
        %dma_wait3A = tpu.memref_slice %arg11[%add3A_91] : memref<10240xf32, #tpu.memory_space<vmem_shared>> -> memref<128xf32, #tpu.memory_space<vmem_shared>>
        %dma_wait3A_93 = tpu.memref_slice %arg11[%add3A_91] : memref<10240xf32, #tpu.memory_space<vmem_shared>> -> memref<128xf32, #tpu.memory_space<vmem_shared>>
        tpu.wait_dma2 semaphore(%run_scoped3A : memref<!tpu.dma_semaphore, #tpu.memory_space<semaphore_mem>>) src(%arg9 : memref<128xf32, #tpu.memory_space<vmem>>) dst(%dma_wait3A_93 : memref<128xf32, #tpu.memory_space<vmem_shared>>)
        tpu.yield
      }) : () -> ()
    }
    %scan3A_70 = arith.constant 5 : i32
    %barrier3A = arith.constant 0 : index
    tpu.barrier barrier_id(%barrier3A)
    %scan3A_71 = arith.constant 0 : i32
    %scan3A_72 = arith.constant 10 : i32
    %scan3A_73 = arith.addi %scan3A_71, %scan3A_72 : i32
    %scan3A_74 = arith.constant 1 : i32
    scf.for %scan3A_82 = %scan3A_71 to %scan3A_73 step %scan3A_74  : i32 {
      %mul3A_83 = arith.constant 1 : i32
      %mul3A_84 = arith.muli %scan3A_82, %mul3A_83 : i32
      %add3A_85 = arith.constant 0 : i32
      %add3A_86 = arith.addi %add3A_85, %mul3A_84 : i32
      %mul3A_87 = arith.constant 8 : i32
      %mul3A_88 = arith.muli %add3A_86, %mul3A_87 : i32
      "tpu.region"() ({
        %run_scoped3A_106 = tpu.sem_alloc : memref<!tpu.dma_semaphore, #tpu.memory_space<semaphore_mem>>
        %dma_start3A = arith.constant 0 : i32
        %dma_start3A_107 = tpu.memref_slice %arg2[%add3A, %mul3A_88, %dma_start3A] : memref<32x80x128xi32, #tpu.memory_space<hbm>> -> memref<1x8x128xi32, #tpu.memory_space<hbm>>
        %dma_start3A_108 = tpu.memref_squeeze %dma_start3A_107 : memref<1x8x128xi32, #tpu.memory_space<hbm>> -> memref<8x128xi32, #tpu.memory_space<hbm>>
        %dma_start3A_109 = arith.constant 0 : i32
        %dma_start3A_110 = tpu.memref_slice %arg2[%add3A, %mul3A_88, %dma_start3A_109] : memref<32x80x128xi32, #tpu.memory_space<hbm>> -> memref<1x8x128xi32, #tpu.memory_space<hbm>>
        %dma_start3A_111 = tpu.memref_squeeze %dma_start3A_110 : memref<1x8x128xi32, #tpu.memory_space<hbm>> -> memref<8x128xi32, #tpu.memory_space<hbm>>
        tpu.enqueue_dma source(%dma_start3A_111 : memref<8x128xi32, #tpu.memory_space<hbm>>) target(%arg6 : memref<8x128xi32, #tpu.memory_space<vmem>>) target_semaphore(%run_scoped3A_106 : memref<!tpu.dma_semaphore, #tpu.memory_space<semaphore_mem>>)
        %dma_wait3A = arith.constant 0 : i32
        %dma_wait3A_112 = tpu.memref_slice %arg2[%add3A, %mul3A_88, %dma_wait3A] : memref<32x80x128xi32, #tpu.memory_space<hbm>> -> memref<1x8x128xi32, #tpu.memory_space<hbm>>
        %dma_wait3A_113 = tpu.memref_squeeze %dma_wait3A_112 : memref<1x8x128xi32, #tpu.memory_space<hbm>> -> memref<8x128xi32, #tpu.memory_space<hbm>>
        %dma_wait3A_114 = arith.constant 0 : i32
        %dma_wait3A_115 = tpu.memref_slice %arg2[%add3A, %mul3A_88, %dma_wait3A_114] : memref<32x80x128xi32, #tpu.memory_space<hbm>> -> memref<1x8x128xi32, #tpu.memory_space<hbm>>
        %dma_wait3A_116 = tpu.memref_squeeze %dma_wait3A_115 : memref<1x8x128xi32, #tpu.memory_space<hbm>> -> memref<8x128xi32, #tpu.memory_space<hbm>>
        tpu.wait_dma2 semaphore(%run_scoped3A_106 : memref<!tpu.dma_semaphore, #tpu.memory_space<semaphore_mem>>) src(%dma_wait3A_116 : memref<8x128xi32, #tpu.memory_space<hbm>>) dst(%arg6 : memref<8x128xi32, #tpu.memory_space<vmem>>)
        tpu.yield
      }) : () -> ()
      %mul3A_89 = arith.constant 8 : i32
      %mul3A_90 = arith.muli %add3A_86, %mul3A_89 : i32
      "tpu.region"() ({
        %run_scoped3A_106 = tpu.sem_alloc : memref<!tpu.dma_semaphore, #tpu.memory_space<semaphore_mem>>
        %dma_start3A = arith.constant 0 : i32
        %dma_start3A_107 = tpu.memref_slice %arg3[%add3A, %mul3A_90, %dma_start3A] : memref<32x80x128xi32, #tpu.memory_space<hbm>> -> memref<1x8x128xi32, #tpu.memory_space<hbm>>
        %dma_start3A_108 = tpu.memref_squeeze %dma_start3A_107 : memref<1x8x128xi32, #tpu.memory_space<hbm>> -> memref<8x128xi32, #tpu.memory_space<hbm>>
        %dma_start3A_109 = arith.constant 0 : i32
        %dma_start3A_110 = tpu.memref_slice %arg3[%add3A, %mul3A_90, %dma_start3A_109] : memref<32x80x128xi32, #tpu.memory_space<hbm>> -> memref<1x8x128xi32, #tpu.memory_space<hbm>>
        %dma_start3A_111 = tpu.memref_squeeze %dma_start3A_110 : memref<1x8x128xi32, #tpu.memory_space<hbm>> -> memref<8x128xi32, #tpu.memory_space<hbm>>
        tpu.enqueue_dma source(%dma_start3A_111 : memref<8x128xi32, #tpu.memory_space<hbm>>) target(%arg7 : memref<8x128xi32, #tpu.memory_space<vmem>>) target_semaphore(%run_scoped3A_106 : memref<!tpu.dma_semaphore, #tpu.memory_space<semaphore_mem>>)
        %dma_wait3A = arith.constant 0 : i32
        %dma_wait3A_112 = tpu.memref_slice %arg3[%add3A, %mul3A_90, %dma_wait3A] : memref<32x80x128xi32, #tpu.memory_space<hbm>> -> memref<1x8x128xi32, #tpu.memory_space<hbm>>
        %dma_wait3A_113 = tpu.memref_squeeze %dma_wait3A_112 : memref<1x8x128xi32, #tpu.memory_space<hbm>> -> memref<8x128xi32, #tpu.memory_space<hbm>>
        %dma_wait3A_114 = arith.constant 0 : i32
        %dma_wait3A_115 = tpu.memref_slice %arg3[%add3A, %mul3A_90, %dma_wait3A_114] : memref<32x80x128xi32, #tpu.memory_space<hbm>> -> memref<1x8x128xi32, #tpu.memory_space<hbm>>
        %dma_wait3A_116 = tpu.memref_squeeze %dma_wait3A_115 : memref<1x8x128xi32, #tpu.memory_space<hbm>> -> memref<8x128xi32, #tpu.memory_space<hbm>>
        tpu.wait_dma2 semaphore(%run_scoped3A_106 : memref<!tpu.dma_semaphore, #tpu.memory_space<semaphore_mem>>) src(%dma_wait3A_116 : memref<8x128xi32, #tpu.memory_space<hbm>>) dst(%arg7 : memref<8x128xi32, #tpu.memory_space<vmem>>)
        tpu.yield
      }) : () -> ()
      %run_scoped3A = arith.constant 0 : i32
      "tpu.region"() ({
        %run_scoped3A_106 = tpu.sem_alloc : memref<!tpu.dma_semaphore, #tpu.memory_space<semaphore_mem>>
        %dma_start3A = arith.constant 0 : i32
        %dma_start3A_107 = tpu.memref_slice %arg6[%run_scoped3A, %dma_start3A] : memref<8x128xi32, #tpu.memory_space<vmem>> -> memref<1x128xi32, #tpu.memory_space<vmem>>
        %dma_start3A_108 = tpu.memref_squeeze %dma_start3A_107 : memref<1x128xi32, #tpu.memory_space<vmem>> -> memref<128xi32, #tpu.memory_space<vmem>>
        %dma_start3A_109 = arith.constant 0 : i32
        %dma_start3A_110 = tpu.memref_slice %arg10[%dma_start3A_109] : memref<10240xf32, #tpu.memory_space<vmem_shared>> -> memref<10240xf32, #tpu.memory_space<vmem_shared>>
        tpu.enqueue_indirect_dma source(%arg8 : memref<128xf32, #tpu.memory_space<vmem>>) target(%dma_start3A_110 : memref<10240xf32, #tpu.memory_space<vmem_shared>>) offsets(%dma_start3A_108 : memref<128xi32, #tpu.memory_space<vmem>>) semaphore(%run_scoped3A_106 : memref<!tpu.dma_semaphore, #tpu.memory_space<semaphore_mem>>) {add = true}
        %dma_wait3A = arith.constant 0 : i32
        %dma_wait3A_111 = tpu.memref_slice %arg6[%run_scoped3A, %dma_wait3A] : memref<8x128xi32, #tpu.memory_space<vmem>> -> memref<1x128xi32, #tpu.memory_space<vmem>>
        %dma_wait3A_112 = tpu.memref_squeeze %dma_wait3A_111 : memref<1x128xi32, #tpu.memory_space<vmem>> -> memref<128xi32, #tpu.memory_space<vmem>>
        %dma_wait3A_113 = arith.constant 0 : i32
        %dma_wait3A_114 = tpu.memref_slice %arg10[%dma_wait3A_113] : memref<10240xf32, #tpu.memory_space<vmem_shared>> -> memref<10240xf32, #tpu.memory_space<vmem_shared>>
        tpu.wait_indirect_dma semaphore(%run_scoped3A_106 : memref<!tpu.dma_semaphore, #tpu.memory_space<semaphore_mem>>) src(%arg8 : memref<128xf32, #tpu.memory_space<vmem>>) dst(%dma_wait3A_114 : memref<10240xf32, #tpu.memory_space<vmem_shared>>)
        tpu.yield
      }) : () -> ()
      %run_scoped3A_91 = arith.constant 0 : i32
      "tpu.region"() ({
        %run_scoped3A_106 = tpu.sem_alloc : memref<!tpu.dma_semaphore, #tpu.memory_space<semaphore_mem>>
        %dma_start3A = arith.constant 0 : i32
        %dma_start3A_107 = tpu.memref_slice %arg7[%run_scoped3A_91, %dma_start3A] : memref<8x128xi32, #tpu.memory_space<vmem>> -> memref<1x128xi32, #tpu.memory_space<vmem>>
        %dma_start3A_108 = tpu.memref_squeeze %dma_start3A_107 : memref<1x128xi32, #tpu.memory_space<vmem>> -> memref<128xi32, #tpu.memory_space<vmem>>
        %dma_start3A_109 = arith.constant 0 : i32
        %dma_start3A_110 = tpu.memref_slice %arg11[%dma_start3A_109] : memref<10240xf32, #tpu.memory_space<vmem_shared>> -> memref<10240xf32, #tpu.memory_space<vmem_shared>>
        tpu.enqueue_indirect_dma source(%arg8 : memref<128xf32, #tpu.memory_space<vmem>>) target(%dma_start3A_110 : memref<10240xf32, #tpu.memory_space<vmem_shared>>) offsets(%dma_start3A_108 : memref<128xi32, #tpu.memory_space<vmem>>) semaphore(%run_scoped3A_106 : memref<!tpu.dma_semaphore, #tpu.memory_space<semaphore_mem>>) {add = true}
        %dma_wait3A = arith.constant 0 : i32
        %dma_wait3A_111 = tpu.memref_slice %arg7[%run_scoped3A_91, %dma_wait3A] : memref<8x128xi32, #tpu.memory_space<vmem>> -> memref<1x128xi32, #tpu.memory_space<vmem>>
        %dma_wait3A_112 = tpu.memref_squeeze %dma_wait3A_111 : memref<1x128xi32, #tpu.memory_space<vmem>> -> memref<128xi32, #tpu.memory_space<vmem>>
        %dma_wait3A_113 = arith.constant 0 : i32
        %dma_wait3A_114 = tpu.memref_slice %arg11[%dma_wait3A_113] : memref<10240xf32, #tpu.memory_space<vmem_shared>> -> memref<10240xf32, #tpu.memory_space<vmem_shared>>
        tpu.wait_indirect_dma semaphore(%run_scoped3A_106 : memref<!tpu.dma_semaphore, #tpu.memory_space<semaphore_mem>>) src(%arg8 : memref<128xf32, #tpu.memory_space<vmem>>) dst(%dma_wait3A_114 : memref<10240xf32, #tpu.memory_space<vmem_shared>>)
        tpu.yield
      }) : () -> ()
      %run_scoped3A_92 = arith.constant 1 : i32
      "tpu.region"() ({
        %run_scoped3A_106 = tpu.sem_alloc : memref<!tpu.dma_semaphore, #tpu.memory_space<semaphore_mem>>
        %dma_start3A = arith.constant 0 : i32
        %dma_start3A_107 = tpu.memref_slice %arg6[%run_scoped3A_92, %dma_start3A] : memref<8x128xi32, #tpu.memory_space<vmem>> -> memref<1x128xi32, #tpu.memory_space<vmem>>
        %dma_start3A_108 = tpu.memref_squeeze %dma_start3A_107 : memref<1x128xi32, #tpu.memory_space<vmem>> -> memref<128xi32, #tpu.memory_space<vmem>>
        %dma_start3A_109 = arith.constant 0 : i32
        %dma_start3A_110 = tpu.memref_slice %arg10[%dma_start3A_109] : memref<10240xf32, #tpu.memory_space<vmem_shared>> -> memref<10240xf32, #tpu.memory_space<vmem_shared>>
        tpu.enqueue_indirect_dma source(%arg8 : memref<128xf32, #tpu.memory_space<vmem>>) target(%dma_start3A_110 : memref<10240xf32, #tpu.memory_space<vmem_shared>>) offsets(%dma_start3A_108 : memref<128xi32, #tpu.memory_space<vmem>>) semaphore(%run_scoped3A_106 : memref<!tpu.dma_semaphore, #tpu.memory_space<semaphore_mem>>) {add = true}
        %dma_wait3A = arith.constant 0 : i32
        %dma_wait3A_111 = tpu.memref_slice %arg6[%run_scoped3A_92, %dma_wait3A] : memref<8x128xi32, #tpu.memory_space<vmem>> -> memref<1x128xi32, #tpu.memory_space<vmem>>
        %dma_wait3A_112 = tpu.memref_squeeze %dma_wait3A_111 : memref<1x128xi32, #tpu.memory_space<vmem>> -> memref<128xi32, #tpu.memory_space<vmem>>
        %dma_wait3A_113 = arith.constant 0 : i32
        %dma_wait3A_114 = tpu.memref_slice %arg10[%dma_wait3A_113] : memref<10240xf32, #tpu.memory_space<vmem_shared>> -> memref<10240xf32, #tpu.memory_space<vmem_shared>>
        tpu.wait_indirect_dma semaphore(%run_scoped3A_106 : memref<!tpu.dma_semaphore, #tpu.memory_space<semaphore_mem>>) src(%arg8 : memref<128xf32, #tpu.memory_space<vmem>>) dst(%dma_wait3A_114 : memref<10240xf32, #tpu.memory_space<vmem_shared>>)
        tpu.yield
      }) : () -> ()
      %run_scoped3A_93 = arith.constant 1 : i32
      "tpu.region"() ({
        %run_scoped3A_106 = tpu.sem_alloc : memref<!tpu.dma_semaphore, #tpu.memory_space<semaphore_mem>>
        %dma_start3A = arith.constant 0 : i32
        %dma_start3A_107 = tpu.memref_slice %arg7[%run_scoped3A_93, %dma_start3A] : memref<8x128xi32, #tpu.memory_space<vmem>> -> memref<1x128xi32, #tpu.memory_space<vmem>>
        %dma_start3A_108 = tpu.memref_squeeze %dma_start3A_107 : memref<1x128xi32, #tpu.memory_space<vmem>> -> memref<128xi32, #tpu.memory_space<vmem>>
        %dma_start3A_109 = arith.constant 0 : i32
        %dma_start3A_110 = tpu.memref_slice %arg11[%dma_start3A_109] : memref<10240xf32, #tpu.memory_space<vmem_shared>> -> memref<10240xf32, #tpu.memory_space<vmem_shared>>
        tpu.enqueue_indirect_dma source(%arg8 : memref<128xf32, #tpu.memory_space<vmem>>) target(%dma_start3A_110 : memref<10240xf32, #tpu.memory_space<vmem_shared>>) offsets(%dma_start3A_108 : memref<128xi32, #tpu.memory_space<vmem>>) semaphore(%run_scoped3A_106 : memref<!tpu.dma_semaphore, #tpu.memory_space<semaphore_mem>>) {add = true}
        %dma_wait3A = arith.constant 0 : i32
        %dma_wait3A_111 = tpu.memref_slice %arg7[%run_scoped3A_93, %dma_wait3A] : memref<8x128xi32, #tpu.memory_space<vmem>> -> memref<1x128xi32, #tpu.memory_space<vmem>>
        %dma_wait3A_112 = tpu.memref_squeeze %dma_wait3A_111 : memref<1x128xi32, #tpu.memory_space<vmem>> -> memref<128xi32, #tpu.memory_space<vmem>>
        %dma_wait3A_113 = arith.constant 0 : i32
        %dma_wait3A_114 = tpu.memref_slice %arg11[%dma_wait3A_113] : memref<10240xf32, #tpu.memory_space<vmem_shared>> -> memref<10240xf32, #tpu.memory_space<vmem_shared>>
        tpu.wait_indirect_dma semaphore(%run_scoped3A_106 : memref<!tpu.dma_semaphore, #tpu.memory_space<semaphore_mem>>) src(%arg8 : memref<128xf32, #tpu.memory_space<vmem>>) dst(%dma_wait3A_114 : memref<10240xf32, #tpu.memory_space<vmem_shared>>)
        tpu.yield
      }) : () -> ()
      %run_scoped3A_94 = arith.constant 2 : i32
      "tpu.region"() ({
        %run_scoped3A_106 = tpu.sem_alloc : memref<!tpu.dma_semaphore, #tpu.memory_space<semaphore_mem>>
        %dma_start3A = arith.constant 0 : i32
        %dma_start3A_107 = tpu.memref_slice %arg6[%run_scoped3A_94, %dma_start3A] : memref<8x128xi32, #tpu.memory_space<vmem>> -> memref<1x128xi32, #tpu.memory_space<vmem>>
        %dma_start3A_108 = tpu.memref_squeeze %dma_start3A_107 : memref<1x128xi32, #tpu.memory_space<vmem>> -> memref<128xi32, #tpu.memory_space<vmem>>
        %dma_start3A_109 = arith.constant 0 : i32
        %dma_start3A_110 = tpu.memref_slice %arg10[%dma_start3A_109] : memref<10240xf32, #tpu.memory_space<vmem_shared>> -> memref<10240xf32, #tpu.memory_space<vmem_shared>>
        tpu.enqueue_indirect_dma source(%arg8 : memref<128xf32, #tpu.memory_space<vmem>>) target(%dma_start3A_110 : memref<10240xf32, #tpu.memory_space<vmem_shared>>) offsets(%dma_start3A_108 : memref<128xi32, #tpu.memory_space<vmem>>) semaphore(%run_scoped3A_106 : memref<!tpu.dma_semaphore, #tpu.memory_space<semaphore_mem>>) {add = true}
        %dma_wait3A = arith.constant 0 : i32
        %dma_wait3A_111 = tpu.memref_slice %arg6[%run_scoped3A_94, %dma_wait3A] : memref<8x128xi32, #tpu.memory_space<vmem>> -> memref<1x128xi32, #tpu.memory_space<vmem>>
        %dma_wait3A_112 = tpu.memref_squeeze %dma_wait3A_111 : memref<1x128xi32, #tpu.memory_space<vmem>> -> memref<128xi32, #tpu.memory_space<vmem>>
        %dma_wait3A_113 = arith.constant 0 : i32
        %dma_wait3A_114 = tpu.memref_slice %arg10[%dma_wait3A_113] : memref<10240xf32, #tpu.memory_space<vmem_shared>> -> memref<10240xf32, #tpu.memory_space<vmem_shared>>
        tpu.wait_indirect_dma semaphore(%run_scoped3A_106 : memref<!tpu.dma_semaphore, #tpu.memory_space<semaphore_mem>>) src(%arg8 : memref<128xf32, #tpu.memory_space<vmem>>) dst(%dma_wait3A_114 : memref<10240xf32, #tpu.memory_space<vmem_shared>>)
        tpu.yield
      }) : () -> ()
      %run_scoped3A_95 = arith.constant 2 : i32
      "tpu.region"() ({
        %run_scoped3A_106 = tpu.sem_alloc : memref<!tpu.dma_semaphore, #tpu.memory_space<semaphore_mem>>
        %dma_start3A = arith.constant 0 : i32
        %dma_start3A_107 = tpu.memref_slice %arg7[%run_scoped3A_95, %dma_start3A] : memref<8x128xi32, #tpu.memory_space<vmem>> -> memref<1x128xi32, #tpu.memory_space<vmem>>
        %dma_start3A_108 = tpu.memref_squeeze %dma_start3A_107 : memref<1x128xi32, #tpu.memory_space<vmem>> -> memref<128xi32, #tpu.memory_space<vmem>>
        %dma_start3A_109 = arith.constant 0 : i32
        %dma_start3A_110 = tpu.memref_slice %arg11[%dma_start3A_109] : memref<10240xf32, #tpu.memory_space<vmem_shared>> -> memref<10240xf32, #tpu.memory_space<vmem_shared>>
        tpu.enqueue_indirect_dma source(%arg8 : memref<128xf32, #tpu.memory_space<vmem>>) target(%dma_start3A_110 : memref<10240xf32, #tpu.memory_space<vmem_shared>>) offsets(%dma_start3A_108 : memref<128xi32, #tpu.memory_space<vmem>>) semaphore(%run_scoped3A_106 : memref<!tpu.dma_semaphore, #tpu.memory_space<semaphore_mem>>) {add = true}
        %dma_wait3A = arith.constant 0 : i32
        %dma_wait3A_111 = tpu.memref_slice %arg7[%run_scoped3A_95, %dma_wait3A] : memref<8x128xi32, #tpu.memory_space<vmem>> -> memref<1x128xi32, #tpu.memory_space<vmem>>
        %dma_wait3A_112 = tpu.memref_squeeze %dma_wait3A_111 : memref<1x128xi32, #tpu.memory_space<vmem>> -> memref<128xi32, #tpu.memory_space<vmem>>
        %dma_wait3A_113 = arith.constant 0 : i32
        %dma_wait3A_114 = tpu.memref_slice %arg11[%dma_wait3A_113] : memref<10240xf32, #tpu.memory_space<vmem_shared>> -> memref<10240xf32, #tpu.memory_space<vmem_shared>>
        tpu.wait_indirect_dma semaphore(%run_scoped3A_106 : memref<!tpu.dma_semaphore, #tpu.memory_space<semaphore_mem>>) src(%arg8 : memref<128xf32, #tpu.memory_space<vmem>>) dst(%dma_wait3A_114 : memref<10240xf32, #tpu.memory_space<vmem_shared>>)
        tpu.yield
      }) : () -> ()
      %run_scoped3A_96 = arith.constant 3 : i32
      "tpu.region"() ({
        %run_scoped3A_106 = tpu.sem_alloc : memref<!tpu.dma_semaphore, #tpu.memory_space<semaphore_mem>>
        %dma_start3A = arith.constant 0 : i32
        %dma_start3A_107 = tpu.memref_slice %arg6[%run_scoped3A_96, %dma_start3A] : memref<8x128xi32, #tpu.memory_space<vmem>> -> memref<1x128xi32, #tpu.memory_space<vmem>>
        %dma_start3A_108 = tpu.memref_squeeze %dma_start3A_107 : memref<1x128xi32, #tpu.memory_space<vmem>> -> memref<128xi32, #tpu.memory_space<vmem>>
        %dma_start3A_109 = arith.constant 0 : i32
        %dma_start3A_110 = tpu.memref_slice %arg10[%dma_start3A_109] : memref<10240xf32, #tpu.memory_space<vmem_shared>> -> memref<10240xf32, #tpu.memory_space<vmem_shared>>
        tpu.enqueue_indirect_dma source(%arg8 : memref<128xf32, #tpu.memory_space<vmem>>) target(%dma_start3A_110 : memref<10240xf32, #tpu.memory_space<vmem_shared>>) offsets(%dma_start3A_108 : memref<128xi32, #tpu.memory_space<vmem>>) semaphore(%run_scoped3A_106 : memref<!tpu.dma_semaphore, #tpu.memory_space<semaphore_mem>>) {add = true}
        %dma_wait3A = arith.constant 0 : i32
        %dma_wait3A_111 = tpu.memref_slice %arg6[%run_scoped3A_96, %dma_wait3A] : memref<8x128xi32, #tpu.memory_space<vmem>> -> memref<1x128xi32, #tpu.memory_space<vmem>>
        %dma_wait3A_112 = tpu.memref_squeeze %dma_wait3A_111 : memref<1x128xi32, #tpu.memory_space<vmem>> -> memref<128xi32, #tpu.memory_space<vmem>>
        %dma_wait3A_113 = arith.constant 0 : i32
        %dma_wait3A_114 = tpu.memref_slice %arg10[%dma_wait3A_113] : memref<10240xf32, #tpu.memory_space<vmem_shared>> -> memref<10240xf32, #tpu.memory_space<vmem_shared>>
        tpu.wait_indirect_dma semaphore(%run_scoped3A_106 : memref<!tpu.dma_semaphore, #tpu.memory_space<semaphore_mem>>) src(%arg8 : memref<128xf32, #tpu.memory_space<vmem>>) dst(%dma_wait3A_114 : memref<10240xf32, #tpu.memory_space<vmem_shared>>)
        tpu.yield
      }) : () -> ()
      %run_scoped3A_97 = arith.constant 3 : i32
      "tpu.region"() ({
        %run_scoped3A_106 = tpu.sem_alloc : memref<!tpu.dma_semaphore, #tpu.memory_space<semaphore_mem>>
        %dma_start3A = arith.constant 0 : i32
        %dma_start3A_107 = tpu.memref_slice %arg7[%run_scoped3A_97, %dma_start3A] : memref<8x128xi32, #tpu.memory_space<vmem>> -> memref<1x128xi32, #tpu.memory_space<vmem>>
        %dma_start3A_108 = tpu.memref_squeeze %dma_start3A_107 : memref<1x128xi32, #tpu.memory_space<vmem>> -> memref<128xi32, #tpu.memory_space<vmem>>
        %dma_start3A_109 = arith.constant 0 : i32
        %dma_start3A_110 = tpu.memref_slice %arg11[%dma_start3A_109] : memref<10240xf32, #tpu.memory_space<vmem_shared>> -> memref<10240xf32, #tpu.memory_space<vmem_shared>>
        tpu.enqueue_indirect_dma source(%arg8 : memref<128xf32, #tpu.memory_space<vmem>>) target(%dma_start3A_110 : memref<10240xf32, #tpu.memory_space<vmem_shared>>) offsets(%dma_start3A_108 : memref<128xi32, #tpu.memory_space<vmem>>) semaphore(%run_scoped3A_106 : memref<!tpu.dma_semaphore, #tpu.memory_space<semaphore_mem>>) {add = true}
        %dma_wait3A = arith.constant 0 : i32
        %dma_wait3A_111 = tpu.memref_slice %arg7[%run_scoped3A_97, %dma_wait3A] : memref<8x128xi32, #tpu.memory_space<vmem>> -> memref<1x128xi32, #tpu.memory_space<vmem>>
        %dma_wait3A_112 = tpu.memref_squeeze %dma_wait3A_111 : memref<1x128xi32, #tpu.memory_space<vmem>> -> memref<128xi32, #tpu.memory_space<vmem>>
        %dma_wait3A_113 = arith.constant 0 : i32
        %dma_wait3A_114 = tpu.memref_slice %arg11[%dma_wait3A_113] : memref<10240xf32, #tpu.memory_space<vmem_shared>> -> memref<10240xf32, #tpu.memory_space<vmem_shared>>
        tpu.wait_indirect_dma semaphore(%run_scoped3A_106 : memref<!tpu.dma_semaphore, #tpu.memory_space<semaphore_mem>>) src(%arg8 : memref<128xf32, #tpu.memory_space<vmem>>) dst(%dma_wait3A_114 : memref<10240xf32, #tpu.memory_space<vmem_shared>>)
        tpu.yield
      }) : () -> ()
      %run_scoped3A_98 = arith.constant 4 : i32
      "tpu.region"() ({
        %run_scoped3A_106 = tpu.sem_alloc : memref<!tpu.dma_semaphore, #tpu.memory_space<semaphore_mem>>
        %dma_start3A = arith.constant 0 : i32
        %dma_start3A_107 = tpu.memref_slice %arg6[%run_scoped3A_98, %dma_start3A] : memref<8x128xi32, #tpu.memory_space<vmem>> -> memref<1x128xi32, #tpu.memory_space<vmem>>
        %dma_start3A_108 = tpu.memref_squeeze %dma_start3A_107 : memref<1x128xi32, #tpu.memory_space<vmem>> -> memref<128xi32, #tpu.memory_space<vmem>>
        %dma_start3A_109 = arith.constant 0 : i32
        %dma_start3A_110 = tpu.memref_slice %arg10[%dma_start3A_109] : memref<10240xf32, #tpu.memory_space<vmem_shared>> -> memref<10240xf32, #tpu.memory_space<vmem_shared>>
        tpu.enqueue_indirect_dma source(%arg8 : memref<128xf32, #tpu.memory_space<vmem>>) target(%dma_start3A_110 : memref<10240xf32, #tpu.memory_space<vmem_shared>>) offsets(%dma_start3A_108 : memref<128xi32, #tpu.memory_space<vmem>>) semaphore(%run_scoped3A_106 : memref<!tpu.dma_semaphore, #tpu.memory_space<semaphore_mem>>) {add = true}
        %dma_wait3A = arith.constant 0 : i32
        %dma_wait3A_111 = tpu.memref_slice %arg6[%run_scoped3A_98, %dma_wait3A] : memref<8x128xi32, #tpu.memory_space<vmem>> -> memref<1x128xi32, #tpu.memory_space<vmem>>
        %dma_wait3A_112 = tpu.memref_squeeze %dma_wait3A_111 : memref<1x128xi32, #tpu.memory_space<vmem>> -> memref<128xi32, #tpu.memory_space<vmem>>
        %dma_wait3A_113 = arith.constant 0 : i32
        %dma_wait3A_114 = tpu.memref_slice %arg10[%dma_wait3A_113] : memref<10240xf32, #tpu.memory_space<vmem_shared>> -> memref<10240xf32, #tpu.memory_space<vmem_shared>>
        tpu.wait_indirect_dma semaphore(%run_scoped3A_106 : memref<!tpu.dma_semaphore, #tpu.memory_space<semaphore_mem>>) src(%arg8 : memref<128xf32, #tpu.memory_space<vmem>>) dst(%dma_wait3A_114 : memref<10240xf32, #tpu.memory_space<vmem_shared>>)
        tpu.yield
      }) : () -> ()
      %run_scoped3A_99 = arith.constant 4 : i32
      "tpu.region"() ({
        %run_scoped3A_106 = tpu.sem_alloc : memref<!tpu.dma_semaphore, #tpu.memory_space<semaphore_mem>>
        %dma_start3A = arith.constant 0 : i32
        %dma_start3A_107 = tpu.memref_slice %arg7[%run_scoped3A_99, %dma_start3A] : memref<8x128xi32, #tpu.memory_space<vmem>> -> memref<1x128xi32, #tpu.memory_space<vmem>>
        %dma_start3A_108 = tpu.memref_squeeze %dma_start3A_107 : memref<1x128xi32, #tpu.memory_space<vmem>> -> memref<128xi32, #tpu.memory_space<vmem>>
        %dma_start3A_109 = arith.constant 0 : i32
        %dma_start3A_110 = tpu.memref_slice %arg11[%dma_start3A_109] : memref<10240xf32, #tpu.memory_space<vmem_shared>> -> memref<10240xf32, #tpu.memory_space<vmem_shared>>
        tpu.enqueue_indirect_dma source(%arg8 : memref<128xf32, #tpu.memory_space<vmem>>) target(%dma_start3A_110 : memref<10240xf32, #tpu.memory_space<vmem_shared>>) offsets(%dma_start3A_108 : memref<128xi32, #tpu.memory_space<vmem>>) semaphore(%run_scoped3A_106 : memref<!tpu.dma_semaphore, #tpu.memory_space<semaphore_mem>>) {add = true}
        %dma_wait3A = arith.constant 0 : i32
        %dma_wait3A_111 = tpu.memref_slice %arg7[%run_scoped3A_99, %dma_wait3A] : memref<8x128xi32, #tpu.memory_space<vmem>> -> memref<1x128xi32, #tpu.memory_space<vmem>>
        %dma_wait3A_112 = tpu.memref_squeeze %dma_wait3A_111 : memref<1x128xi32, #tpu.memory_space<vmem>> -> memref<128xi32, #tpu.memory_space<vmem>>
        %dma_wait3A_113 = arith.constant 0 : i32
        %dma_wait3A_114 = tpu.memref_slice %arg11[%dma_wait3A_113] : memref<10240xf32, #tpu.memory_space<vmem_shared>> -> memref<10240xf32, #tpu.memory_space<vmem_shared>>
        tpu.wait_indirect_dma semaphore(%run_scoped3A_106 : memref<!tpu.dma_semaphore, #tpu.memory_space<semaphore_mem>>) src(%arg8 : memref<128xf32, #tpu.memory_space<vmem>>) dst(%dma_wait3A_114 : memref<10240xf32, #tpu.memory_space<vmem_shared>>)
        tpu.yield
      }) : () -> ()
      %run_scoped3A_100 = arith.constant 5 : i32
      "tpu.region"() ({
        %run_scoped3A_106 = tpu.sem_alloc : memref<!tpu.dma_semaphore, #tpu.memory_space<semaphore_mem>>
        %dma_start3A = arith.constant 0 : i32
        %dma_start3A_107 = tpu.memref_slice %arg6[%run_scoped3A_100, %dma_start3A] : memref<8x128xi32, #tpu.memory_space<vmem>> -> memref<1x128xi32, #tpu.memory_space<vmem>>
        %dma_start3A_108 = tpu.memref_squeeze %dma_start3A_107 : memref<1x128xi32, #tpu.memory_space<vmem>> -> memref<128xi32, #tpu.memory_space<vmem>>
        %dma_start3A_109 = arith.constant 0 : i32
        %dma_start3A_110 = tpu.memref_slice %arg10[%dma_start3A_109] : memref<10240xf32, #tpu.memory_space<vmem_shared>> -> memref<10240xf32, #tpu.memory_space<vmem_shared>>
        tpu.enqueue_indirect_dma source(%arg8 : memref<128xf32, #tpu.memory_space<vmem>>) target(%dma_start3A_110 : memref<10240xf32, #tpu.memory_space<vmem_shared>>) offsets(%dma_start3A_108 : memref<128xi32, #tpu.memory_space<vmem>>) semaphore(%run_scoped3A_106 : memref<!tpu.dma_semaphore, #tpu.memory_space<semaphore_mem>>) {add = true}
        %dma_wait3A = arith.constant 0 : i32
        %dma_wait3A_111 = tpu.memref_slice %arg6[%run_scoped3A_100, %dma_wait3A] : memref<8x128xi32, #tpu.memory_space<vmem>> -> memref<1x128xi32, #tpu.memory_space<vmem>>
        %dma_wait3A_112 = tpu.memref_squeeze %dma_wait3A_111 : memref<1x128xi32, #tpu.memory_space<vmem>> -> memref<128xi32, #tpu.memory_space<vmem>>
        %dma_wait3A_113 = arith.constant 0 : i32
        %dma_wait3A_114 = tpu.memref_slice %arg10[%dma_wait3A_113] : memref<10240xf32, #tpu.memory_space<vmem_shared>> -> memref<10240xf32, #tpu.memory_space<vmem_shared>>
        tpu.wait_indirect_dma semaphore(%run_scoped3A_106 : memref<!tpu.dma_semaphore, #tpu.memory_space<semaphore_mem>>) src(%arg8 : memref<128xf32, #tpu.memory_space<vmem>>) dst(%dma_wait3A_114 : memref<10240xf32, #tpu.memory_space<vmem_shared>>)
        tpu.yield
      }) : () -> ()
      %run_scoped3A_101 = arith.constant 5 : i32
      "tpu.region"() ({
        %run_scoped3A_106 = tpu.sem_alloc : memref<!tpu.dma_semaphore, #tpu.memory_space<semaphore_mem>>
        %dma_start3A = arith.constant 0 : i32
        %dma_start3A_107 = tpu.memref_slice %arg7[%run_scoped3A_101, %dma_start3A] : memref<8x128xi32, #tpu.memory_space<vmem>> -> memref<1x128xi32, #tpu.memory_space<vmem>>
        %dma_start3A_108 = tpu.memref_squeeze %dma_start3A_107 : memref<1x128xi32, #tpu.memory_space<vmem>> -> memref<128xi32, #tpu.memory_space<vmem>>
        %dma_start3A_109 = arith.constant 0 : i32
        %dma_start3A_110 = tpu.memref_slice %arg11[%dma_start3A_109] : memref<10240xf32, #tpu.memory_space<vmem_shared>> -> memref<10240xf32, #tpu.memory_space<vmem_shared>>
        tpu.enqueue_indirect_dma source(%arg8 : memref<128xf32, #tpu.memory_space<vmem>>) target(%dma_start3A_110 : memref<10240xf32, #tpu.memory_space<vmem_shared>>) offsets(%dma_start3A_108 : memref<128xi32, #tpu.memory_space<vmem>>) semaphore(%run_scoped3A_106 : memref<!tpu.dma_semaphore, #tpu.memory_space<semaphore_mem>>) {add = true}
        %dma_wait3A = arith.constant 0 : i32
        %dma_wait3A_111 = tpu.memref_slice %arg7[%run_scoped3A_101, %dma_wait3A] : memref<8x128xi32, #tpu.memory_space<vmem>> -> memref<1x128xi32, #tpu.memory_space<vmem>>
        %dma_wait3A_112 = tpu.memref_squeeze %dma_wait3A_111 : memref<1x128xi32, #tpu.memory_space<vmem>> -> memref<128xi32, #tpu.memory_space<vmem>>
        %dma_wait3A_113 = arith.constant 0 : i32
        %dma_wait3A_114 = tpu.memref_slice %arg11[%dma_wait3A_113] : memref<10240xf32, #tpu.memory_space<vmem_shared>> -> memref<10240xf32, #tpu.memory_space<vmem_shared>>
        tpu.wait_indirect_dma semaphore(%run_scoped3A_106 : memref<!tpu.dma_semaphore, #tpu.memory_space<semaphore_mem>>) src(%arg8 : memref<128xf32, #tpu.memory_space<vmem>>) dst(%dma_wait3A_114 : memref<10240xf32, #tpu.memory_space<vmem_shared>>)
        tpu.yield
      }) : () -> ()
      %run_scoped3A_102 = arith.constant 6 : i32
      "tpu.region"() ({
        %run_scoped3A_106 = tpu.sem_alloc : memref<!tpu.dma_semaphore, #tpu.memory_space<semaphore_mem>>
        %dma_start3A = arith.constant 0 : i32
        %dma_start3A_107 = tpu.memref_slice %arg6[%run_scoped3A_102, %dma_start3A] : memref<8x128xi32, #tpu.memory_space<vmem>> -> memref<1x128xi32, #tpu.memory_space<vmem>>
        %dma_start3A_108 = tpu.memref_squeeze %dma_start3A_107 : memref<1x128xi32, #tpu.memory_space<vmem>> -> memref<128xi32, #tpu.memory_space<vmem>>
        %dma_start3A_109 = arith.constant 0 : i32
        %dma_start3A_110 = tpu.memref_slice %arg10[%dma_start3A_109] : memref<10240xf32, #tpu.memory_space<vmem_shared>> -> memref<10240xf32, #tpu.memory_space<vmem_shared>>
        tpu.enqueue_indirect_dma source(%arg8 : memref<128xf32, #tpu.memory_space<vmem>>) target(%dma_start3A_110 : memref<10240xf32, #tpu.memory_space<vmem_shared>>) offsets(%dma_start3A_108 : memref<128xi32, #tpu.memory_space<vmem>>) semaphore(%run_scoped3A_106 : memref<!tpu.dma_semaphore, #tpu.memory_space<semaphore_mem>>) {add = true}
        %dma_wait3A = arith.constant 0 : i32
        %dma_wait3A_111 = tpu.memref_slice %arg6[%run_scoped3A_102, %dma_wait3A] : memref<8x128xi32, #tpu.memory_space<vmem>> -> memref<1x128xi32, #tpu.memory_space<vmem>>
        %dma_wait3A_112 = tpu.memref_squeeze %dma_wait3A_111 : memref<1x128xi32, #tpu.memory_space<vmem>> -> memref<128xi32, #tpu.memory_space<vmem>>
        %dma_wait3A_113 = arith.constant 0 : i32
        %dma_wait3A_114 = tpu.memref_slice %arg10[%dma_wait3A_113] : memref<10240xf32, #tpu.memory_space<vmem_shared>> -> memref<10240xf32, #tpu.memory_space<vmem_shared>>
        tpu.wait_indirect_dma semaphore(%run_scoped3A_106 : memref<!tpu.dma_semaphore, #tpu.memory_space<semaphore_mem>>) src(%arg8 : memref<128xf32, #tpu.memory_space<vmem>>) dst(%dma_wait3A_114 : memref<10240xf32, #tpu.memory_space<vmem_shared>>)
        tpu.yield
      }) : () -> ()
      %run_scoped3A_103 = arith.constant 6 : i32
      "tpu.region"() ({
        %run_scoped3A_106 = tpu.sem_alloc : memref<!tpu.dma_semaphore, #tpu.memory_space<semaphore_mem>>
        %dma_start3A = arith.constant 0 : i32
        %dma_start3A_107 = tpu.memref_slice %arg7[%run_scoped3A_103, %dma_start3A] : memref<8x128xi32, #tpu.memory_space<vmem>> -> memref<1x128xi32, #tpu.memory_space<vmem>>
        %dma_start3A_108 = tpu.memref_squeeze %dma_start3A_107 : memref<1x128xi32, #tpu.memory_space<vmem>> -> memref<128xi32, #tpu.memory_space<vmem>>
        %dma_start3A_109 = arith.constant 0 : i32
        %dma_start3A_110 = tpu.memref_slice %arg11[%dma_start3A_109] : memref<10240xf32, #tpu.memory_space<vmem_shared>> -> memref<10240xf32, #tpu.memory_space<vmem_shared>>
        tpu.enqueue_indirect_dma source(%arg8 : memref<128xf32, #tpu.memory_space<vmem>>) target(%dma_start3A_110 : memref<10240xf32, #tpu.memory_space<vmem_shared>>) offsets(%dma_start3A_108 : memref<128xi32, #tpu.memory_space<vmem>>) semaphore(%run_scoped3A_106 : memref<!tpu.dma_semaphore, #tpu.memory_space<semaphore_mem>>) {add = true}
        %dma_wait3A = arith.constant 0 : i32
        %dma_wait3A_111 = tpu.memref_slice %arg7[%run_scoped3A_103, %dma_wait3A] : memref<8x128xi32, #tpu.memory_space<vmem>> -> memref<1x128xi32, #tpu.memory_space<vmem>>
        %dma_wait3A_112 = tpu.memref_squeeze %dma_wait3A_111 : memref<1x128xi32, #tpu.memory_space<vmem>> -> memref<128xi32, #tpu.memory_space<vmem>>
        %dma_wait3A_113 = arith.constant 0 : i32
        %dma_wait3A_114 = tpu.memref_slice %arg11[%dma_wait3A_113] : memref<10240xf32, #tpu.memory_space<vmem_shared>> -> memref<10240xf32, #tpu.memory_space<vmem_shared>>
        tpu.wait_indirect_dma semaphore(%run_scoped3A_106 : memref<!tpu.dma_semaphore, #tpu.memory_space<semaphore_mem>>) src(%arg8 : memref<128xf32, #tpu.memory_space<vmem>>) dst(%dma_wait3A_114 : memref<10240xf32, #tpu.memory_space<vmem_shared>>)
        tpu.yield
      }) : () -> ()
      %run_scoped3A_104 = arith.constant 7 : i32
      "tpu.region"() ({
        %run_scoped3A_106 = tpu.sem_alloc : memref<!tpu.dma_semaphore, #tpu.memory_space<semaphore_mem>>
        %dma_start3A = arith.constant 0 : i32
        %dma_start3A_107 = tpu.memref_slice %arg6[%run_scoped3A_104, %dma_start3A] : memref<8x128xi32, #tpu.memory_space<vmem>> -> memref<1x128xi32, #tpu.memory_space<vmem>>
        %dma_start3A_108 = tpu.memref_squeeze %dma_start3A_107 : memref<1x128xi32, #tpu.memory_space<vmem>> -> memref<128xi32, #tpu.memory_space<vmem>>
        %dma_start3A_109 = arith.constant 0 : i32
        %dma_start3A_110 = tpu.memref_slice %arg10[%dma_start3A_109] : memref<10240xf32, #tpu.memory_space<vmem_shared>> -> memref<10240xf32, #tpu.memory_space<vmem_shared>>
        tpu.enqueue_indirect_dma source(%arg8 : memref<128xf32, #tpu.memory_space<vmem>>) target(%dma_start3A_110 : memref<10240xf32, #tpu.memory_space<vmem_shared>>) offsets(%dma_start3A_108 : memref<128xi32, #tpu.memory_space<vmem>>) semaphore(%run_scoped3A_106 : memref<!tpu.dma_semaphore, #tpu.memory_space<semaphore_mem>>) {add = true}
        %dma_wait3A = arith.constant 0 : i32
        %dma_wait3A_111 = tpu.memref_slice %arg6[%run_scoped3A_104, %dma_wait3A] : memref<8x128xi32, #tpu.memory_space<vmem>> -> memref<1x128xi32, #tpu.memory_space<vmem>>
        %dma_wait3A_112 = tpu.memref_squeeze %dma_wait3A_111 : memref<1x128xi32, #tpu.memory_space<vmem>> -> memref<128xi32, #tpu.memory_space<vmem>>
        %dma_wait3A_113 = arith.constant 0 : i32
        %dma_wait3A_114 = tpu.memref_slice %arg10[%dma_wait3A_113] : memref<10240xf32, #tpu.memory_space<vmem_shared>> -> memref<10240xf32, #tpu.memory_space<vmem_shared>>
        tpu.wait_indirect_dma semaphore(%run_scoped3A_106 : memref<!tpu.dma_semaphore, #tpu.memory_space<semaphore_mem>>) src(%arg8 : memref<128xf32, #tpu.memory_space<vmem>>) dst(%dma_wait3A_114 : memref<10240xf32, #tpu.memory_space<vmem_shared>>)
        tpu.yield
      }) : () -> ()
      %run_scoped3A_105 = arith.constant 7 : i32
      "tpu.region"() ({
        %run_scoped3A_106 = tpu.sem_alloc : memref<!tpu.dma_semaphore, #tpu.memory_space<semaphore_mem>>
        %dma_start3A = arith.constant 0 : i32
        %dma_start3A_107 = tpu.memref_slice %arg7[%run_scoped3A_105, %dma_start3A] : memref<8x128xi32, #tpu.memory_space<vmem>> -> memref<1x128xi32, #tpu.memory_space<vmem>>
        %dma_start3A_108 = tpu.memref_squeeze %dma_start3A_107 : memref<1x128xi32, #tpu.memory_space<vmem>> -> memref<128xi32, #tpu.memory_space<vmem>>
        %dma_start3A_109 = arith.constant 0 : i32
        %dma_start3A_110 = tpu.memref_slice %arg11[%dma_start3A_109] : memref<10240xf32, #tpu.memory_space<vmem_shared>> -> memref<10240xf32, #tpu.memory_space<vmem_shared>>
        tpu.enqueue_indirect_dma source(%arg8 : memref<128xf32, #tpu.memory_space<vmem>>) target(%dma_start3A_110 : memref<10240xf32, #tpu.memory_space<vmem_shared>>) offsets(%dma_start3A_108 : memref<128xi32, #tpu.memory_space<vmem>>) semaphore(%run_scoped3A_106 : memref<!tpu.dma_semaphore, #tpu.memory_space<semaphore_mem>>) {add = true}
        %dma_wait3A = arith.constant 0 : i32
        %dma_wait3A_111 = tpu.memref_slice %arg7[%run_scoped3A_105, %dma_wait3A] : memref<8x128xi32, #tpu.memory_space<vmem>> -> memref<1x128xi32, #tpu.memory_space<vmem>>
        %dma_wait3A_112 = tpu.memref_squeeze %dma_wait3A_111 : memref<1x128xi32, #tpu.memory_space<vmem>> -> memref<128xi32, #tpu.memory_space<vmem>>
        %dma_wait3A_113 = arith.constant 0 : i32
        %dma_wait3A_114 = tpu.memref_slice %arg11[%dma_wait3A_113] : memref<10240xf32, #tpu.memory_space<vmem_shared>> -> memref<10240xf32, #tpu.memory_space<vmem_shared>>
        tpu.wait_indirect_dma semaphore(%run_scoped3A_106 : memref<!tpu.dma_semaphore, #tpu.memory_space<semaphore_mem>>) src(%arg8 : memref<128xf32, #tpu.memory_space<vmem>>) dst(%dma_wait3A_114 : memref<10240xf32, #tpu.memory_space<vmem_shared>>)
        tpu.yield
      }) : () -> ()
    }
    %scan3A_75 = arith.constant 10 : i32
    %barrier3A_76 = arith.constant 0 : index
    tpu.barrier barrier_id(%barrier3A_76)
    %scan3A_77 = arith.constant 0 : i32
    %scan3A_78 = arith.constant 5 : i32
    %scan3A_79 = arith.addi %scan3A_77, %scan3A_78 : i32
    %scan3A_80 = arith.constant 1 : i32
    scf.for %scan3A_82 = %scan3A_77 to %scan3A_79 step %scan3A_80  : i32 {
      %mul3A_83 = arith.constant 1 : i32
      %mul3A_84 = arith.muli %scan3A_82, %mul3A_83 : i32
      %add3A_85 = arith.constant 0 : i32
      %add3A_86 = arith.addi %add3A_85, %mul3A_84 : i32
      %mul3A_87 = arith.constant 640 : i32
      %mul3A_88 = arith.muli %arg1, %mul3A_87 : i32
      %mul3A_89 = arith.constant 128 : i32
      %mul3A_90 = arith.muli %add3A_86, %mul3A_89 : i32
      %add3A_91 = arith.addi %mul3A_88, %mul3A_90 : i32
      "tpu.region"() ({
        %run_scoped3A = tpu.sem_alloc : memref<!tpu.dma_semaphore, #tpu.memory_space<semaphore_mem>>
        %dma_start3A = tpu.memref_slice %arg10[%add3A_91] : memref<10240xf32, #tpu.memory_space<vmem_shared>> -> memref<128xf32, #tpu.memory_space<vmem_shared>>
        %dma_start3A_92 = tpu.memref_slice %arg10[%add3A_91] : memref<10240xf32, #tpu.memory_space<vmem_shared>> -> memref<128xf32, #tpu.memory_space<vmem_shared>>
        tpu.enqueue_dma source(%dma_start3A_92 : memref<128xf32, #tpu.memory_space<vmem_shared>>) target(%arg9 : memref<128xf32, #tpu.memory_space<vmem>>) target_semaphore(%run_scoped3A : memref<!tpu.dma_semaphore, #tpu.memory_space<semaphore_mem>>)
        %dma_wait3A = tpu.memref_slice %arg10[%add3A_91] : memref<10240xf32, #tpu.memory_space<vmem_shared>> -> memref<128xf32, #tpu.memory_space<vmem_shared>>
        %dma_wait3A_93 = tpu.memref_slice %arg10[%add3A_91] : memref<10240xf32, #tpu.memory_space<vmem_shared>> -> memref<128xf32, #tpu.memory_space<vmem_shared>>
        tpu.wait_dma2 semaphore(%run_scoped3A : memref<!tpu.dma_semaphore, #tpu.memory_space<semaphore_mem>>) src(%dma_wait3A_93 : memref<128xf32, #tpu.memory_space<vmem_shared>>) dst(%arg9 : memref<128xf32, #tpu.memory_space<vmem>>)
        tpu.yield
      }) : () -> ()
      "tpu.region"() ({
        %run_scoped3A = tpu.sem_alloc : memref<!tpu.dma_semaphore, #tpu.memory_space<semaphore_mem>>
        %dma_start3A = tpu.memref_slice %arg4[%arg0, %add3A_91] : memref<2x10240xf32, #tpu.memory_space<hbm>> -> memref<1x128xf32, #tpu.memory_space<hbm>>
        %dma_start3A_92 = tpu.memref_squeeze %dma_start3A : memref<1x128xf32, #tpu.memory_space<hbm>> -> memref<128xf32, #tpu.memory_space<hbm>>
        %dma_start3A_93 = tpu.memref_slice %arg4[%arg0, %add3A_91] : memref<2x10240xf32, #tpu.memory_space<hbm>> -> memref<1x128xf32, #tpu.memory_space<hbm>>
        %dma_start3A_94 = tpu.memref_squeeze %dma_start3A_93 : memref<1x128xf32, #tpu.memory_space<hbm>> -> memref<128xf32, #tpu.memory_space<hbm>>
        tpu.enqueue_dma source(%arg9 : memref<128xf32, #tpu.memory_space<vmem>>) target(%dma_start3A_94 : memref<128xf32, #tpu.memory_space<hbm>>) target_semaphore(%run_scoped3A : memref<!tpu.dma_semaphore, #tpu.memory_space<semaphore_mem>>)
        %dma_wait3A = tpu.memref_slice %arg4[%arg0, %add3A_91] : memref<2x10240xf32, #tpu.memory_space<hbm>> -> memref<1x128xf32, #tpu.memory_space<hbm>>
        %dma_wait3A_95 = tpu.memref_squeeze %dma_wait3A : memref<1x128xf32, #tpu.memory_space<hbm>> -> memref<128xf32, #tpu.memory_space<hbm>>
        %dma_wait3A_96 = tpu.memref_slice %arg4[%arg0, %add3A_91] : memref<2x10240xf32, #tpu.memory_space<hbm>> -> memref<1x128xf32, #tpu.memory_space<hbm>>
        %dma_wait3A_97 = tpu.memref_squeeze %dma_wait3A_96 : memref<1x128xf32, #tpu.memory_space<hbm>> -> memref<128xf32, #tpu.memory_space<hbm>>
        tpu.wait_dma2 semaphore(%run_scoped3A : memref<!tpu.dma_semaphore, #tpu.memory_space<semaphore_mem>>) src(%arg9 : memref<128xf32, #tpu.memory_space<vmem>>) dst(%dma_wait3A_97 : memref<128xf32, #tpu.memory_space<hbm>>)
        tpu.yield
      }) : () -> ()
      "tpu.region"() ({
        %run_scoped3A = tpu.sem_alloc : memref<!tpu.dma_semaphore, #tpu.memory_space<semaphore_mem>>
        %dma_start3A = tpu.memref_slice %arg11[%add3A_91] : memref<10240xf32, #tpu.memory_space<vmem_shared>> -> memref<128xf32, #tpu.memory_space<vmem_shared>>
        %dma_start3A_92 = tpu.memref_slice %arg11[%add3A_91] : memref<10240xf32, #tpu.memory_space<vmem_shared>> -> memref<128xf32, #tpu.memory_space<vmem_shared>>
        tpu.enqueue_dma source(%dma_start3A_92 : memref<128xf32, #tpu.memory_space<vmem_shared>>) target(%arg9 : memref<128xf32, #tpu.memory_space<vmem>>) target_semaphore(%run_scoped3A : memref<!tpu.dma_semaphore, #tpu.memory_space<semaphore_mem>>)
        %dma_wait3A = tpu.memref_slice %arg11[%add3A_91] : memref<10240xf32, #tpu.memory_space<vmem_shared>> -> memref<128xf32, #tpu.memory_space<vmem_shared>>
        %dma_wait3A_93 = tpu.memref_slice %arg11[%add3A_91] : memref<10240xf32, #tpu.memory_space<vmem_shared>> -> memref<128xf32, #tpu.memory_space<vmem_shared>>
        tpu.wait_dma2 semaphore(%run_scoped3A : memref<!tpu.dma_semaphore, #tpu.memory_space<semaphore_mem>>) src(%dma_wait3A_93 : memref<128xf32, #tpu.memory_space<vmem_shared>>) dst(%arg9 : memref<128xf32, #tpu.memory_space<vmem>>)
        tpu.yield
      }) : () -> ()
      "tpu.region"() ({
        %run_scoped3A = tpu.sem_alloc : memref<!tpu.dma_semaphore, #tpu.memory_space<semaphore_mem>>
        %dma_start3A = tpu.memref_slice %arg5[%arg0, %add3A_91] : memref<2x10240xf32, #tpu.memory_space<hbm>> -> memref<1x128xf32, #tpu.memory_space<hbm>>
        %dma_start3A_92 = tpu.memref_squeeze %dma_start3A : memref<1x128xf32, #tpu.memory_space<hbm>> -> memref<128xf32, #tpu.memory_space<hbm>>
        %dma_start3A_93 = tpu.memref_slice %arg5[%arg0, %add3A_91] : memref<2x10240xf32, #tpu.memory_space<hbm>> -> memref<1x128xf32, #tpu.memory_space<hbm>>
        %dma_start3A_94 = tpu.memref_squeeze %dma_start3A_93 : memref<1x128xf32, #tpu.memory_space<hbm>> -> memref<128xf32, #tpu.memory_space<hbm>>
        tpu.enqueue_dma source(%arg9 : memref<128xf32, #tpu.memory_space<vmem>>) target(%dma_start3A_94 : memref<128xf32, #tpu.memory_space<hbm>>) target_semaphore(%run_scoped3A : memref<!tpu.dma_semaphore, #tpu.memory_space<semaphore_mem>>)
        %dma_wait3A = tpu.memref_slice %arg5[%arg0, %add3A_91] : memref<2x10240xf32, #tpu.memory_space<hbm>> -> memref<1x128xf32, #tpu.memory_space<hbm>>
        %dma_wait3A_95 = tpu.memref_squeeze %dma_wait3A : memref<1x128xf32, #tpu.memory_space<hbm>> -> memref<128xf32, #tpu.memory_space<hbm>>
        %dma_wait3A_96 = tpu.memref_slice %arg5[%arg0, %add3A_91] : memref<2x10240xf32, #tpu.memory_space<hbm>> -> memref<1x128xf32, #tpu.memory_space<hbm>>
        %dma_wait3A_97 = tpu.memref_squeeze %dma_wait3A_96 : memref<1x128xf32, #tpu.memory_space<hbm>> -> memref<128xf32, #tpu.memory_space<hbm>>
        tpu.wait_dma2 semaphore(%run_scoped3A : memref<!tpu.dma_semaphore, #tpu.memory_space<semaphore_mem>>) src(%arg9 : memref<128xf32, #tpu.memory_space<vmem>>) dst(%dma_wait3A_97 : memref<128xf32, #tpu.memory_space<hbm>>)
        tpu.yield
      }) : () -> ()
    }
    %scan3A_81 = arith.constant 5 : i32
    return
  }
}

#map = affine_map<(d0, d1) -> (0, 0)>
#map1 = affine_map<(d0, d1) -> (0, 0, 0)>
module attributes {stable_mosaic.version = 14 : i64} {
  func.func @_prop_body(%arg0: i32, %arg1: i32, %arg2: memref<10016x128xf32, #tpu.memory_space<hbm>>, %arg3: memref<32x80x128xi32, #tpu.memory_space<hbm>>, %arg4: memref<32x80x128xi32, #tpu.memory_space<hbm>>, %arg5: memref<2x10240x128xf32, #tpu.memory_space<hbm>>, %arg6: memref<8x128xi32, #tpu.memory_space<vmem>>, %arg7: memref<8x128xi32, #tpu.memory_space<vmem>>, %arg8: memref<128x128xf32, #tpu.memory_space<vmem>>, %arg9: memref<128x128xf32, #tpu.memory_space<vmem>>, %arg10: memref<10240x128xf32, #tpu.memory_space<vmem_shared>>, %arg11: memref<!tpu.dma_semaphore, #tpu.memory_space<semaphore_mem>>) attributes {dimension_semantics = [#tpu.dimension_semantics<core_parallel>, #tpu.dimension_semantics<subcore_parallel>], iteration_bounds = array<i64: 2, 16>, scalar_prefetch = 0 : i64, scratch_operands = 6 : i64, tpu.core_type = #tpu.core_type<sc_vector_subcore>, window_params = [{transform_indices = #map}, {transform_indices = #map1}, {transform_indices = #map1}, {transform_indices = #map1}]} {
    %mul3A = arith.constant 16 : i32
    %mul3A_0 = arith.muli %arg0, %mul3A : i32
    %add3A = arith.addi %mul3A_0, %arg1 : i32
    %broadcast_in_dim3A = arith.constant 0.000000e+00 : f32
    %broadcast_in_dim3A_1 = vector.broadcast %broadcast_in_dim3A : f32 to vector<16xf32>
    %swap3A = arith.constant 0 : i32
    %swap3A_2 = arith.index_cast %swap3A : i32 to index
    %swap3A_3 = arith.constant 0 : index
    %swap3A_4 = tpu.vector_load %arg8[%swap3A_2, %swap3A_3] {strides = array<i32>} : memref<128x128xf32, #tpu.memory_space<vmem>>, vector<1x16xf32>,
    %swap3A_5 = vector.shape_cast %swap3A_4 : vector<1x16xf32> to vector<16xf32>
    %swap3A_6 = vector.shape_cast %broadcast_in_dim3A_1 : vector<16xf32> to vector<1x16xf32>
    tpu.vector_store %arg8[%swap3A_2, %swap3A_3], %swap3A_6 {strides = array<i32>} : memref<128x128xf32, #tpu.memory_space<vmem>>, vector<1x16xf32>,
    %swap3A_7 = arith.constant 0 : i32
    %swap3A_8 = arith.index_cast %swap3A_7 : i32 to index
    %swap3A_9 = arith.constant 16 : index
    %swap3A_10 = tpu.vector_load %arg8[%swap3A_8, %swap3A_9] {strides = array<i32>} : memref<128x128xf32, #tpu.memory_space<vmem>>, vector<1x16xf32>,
    %swap3A_11 = vector.shape_cast %swap3A_10 : vector<1x16xf32> to vector<16xf32>
    %swap3A_12 = vector.shape_cast %broadcast_in_dim3A_1 : vector<16xf32> to vector<1x16xf32>
    tpu.vector_store %arg8[%swap3A_8, %swap3A_9], %swap3A_12 {strides = array<i32>} : memref<128x128xf32, #tpu.memory_space<vmem>>, vector<1x16xf32>,
    %swap3A_13 = arith.constant 0 : i32
    %swap3A_14 = arith.index_cast %swap3A_13 : i32 to index
    %swap3A_15 = arith.constant 32 : index
    %swap3A_16 = tpu.vector_load %arg8[%swap3A_14, %swap3A_15] {strides = array<i32>} : memref<128x128xf32, #tpu.memory_space<vmem>>, vector<1x16xf32>,
    %swap3A_17 = vector.shape_cast %swap3A_16 : vector<1x16xf32> to vector<16xf32>
    %swap3A_18 = vector.shape_cast %broadcast_in_dim3A_1 : vector<16xf32> to vector<1x16xf32>
    tpu.vector_store %arg8[%swap3A_14, %swap3A_15], %swap3A_18 {strides = array<i32>} : memref<128x128xf32, #tpu.memory_space<vmem>>, vector<1x16xf32>,
    %swap3A_19 = arith.constant 0 : i32
    %swap3A_20 = arith.index_cast %swap3A_19 : i32 to index
    %swap3A_21 = arith.constant 48 : index
    %swap3A_22 = tpu.vector_load %arg8[%swap3A_20, %swap3A_21] {strides = array<i32>} : memref<128x128xf32, #tpu.memory_space<vmem>>, vector<1x16xf32>,
    %swap3A_23 = vector.shape_cast %swap3A_22 : vector<1x16xf32> to vector<16xf32>
    %swap3A_24 = vector.shape_cast %broadcast_in_dim3A_1 : vector<16xf32> to vector<1x16xf32>
    tpu.vector_store %arg8[%swap3A_20, %swap3A_21], %swap3A_24 {strides = array<i32>} : memref<128x128xf32, #tpu.memory_space<vmem>>, vector<1x16xf32>,
    %swap3A_25 = arith.constant 0 : i32
    %swap3A_26 = arith.index_cast %swap3A_25 : i32 to index
    %swap3A_27 = arith.constant 64 : index
    %swap3A_28 = tpu.vector_load %arg8[%swap3A_26, %swap3A_27] {strides = array<i32>} : memref<128x128xf32, #tpu.memory_space<vmem>>, vector<1x16xf32>,
    %swap3A_29 = vector.shape_cast %swap3A_28 : vector<1x16xf32> to vector<16xf32>
    %swap3A_30 = vector.shape_cast %broadcast_in_dim3A_1 : vector<16xf32> to vector<1x16xf32>
    tpu.vector_store %arg8[%swap3A_26, %swap3A_27], %swap3A_30 {strides = array<i32>} : memref<128x128xf32, #tpu.memory_space<vmem>>, vector<1x16xf32>,
    %swap3A_31 = arith.constant 0 : i32
    %swap3A_32 = arith.index_cast %swap3A_31 : i32 to index
    %swap3A_33 = arith.constant 80 : index
    %swap3A_34 = tpu.vector_load %arg8[%swap3A_32, %swap3A_33] {strides = array<i32>} : memref<128x128xf32, #tpu.memory_space<vmem>>, vector<1x16xf32>,
    %swap3A_35 = vector.shape_cast %swap3A_34 : vector<1x16xf32> to vector<16xf32>
    %swap3A_36 = vector.shape_cast %broadcast_in_dim3A_1 : vector<16xf32> to vector<1x16xf32>
    tpu.vector_store %arg8[%swap3A_32, %swap3A_33], %swap3A_36 {strides = array<i32>} : memref<128x128xf32, #tpu.memory_space<vmem>>, vector<1x16xf32>,
    %swap3A_37 = arith.constant 0 : i32
    %swap3A_38 = arith.index_cast %swap3A_37 : i32 to index
    %swap3A_39 = arith.constant 96 : index
    %swap3A_40 = tpu.vector_load %arg8[%swap3A_38, %swap3A_39] {strides = array<i32>} : memref<128x128xf32, #tpu.memory_space<vmem>>, vector<1x16xf32>,
    %swap3A_41 = vector.shape_cast %swap3A_40 : vector<1x16xf32> to vector<16xf32>
    %swap3A_42 = vector.shape_cast %broadcast_in_dim3A_1 : vector<16xf32> to vector<1x16xf32>
    tpu.vector_store %arg8[%swap3A_38, %swap3A_39], %swap3A_42 {strides = array<i32>} : memref<128x128xf32, #tpu.memory_space<vmem>>, vector<1x16xf32>,
    %swap3A_43 = arith.constant 0 : i32
    %swap3A_44 = arith.index_cast %swap3A_43 : i32 to index
    %swap3A_45 = arith.constant 112 : index
    %swap3A_46 = tpu.vector_load %arg8[%swap3A_44, %swap3A_45] {strides = array<i32>} : memref<128x128xf32, #tpu.memory_space<vmem>>, vector<1x16xf32>,
    %swap3A_47 = vector.shape_cast %swap3A_46 : vector<1x16xf32> to vector<16xf32>
    %swap3A_48 = vector.shape_cast %broadcast_in_dim3A_1 : vector<16xf32> to vector<1x16xf32>
    tpu.vector_store %arg8[%swap3A_44, %swap3A_45], %swap3A_48 {strides = array<i32>} : memref<128x128xf32, #tpu.memory_space<vmem>>, vector<1x16xf32>,
    %swap3A_49 = arith.constant 1 : i32
    %swap3A_50 = arith.index_cast %swap3A_49 : i32 to index
    %swap3A_51 = arith.constant 0 : index
    %swap3A_52 = tpu.vector_load %arg8[%swap3A_50, %swap3A_51] {strides = array<i32>} : memref<128x128xf32, #tpu.memory_space<vmem>>, vector<1x16xf32>,
    %swap3A_53 = vector.shape_cast %swap3A_52 : vector<1x16xf32> to vector<16xf32>
    %swap3A_54 = vector.shape_cast %broadcast_in_dim3A_1 : vector<16xf32> to vector<1x16xf32>
    tpu.vector_store %arg8[%swap3A_50, %swap3A_51], %swap3A_54 {strides = array<i32>} : memref<128x128xf32, #tpu.memory_space<vmem>>, vector<1x16xf32>,
    %swap3A_55 = arith.constant 1 : i32
    %swap3A_56 = arith.index_cast %swap3A_55 : i32 to index
    %swap3A_57 = arith.constant 16 : index
    %swap3A_58 = tpu.vector_load %arg8[%swap3A_56, %swap3A_57] {strides = array<i32>} : memref<128x128xf32, #tpu.memory_space<vmem>>, vector<1x16xf32>,
    %swap3A_59 = vector.shape_cast %swap3A_58 : vector<1x16xf32> to vector<16xf32>
    %swap3A_60 = vector.shape_cast %broadcast_in_dim3A_1 : vector<16xf32> to vector<1x16xf32>
    tpu.vector_store %arg8[%swap3A_56, %swap3A_57], %swap3A_60 {strides = array<i32>} : memref<128x128xf32, #tpu.memory_space<vmem>>, vector<1x16xf32>,
    %swap3A_61 = arith.constant 1 : i32
    %swap3A_62 = arith.index_cast %swap3A_61 : i32 to index
    %swap3A_63 = arith.constant 32 : index
    %swap3A_64 = tpu.vector_load %arg8[%swap3A_62, %swap3A_63] {strides = array<i32>} : memref<128x128xf32, #tpu.memory_space<vmem>>, vector<1x16xf32>,
    %swap3A_65 = vector.shape_cast %swap3A_64 : vector<1x16xf32> to vector<16xf32>
    %swap3A_66 = vector.shape_cast %broadcast_in_dim3A_1 : vector<16xf32> to vector<1x16xf32>
    tpu.vector_store %arg8[%swap3A_62, %swap3A_63], %swap3A_66 {strides = array<i32>} : memref<128x128xf32, #tpu.memory_space<vmem>>, vector<1x16xf32>,
    %swap3A_67 = arith.constant 1 : i32
    %swap3A_68 = arith.index_cast %swap3A_67 : i32 to index
    %swap3A_69 = arith.constant 48 : index
    %swap3A_70 = tpu.vector_load %arg8[%swap3A_68, %swap3A_69] {strides = array<i32>} : memref<128x128xf32, #tpu.memory_space<vmem>>, vector<1x16xf32>,
    %swap3A_71 = vector.shape_cast %swap3A_70 : vector<1x16xf32> to vector<16xf32>
    %swap3A_72 = vector.shape_cast %broadcast_in_dim3A_1 : vector<16xf32> to vector<1x16xf32>
    tpu.vector_store %arg8[%swap3A_68, %swap3A_69], %swap3A_72 {strides = array<i32>} : memref<128x128xf32, #tpu.memory_space<vmem>>, vector<1x16xf32>,
    %swap3A_73 = arith.constant 1 : i32
    %swap3A_74 = arith.index_cast %swap3A_73 : i32 to index
    %swap3A_75 = arith.constant 64 : index
    %swap3A_76 = tpu.vector_load %arg8[%swap3A_74, %swap3A_75] {strides = array<i32>} : memref<128x128xf32, #tpu.memory_space<vmem>>, vector<1x16xf32>,
    %swap3A_77 = vector.shape_cast %swap3A_76 : vector<1x16xf32> to vector<16xf32>
    %swap3A_78 = vector.shape_cast %broadcast_in_dim3A_1 : vector<16xf32> to vector<1x16xf32>
    tpu.vector_store %arg8[%swap3A_74, %swap3A_75], %swap3A_78 {strides = array<i32>} : memref<128x128xf32, #tpu.memory_space<vmem>>, vector<1x16xf32>,
    %swap3A_79 = arith.constant 1 : i32
    %swap3A_80 = arith.index_cast %swap3A_79 : i32 to index
    %swap3A_81 = arith.constant 80 : index
    %swap3A_82 = tpu.vector_load %arg8[%swap3A_80, %swap3A_81] {strides = array<i32>} : memref<128x128xf32, #tpu.memory_space<vmem>>, vector<1x16xf32>,
    %swap3A_83 = vector.shape_cast %swap3A_82 : vector<1x16xf32> to vector<16xf32>
    %swap3A_84 = vector.shape_cast %broadcast_in_dim3A_1 : vector<16xf32> to vector<1x16xf32>
    tpu.vector_store %arg8[%swap3A_80, %swap3A_81], %swap3A_84 {strides = array<i32>} : memref<128x128xf32, #tpu.memory_space<vmem>>, vector<1x16xf32>,
    %swap3A_85 = arith.constant 1 : i32
    %swap3A_86 = arith.index_cast %swap3A_85 : i32 to index
    %swap3A_87 = arith.constant 96 : index
    %swap3A_88 = tpu.vector_load %arg8[%swap3A_86, %swap3A_87] {strides = array<i32>} : memref<128x128xf32, #tpu.memory_space<vmem>>, vector<1x16xf32>,
    %swap3A_89 = vector.shape_cast %swap3A_88 : vector<1x16xf32> to vector<16xf32>
    %swap3A_90 = vector.shape_cast %broadcast_in_dim3A_1 : vector<16xf32> to vector<1x16xf32>
    tpu.vector_store %arg8[%swap3A_86, %swap3A_87], %swap3A_90 {strides = array<i32>} : memref<128x128xf32, #tpu.memory_space<vmem>>, vector<1x16xf32>,
    %swap3A_91 = arith.constant 1 : i32
    %swap3A_92 = arith.index_cast %swap3A_91 : i32 to index
    %swap3A_93 = arith.constant 112 : index
    %swap3A_94 = tpu.vector_load %arg8[%swap3A_92, %swap3A_93] {strides = array<i32>} : memref<128x128xf32, #tpu.memory_space<vmem>>, vector<1x16xf32>,
    %swap3A_95 = vector.shape_cast %swap3A_94 : vector<1x16xf32> to vector<16xf32>
    %swap3A_96 = vector.shape_cast %broadcast_in_dim3A_1 : vector<16xf32> to vector<1x16xf32>
    tpu.vector_store %arg8[%swap3A_92, %swap3A_93], %swap3A_96 {strides = array<i32>} : memref<128x128xf32, #tpu.memory_space<vmem>>, vector<1x16xf32>,
    %swap3A_97 = arith.constant 2 : i32
    %swap3A_98 = arith.index_cast %swap3A_97 : i32 to index
    %swap3A_99 = arith.constant 0 : index
    %swap3A_100 = tpu.vector_load %arg8[%swap3A_98, %swap3A_99] {strides = array<i32>} : memref<128x128xf32, #tpu.memory_space<vmem>>, vector<1x16xf32>,
    %swap3A_101 = vector.shape_cast %swap3A_100 : vector<1x16xf32> to vector<16xf32>
    %swap3A_102 = vector.shape_cast %broadcast_in_dim3A_1 : vector<16xf32> to vector<1x16xf32>
    tpu.vector_store %arg8[%swap3A_98, %swap3A_99], %swap3A_102 {strides = array<i32>} : memref<128x128xf32, #tpu.memory_space<vmem>>, vector<1x16xf32>,
    %swap3A_103 = arith.constant 2 : i32
    %swap3A_104 = arith.index_cast %swap3A_103 : i32 to index
    %swap3A_105 = arith.constant 16 : index
    %swap3A_106 = tpu.vector_load %arg8[%swap3A_104, %swap3A_105] {strides = array<i32>} : memref<128x128xf32, #tpu.memory_space<vmem>>, vector<1x16xf32>,
    %swap3A_107 = vector.shape_cast %swap3A_106 : vector<1x16xf32> to vector<16xf32>
    %swap3A_108 = vector.shape_cast %broadcast_in_dim3A_1 : vector<16xf32> to vector<1x16xf32>
    tpu.vector_store %arg8[%swap3A_104, %swap3A_105], %swap3A_108 {strides = array<i32>} : memref<128x128xf32, #tpu.memory_space<vmem>>, vector<1x16xf32>,
    %swap3A_109 = arith.constant 2 : i32
    %swap3A_110 = arith.index_cast %swap3A_109 : i32 to index
    %swap3A_111 = arith.constant 32 : index
    %swap3A_112 = tpu.vector_load %arg8[%swap3A_110, %swap3A_111] {strides = array<i32>} : memref<128x128xf32, #tpu.memory_space<vmem>>, vector<1x16xf32>,
    %swap3A_113 = vector.shape_cast %swap3A_112 : vector<1x16xf32> to vector<16xf32>
    %swap3A_114 = vector.shape_cast %broadcast_in_dim3A_1 : vector<16xf32> to vector<1x16xf32>
    tpu.vector_store %arg8[%swap3A_110, %swap3A_111], %swap3A_114 {strides = array<i32>} : memref<128x128xf32, #tpu.memory_space<vmem>>, vector<1x16xf32>,
    %swap3A_115 = arith.constant 2 : i32
    %swap3A_116 = arith.index_cast %swap3A_115 : i32 to index
    %swap3A_117 = arith.constant 48 : index
    %swap3A_118 = tpu.vector_load %arg8[%swap3A_116, %swap3A_117] {strides = array<i32>} : memref<128x128xf32, #tpu.memory_space<vmem>>, vector<1x16xf32>,
    %swap3A_119 = vector.shape_cast %swap3A_118 : vector<1x16xf32> to vector<16xf32>
    %swap3A_120 = vector.shape_cast %broadcast_in_dim3A_1 : vector<16xf32> to vector<1x16xf32>
    tpu.vector_store %arg8[%swap3A_116, %swap3A_117], %swap3A_120 {strides = array<i32>} : memref<128x128xf32, #tpu.memory_space<vmem>>, vector<1x16xf32>,
    %swap3A_121 = arith.constant 2 : i32
    %swap3A_122 = arith.index_cast %swap3A_121 : i32 to index
    %swap3A_123 = arith.constant 64 : index
    %swap3A_124 = tpu.vector_load %arg8[%swap3A_122, %swap3A_123] {strides = array<i32>} : memref<128x128xf32, #tpu.memory_space<vmem>>, vector<1x16xf32>,
    %swap3A_125 = vector.shape_cast %swap3A_124 : vector<1x16xf32> to vector<16xf32>
    %swap3A_126 = vector.shape_cast %broadcast_in_dim3A_1 : vector<16xf32> to vector<1x16xf32>
    tpu.vector_store %arg8[%swap3A_122, %swap3A_123], %swap3A_126 {strides = array<i32>} : memref<128x128xf32, #tpu.memory_space<vmem>>, vector<1x16xf32>,
    %swap3A_127 = arith.constant 2 : i32
    %swap3A_128 = arith.index_cast %swap3A_127 : i32 to index
    %swap3A_129 = arith.constant 80 : index
    %swap3A_130 = tpu.vector_load %arg8[%swap3A_128, %swap3A_129] {strides = array<i32>} : memref<128x128xf32, #tpu.memory_space<vmem>>, vector<1x16xf32>,
    %swap3A_131 = vector.shape_cast %swap3A_130 : vector<1x16xf32> to vector<16xf32>
    %swap3A_132 = vector.shape_cast %broadcast_in_dim3A_1 : vector<16xf32> to vector<1x16xf32>
    tpu.vector_store %arg8[%swap3A_128, %swap3A_129], %swap3A_132 {strides = array<i32>} : memref<128x128xf32, #tpu.memory_space<vmem>>, vector<1x16xf32>,
    %swap3A_133 = arith.constant 2 : i32
    %swap3A_134 = arith.index_cast %swap3A_133 : i32 to index
    %swap3A_135 = arith.constant 96 : index
    %swap3A_136 = tpu.vector_load %arg8[%swap3A_134, %swap3A_135] {strides = array<i32>} : memref<128x128xf32, #tpu.memory_space<vmem>>, vector<1x16xf32>,
    %swap3A_137 = vector.shape_cast %swap3A_136 : vector<1x16xf32> to vector<16xf32>
    %swap3A_138 = vector.shape_cast %broadcast_in_dim3A_1 : vector<16xf32> to vector<1x16xf32>
    tpu.vector_store %arg8[%swap3A_134, %swap3A_135], %swap3A_138 {strides = array<i32>} : memref<128x128xf32, #tpu.memory_space<vmem>>, vector<1x16xf32>,
    %swap3A_139 = arith.constant 2 : i32
    %swap3A_140 = arith.index_cast %swap3A_139 : i32 to index
    %swap3A_141 = arith.constant 112 : index
    %swap3A_142 = tpu.vector_load %arg8[%swap3A_140, %swap3A_141] {strides = array<i32>} : memref<128x128xf32, #tpu.memory_space<vmem>>, vector<1x16xf32>,
    %swap3A_143 = vector.shape_cast %swap3A_142 : vector<1x16xf32> to vector<16xf32>
    %swap3A_144 = vector.shape_cast %broadcast_in_dim3A_1 : vector<16xf32> to vector<1x16xf32>
    tpu.vector_store %arg8[%swap3A_140, %swap3A_141], %swap3A_144 {strides = array<i32>} : memref<128x128xf32, #tpu.memory_space<vmem>>, vector<1x16xf32>,
    %swap3A_145 = arith.constant 3 : i32
    %swap3A_146 = arith.index_cast %swap3A_145 : i32 to index
    %swap3A_147 = arith.constant 0 : index
    %swap3A_148 = tpu.vector_load %arg8[%swap3A_146, %swap3A_147] {strides = array<i32>} : memref<128x128xf32, #tpu.memory_space<vmem>>, vector<1x16xf32>,
    %swap3A_149 = vector.shape_cast %swap3A_148 : vector<1x16xf32> to vector<16xf32>
    %swap3A_150 = vector.shape_cast %broadcast_in_dim3A_1 : vector<16xf32> to vector<1x16xf32>
    tpu.vector_store %arg8[%swap3A_146, %swap3A_147], %swap3A_150 {strides = array<i32>} : memref<128x128xf32, #tpu.memory_space<vmem>>, vector<1x16xf32>,
    %swap3A_151 = arith.constant 3 : i32
    %swap3A_152 = arith.index_cast %swap3A_151 : i32 to index
    %swap3A_153 = arith.constant 16 : index
    %swap3A_154 = tpu.vector_load %arg8[%swap3A_152, %swap3A_153] {strides = array<i32>} : memref<128x128xf32, #tpu.memory_space<vmem>>, vector<1x16xf32>,
    %swap3A_155 = vector.shape_cast %swap3A_154 : vector<1x16xf32> to vector<16xf32>
    %swap3A_156 = vector.shape_cast %broadcast_in_dim3A_1 : vector<16xf32> to vector<1x16xf32>
    tpu.vector_store %arg8[%swap3A_152, %swap3A_153], %swap3A_156 {strides = array<i32>} : memref<128x128xf32, #tpu.memory_space<vmem>>, vector<1x16xf32>,
    %swap3A_157 = arith.constant 3 : i32
    %swap3A_158 = arith.index_cast %swap3A_157 : i32 to index
    %swap3A_159 = arith.constant 32 : index
    %swap3A_160 = tpu.vector_load %arg8[%swap3A_158, %swap3A_159] {strides = array<i32>} : memref<128x128xf32, #tpu.memory_space<vmem>>, vector<1x16xf32>,
    %swap3A_161 = vector.shape_cast %swap3A_160 : vector<1x16xf32> to vector<16xf32>
    %swap3A_162 = vector.shape_cast %broadcast_in_dim3A_1 : vector<16xf32> to vector<1x16xf32>
    tpu.vector_store %arg8[%swap3A_158, %swap3A_159], %swap3A_162 {strides = array<i32>} : memref<128x128xf32, #tpu.memory_space<vmem>>, vector<1x16xf32>,
    %swap3A_163 = arith.constant 3 : i32
    %swap3A_164 = arith.index_cast %swap3A_163 : i32 to index
    %swap3A_165 = arith.constant 48 : index
    %swap3A_166 = tpu.vector_load %arg8[%swap3A_164, %swap3A_165] {strides = array<i32>} : memref<128x128xf32, #tpu.memory_space<vmem>>, vector<1x16xf32>,
    %swap3A_167 = vector.shape_cast %swap3A_166 : vector<1x16xf32> to vector<16xf32>
    %swap3A_168 = vector.shape_cast %broadcast_in_dim3A_1 : vector<16xf32> to vector<1x16xf32>
    tpu.vector_store %arg8[%swap3A_164, %swap3A_165], %swap3A_168 {strides = array<i32>} : memref<128x128xf32, #tpu.memory_space<vmem>>, vector<1x16xf32>,
    %swap3A_169 = arith.constant 3 : i32
    %swap3A_170 = arith.index_cast %swap3A_169 : i32 to index
    %swap3A_171 = arith.constant 64 : index
    %swap3A_172 = tpu.vector_load %arg8[%swap3A_170, %swap3A_171] {strides = array<i32>} : memref<128x128xf32, #tpu.memory_space<vmem>>, vector<1x16xf32>,
    %swap3A_173 = vector.shape_cast %swap3A_172 : vector<1x16xf32> to vector<16xf32>
    %swap3A_174 = vector.shape_cast %broadcast_in_dim3A_1 : vector<16xf32> to vector<1x16xf32>
    tpu.vector_store %arg8[%swap3A_170, %swap3A_171], %swap3A_174 {strides = array<i32>} : memref<128x128xf32, #tpu.memory_space<vmem>>, vector<1x16xf32>,
    %swap3A_175 = arith.constant 3 : i32
    %swap3A_176 = arith.index_cast %swap3A_175 : i32 to index
    %swap3A_177 = arith.constant 80 : index
    %swap3A_178 = tpu.vector_load %arg8[%swap3A_176, %swap3A_177] {strides = array<i32>} : memref<128x128xf32, #tpu.memory_space<vmem>>, vector<1x16xf32>,
    %swap3A_179 = vector.shape_cast %swap3A_178 : vector<1x16xf32> to vector<16xf32>
    %swap3A_180 = vector.shape_cast %broadcast_in_dim3A_1 : vector<16xf32> to vector<1x16xf32>
    tpu.vector_store %arg8[%swap3A_176, %swap3A_177], %swap3A_180 {strides = array<i32>} : memref<128x128xf32, #tpu.memory_space<vmem>>, vector<1x16xf32>,
    %swap3A_181 = arith.constant 3 : i32
    %swap3A_182 = arith.index_cast %swap3A_181 : i32 to index
    %swap3A_183 = arith.constant 96 : index
    %swap3A_184 = tpu.vector_load %arg8[%swap3A_182, %swap3A_183] {strides = array<i32>} : memref<128x128xf32, #tpu.memory_space<vmem>>, vector<1x16xf32>,
    %swap3A_185 = vector.shape_cast %swap3A_184 : vector<1x16xf32> to vector<16xf32>
    %swap3A_186 = vector.shape_cast %broadcast_in_dim3A_1 : vector<16xf32> to vector<1x16xf32>
    tpu.vector_store %arg8[%swap3A_182, %swap3A_183], %swap3A_186 {strides = array<i32>} : memref<128x128xf32, #tpu.memory_space<vmem>>, vector<1x16xf32>,
    %swap3A_187 = arith.constant 3 : i32
    %swap3A_188 = arith.index_cast %swap3A_187 : i32 to index
    %swap3A_189 = arith.constant 112 : index
    %swap3A_190 = tpu.vector_load %arg8[%swap3A_188, %swap3A_189] {strides = array<i32>} : memref<128x128xf32, #tpu.memory_space<vmem>>, vector<1x16xf32>,
    %swap3A_191 = vector.shape_cast %swap3A_190 : vector<1x16xf32> to vector<16xf32>
    %swap3A_192 = vector.shape_cast %broadcast_in_dim3A_1 : vector<16xf32> to vector<1x16xf32>
    tpu.vector_store %arg8[%swap3A_188, %swap3A_189], %swap3A_192 {strides = array<i32>} : memref<128x128xf32, #tpu.memory_space<vmem>>, vector<1x16xf32>,
    %swap3A_193 = arith.constant 4 : i32
    %swap3A_194 = arith.index_cast %swap3A_193 : i32 to index
    %swap3A_195 = arith.constant 0 : index
    %swap3A_196 = tpu.vector_load %arg8[%swap3A_194, %swap3A_195] {strides = array<i32>} : memref<128x128xf32, #tpu.memory_space<vmem>>, vector<1x16xf32>,
    %swap3A_197 = vector.shape_cast %swap3A_196 : vector<1x16xf32> to vector<16xf32>
    %swap3A_198 = vector.shape_cast %broadcast_in_dim3A_1 : vector<16xf32> to vector<1x16xf32>
    tpu.vector_store %arg8[%swap3A_194, %swap3A_195], %swap3A_198 {strides = array<i32>} : memref<128x128xf32, #tpu.memory_space<vmem>>, vector<1x16xf32>,
    %swap3A_199 = arith.constant 4 : i32
    %swap3A_200 = arith.index_cast %swap3A_199 : i32 to index
    %swap3A_201 = arith.constant 16 : index
    %swap3A_202 = tpu.vector_load %arg8[%swap3A_200, %swap3A_201] {strides = array<i32>} : memref<128x128xf32, #tpu.memory_space<vmem>>, vector<1x16xf32>,
    %swap3A_203 = vector.shape_cast %swap3A_202 : vector<1x16xf32> to vector<16xf32>
    %swap3A_204 = vector.shape_cast %broadcast_in_dim3A_1 : vector<16xf32> to vector<1x16xf32>
    tpu.vector_store %arg8[%swap3A_200, %swap3A_201], %swap3A_204 {strides = array<i32>} : memref<128x128xf32, #tpu.memory_space<vmem>>, vector<1x16xf32>,
    %swap3A_205 = arith.constant 4 : i32
    %swap3A_206 = arith.index_cast %swap3A_205 : i32 to index
    %swap3A_207 = arith.constant 32 : index
    %swap3A_208 = tpu.vector_load %arg8[%swap3A_206, %swap3A_207] {strides = array<i32>} : memref<128x128xf32, #tpu.memory_space<vmem>>, vector<1x16xf32>,
    %swap3A_209 = vector.shape_cast %swap3A_208 : vector<1x16xf32> to vector<16xf32>
    %swap3A_210 = vector.shape_cast %broadcast_in_dim3A_1 : vector<16xf32> to vector<1x16xf32>
    tpu.vector_store %arg8[%swap3A_206, %swap3A_207], %swap3A_210 {strides = array<i32>} : memref<128x128xf32, #tpu.memory_space<vmem>>, vector<1x16xf32>,
    %swap3A_211 = arith.constant 4 : i32
    %swap3A_212 = arith.index_cast %swap3A_211 : i32 to index
    %swap3A_213 = arith.constant 48 : index
    %swap3A_214 = tpu.vector_load %arg8[%swap3A_212, %swap3A_213] {strides = array<i32>} : memref<128x128xf32, #tpu.memory_space<vmem>>, vector<1x16xf32>,
    %swap3A_215 = vector.shape_cast %swap3A_214 : vector<1x16xf32> to vector<16xf32>
    %swap3A_216 = vector.shape_cast %broadcast_in_dim3A_1 : vector<16xf32> to vector<1x16xf32>
    tpu.vector_store %arg8[%swap3A_212, %swap3A_213], %swap3A_216 {strides = array<i32>} : memref<128x128xf32, #tpu.memory_space<vmem>>, vector<1x16xf32>,
    %swap3A_217 = arith.constant 4 : i32
    %swap3A_218 = arith.index_cast %swap3A_217 : i32 to index
    %swap3A_219 = arith.constant 64 : index
    %swap3A_220 = tpu.vector_load %arg8[%swap3A_218, %swap3A_219] {strides = array<i32>} : memref<128x128xf32, #tpu.memory_space<vmem>>, vector<1x16xf32>,
    %swap3A_221 = vector.shape_cast %swap3A_220 : vector<1x16xf32> to vector<16xf32>
    %swap3A_222 = vector.shape_cast %broadcast_in_dim3A_1 : vector<16xf32> to vector<1x16xf32>
    tpu.vector_store %arg8[%swap3A_218, %swap3A_219], %swap3A_222 {strides = array<i32>} : memref<128x128xf32, #tpu.memory_space<vmem>>, vector<1x16xf32>,
    %swap3A_223 = arith.constant 4 : i32
    %swap3A_224 = arith.index_cast %swap3A_223 : i32 to index
    %swap3A_225 = arith.constant 80 : index
    %swap3A_226 = tpu.vector_load %arg8[%swap3A_224, %swap3A_225] {strides = array<i32>} : memref<128x128xf32, #tpu.memory_space<vmem>>, vector<1x16xf32>,
    %swap3A_227 = vector.shape_cast %swap3A_226 : vector<1x16xf32> to vector<16xf32>
    %swap3A_228 = vector.shape_cast %broadcast_in_dim3A_1 : vector<16xf32> to vector<1x16xf32>
    tpu.vector_store %arg8[%swap3A_224, %swap3A_225], %swap3A_228 {strides = array<i32>} : memref<128x128xf32, #tpu.memory_space<vmem>>, vector<1x16xf32>,
    %swap3A_229 = arith.constant 4 : i32
    %swap3A_230 = arith.index_cast %swap3A_229 : i32 to index
    %swap3A_231 = arith.constant 96 : index
    %swap3A_232 = tpu.vector_load %arg8[%swap3A_230, %swap3A_231] {strides = array<i32>} : memref<128x128xf32, #tpu.memory_space<vmem>>, vector<1x16xf32>,
    %swap3A_233 = vector.shape_cast %swap3A_232 : vector<1x16xf32> to vector<16xf32>
    %swap3A_234 = vector.shape_cast %broadcast_in_dim3A_1 : vector<16xf32> to vector<1x16xf32>
    tpu.vector_store %arg8[%swap3A_230, %swap3A_231], %swap3A_234 {strides = array<i32>} : memref<128x128xf32, #tpu.memory_space<vmem>>, vector<1x16xf32>,
    %swap3A_235 = arith.constant 4 : i32
    %swap3A_236 = arith.index_cast %swap3A_235 : i32 to index
    %swap3A_237 = arith.constant 112 : index
    %swap3A_238 = tpu.vector_load %arg8[%swap3A_236, %swap3A_237] {strides = array<i32>} : memref<128x128xf32, #tpu.memory_space<vmem>>, vector<1x16xf32>,
    %swap3A_239 = vector.shape_cast %swap3A_238 : vector<1x16xf32> to vector<16xf32>
    %swap3A_240 = vector.shape_cast %broadcast_in_dim3A_1 : vector<16xf32> to vector<1x16xf32>
    tpu.vector_store %arg8[%swap3A_236, %swap3A_237], %swap3A_240 {strides = array<i32>} : memref<128x128xf32, #tpu.memory_space<vmem>>, vector<1x16xf32>,
    %swap3A_241 = arith.constant 5 : i32
    %swap3A_242 = arith.index_cast %swap3A_241 : i32 to index
    %swap3A_243 = arith.constant 0 : index
    %swap3A_244 = tpu.vector_load %arg8[%swap3A_242, %swap3A_243] {strides = array<i32>} : memref<128x128xf32, #tpu.memory_space<vmem>>, vector<1x16xf32>,
    %swap3A_245 = vector.shape_cast %swap3A_244 : vector<1x16xf32> to vector<16xf32>
    %swap3A_246 = vector.shape_cast %broadcast_in_dim3A_1 : vector<16xf32> to vector<1x16xf32>
    tpu.vector_store %arg8[%swap3A_242, %swap3A_243], %swap3A_246 {strides = array<i32>} : memref<128x128xf32, #tpu.memory_space<vmem>>, vector<1x16xf32>,
    %swap3A_247 = arith.constant 5 : i32
    %swap3A_248 = arith.index_cast %swap3A_247 : i32 to index
    %swap3A_249 = arith.constant 16 : index
    %swap3A_250 = tpu.vector_load %arg8[%swap3A_248, %swap3A_249] {strides = array<i32>} : memref<128x128xf32, #tpu.memory_space<vmem>>, vector<1x16xf32>,
    %swap3A_251 = vector.shape_cast %swap3A_250 : vector<1x16xf32> to vector<16xf32>
    %swap3A_252 = vector.shape_cast %broadcast_in_dim3A_1 : vector<16xf32> to vector<1x16xf32>
    tpu.vector_store %arg8[%swap3A_248, %swap3A_249], %swap3A_252 {strides = array<i32>} : memref<128x128xf32, #tpu.memory_space<vmem>>, vector<1x16xf32>,
    %swap3A_253 = arith.constant 5 : i32
    %swap3A_254 = arith.index_cast %swap3A_253 : i32 to index
    %swap3A_255 = arith.constant 32 : index
    %swap3A_256 = tpu.vector_load %arg8[%swap3A_254, %swap3A_255] {strides = array<i32>} : memref<128x128xf32, #tpu.memory_space<vmem>>, vector<1x16xf32>,
    %swap3A_257 = vector.shape_cast %swap3A_256 : vector<1x16xf32> to vector<16xf32>
    %swap3A_258 = vector.shape_cast %broadcast_in_dim3A_1 : vector<16xf32> to vector<1x16xf32>
    tpu.vector_store %arg8[%swap3A_254, %swap3A_255], %swap3A_258 {strides = array<i32>} : memref<128x128xf32, #tpu.memory_space<vmem>>, vector<1x16xf32>,
    %swap3A_259 = arith.constant 5 : i32
    %swap3A_260 = arith.index_cast %swap3A_259 : i32 to index
    %swap3A_261 = arith.constant 48 : index
    %swap3A_262 = tpu.vector_load %arg8[%swap3A_260, %swap3A_261] {strides = array<i32>} : memref<128x128xf32, #tpu.memory_space<vmem>>, vector<1x16xf32>,
    %swap3A_263 = vector.shape_cast %swap3A_262 : vector<1x16xf32> to vector<16xf32>
    %swap3A_264 = vector.shape_cast %broadcast_in_dim3A_1 : vector<16xf32> to vector<1x16xf32>
    tpu.vector_store %arg8[%swap3A_260, %swap3A_261], %swap3A_264 {strides = array<i32>} : memref<128x128xf32, #tpu.memory_space<vmem>>, vector<1x16xf32>,
    %swap3A_265 = arith.constant 5 : i32
    %swap3A_266 = arith.index_cast %swap3A_265 : i32 to index
    %swap3A_267 = arith.constant 64 : index
    %swap3A_268 = tpu.vector_load %arg8[%swap3A_266, %swap3A_267] {strides = array<i32>} : memref<128x128xf32, #tpu.memory_space<vmem>>, vector<1x16xf32>,
    %swap3A_269 = vector.shape_cast %swap3A_268 : vector<1x16xf32> to vector<16xf32>
    %swap3A_270 = vector.shape_cast %broadcast_in_dim3A_1 : vector<16xf32> to vector<1x16xf32>
    tpu.vector_store %arg8[%swap3A_266, %swap3A_267], %swap3A_270 {strides = array<i32>} : memref<128x128xf32, #tpu.memory_space<vmem>>, vector<1x16xf32>,
    %swap3A_271 = arith.constant 5 : i32
    %swap3A_272 = arith.index_cast %swap3A_271 : i32 to index
    %swap3A_273 = arith.constant 80 : index
    %swap3A_274 = tpu.vector_load %arg8[%swap3A_272, %swap3A_273] {strides = array<i32>} : memref<128x128xf32, #tpu.memory_space<vmem>>, vector<1x16xf32>,
    %swap3A_275 = vector.shape_cast %swap3A_274 : vector<1x16xf32> to vector<16xf32>
    %swap3A_276 = vector.shape_cast %broadcast_in_dim3A_1 : vector<16xf32> to vector<1x16xf32>
    tpu.vector_store %arg8[%swap3A_272, %swap3A_273], %swap3A_276 {strides = array<i32>} : memref<128x128xf32, #tpu.memory_space<vmem>>, vector<1x16xf32>,
    %swap3A_277 = arith.constant 5 : i32
    %swap3A_278 = arith.index_cast %swap3A_277 : i32 to index
    %swap3A_279 = arith.constant 96 : index
    %swap3A_280 = tpu.vector_load %arg8[%swap3A_278, %swap3A_279] {strides = array<i32>} : memref<128x128xf32, #tpu.memory_space<vmem>>, vector<1x16xf32>,
    %swap3A_281 = vector.shape_cast %swap3A_280 : vector<1x16xf32> to vector<16xf32>
    %swap3A_282 = vector.shape_cast %broadcast_in_dim3A_1 : vector<16xf32> to vector<1x16xf32>
    tpu.vector_store %arg8[%swap3A_278, %swap3A_279], %swap3A_282 {strides = array<i32>} : memref<128x128xf32, #tpu.memory_space<vmem>>, vector<1x16xf32>,
    %swap3A_283 = arith.constant 5 : i32
    %swap3A_284 = arith.index_cast %swap3A_283 : i32 to index
    %swap3A_285 = arith.constant 112 : index
    %swap3A_286 = tpu.vector_load %arg8[%swap3A_284, %swap3A_285] {strides = array<i32>} : memref<128x128xf32, #tpu.memory_space<vmem>>, vector<1x16xf32>,
    %swap3A_287 = vector.shape_cast %swap3A_286 : vector<1x16xf32> to vector<16xf32>
    %swap3A_288 = vector.shape_cast %broadcast_in_dim3A_1 : vector<16xf32> to vector<1x16xf32>
    tpu.vector_store %arg8[%swap3A_284, %swap3A_285], %swap3A_288 {strides = array<i32>} : memref<128x128xf32, #tpu.memory_space<vmem>>, vector<1x16xf32>,
    %swap3A_289 = arith.constant 6 : i32
    %swap3A_290 = arith.index_cast %swap3A_289 : i32 to index
    %swap3A_291 = arith.constant 0 : index
    %swap3A_292 = tpu.vector_load %arg8[%swap3A_290, %swap3A_291] {strides = array<i32>} : memref<128x128xf32, #tpu.memory_space<vmem>>, vector<1x16xf32>,
    %swap3A_293 = vector.shape_cast %swap3A_292 : vector<1x16xf32> to vector<16xf32>
    %swap3A_294 = vector.shape_cast %broadcast_in_dim3A_1 : vector<16xf32> to vector<1x16xf32>
    tpu.vector_store %arg8[%swap3A_290, %swap3A_291], %swap3A_294 {strides = array<i32>} : memref<128x128xf32, #tpu.memory_space<vmem>>, vector<1x16xf32>,
    %swap3A_295 = arith.constant 6 : i32
    %swap3A_296 = arith.index_cast %swap3A_295 : i32 to index
    %swap3A_297 = arith.constant 16 : index
    %swap3A_298 = tpu.vector_load %arg8[%swap3A_296, %swap3A_297] {strides = array<i32>} : memref<128x128xf32, #tpu.memory_space<vmem>>, vector<1x16xf32>,
    %swap3A_299 = vector.shape_cast %swap3A_298 : vector<1x16xf32> to vector<16xf32>
    %swap3A_300 = vector.shape_cast %broadcast_in_dim3A_1 : vector<16xf32> to vector<1x16xf32>
    tpu.vector_store %arg8[%swap3A_296, %swap3A_297], %swap3A_300 {strides = array<i32>} : memref<128x128xf32, #tpu.memory_space<vmem>>, vector<1x16xf32>,
    %swap3A_301 = arith.constant 6 : i32
    %swap3A_302 = arith.index_cast %swap3A_301 : i32 to index
    %swap3A_303 = arith.constant 32 : index
    %swap3A_304 = tpu.vector_load %arg8[%swap3A_302, %swap3A_303] {strides = array<i32>} : memref<128x128xf32, #tpu.memory_space<vmem>>, vector<1x16xf32>,
    %swap3A_305 = vector.shape_cast %swap3A_304 : vector<1x16xf32> to vector<16xf32>
    %swap3A_306 = vector.shape_cast %broadcast_in_dim3A_1 : vector<16xf32> to vector<1x16xf32>
    tpu.vector_store %arg8[%swap3A_302, %swap3A_303], %swap3A_306 {strides = array<i32>} : memref<128x128xf32, #tpu.memory_space<vmem>>, vector<1x16xf32>,
    %swap3A_307 = arith.constant 6 : i32
    %swap3A_308 = arith.index_cast %swap3A_307 : i32 to index
    %swap3A_309 = arith.constant 48 : index
    %swap3A_310 = tpu.vector_load %arg8[%swap3A_308, %swap3A_309] {strides = array<i32>} : memref<128x128xf32, #tpu.memory_space<vmem>>, vector<1x16xf32>,
    %swap3A_311 = vector.shape_cast %swap3A_310 : vector<1x16xf32> to vector<16xf32>
    %swap3A_312 = vector.shape_cast %broadcast_in_dim3A_1 : vector<16xf32> to vector<1x16xf32>
    tpu.vector_store %arg8[%swap3A_308, %swap3A_309], %swap3A_312 {strides = array<i32>} : memref<128x128xf32, #tpu.memory_space<vmem>>, vector<1x16xf32>,
    %swap3A_313 = arith.constant 6 : i32
    %swap3A_314 = arith.index_cast %swap3A_313 : i32 to index
    %swap3A_315 = arith.constant 64 : index
    %swap3A_316 = tpu.vector_load %arg8[%swap3A_314, %swap3A_315] {strides = array<i32>} : memref<128x128xf32, #tpu.memory_space<vmem>>, vector<1x16xf32>,
    %swap3A_317 = vector.shape_cast %swap3A_316 : vector<1x16xf32> to vector<16xf32>
    %swap3A_318 = vector.shape_cast %broadcast_in_dim3A_1 : vector<16xf32> to vector<1x16xf32>
    tpu.vector_store %arg8[%swap3A_314, %swap3A_315], %swap3A_318 {strides = array<i32>} : memref<128x128xf32, #tpu.memory_space<vmem>>, vector<1x16xf32>,
    %swap3A_319 = arith.constant 6 : i32
    %swap3A_320 = arith.index_cast %swap3A_319 : i32 to index
    %swap3A_321 = arith.constant 80 : index
    %swap3A_322 = tpu.vector_load %arg8[%swap3A_320, %swap3A_321] {strides = array<i32>} : memref<128x128xf32, #tpu.memory_space<vmem>>, vector<1x16xf32>,
    %swap3A_323 = vector.shape_cast %swap3A_322 : vector<1x16xf32> to vector<16xf32>
    %swap3A_324 = vector.shape_cast %broadcast_in_dim3A_1 : vector<16xf32> to vector<1x16xf32>
    tpu.vector_store %arg8[%swap3A_320, %swap3A_321], %swap3A_324 {strides = array<i32>} : memref<128x128xf32, #tpu.memory_space<vmem>>, vector<1x16xf32>,
    %swap3A_325 = arith.constant 6 : i32
    %swap3A_326 = arith.index_cast %swap3A_325 : i32 to index
    %swap3A_327 = arith.constant 96 : index
    %swap3A_328 = tpu.vector_load %arg8[%swap3A_326, %swap3A_327] {strides = array<i32>} : memref<128x128xf32, #tpu.memory_space<vmem>>, vector<1x16xf32>,
    %swap3A_329 = vector.shape_cast %swap3A_328 : vector<1x16xf32> to vector<16xf32>
    %swap3A_330 = vector.shape_cast %broadcast_in_dim3A_1 : vector<16xf32> to vector<1x16xf32>
    tpu.vector_store %arg8[%swap3A_326, %swap3A_327], %swap3A_330 {strides = array<i32>} : memref<128x128xf32, #tpu.memory_space<vmem>>, vector<1x16xf32>,
    %swap3A_331 = arith.constant 6 : i32
    %swap3A_332 = arith.index_cast %swap3A_331 : i32 to index
    %swap3A_333 = arith.constant 112 : index
    %swap3A_334 = tpu.vector_load %arg8[%swap3A_332, %swap3A_333] {strides = array<i32>} : memref<128x128xf32, #tpu.memory_space<vmem>>, vector<1x16xf32>,
    %swap3A_335 = vector.shape_cast %swap3A_334 : vector<1x16xf32> to vector<16xf32>
    %swap3A_336 = vector.shape_cast %broadcast_in_dim3A_1 : vector<16xf32> to vector<1x16xf32>
    tpu.vector_store %arg8[%swap3A_332, %swap3A_333], %swap3A_336 {strides = array<i32>} : memref<128x128xf32, #tpu.memory_space<vmem>>, vector<1x16xf32>,
    %swap3A_337 = arith.constant 7 : i32
    %swap3A_338 = arith.index_cast %swap3A_337 : i32 to index
    %swap3A_339 = arith.constant 0 : index
    %swap3A_340 = tpu.vector_load %arg8[%swap3A_338, %swap3A_339] {strides = array<i32>} : memref<128x128xf32, #tpu.memory_space<vmem>>, vector<1x16xf32>,
    %swap3A_341 = vector.shape_cast %swap3A_340 : vector<1x16xf32> to vector<16xf32>
    %swap3A_342 = vector.shape_cast %broadcast_in_dim3A_1 : vector<16xf32> to vector<1x16xf32>
    tpu.vector_store %arg8[%swap3A_338, %swap3A_339], %swap3A_342 {strides = array<i32>} : memref<128x128xf32, #tpu.memory_space<vmem>>, vector<1x16xf32>,
    %swap3A_343 = arith.constant 7 : i32
    %swap3A_344 = arith.index_cast %swap3A_343 : i32 to index
    %swap3A_345 = arith.constant 16 : index
    %swap3A_346 = tpu.vector_load %arg8[%swap3A_344, %swap3A_345] {strides = array<i32>} : memref<128x128xf32, #tpu.memory_space<vmem>>, vector<1x16xf32>,
    %swap3A_347 = vector.shape_cast %swap3A_346 : vector<1x16xf32> to vector<16xf32>
    %swap3A_348 = vector.shape_cast %broadcast_in_dim3A_1 : vector<16xf32> to vector<1x16xf32>
    tpu.vector_store %arg8[%swap3A_344, %swap3A_345], %swap3A_348 {strides = array<i32>} : memref<128x128xf32, #tpu.memory_space<vmem>>, vector<1x16xf32>,
    %swap3A_349 = arith.constant 7 : i32
    %swap3A_350 = arith.index_cast %swap3A_349 : i32 to index
    %swap3A_351 = arith.constant 32 : index
    %swap3A_352 = tpu.vector_load %arg8[%swap3A_350, %swap3A_351] {strides = array<i32>} : memref<128x128xf32, #tpu.memory_space<vmem>>, vector<1x16xf32>,
    %swap3A_353 = vector.shape_cast %swap3A_352 : vector<1x16xf32> to vector<16xf32>
    %swap3A_354 = vector.shape_cast %broadcast_in_dim3A_1 : vector<16xf32> to vector<1x16xf32>
    tpu.vector_store %arg8[%swap3A_350, %swap3A_351], %swap3A_354 {strides = array<i32>} : memref<128x128xf32, #tpu.memory_space<vmem>>, vector<1x16xf32>,
    %swap3A_355 = arith.constant 7 : i32
    %swap3A_356 = arith.index_cast %swap3A_355 : i32 to index
    %swap3A_357 = arith.constant 48 : index
    %swap3A_358 = tpu.vector_load %arg8[%swap3A_356, %swap3A_357] {strides = array<i32>} : memref<128x128xf32, #tpu.memory_space<vmem>>, vector<1x16xf32>,
    %swap3A_359 = vector.shape_cast %swap3A_358 : vector<1x16xf32> to vector<16xf32>
    %swap3A_360 = vector.shape_cast %broadcast_in_dim3A_1 : vector<16xf32> to vector<1x16xf32>
    tpu.vector_store %arg8[%swap3A_356, %swap3A_357], %swap3A_360 {strides = array<i32>} : memref<128x128xf32, #tpu.memory_space<vmem>>, vector<1x16xf32>,
    %swap3A_361 = arith.constant 7 : i32
    %swap3A_362 = arith.index_cast %swap3A_361 : i32 to index
    %swap3A_363 = arith.constant 64 : index
    %swap3A_364 = tpu.vector_load %arg8[%swap3A_362, %swap3A_363] {strides = array<i32>} : memref<128x128xf32, #tpu.memory_space<vmem>>, vector<1x16xf32>,
    %swap3A_365 = vector.shape_cast %swap3A_364 : vector<1x16xf32> to vector<16xf32>
    %swap3A_366 = vector.shape_cast %broadcast_in_dim3A_1 : vector<16xf32> to vector<1x16xf32>
    tpu.vector_store %arg8[%swap3A_362, %swap3A_363], %swap3A_366 {strides = array<i32>} : memref<128x128xf32, #tpu.memory_space<vmem>>, vector<1x16xf32>,
    %swap3A_367 = arith.constant 7 : i32
    %swap3A_368 = arith.index_cast %swap3A_367 : i32 to index
    %swap3A_369 = arith.constant 80 : index
    %swap3A_370 = tpu.vector_load %arg8[%swap3A_368, %swap3A_369] {strides = array<i32>} : memref<128x128xf32, #tpu.memory_space<vmem>>, vector<1x16xf32>,
    %swap3A_371 = vector.shape_cast %swap3A_370 : vector<1x16xf32> to vector<16xf32>
    %swap3A_372 = vector.shape_cast %broadcast_in_dim3A_1 : vector<16xf32> to vector<1x16xf32>
    tpu.vector_store %arg8[%swap3A_368, %swap3A_369], %swap3A_372 {strides = array<i32>} : memref<128x128xf32, #tpu.memory_space<vmem>>, vector<1x16xf32>,
    %swap3A_373 = arith.constant 7 : i32
    %swap3A_374 = arith.index_cast %swap3A_373 : i32 to index
    %swap3A_375 = arith.constant 96 : index
    %swap3A_376 = tpu.vector_load %arg8[%swap3A_374, %swap3A_375] {strides = array<i32>} : memref<128x128xf32, #tpu.memory_space<vmem>>, vector<1x16xf32>,
    %swap3A_377 = vector.shape_cast %swap3A_376 : vector<1x16xf32> to vector<16xf32>
    %swap3A_378 = vector.shape_cast %broadcast_in_dim3A_1 : vector<16xf32> to vector<1x16xf32>
    tpu.vector_store %arg8[%swap3A_374, %swap3A_375], %swap3A_378 {strides = array<i32>} : memref<128x128xf32, #tpu.memory_space<vmem>>, vector<1x16xf32>,
    %swap3A_379 = arith.constant 7 : i32
    %swap3A_380 = arith.index_cast %swap3A_379 : i32 to index
    %swap3A_381 = arith.constant 112 : index
    %swap3A_382 = tpu.vector_load %arg8[%swap3A_380, %swap3A_381] {strides = array<i32>} : memref<128x128xf32, #tpu.memory_space<vmem>>, vector<1x16xf32>,
    %swap3A_383 = vector.shape_cast %swap3A_382 : vector<1x16xf32> to vector<16xf32>
    %swap3A_384 = vector.shape_cast %broadcast_in_dim3A_1 : vector<16xf32> to vector<1x16xf32>
    tpu.vector_store %arg8[%swap3A_380, %swap3A_381], %swap3A_384 {strides = array<i32>} : memref<128x128xf32, #tpu.memory_space<vmem>>, vector<1x16xf32>,
    %swap3A_385 = arith.constant 8 : i32
    %swap3A_386 = arith.index_cast %swap3A_385 : i32 to index
    %swap3A_387 = arith.constant 0 : index
    %swap3A_388 = tpu.vector_load %arg8[%swap3A_386, %swap3A_387] {strides = array<i32>} : memref<128x128xf32, #tpu.memory_space<vmem>>, vector<1x16xf32>,
    %swap3A_389 = vector.shape_cast %swap3A_388 : vector<1x16xf32> to vector<16xf32>
    %swap3A_390 = vector.shape_cast %broadcast_in_dim3A_1 : vector<16xf32> to vector<1x16xf32>
    tpu.vector_store %arg8[%swap3A_386, %swap3A_387], %swap3A_390 {strides = array<i32>} : memref<128x128xf32, #tpu.memory_space<vmem>>, vector<1x16xf32>,
    %swap3A_391 = arith.constant 8 : i32
    %swap3A_392 = arith.index_cast %swap3A_391 : i32 to index
    %swap3A_393 = arith.constant 16 : index
    %swap3A_394 = tpu.vector_load %arg8[%swap3A_392, %swap3A_393] {strides = array<i32>} : memref<128x128xf32, #tpu.memory_space<vmem>>, vector<1x16xf32>,
    %swap3A_395 = vector.shape_cast %swap3A_394 : vector<1x16xf32> to vector<16xf32>
    %swap3A_396 = vector.shape_cast %broadcast_in_dim3A_1 : vector<16xf32> to vector<1x16xf32>
    tpu.vector_store %arg8[%swap3A_392, %swap3A_393], %swap3A_396 {strides = array<i32>} : memref<128x128xf32, #tpu.memory_space<vmem>>, vector<1x16xf32>,
    %swap3A_397 = arith.constant 8 : i32
    %swap3A_398 = arith.index_cast %swap3A_397 : i32 to index
    %swap3A_399 = arith.constant 32 : index
    %swap3A_400 = tpu.vector_load %arg8[%swap3A_398, %swap3A_399] {strides = array<i32>} : memref<128x128xf32, #tpu.memory_space<vmem>>, vector<1x16xf32>,
    %swap3A_401 = vector.shape_cast %swap3A_400 : vector<1x16xf32> to vector<16xf32>
    %swap3A_402 = vector.shape_cast %broadcast_in_dim3A_1 : vector<16xf32> to vector<1x16xf32>
    tpu.vector_store %arg8[%swap3A_398, %swap3A_399], %swap3A_402 {strides = array<i32>} : memref<128x128xf32, #tpu.memory_space<vmem>>, vector<1x16xf32>,
    %swap3A_403 = arith.constant 8 : i32
    %swap3A_404 = arith.index_cast %swap3A_403 : i32 to index
    %swap3A_405 = arith.constant 48 : index
    %swap3A_406 = tpu.vector_load %arg8[%swap3A_404, %swap3A_405] {strides = array<i32>} : memref<128x128xf32, #tpu.memory_space<vmem>>, vector<1x16xf32>,
    %swap3A_407 = vector.shape_cast %swap3A_406 : vector<1x16xf32> to vector<16xf32>
    %swap3A_408 = vector.shape_cast %broadcast_in_dim3A_1 : vector<16xf32> to vector<1x16xf32>
    tpu.vector_store %arg8[%swap3A_404, %swap3A_405], %swap3A_408 {strides = array<i32>} : memref<128x128xf32, #tpu.memory_space<vmem>>, vector<1x16xf32>,
    %swap3A_409 = arith.constant 8 : i32
    %swap3A_410 = arith.index_cast %swap3A_409 : i32 to index
    %swap3A_411 = arith.constant 64 : index
    %swap3A_412 = tpu.vector_load %arg8[%swap3A_410, %swap3A_411] {strides = array<i32>} : memref<128x128xf32, #tpu.memory_space<vmem>>, vector<1x16xf32>,
    %swap3A_413 = vector.shape_cast %swap3A_412 : vector<1x16xf32> to vector<16xf32>
    %swap3A_414 = vector.shape_cast %broadcast_in_dim3A_1 : vector<16xf32> to vector<1x16xf32>
    tpu.vector_store %arg8[%swap3A_410, %swap3A_411], %swap3A_414 {strides = array<i32>} : memref<128x128xf32, #tpu.memory_space<vmem>>, vector<1x16xf32>,
    %swap3A_415 = arith.constant 8 : i32
    %swap3A_416 = arith.index_cast %swap3A_415 : i32 to index
    %swap3A_417 = arith.constant 80 : index
    %swap3A_418 = tpu.vector_load %arg8[%swap3A_416, %swap3A_417] {strides = array<i32>} : memref<128x128xf32, #tpu.memory_space<vmem>>, vector<1x16xf32>,
    %swap3A_419 = vector.shape_cast %swap3A_418 : vector<1x16xf32> to vector<16xf32>
    %swap3A_420 = vector.shape_cast %broadcast_in_dim3A_1 : vector<16xf32> to vector<1x16xf32>
    tpu.vector_store %arg8[%swap3A_416, %swap3A_417], %swap3A_420 {strides = array<i32>} : memref<128x128xf32, #tpu.memory_space<vmem>>, vector<1x16xf32>,
    %swap3A_421 = arith.constant 8 : i32
    %swap3A_422 = arith.index_cast %swap3A_421 : i32 to index
    %swap3A_423 = arith.constant 96 : index
    %swap3A_424 = tpu.vector_load %arg8[%swap3A_422, %swap3A_423] {strides = array<i32>} : memref<128x128xf32, #tpu.memory_space<vmem>>, vector<1x16xf32>,
    %swap3A_425 = vector.shape_cast %swap3A_424 : vector<1x16xf32> to vector<16xf32>
    %swap3A_426 = vector.shape_cast %broadcast_in_dim3A_1 : vector<16xf32> to vector<1x16xf32>
    tpu.vector_store %arg8[%swap3A_422, %swap3A_423], %swap3A_426 {strides = array<i32>} : memref<128x128xf32, #tpu.memory_space<vmem>>, vector<1x16xf32>,
    %swap3A_427 = arith.constant 8 : i32
    %swap3A_428 = arith.index_cast %swap3A_427 : i32 to index
    %swap3A_429 = arith.constant 112 : index
    %swap3A_430 = tpu.vector_load %arg8[%swap3A_428, %swap3A_429] {strides = array<i32>} : memref<128x128xf32, #tpu.memory_space<vmem>>, vector<1x16xf32>,
    %swap3A_431 = vector.shape_cast %swap3A_430 : vector<1x16xf32> to vector<16xf32>
    %swap3A_432 = vector.shape_cast %broadcast_in_dim3A_1 : vector<16xf32> to vector<1x16xf32>
    tpu.vector_store %arg8[%swap3A_428, %swap3A_429], %swap3A_432 {strides = array<i32>} : memref<128x128xf32, #tpu.memory_space<vmem>>, vector<1x16xf32>,
    %swap3A_433 = arith.constant 9 : i32
    %swap3A_434 = arith.index_cast %swap3A_433 : i32 to index
    %swap3A_435 = arith.constant 0 : index
    %swap3A_436 = tpu.vector_load %arg8[%swap3A_434, %swap3A_435] {strides = array<i32>} : memref<128x128xf32, #tpu.memory_space<vmem>>, vector<1x16xf32>,
    %swap3A_437 = vector.shape_cast %swap3A_436 : vector<1x16xf32> to vector<16xf32>
    %swap3A_438 = vector.shape_cast %broadcast_in_dim3A_1 : vector<16xf32> to vector<1x16xf32>
    tpu.vector_store %arg8[%swap3A_434, %swap3A_435], %swap3A_438 {strides = array<i32>} : memref<128x128xf32, #tpu.memory_space<vmem>>, vector<1x16xf32>,
    %swap3A_439 = arith.constant 9 : i32
    %swap3A_440 = arith.index_cast %swap3A_439 : i32 to index
    %swap3A_441 = arith.constant 16 : index
    %swap3A_442 = tpu.vector_load %arg8[%swap3A_440, %swap3A_441] {strides = array<i32>} : memref<128x128xf32, #tpu.memory_space<vmem>>, vector<1x16xf32>,
    %swap3A_443 = vector.shape_cast %swap3A_442 : vector<1x16xf32> to vector<16xf32>
    %swap3A_444 = vector.shape_cast %broadcast_in_dim3A_1 : vector<16xf32> to vector<1x16xf32>
    tpu.vector_store %arg8[%swap3A_440, %swap3A_441], %swap3A_444 {strides = array<i32>} : memref<128x128xf32, #tpu.memory_space<vmem>>, vector<1x16xf32>,
    %swap3A_445 = arith.constant 9 : i32
    %swap3A_446 = arith.index_cast %swap3A_445 : i32 to index
    %swap3A_447 = arith.constant 32 : index
    %swap3A_448 = tpu.vector_load %arg8[%swap3A_446, %swap3A_447] {strides = array<i32>} : memref<128x128xf32, #tpu.memory_space<vmem>>, vector<1x16xf32>,
    %swap3A_449 = vector.shape_cast %swap3A_448 : vector<1x16xf32> to vector<16xf32>
    %swap3A_450 = vector.shape_cast %broadcast_in_dim3A_1 : vector<16xf32> to vector<1x16xf32>
    tpu.vector_store %arg8[%swap3A_446, %swap3A_447], %swap3A_450 {strides = array<i32>} : memref<128x128xf32, #tpu.memory_space<vmem>>, vector<1x16xf32>,
    %swap3A_451 = arith.constant 9 : i32
    %swap3A_452 = arith.index_cast %swap3A_451 : i32 to index
    %swap3A_453 = arith.constant 48 : index
    %swap3A_454 = tpu.vector_load %arg8[%swap3A_452, %swap3A_453] {strides = array<i32>} : memref<128x128xf32, #tpu.memory_space<vmem>>, vector<1x16xf32>,
    %swap3A_455 = vector.shape_cast %swap3A_454 : vector<1x16xf32> to vector<16xf32>
    %swap3A_456 = vector.shape_cast %broadcast_in_dim3A_1 : vector<16xf32> to vector<1x16xf32>
    tpu.vector_store %arg8[%swap3A_452, %swap3A_453], %swap3A_456 {strides = array<i32>} : memref<128x128xf32, #tpu.memory_space<vmem>>, vector<1x16xf32>,
    %swap3A_457 = arith.constant 9 : i32
    %swap3A_458 = arith.index_cast %swap3A_457 : i32 to index
    %swap3A_459 = arith.constant 64 : index
    %swap3A_460 = tpu.vector_load %arg8[%swap3A_458, %swap3A_459] {strides = array<i32>} : memref<128x128xf32, #tpu.memory_space<vmem>>, vector<1x16xf32>,
    %swap3A_461 = vector.shape_cast %swap3A_460 : vector<1x16xf32> to vector<16xf32>
    %swap3A_462 = vector.shape_cast %broadcast_in_dim3A_1 : vector<16xf32> to vector<1x16xf32>
    tpu.vector_store %arg8[%swap3A_458, %swap3A_459], %swap3A_462 {strides = array<i32>} : memref<128x128xf32, #tpu.memory_space<vmem>>, vector<1x16xf32>,
    %swap3A_463 = arith.constant 9 : i32
    %swap3A_464 = arith.index_cast %swap3A_463 : i32 to index
    %swap3A_465 = arith.constant 80 : index
    %swap3A_466 = tpu.vector_load %arg8[%swap3A_464, %swap3A_465] {strides = array<i32>} : memref<128x128xf32, #tpu.memory_space<vmem>>, vector<1x16xf32>,
    %swap3A_467 = vector.shape_cast %swap3A_466 : vector<1x16xf32> to vector<16xf32>
    %swap3A_468 = vector.shape_cast %broadcast_in_dim3A_1 : vector<16xf32> to vector<1x16xf32>
    tpu.vector_store %arg8[%swap3A_464, %swap3A_465], %swap3A_468 {strides = array<i32>} : memref<128x128xf32, #tpu.memory_space<vmem>>, vector<1x16xf32>,
    %swap3A_469 = arith.constant 9 : i32
    %swap3A_470 = arith.index_cast %swap3A_469 : i32 to index
    %swap3A_471 = arith.constant 96 : index
    %swap3A_472 = tpu.vector_load %arg8[%swap3A_470, %swap3A_471] {strides = array<i32>} : memref<128x128xf32, #tpu.memory_space<vmem>>, vector<1x16xf32>,
    %swap3A_473 = vector.shape_cast %swap3A_472 : vector<1x16xf32> to vector<16xf32>
    %swap3A_474 = vector.shape_cast %broadcast_in_dim3A_1 : vector<16xf32> to vector<1x16xf32>
    tpu.vector_store %arg8[%swap3A_470, %swap3A_471], %swap3A_474 {strides = array<i32>} : memref<128x128xf32, #tpu.memory_space<vmem>>, vector<1x16xf32>,
    %swap3A_475 = arith.constant 9 : i32
    %swap3A_476 = arith.index_cast %swap3A_475 : i32 to index
    %swap3A_477 = arith.constant 112 : index
    %swap3A_478 = tpu.vector_load %arg8[%swap3A_476, %swap3A_477] {strides = array<i32>} : memref<128x128xf32, #tpu.memory_space<vmem>>, vector<1x16xf32>,
    %swap3A_479 = vector.shape_cast %swap3A_478 : vector<1x16xf32> to vector<16xf32>
    %swap3A_480 = vector.shape_cast %broadcast_in_dim3A_1 : vector<16xf32> to vector<1x16xf32>
    tpu.vector_store %arg8[%swap3A_476, %swap3A_477], %swap3A_480 {strides = array<i32>} : memref<128x128xf32, #tpu.memory_space<vmem>>, vector<1x16xf32>,
    %swap3A_481 = arith.constant 10 : i32
    %swap3A_482 = arith.index_cast %swap3A_481 : i32 to index
    %swap3A_483 = arith.constant 0 : index
    %swap3A_484 = tpu.vector_load %arg8[%swap3A_482, %swap3A_483] {strides = array<i32>} : memref<128x128xf32, #tpu.memory_space<vmem>>, vector<1x16xf32>,
    %swap3A_485 = vector.shape_cast %swap3A_484 : vector<1x16xf32> to vector<16xf32>
    %swap3A_486 = vector.shape_cast %broadcast_in_dim3A_1 : vector<16xf32> to vector<1x16xf32>
    tpu.vector_store %arg8[%swap3A_482, %swap3A_483], %swap3A_486 {strides = array<i32>} : memref<128x128xf32, #tpu.memory_space<vmem>>, vector<1x16xf32>,
    %swap3A_487 = arith.constant 10 : i32
    %swap3A_488 = arith.index_cast %swap3A_487 : i32 to index
    %swap3A_489 = arith.constant 16 : index
    %swap3A_490 = tpu.vector_load %arg8[%swap3A_488, %swap3A_489] {strides = array<i32>} : memref<128x128xf32, #tpu.memory_space<vmem>>, vector<1x16xf32>,
    %swap3A_491 = vector.shape_cast %swap3A_490 : vector<1x16xf32> to vector<16xf32>
    %swap3A_492 = vector.shape_cast %broadcast_in_dim3A_1 : vector<16xf32> to vector<1x16xf32>
    tpu.vector_store %arg8[%swap3A_488, %swap3A_489], %swap3A_492 {strides = array<i32>} : memref<128x128xf32, #tpu.memory_space<vmem>>, vector<1x16xf32>,
    %swap3A_493 = arith.constant 10 : i32
    %swap3A_494 = arith.index_cast %swap3A_493 : i32 to index
    %swap3A_495 = arith.constant 32 : index
    %swap3A_496 = tpu.vector_load %arg8[%swap3A_494, %swap3A_495] {strides = array<i32>} : memref<128x128xf32, #tpu.memory_space<vmem>>, vector<1x16xf32>,
    %swap3A_497 = vector.shape_cast %swap3A_496 : vector<1x16xf32> to vector<16xf32>
    %swap3A_498 = vector.shape_cast %broadcast_in_dim3A_1 : vector<16xf32> to vector<1x16xf32>
    tpu.vector_store %arg8[%swap3A_494, %swap3A_495], %swap3A_498 {strides = array<i32>} : memref<128x128xf32, #tpu.memory_space<vmem>>, vector<1x16xf32>,
    %swap3A_499 = arith.constant 10 : i32
    %swap3A_500 = arith.index_cast %swap3A_499 : i32 to index
    %swap3A_501 = arith.constant 48 : index
    %swap3A_502 = tpu.vector_load %arg8[%swap3A_500, %swap3A_501] {strides = array<i32>} : memref<128x128xf32, #tpu.memory_space<vmem>>, vector<1x16xf32>,
    %swap3A_503 = vector.shape_cast %swap3A_502 : vector<1x16xf32> to vector<16xf32>
    %swap3A_504 = vector.shape_cast %broadcast_in_dim3A_1 : vector<16xf32> to vector<1x16xf32>
    tpu.vector_store %arg8[%swap3A_500, %swap3A_501], %swap3A_504 {strides = array<i32>} : memref<128x128xf32, #tpu.memory_space<vmem>>, vector<1x16xf32>,
    %swap3A_505 = arith.constant 10 : i32
    %swap3A_506 = arith.index_cast %swap3A_505 : i32 to index
    %swap3A_507 = arith.constant 64 : index
    %swap3A_508 = tpu.vector_load %arg8[%swap3A_506, %swap3A_507] {strides = array<i32>} : memref<128x128xf32, #tpu.memory_space<vmem>>, vector<1x16xf32>,
    %swap3A_509 = vector.shape_cast %swap3A_508 : vector<1x16xf32> to vector<16xf32>
    %swap3A_510 = vector.shape_cast %broadcast_in_dim3A_1 : vector<16xf32> to vector<1x16xf32>
    tpu.vector_store %arg8[%swap3A_506, %swap3A_507], %swap3A_510 {strides = array<i32>} : memref<128x128xf32, #tpu.memory_space<vmem>>, vector<1x16xf32>,
    %swap3A_511 = arith.constant 10 : i32
    %swap3A_512 = arith.index_cast %swap3A_511 : i32 to index
    %swap3A_513 = arith.constant 80 : index
    %swap3A_514 = tpu.vector_load %arg8[%swap3A_512, %swap3A_513] {strides = array<i32>} : memref<128x128xf32, #tpu.memory_space<vmem>>, vector<1x16xf32>,
    %swap3A_515 = vector.shape_cast %swap3A_514 : vector<1x16xf32> to vector<16xf32>
    %swap3A_516 = vector.shape_cast %broadcast_in_dim3A_1 : vector<16xf32> to vector<1x16xf32>
    tpu.vector_store %arg8[%swap3A_512, %swap3A_513], %swap3A_516 {strides = array<i32>} : memref<128x128xf32, #tpu.memory_space<vmem>>, vector<1x16xf32>,
    %swap3A_517 = arith.constant 10 : i32
    %swap3A_518 = arith.index_cast %swap3A_517 : i32 to index
    %swap3A_519 = arith.constant 96 : index
    %swap3A_520 = tpu.vector_load %arg8[%swap3A_518, %swap3A_519] {strides = array<i32>} : memref<128x128xf32, #tpu.memory_space<vmem>>, vector<1x16xf32>,
    %swap3A_521 = vector.shape_cast %swap3A_520 : vector<1x16xf32> to vector<16xf32>
    %swap3A_522 = vector.shape_cast %broadcast_in_dim3A_1 : vector<16xf32> to vector<1x16xf32>
    tpu.vector_store %arg8[%swap3A_518, %swap3A_519], %swap3A_522 {strides = array<i32>} : memref<128x128xf32, #tpu.memory_space<vmem>>, vector<1x16xf32>,
    %swap3A_523 = arith.constant 10 : i32
    %swap3A_524 = arith.index_cast %swap3A_523 : i32 to index
    %swap3A_525 = arith.constant 112 : index
    %swap3A_526 = tpu.vector_load %arg8[%swap3A_524, %swap3A_525] {strides = array<i32>} : memref<128x128xf32, #tpu.memory_space<vmem>>, vector<1x16xf32>,
    %swap3A_527 = vector.shape_cast %swap3A_526 : vector<1x16xf32> to vector<16xf32>
    %swap3A_528 = vector.shape_cast %broadcast_in_dim3A_1 : vector<16xf32> to vector<1x16xf32>
    tpu.vector_store %arg8[%swap3A_524, %swap3A_525], %swap3A_528 {strides = array<i32>} : memref<128x128xf32, #tpu.memory_space<vmem>>, vector<1x16xf32>,
    %swap3A_529 = arith.constant 11 : i32
    %swap3A_530 = arith.index_cast %swap3A_529 : i32 to index
    %swap3A_531 = arith.constant 0 : index
    %swap3A_532 = tpu.vector_load %arg8[%swap3A_530, %swap3A_531] {strides = array<i32>} : memref<128x128xf32, #tpu.memory_space<vmem>>, vector<1x16xf32>,
    %swap3A_533 = vector.shape_cast %swap3A_532 : vector<1x16xf32> to vector<16xf32>
    %swap3A_534 = vector.shape_cast %broadcast_in_dim3A_1 : vector<16xf32> to vector<1x16xf32>
    tpu.vector_store %arg8[%swap3A_530, %swap3A_531], %swap3A_534 {strides = array<i32>} : memref<128x128xf32, #tpu.memory_space<vmem>>, vector<1x16xf32>,
    %swap3A_535 = arith.constant 11 : i32
    %swap3A_536 = arith.index_cast %swap3A_535 : i32 to index
    %swap3A_537 = arith.constant 16 : index
    %swap3A_538 = tpu.vector_load %arg8[%swap3A_536, %swap3A_537] {strides = array<i32>} : memref<128x128xf32, #tpu.memory_space<vmem>>, vector<1x16xf32>,
    %swap3A_539 = vector.shape_cast %swap3A_538 : vector<1x16xf32> to vector<16xf32>
    %swap3A_540 = vector.shape_cast %broadcast_in_dim3A_1 : vector<16xf32> to vector<1x16xf32>
    tpu.vector_store %arg8[%swap3A_536, %swap3A_537], %swap3A_540 {strides = array<i32>} : memref<128x128xf32, #tpu.memory_space<vmem>>, vector<1x16xf32>,
    %swap3A_541 = arith.constant 11 : i32
    %swap3A_542 = arith.index_cast %swap3A_541 : i32 to index
    %swap3A_543 = arith.constant 32 : index
    %swap3A_544 = tpu.vector_load %arg8[%swap3A_542, %swap3A_543] {strides = array<i32>} : memref<128x128xf32, #tpu.memory_space<vmem>>, vector<1x16xf32>,
    %swap3A_545 = vector.shape_cast %swap3A_544 : vector<1x16xf32> to vector<16xf32>
    %swap3A_546 = vector.shape_cast %broadcast_in_dim3A_1 : vector<16xf32> to vector<1x16xf32>
    tpu.vector_store %arg8[%swap3A_542, %swap3A_543], %swap3A_546 {strides = array<i32>} : memref<128x128xf32, #tpu.memory_space<vmem>>, vector<1x16xf32>,
    %swap3A_547 = arith.constant 11 : i32
    %swap3A_548 = arith.index_cast %swap3A_547 : i32 to index
    %swap3A_549 = arith.constant 48 : index
    %swap3A_550 = tpu.vector_load %arg8[%swap3A_548, %swap3A_549] {strides = array<i32>} : memref<128x128xf32, #tpu.memory_space<vmem>>, vector<1x16xf32>,
    %swap3A_551 = vector.shape_cast %swap3A_550 : vector<1x16xf32> to vector<16xf32>
    %swap3A_552 = vector.shape_cast %broadcast_in_dim3A_1 : vector<16xf32> to vector<1x16xf32>
    tpu.vector_store %arg8[%swap3A_548, %swap3A_549], %swap3A_552 {strides = array<i32>} : memref<128x128xf32, #tpu.memory_space<vmem>>, vector<1x16xf32>,
    %swap3A_553 = arith.constant 11 : i32
    %swap3A_554 = arith.index_cast %swap3A_553 : i32 to index
    %swap3A_555 = arith.constant 64 : index
    %swap3A_556 = tpu.vector_load %arg8[%swap3A_554, %swap3A_555] {strides = array<i32>} : memref<128x128xf32, #tpu.memory_space<vmem>>, vector<1x16xf32>,
    %swap3A_557 = vector.shape_cast %swap3A_556 : vector<1x16xf32> to vector<16xf32>
    %swap3A_558 = vector.shape_cast %broadcast_in_dim3A_1 : vector<16xf32> to vector<1x16xf32>
    tpu.vector_store %arg8[%swap3A_554, %swap3A_555], %swap3A_558 {strides = array<i32>} : memref<128x128xf32, #tpu.memory_space<vmem>>, vector<1x16xf32>,
    %swap3A_559 = arith.constant 11 : i32
    %swap3A_560 = arith.index_cast %swap3A_559 : i32 to index
    %swap3A_561 = arith.constant 80 : index
    %swap3A_562 = tpu.vector_load %arg8[%swap3A_560, %swap3A_561] {strides = array<i32>} : memref<128x128xf32, #tpu.memory_space<vmem>>, vector<1x16xf32>,
    %swap3A_563 = vector.shape_cast %swap3A_562 : vector<1x16xf32> to vector<16xf32>
    %swap3A_564 = vector.shape_cast %broadcast_in_dim3A_1 : vector<16xf32> to vector<1x16xf32>
    tpu.vector_store %arg8[%swap3A_560, %swap3A_561], %swap3A_564 {strides = array<i32>} : memref<128x128xf32, #tpu.memory_space<vmem>>, vector<1x16xf32>,
    %swap3A_565 = arith.constant 11 : i32
    %swap3A_566 = arith.index_cast %swap3A_565 : i32 to index
    %swap3A_567 = arith.constant 96 : index
    %swap3A_568 = tpu.vector_load %arg8[%swap3A_566, %swap3A_567] {strides = array<i32>} : memref<128x128xf32, #tpu.memory_space<vmem>>, vector<1x16xf32>,
    %swap3A_569 = vector.shape_cast %swap3A_568 : vector<1x16xf32> to vector<16xf32>
    %swap3A_570 = vector.shape_cast %broadcast_in_dim3A_1 : vector<16xf32> to vector<1x16xf32>
    tpu.vector_store %arg8[%swap3A_566, %swap3A_567], %swap3A_570 {strides = array<i32>} : memref<128x128xf32, #tpu.memory_space<vmem>>, vector<1x16xf32>,
    %swap3A_571 = arith.constant 11 : i32
    %swap3A_572 = arith.index_cast %swap3A_571 : i32 to index
    %swap3A_573 = arith.constant 112 : index
    %swap3A_574 = tpu.vector_load %arg8[%swap3A_572, %swap3A_573] {strides = array<i32>} : memref<128x128xf32, #tpu.memory_space<vmem>>, vector<1x16xf32>,
    %swap3A_575 = vector.shape_cast %swap3A_574 : vector<1x16xf32> to vector<16xf32>
    %swap3A_576 = vector.shape_cast %broadcast_in_dim3A_1 : vector<16xf32> to vector<1x16xf32>
    tpu.vector_store %arg8[%swap3A_572, %swap3A_573], %swap3A_576 {strides = array<i32>} : memref<128x128xf32, #tpu.memory_space<vmem>>, vector<1x16xf32>,
    %swap3A_577 = arith.constant 12 : i32
    %swap3A_578 = arith.index_cast %swap3A_577 : i32 to index
    %swap3A_579 = arith.constant 0 : index
    %swap3A_580 = tpu.vector_load %arg8[%swap3A_578, %swap3A_579] {strides = array<i32>} : memref<128x128xf32, #tpu.memory_space<vmem>>, vector<1x16xf32>,
    %swap3A_581 = vector.shape_cast %swap3A_580 : vector<1x16xf32> to vector<16xf32>
    %swap3A_582 = vector.shape_cast %broadcast_in_dim3A_1 : vector<16xf32> to vector<1x16xf32>
    tpu.vector_store %arg8[%swap3A_578, %swap3A_579], %swap3A_582 {strides = array<i32>} : memref<128x128xf32, #tpu.memory_space<vmem>>, vector<1x16xf32>,
    %swap3A_583 = arith.constant 12 : i32
    %swap3A_584 = arith.index_cast %swap3A_583 : i32 to index
    %swap3A_585 = arith.constant 16 : index
    %swap3A_586 = tpu.vector_load %arg8[%swap3A_584, %swap3A_585] {strides = array<i32>} : memref<128x128xf32, #tpu.memory_space<vmem>>, vector<1x16xf32>,
    %swap3A_587 = vector.shape_cast %swap3A_586 : vector<1x16xf32> to vector<16xf32>
    %swap3A_588 = vector.shape_cast %broadcast_in_dim3A_1 : vector<16xf32> to vector<1x16xf32>
    tpu.vector_store %arg8[%swap3A_584, %swap3A_585], %swap3A_588 {strides = array<i32>} : memref<128x128xf32, #tpu.memory_space<vmem>>, vector<1x16xf32>,
    %swap3A_589 = arith.constant 12 : i32
    %swap3A_590 = arith.index_cast %swap3A_589 : i32 to index
    %swap3A_591 = arith.constant 32 : index
    %swap3A_592 = tpu.vector_load %arg8[%swap3A_590, %swap3A_591] {strides = array<i32>} : memref<128x128xf32, #tpu.memory_space<vmem>>, vector<1x16xf32>,
    %swap3A_593 = vector.shape_cast %swap3A_592 : vector<1x16xf32> to vector<16xf32>
    %swap3A_594 = vector.shape_cast %broadcast_in_dim3A_1 : vector<16xf32> to vector<1x16xf32>
    tpu.vector_store %arg8[%swap3A_590, %swap3A_591], %swap3A_594 {strides = array<i32>} : memref<128x128xf32, #tpu.memory_space<vmem>>, vector<1x16xf32>,
    %swap3A_595 = arith.constant 12 : i32
    %swap3A_596 = arith.index_cast %swap3A_595 : i32 to index
    %swap3A_597 = arith.constant 48 : index
    %swap3A_598 = tpu.vector_load %arg8[%swap3A_596, %swap3A_597] {strides = array<i32>} : memref<128x128xf32, #tpu.memory_space<vmem>>, vector<1x16xf32>,
    %swap3A_599 = vector.shape_cast %swap3A_598 : vector<1x16xf32> to vector<16xf32>
    %swap3A_600 = vector.shape_cast %broadcast_in_dim3A_1 : vector<16xf32> to vector<1x16xf32>
    tpu.vector_store %arg8[%swap3A_596, %swap3A_597], %swap3A_600 {strides = array<i32>} : memref<128x128xf32, #tpu.memory_space<vmem>>, vector<1x16xf32>,
    %swap3A_601 = arith.constant 12 : i32
    %swap3A_602 = arith.index_cast %swap3A_601 : i32 to index
    %swap3A_603 = arith.constant 64 : index
    %swap3A_604 = tpu.vector_load %arg8[%swap3A_602, %swap3A_603] {strides = array<i32>} : memref<128x128xf32, #tpu.memory_space<vmem>>, vector<1x16xf32>,
    %swap3A_605 = vector.shape_cast %swap3A_604 : vector<1x16xf32> to vector<16xf32>
    %swap3A_606 = vector.shape_cast %broadcast_in_dim3A_1 : vector<16xf32> to vector<1x16xf32>
    tpu.vector_store %arg8[%swap3A_602, %swap3A_603], %swap3A_606 {strides = array<i32>} : memref<128x128xf32, #tpu.memory_space<vmem>>, vector<1x16xf32>,
    %swap3A_607 = arith.constant 12 : i32
    %swap3A_608 = arith.index_cast %swap3A_607 : i32 to index
    %swap3A_609 = arith.constant 80 : index
    %swap3A_610 = tpu.vector_load %arg8[%swap3A_608, %swap3A_609] {strides = array<i32>} : memref<128x128xf32, #tpu.memory_space<vmem>>, vector<1x16xf32>,
    %swap3A_611 = vector.shape_cast %swap3A_610 : vector<1x16xf32> to vector<16xf32>
    %swap3A_612 = vector.shape_cast %broadcast_in_dim3A_1 : vector<16xf32> to vector<1x16xf32>
    tpu.vector_store %arg8[%swap3A_608, %swap3A_609], %swap3A_612 {strides = array<i32>} : memref<128x128xf32, #tpu.memory_space<vmem>>, vector<1x16xf32>,
    %swap3A_613 = arith.constant 12 : i32
    %swap3A_614 = arith.index_cast %swap3A_613 : i32 to index
    %swap3A_615 = arith.constant 96 : index
    %swap3A_616 = tpu.vector_load %arg8[%swap3A_614, %swap3A_615] {strides = array<i32>} : memref<128x128xf32, #tpu.memory_space<vmem>>, vector<1x16xf32>,
    %swap3A_617 = vector.shape_cast %swap3A_616 : vector<1x16xf32> to vector<16xf32>
    %swap3A_618 = vector.shape_cast %broadcast_in_dim3A_1 : vector<16xf32> to vector<1x16xf32>
    tpu.vector_store %arg8[%swap3A_614, %swap3A_615], %swap3A_618 {strides = array<i32>} : memref<128x128xf32, #tpu.memory_space<vmem>>, vector<1x16xf32>,
    %swap3A_619 = arith.constant 12 : i32
    %swap3A_620 = arith.index_cast %swap3A_619 : i32 to index
    %swap3A_621 = arith.constant 112 : index
    %swap3A_622 = tpu.vector_load %arg8[%swap3A_620, %swap3A_621] {strides = array<i32>} : memref<128x128xf32, #tpu.memory_space<vmem>>, vector<1x16xf32>,
    %swap3A_623 = vector.shape_cast %swap3A_622 : vector<1x16xf32> to vector<16xf32>
    %swap3A_624 = vector.shape_cast %broadcast_in_dim3A_1 : vector<16xf32> to vector<1x16xf32>
    tpu.vector_store %arg8[%swap3A_620, %swap3A_621], %swap3A_624 {strides = array<i32>} : memref<128x128xf32, #tpu.memory_space<vmem>>, vector<1x16xf32>,
    %swap3A_625 = arith.constant 13 : i32
    %swap3A_626 = arith.index_cast %swap3A_625 : i32 to index
    %swap3A_627 = arith.constant 0 : index
    %swap3A_628 = tpu.vector_load %arg8[%swap3A_626, %swap3A_627] {strides = array<i32>} : memref<128x128xf32, #tpu.memory_space<vmem>>, vector<1x16xf32>,
    %swap3A_629 = vector.shape_cast %swap3A_628 : vector<1x16xf32> to vector<16xf32>
    %swap3A_630 = vector.shape_cast %broadcast_in_dim3A_1 : vector<16xf32> to vector<1x16xf32>
    tpu.vector_store %arg8[%swap3A_626, %swap3A_627], %swap3A_630 {strides = array<i32>} : memref<128x128xf32, #tpu.memory_space<vmem>>, vector<1x16xf32>,
    %swap3A_631 = arith.constant 13 : i32
    %swap3A_632 = arith.index_cast %swap3A_631 : i32 to index
    %swap3A_633 = arith.constant 16 : index
    %swap3A_634 = tpu.vector_load %arg8[%swap3A_632, %swap3A_633] {strides = array<i32>} : memref<128x128xf32, #tpu.memory_space<vmem>>, vector<1x16xf32>,
    %swap3A_635 = vector.shape_cast %swap3A_634 : vector<1x16xf32> to vector<16xf32>
    %swap3A_636 = vector.shape_cast %broadcast_in_dim3A_1 : vector<16xf32> to vector<1x16xf32>
    tpu.vector_store %arg8[%swap3A_632, %swap3A_633], %swap3A_636 {strides = array<i32>} : memref<128x128xf32, #tpu.memory_space<vmem>>, vector<1x16xf32>,
    %swap3A_637 = arith.constant 13 : i32
    %swap3A_638 = arith.index_cast %swap3A_637 : i32 to index
    %swap3A_639 = arith.constant 32 : index
    %swap3A_640 = tpu.vector_load %arg8[%swap3A_638, %swap3A_639] {strides = array<i32>} : memref<128x128xf32, #tpu.memory_space<vmem>>, vector<1x16xf32>,
    %swap3A_641 = vector.shape_cast %swap3A_640 : vector<1x16xf32> to vector<16xf32>
    %swap3A_642 = vector.shape_cast %broadcast_in_dim3A_1 : vector<16xf32> to vector<1x16xf32>
    tpu.vector_store %arg8[%swap3A_638, %swap3A_639], %swap3A_642 {strides = array<i32>} : memref<128x128xf32, #tpu.memory_space<vmem>>, vector<1x16xf32>,
    %swap3A_643 = arith.constant 13 : i32
    %swap3A_644 = arith.index_cast %swap3A_643 : i32 to index
    %swap3A_645 = arith.constant 48 : index
    %swap3A_646 = tpu.vector_load %arg8[%swap3A_644, %swap3A_645] {strides = array<i32>} : memref<128x128xf32, #tpu.memory_space<vmem>>, vector<1x16xf32>,
    %swap3A_647 = vector.shape_cast %swap3A_646 : vector<1x16xf32> to vector<16xf32>
    %swap3A_648 = vector.shape_cast %broadcast_in_dim3A_1 : vector<16xf32> to vector<1x16xf32>
    tpu.vector_store %arg8[%swap3A_644, %swap3A_645], %swap3A_648 {strides = array<i32>} : memref<128x128xf32, #tpu.memory_space<vmem>>, vector<1x16xf32>,
    %swap3A_649 = arith.constant 13 : i32
    %swap3A_650 = arith.index_cast %swap3A_649 : i32 to index
    %swap3A_651 = arith.constant 64 : index
    %swap3A_652 = tpu.vector_load %arg8[%swap3A_650, %swap3A_651] {strides = array<i32>} : memref<128x128xf32, #tpu.memory_space<vmem>>, vector<1x16xf32>,
    %swap3A_653 = vector.shape_cast %swap3A_652 : vector<1x16xf32> to vector<16xf32>
    %swap3A_654 = vector.shape_cast %broadcast_in_dim3A_1 : vector<16xf32> to vector<1x16xf32>
    tpu.vector_store %arg8[%swap3A_650, %swap3A_651], %swap3A_654 {strides = array<i32>} : memref<128x128xf32, #tpu.memory_space<vmem>>, vector<1x16xf32>,
    %swap3A_655 = arith.constant 13 : i32
    %swap3A_656 = arith.index_cast %swap3A_655 : i32 to index
    %swap3A_657 = arith.constant 80 : index
    %swap3A_658 = tpu.vector_load %arg8[%swap3A_656, %swap3A_657] {strides = array<i32>} : memref<128x128xf32, #tpu.memory_space<vmem>>, vector<1x16xf32>,
    %swap3A_659 = vector.shape_cast %swap3A_658 : vector<1x16xf32> to vector<16xf32>
    %swap3A_660 = vector.shape_cast %broadcast_in_dim3A_1 : vector<16xf32> to vector<1x16xf32>
    tpu.vector_store %arg8[%swap3A_656, %swap3A_657], %swap3A_660 {strides = array<i32>} : memref<128x128xf32, #tpu.memory_space<vmem>>, vector<1x16xf32>,
    %swap3A_661 = arith.constant 13 : i32
    %swap3A_662 = arith.index_cast %swap3A_661 : i32 to index
    %swap3A_663 = arith.constant 96 : index
    %swap3A_664 = tpu.vector_load %arg8[%swap3A_662, %swap3A_663] {strides = array<i32>} : memref<128x128xf32, #tpu.memory_space<vmem>>, vector<1x16xf32>,
    %swap3A_665 = vector.shape_cast %swap3A_664 : vector<1x16xf32> to vector<16xf32>
    %swap3A_666 = vector.shape_cast %broadcast_in_dim3A_1 : vector<16xf32> to vector<1x16xf32>
    tpu.vector_store %arg8[%swap3A_662, %swap3A_663], %swap3A_666 {strides = array<i32>} : memref<128x128xf32, #tpu.memory_space<vmem>>, vector<1x16xf32>,
    %swap3A_667 = arith.constant 13 : i32
    %swap3A_668 = arith.index_cast %swap3A_667 : i32 to index
    %swap3A_669 = arith.constant 112 : index
    %swap3A_670 = tpu.vector_load %arg8[%swap3A_668, %swap3A_669] {strides = array<i32>} : memref<128x128xf32, #tpu.memory_space<vmem>>, vector<1x16xf32>,
    %swap3A_671 = vector.shape_cast %swap3A_670 : vector<1x16xf32> to vector<16xf32>
    %swap3A_672 = vector.shape_cast %broadcast_in_dim3A_1 : vector<16xf32> to vector<1x16xf32>
    tpu.vector_store %arg8[%swap3A_668, %swap3A_669], %swap3A_672 {strides = array<i32>} : memref<128x128xf32, #tpu.memory_space<vmem>>, vector<1x16xf32>,
    %swap3A_673 = arith.constant 14 : i32
    %swap3A_674 = arith.index_cast %swap3A_673 : i32 to index
    %swap3A_675 = arith.constant 0 : index
    %swap3A_676 = tpu.vector_load %arg8[%swap3A_674, %swap3A_675] {strides = array<i32>} : memref<128x128xf32, #tpu.memory_space<vmem>>, vector<1x16xf32>,
    %swap3A_677 = vector.shape_cast %swap3A_676 : vector<1x16xf32> to vector<16xf32>
    %swap3A_678 = vector.shape_cast %broadcast_in_dim3A_1 : vector<16xf32> to vector<1x16xf32>
    tpu.vector_store %arg8[%swap3A_674, %swap3A_675], %swap3A_678 {strides = array<i32>} : memref<128x128xf32, #tpu.memory_space<vmem>>, vector<1x16xf32>,
    %swap3A_679 = arith.constant 14 : i32
    %swap3A_680 = arith.index_cast %swap3A_679 : i32 to index
    %swap3A_681 = arith.constant 16 : index
    %swap3A_682 = tpu.vector_load %arg8[%swap3A_680, %swap3A_681] {strides = array<i32>} : memref<128x128xf32, #tpu.memory_space<vmem>>, vector<1x16xf32>,
    %swap3A_683 = vector.shape_cast %swap3A_682 : vector<1x16xf32> to vector<16xf32>
    %swap3A_684 = vector.shape_cast %broadcast_in_dim3A_1 : vector<16xf32> to vector<1x16xf32>
    tpu.vector_store %arg8[%swap3A_680, %swap3A_681], %swap3A_684 {strides = array<i32>} : memref<128x128xf32, #tpu.memory_space<vmem>>, vector<1x16xf32>,
    %swap3A_685 = arith.constant 14 : i32
    %swap3A_686 = arith.index_cast %swap3A_685 : i32 to index
    %swap3A_687 = arith.constant 32 : index
    %swap3A_688 = tpu.vector_load %arg8[%swap3A_686, %swap3A_687] {strides = array<i32>} : memref<128x128xf32, #tpu.memory_space<vmem>>, vector<1x16xf32>,
    %swap3A_689 = vector.shape_cast %swap3A_688 : vector<1x16xf32> to vector<16xf32>
    %swap3A_690 = vector.shape_cast %broadcast_in_dim3A_1 : vector<16xf32> to vector<1x16xf32>
    tpu.vector_store %arg8[%swap3A_686, %swap3A_687], %swap3A_690 {strides = array<i32>} : memref<128x128xf32, #tpu.memory_space<vmem>>, vector<1x16xf32>,
    %swap3A_691 = arith.constant 14 : i32
    %swap3A_692 = arith.index_cast %swap3A_691 : i32 to index
    %swap3A_693 = arith.constant 48 : index
    %swap3A_694 = tpu.vector_load %arg8[%swap3A_692, %swap3A_693] {strides = array<i32>} : memref<128x128xf32, #tpu.memory_space<vmem>>, vector<1x16xf32>,
    %swap3A_695 = vector.shape_cast %swap3A_694 : vector<1x16xf32> to vector<16xf32>
    %swap3A_696 = vector.shape_cast %broadcast_in_dim3A_1 : vector<16xf32> to vector<1x16xf32>
    tpu.vector_store %arg8[%swap3A_692, %swap3A_693], %swap3A_696 {strides = array<i32>} : memref<128x128xf32, #tpu.memory_space<vmem>>, vector<1x16xf32>,
    %swap3A_697 = arith.constant 14 : i32
    %swap3A_698 = arith.index_cast %swap3A_697 : i32 to index
    %swap3A_699 = arith.constant 64 : index
    %swap3A_700 = tpu.vector_load %arg8[%swap3A_698, %swap3A_699] {strides = array<i32>} : memref<128x128xf32, #tpu.memory_space<vmem>>, vector<1x16xf32>,
    %swap3A_701 = vector.shape_cast %swap3A_700 : vector<1x16xf32> to vector<16xf32>
    %swap3A_702 = vector.shape_cast %broadcast_in_dim3A_1 : vector<16xf32> to vector<1x16xf32>
    tpu.vector_store %arg8[%swap3A_698, %swap3A_699], %swap3A_702 {strides = array<i32>} : memref<128x128xf32, #tpu.memory_space<vmem>>, vector<1x16xf32>,
    %swap3A_703 = arith.constant 14 : i32
    %swap3A_704 = arith.index_cast %swap3A_703 : i32 to index
    %swap3A_705 = arith.constant 80 : index
    %swap3A_706 = tpu.vector_load %arg8[%swap3A_704, %swap3A_705] {strides = array<i32>} : memref<128x128xf32, #tpu.memory_space<vmem>>, vector<1x16xf32>,
    %swap3A_707 = vector.shape_cast %swap3A_706 : vector<1x16xf32> to vector<16xf32>
    %swap3A_708 = vector.shape_cast %broadcast_in_dim3A_1 : vector<16xf32> to vector<1x16xf32>
    tpu.vector_store %arg8[%swap3A_704, %swap3A_705], %swap3A_708 {strides = array<i32>} : memref<128x128xf32, #tpu.memory_space<vmem>>, vector<1x16xf32>,
    %swap3A_709 = arith.constant 14 : i32
    %swap3A_710 = arith.index_cast %swap3A_709 : i32 to index
    %swap3A_711 = arith.constant 96 : index
    %swap3A_712 = tpu.vector_load %arg8[%swap3A_710, %swap3A_711] {strides = array<i32>} : memref<128x128xf32, #tpu.memory_space<vmem>>, vector<1x16xf32>,
    %swap3A_713 = vector.shape_cast %swap3A_712 : vector<1x16xf32> to vector<16xf32>
    %swap3A_714 = vector.shape_cast %broadcast_in_dim3A_1 : vector<16xf32> to vector<1x16xf32>
    tpu.vector_store %arg8[%swap3A_710, %swap3A_711], %swap3A_714 {strides = array<i32>} : memref<128x128xf32, #tpu.memory_space<vmem>>, vector<1x16xf32>,
    %swap3A_715 = arith.constant 14 : i32
    %swap3A_716 = arith.index_cast %swap3A_715 : i32 to index
    %swap3A_717 = arith.constant 112 : index
    %swap3A_718 = tpu.vector_load %arg8[%swap3A_716, %swap3A_717] {strides = array<i32>} : memref<128x128xf32, #tpu.memory_space<vmem>>, vector<1x16xf32>,
    %swap3A_719 = vector.shape_cast %swap3A_718 : vector<1x16xf32> to vector<16xf32>
    %swap3A_720 = vector.shape_cast %broadcast_in_dim3A_1 : vector<16xf32> to vector<1x16xf32>
    tpu.vector_store %arg8[%swap3A_716, %swap3A_717], %swap3A_720 {strides = array<i32>} : memref<128x128xf32, #tpu.memory_space<vmem>>, vector<1x16xf32>,
    %swap3A_721 = arith.constant 15 : i32
    %swap3A_722 = arith.index_cast %swap3A_721 : i32 to index
    %swap3A_723 = arith.constant 0 : index
    %swap3A_724 = tpu.vector_load %arg8[%swap3A_722, %swap3A_723] {strides = array<i32>} : memref<128x128xf32, #tpu.memory_space<vmem>>, vector<1x16xf32>,
    %swap3A_725 = vector.shape_cast %swap3A_724 : vector<1x16xf32> to vector<16xf32>
    %swap3A_726 = vector.shape_cast %broadcast_in_dim3A_1 : vector<16xf32> to vector<1x16xf32>
    tpu.vector_store %arg8[%swap3A_722, %swap3A_723], %swap3A_726 {strides = array<i32>} : memref<128x128xf32, #tpu.memory_space<vmem>>, vector<1x16xf32>,
    %swap3A_727 = arith.constant 15 : i32
    %swap3A_728 = arith.index_cast %swap3A_727 : i32 to index
    %swap3A_729 = arith.constant 16 : index
    %swap3A_730 = tpu.vector_load %arg8[%swap3A_728, %swap3A_729] {strides = array<i32>} : memref<128x128xf32, #tpu.memory_space<vmem>>, vector<1x16xf32>,
    %swap3A_731 = vector.shape_cast %swap3A_730 : vector<1x16xf32> to vector<16xf32>
    %swap3A_732 = vector.shape_cast %broadcast_in_dim3A_1 : vector<16xf32> to vector<1x16xf32>
    tpu.vector_store %arg8[%swap3A_728, %swap3A_729], %swap3A_732 {strides = array<i32>} : memref<128x128xf32, #tpu.memory_space<vmem>>, vector<1x16xf32>,
    %swap3A_733 = arith.constant 15 : i32
    %swap3A_734 = arith.index_cast %swap3A_733 : i32 to index
    %swap3A_735 = arith.constant 32 : index
    %swap3A_736 = tpu.vector_load %arg8[%swap3A_734, %swap3A_735] {strides = array<i32>} : memref<128x128xf32, #tpu.memory_space<vmem>>, vector<1x16xf32>,
    %swap3A_737 = vector.shape_cast %swap3A_736 : vector<1x16xf32> to vector<16xf32>
    %swap3A_738 = vector.shape_cast %broadcast_in_dim3A_1 : vector<16xf32> to vector<1x16xf32>
    tpu.vector_store %arg8[%swap3A_734, %swap3A_735], %swap3A_738 {strides = array<i32>} : memref<128x128xf32, #tpu.memory_space<vmem>>, vector<1x16xf32>,
    %swap3A_739 = arith.constant 15 : i32
    %swap3A_740 = arith.index_cast %swap3A_739 : i32 to index
    %swap3A_741 = arith.constant 48 : index
    %swap3A_742 = tpu.vector_load %arg8[%swap3A_740, %swap3A_741] {strides = array<i32>} : memref<128x128xf32, #tpu.memory_space<vmem>>, vector<1x16xf32>,
    %swap3A_743 = vector.shape_cast %swap3A_742 : vector<1x16xf32> to vector<16xf32>
    %swap3A_744 = vector.shape_cast %broadcast_in_dim3A_1 : vector<16xf32> to vector<1x16xf32>
    tpu.vector_store %arg8[%swap3A_740, %swap3A_741], %swap3A_744 {strides = array<i32>} : memref<128x128xf32, #tpu.memory_space<vmem>>, vector<1x16xf32>,
    %swap3A_745 = arith.constant 15 : i32
    %swap3A_746 = arith.index_cast %swap3A_745 : i32 to index
    %swap3A_747 = arith.constant 64 : index
    %swap3A_748 = tpu.vector_load %arg8[%swap3A_746, %swap3A_747] {strides = array<i32>} : memref<128x128xf32, #tpu.memory_space<vmem>>, vector<1x16xf32>,
    %swap3A_749 = vector.shape_cast %swap3A_748 : vector<1x16xf32> to vector<16xf32>
    %swap3A_750 = vector.shape_cast %broadcast_in_dim3A_1 : vector<16xf32> to vector<1x16xf32>
    tpu.vector_store %arg8[%swap3A_746, %swap3A_747], %swap3A_750 {strides = array<i32>} : memref<128x128xf32, #tpu.memory_space<vmem>>, vector<1x16xf32>,
    %swap3A_751 = arith.constant 15 : i32
    %swap3A_752 = arith.index_cast %swap3A_751 : i32 to index
    %swap3A_753 = arith.constant 80 : index
    %swap3A_754 = tpu.vector_load %arg8[%swap3A_752, %swap3A_753] {strides = array<i32>} : memref<128x128xf32, #tpu.memory_space<vmem>>, vector<1x16xf32>,
    %swap3A_755 = vector.shape_cast %swap3A_754 : vector<1x16xf32> to vector<16xf32>
    %swap3A_756 = vector.shape_cast %broadcast_in_dim3A_1 : vector<16xf32> to vector<1x16xf32>
    tpu.vector_store %arg8[%swap3A_752, %swap3A_753], %swap3A_756 {strides = array<i32>} : memref<128x128xf32, #tpu.memory_space<vmem>>, vector<1x16xf32>,
    %swap3A_757 = arith.constant 15 : i32
    %swap3A_758 = arith.index_cast %swap3A_757 : i32 to index
    %swap3A_759 = arith.constant 96 : index
    %swap3A_760 = tpu.vector_load %arg8[%swap3A_758, %swap3A_759] {strides = array<i32>} : memref<128x128xf32, #tpu.memory_space<vmem>>, vector<1x16xf32>,
    %swap3A_761 = vector.shape_cast %swap3A_760 : vector<1x16xf32> to vector<16xf32>
    %swap3A_762 = vector.shape_cast %broadcast_in_dim3A_1 : vector<16xf32> to vector<1x16xf32>
    tpu.vector_store %arg8[%swap3A_758, %swap3A_759], %swap3A_762 {strides = array<i32>} : memref<128x128xf32, #tpu.memory_space<vmem>>, vector<1x16xf32>,
    %swap3A_763 = arith.constant 15 : i32
    %swap3A_764 = arith.index_cast %swap3A_763 : i32 to index
    %swap3A_765 = arith.constant 112 : index
    %swap3A_766 = tpu.vector_load %arg8[%swap3A_764, %swap3A_765] {strides = array<i32>} : memref<128x128xf32, #tpu.memory_space<vmem>>, vector<1x16xf32>,
    %swap3A_767 = vector.shape_cast %swap3A_766 : vector<1x16xf32> to vector<16xf32>
    %swap3A_768 = vector.shape_cast %broadcast_in_dim3A_1 : vector<16xf32> to vector<1x16xf32>
    tpu.vector_store %arg8[%swap3A_764, %swap3A_765], %swap3A_768 {strides = array<i32>} : memref<128x128xf32, #tpu.memory_space<vmem>>, vector<1x16xf32>,
    %scan3A = arith.constant 0 : i32
    %scan3A_769 = arith.constant 40 : i32
    %scan3A_770 = arith.addi %scan3A, %scan3A_769 : i32
    %scan3A_771 = arith.constant 1 : i32
    scf.for %scan3A_784 = %scan3A to %scan3A_770 step %scan3A_771  : i32 {
      %mul3A_785 = arith.constant 1 : i32
      %mul3A_786 = arith.muli %scan3A_784, %mul3A_785 : i32
      %add3A_787 = arith.constant 0 : i32
      %add3A_788 = arith.addi %add3A_787, %mul3A_786 : i32
      %mul3A_789 = arith.constant 640 : i32
      %mul3A_790 = arith.muli %arg1, %mul3A_789 : i32
      %mul3A_791 = arith.constant 16 : i32
      %mul3A_792 = arith.muli %add3A_788, %mul3A_791 : i32
      %add3A_793 = arith.addi %mul3A_790, %mul3A_792 : i32
      "tpu.region"() ({
        %run_scoped3A = tpu.sem_alloc : memref<!tpu.dma_semaphore, #tpu.memory_space<semaphore_mem>>
        %dma_start3A = arith.constant 0 : i32
        %dma_start3A_794 = arith.constant 0 : i32
        %dma_start3A_795 = tpu.memref_slice %arg8[%dma_start3A, %dma_start3A_794] : memref<128x128xf32, #tpu.memory_space<vmem>> -> memref<16x128xf32, #tpu.memory_space<vmem>>
        %dma_start3A_796 = arith.constant 0 : i32
        %dma_start3A_797 = tpu.memref_slice %arg10[%add3A_793, %dma_start3A_796] : memref<10240x128xf32, #tpu.memory_space<vmem_shared>> -> memref<16x128xf32, #tpu.memory_space<vmem_shared>>
        %dma_start3A_798 = arith.constant 0 : i32
        %dma_start3A_799 = tpu.memref_slice %arg10[%add3A_793, %dma_start3A_798] : memref<10240x128xf32, #tpu.memory_space<vmem_shared>> -> memref<16x128xf32, #tpu.memory_space<vmem_shared>>
        %dma_start3A_800 = arith.constant 0 : i32
        %dma_start3A_801 = arith.constant 0 : i32
        %dma_start3A_802 = tpu.memref_slice %arg8[%dma_start3A_800, %dma_start3A_801] : memref<128x128xf32, #tpu.memory_space<vmem>> -> memref<16x128xf32, #tpu.memory_space<vmem>>
        tpu.enqueue_dma source(%dma_start3A_802 : memref<16x128xf32, #tpu.memory_space<vmem>>) target(%dma_start3A_799 : memref<16x128xf32, #tpu.memory_space<vmem_shared>>) target_semaphore(%run_scoped3A : memref<!tpu.dma_semaphore, #tpu.memory_space<semaphore_mem>>)
        %dma_wait3A = arith.constant 0 : i32
        %dma_wait3A_803 = arith.constant 0 : i32
        %dma_wait3A_804 = tpu.memref_slice %arg8[%dma_wait3A, %dma_wait3A_803] : memref<128x128xf32, #tpu.memory_space<vmem>> -> memref<16x128xf32, #tpu.memory_space<vmem>>
        %dma_wait3A_805 = arith.constant 0 : i32
        %dma_wait3A_806 = tpu.memref_slice %arg10[%add3A_793, %dma_wait3A_805] : memref<10240x128xf32, #tpu.memory_space<vmem_shared>> -> memref<16x128xf32, #tpu.memory_space<vmem_shared>>
        %dma_wait3A_807 = arith.constant 0 : i32
        %dma_wait3A_808 = tpu.memref_slice %arg10[%add3A_793, %dma_wait3A_807] : memref<10240x128xf32, #tpu.memory_space<vmem_shared>> -> memref<16x128xf32, #tpu.memory_space<vmem_shared>>
        %dma_wait3A_809 = arith.constant 0 : i32
        %dma_wait3A_810 = arith.constant 0 : i32
        %dma_wait3A_811 = tpu.memref_slice %arg8[%dma_wait3A_809, %dma_wait3A_810] : memref<128x128xf32, #tpu.memory_space<vmem>> -> memref<16x128xf32, #tpu.memory_space<vmem>>
        tpu.wait_dma2 semaphore(%run_scoped3A : memref<!tpu.dma_semaphore, #tpu.memory_space<semaphore_mem>>) src(%dma_wait3A_811 : memref<16x128xf32, #tpu.memory_space<vmem>>) dst(%dma_wait3A_808 : memref<16x128xf32, #tpu.memory_space<vmem_shared>>)
        tpu.yield
      }) : () -> ()
    }
    %scan3A_772 = arith.constant 40 : i32
    %barrier3A = arith.constant 0 : index
    tpu.barrier barrier_id(%barrier3A)
    %scan3A_773 = arith.constant 0 : i32
    %scan3A_774 = arith.constant 10 : i32
    %scan3A_775 = arith.addi %scan3A_773, %scan3A_774 : i32
    %scan3A_776 = arith.constant 1 : i32
    scf.for %scan3A_784 = %scan3A_773 to %scan3A_775 step %scan3A_776  : i32 {
      %mul3A_785 = arith.constant 1 : i32
      %mul3A_786 = arith.muli %scan3A_784, %mul3A_785 : i32
      %add3A_787 = arith.constant 0 : i32
      %add3A_788 = arith.addi %add3A_787, %mul3A_786 : i32
      %mul3A_789 = arith.constant 8 : i32
      %mul3A_790 = arith.muli %add3A_788, %mul3A_789 : i32
      "tpu.region"() ({
        %run_scoped3A_910 = tpu.sem_alloc : memref<!tpu.dma_semaphore, #tpu.memory_space<semaphore_mem>>
        %dma_start3A_911 = arith.constant 0 : i32
        %dma_start3A_912 = tpu.memref_slice %arg3[%add3A, %mul3A_790, %dma_start3A_911] : memref<32x80x128xi32, #tpu.memory_space<hbm>> -> memref<1x8x128xi32, #tpu.memory_space<hbm>>
        %dma_start3A_913 = tpu.memref_squeeze %dma_start3A_912 : memref<1x8x128xi32, #tpu.memory_space<hbm>> -> memref<8x128xi32, #tpu.memory_space<hbm>>
        %dma_start3A_914 = arith.constant 0 : i32
        %dma_start3A_915 = tpu.memref_slice %arg3[%add3A, %mul3A_790, %dma_start3A_914] : memref<32x80x128xi32, #tpu.memory_space<hbm>> -> memref<1x8x128xi32, #tpu.memory_space<hbm>>
        %dma_start3A_916 = tpu.memref_squeeze %dma_start3A_915 : memref<1x8x128xi32, #tpu.memory_space<hbm>> -> memref<8x128xi32, #tpu.memory_space<hbm>>
        tpu.enqueue_dma source(%dma_start3A_916 : memref<8x128xi32, #tpu.memory_space<hbm>>) target(%arg6 : memref<8x128xi32, #tpu.memory_space<vmem>>) target_semaphore(%run_scoped3A_910 : memref<!tpu.dma_semaphore, #tpu.memory_space<semaphore_mem>>)
        %dma_wait3A_917 = arith.constant 0 : i32
        %dma_wait3A_918 = tpu.memref_slice %arg3[%add3A, %mul3A_790, %dma_wait3A_917] : memref<32x80x128xi32, #tpu.memory_space<hbm>> -> memref<1x8x128xi32, #tpu.memory_space<hbm>>
        %dma_wait3A_919 = tpu.memref_squeeze %dma_wait3A_918 : memref<1x8x128xi32, #tpu.memory_space<hbm>> -> memref<8x128xi32, #tpu.memory_space<hbm>>
        %dma_wait3A_920 = arith.constant 0 : i32
        %dma_wait3A_921 = tpu.memref_slice %arg3[%add3A, %mul3A_790, %dma_wait3A_920] : memref<32x80x128xi32, #tpu.memory_space<hbm>> -> memref<1x8x128xi32, #tpu.memory_space<hbm>>
        %dma_wait3A_922 = tpu.memref_squeeze %dma_wait3A_921 : memref<1x8x128xi32, #tpu.memory_space<hbm>> -> memref<8x128xi32, #tpu.memory_space<hbm>>
        tpu.wait_dma2 semaphore(%run_scoped3A_910 : memref<!tpu.dma_semaphore, #tpu.memory_space<semaphore_mem>>) src(%dma_wait3A_922 : memref<8x128xi32, #tpu.memory_space<hbm>>) dst(%arg6 : memref<8x128xi32, #tpu.memory_space<vmem>>)
        tpu.yield
      }) : () -> ()
      %mul3A_791 = arith.constant 8 : i32
      %mul3A_792 = arith.muli %add3A_788, %mul3A_791 : i32
      "tpu.region"() ({
        %run_scoped3A_910 = tpu.sem_alloc : memref<!tpu.dma_semaphore, #tpu.memory_space<semaphore_mem>>
        %dma_start3A_911 = arith.constant 0 : i32
        %dma_start3A_912 = tpu.memref_slice %arg4[%add3A, %mul3A_792, %dma_start3A_911] : memref<32x80x128xi32, #tpu.memory_space<hbm>> -> memref<1x8x128xi32, #tpu.memory_space<hbm>>
        %dma_start3A_913 = tpu.memref_squeeze %dma_start3A_912 : memref<1x8x128xi32, #tpu.memory_space<hbm>> -> memref<8x128xi32, #tpu.memory_space<hbm>>
        %dma_start3A_914 = arith.constant 0 : i32
        %dma_start3A_915 = tpu.memref_slice %arg4[%add3A, %mul3A_792, %dma_start3A_914] : memref<32x80x128xi32, #tpu.memory_space<hbm>> -> memref<1x8x128xi32, #tpu.memory_space<hbm>>
        %dma_start3A_916 = tpu.memref_squeeze %dma_start3A_915 : memref<1x8x128xi32, #tpu.memory_space<hbm>> -> memref<8x128xi32, #tpu.memory_space<hbm>>
        tpu.enqueue_dma source(%dma_start3A_916 : memref<8x128xi32, #tpu.memory_space<hbm>>) target(%arg7 : memref<8x128xi32, #tpu.memory_space<vmem>>) target_semaphore(%run_scoped3A_910 : memref<!tpu.dma_semaphore, #tpu.memory_space<semaphore_mem>>)
        %dma_wait3A_917 = arith.constant 0 : i32
        %dma_wait3A_918 = tpu.memref_slice %arg4[%add3A, %mul3A_792, %dma_wait3A_917] : memref<32x80x128xi32, #tpu.memory_space<hbm>> -> memref<1x8x128xi32, #tpu.memory_space<hbm>>
        %dma_wait3A_919 = tpu.memref_squeeze %dma_wait3A_918 : memref<1x8x128xi32, #tpu.memory_space<hbm>> -> memref<8x128xi32, #tpu.memory_space<hbm>>
        %dma_wait3A_920 = arith.constant 0 : i32
        %dma_wait3A_921 = tpu.memref_slice %arg4[%add3A, %mul3A_792, %dma_wait3A_920] : memref<32x80x128xi32, #tpu.memory_space<hbm>> -> memref<1x8x128xi32, #tpu.memory_space<hbm>>
        %dma_wait3A_922 = tpu.memref_squeeze %dma_wait3A_921 : memref<1x8x128xi32, #tpu.memory_space<hbm>> -> memref<8x128xi32, #tpu.memory_space<hbm>>
        tpu.wait_dma2 semaphore(%run_scoped3A_910 : memref<!tpu.dma_semaphore, #tpu.memory_space<semaphore_mem>>) src(%dma_wait3A_922 : memref<8x128xi32, #tpu.memory_space<hbm>>) dst(%arg7 : memref<8x128xi32, #tpu.memory_space<vmem>>)
        tpu.yield
      }) : () -> ()
      %dma_start3A = arith.constant 0 : i32
      %dma_start3A_793 = arith.constant 0 : i32
      %dma_start3A_794 = tpu.memref_slice %arg6[%dma_start3A, %dma_start3A_793] : memref<8x128xi32, #tpu.memory_space<vmem>> -> memref<1x128xi32, #tpu.memory_space<vmem>>
      %dma_start3A_795 = tpu.memref_squeeze %dma_start3A_794 : memref<1x128xi32, #tpu.memory_space<vmem>> -> memref<128xi32, #tpu.memory_space<vmem>>
      %dma_start3A_796 = arith.constant 0 : i32
      %dma_start3A_797 = arith.constant 0 : i32
      %dma_start3A_798 = tpu.memref_slice %arg2[%dma_start3A_796, %dma_start3A_797] : memref<10016x128xf32, #tpu.memory_space<hbm>> -> memref<10016x128xf32, #tpu.memory_space<hbm>>
      tpu.enqueue_indirect_dma source(%dma_start3A_798 : memref<10016x128xf32, #tpu.memory_space<hbm>>) target(%arg8 : memref<128x128xf32, #tpu.memory_space<vmem>>) offsets(%dma_start3A_795 : memref<128xi32, #tpu.memory_space<vmem>>) semaphore(%arg11 : memref<!tpu.dma_semaphore, #tpu.memory_space<semaphore_mem>>)
      %dma_wait3A = arith.constant 0 : i32
      %dma_wait3A_799 = arith.constant 0 : i32
      %dma_wait3A_800 = tpu.memref_slice %arg6[%dma_wait3A, %dma_wait3A_799] : memref<8x128xi32, #tpu.memory_space<vmem>> -> memref<1x128xi32, #tpu.memory_space<vmem>>
      %dma_wait3A_801 = tpu.memref_squeeze %dma_wait3A_800 : memref<1x128xi32, #tpu.memory_space<vmem>> -> memref<128xi32, #tpu.memory_space<vmem>>
      %dma_wait3A_802 = arith.constant 0 : i32
      %dma_wait3A_803 = arith.constant 0 : i32
      %dma_wait3A_804 = tpu.memref_slice %arg2[%dma_wait3A_802, %dma_wait3A_803] : memref<10016x128xf32, #tpu.memory_space<hbm>> -> memref<10016x128xf32, #tpu.memory_space<hbm>>
      tpu.wait_indirect_dma semaphore(%arg11 : memref<!tpu.dma_semaphore, #tpu.memory_space<semaphore_mem>>) src(%dma_wait3A_804 : memref<10016x128xf32, #tpu.memory_space<hbm>>) dst(%arg8 : memref<128x128xf32, #tpu.memory_space<vmem>>)
      %dma_start3A_805 = arith.constant 1 : i32
      %dma_start3A_806 = arith.constant 0 : i32
      %dma_start3A_807 = tpu.memref_slice %arg6[%dma_start3A_805, %dma_start3A_806] : memref<8x128xi32, #tpu.memory_space<vmem>> -> memref<1x128xi32, #tpu.memory_space<vmem>>
      %dma_start3A_808 = tpu.memref_squeeze %dma_start3A_807 : memref<1x128xi32, #tpu.memory_space<vmem>> -> memref<128xi32, #tpu.memory_space<vmem>>
      %dma_start3A_809 = arith.constant 0 : i32
      %dma_start3A_810 = arith.constant 0 : i32
      %dma_start3A_811 = tpu.memref_slice %arg2[%dma_start3A_809, %dma_start3A_810] : memref<10016x128xf32, #tpu.memory_space<hbm>> -> memref<10016x128xf32, #tpu.memory_space<hbm>>
      tpu.enqueue_indirect_dma source(%dma_start3A_811 : memref<10016x128xf32, #tpu.memory_space<hbm>>) target(%arg9 : memref<128x128xf32, #tpu.memory_space<vmem>>) offsets(%dma_start3A_808 : memref<128xi32, #tpu.memory_space<vmem>>) semaphore(%arg11 : memref<!tpu.dma_semaphore, #tpu.memory_space<semaphore_mem>>)
      %run_scoped3A = arith.constant 0 : i32
      "tpu.region"() ({
        %run_scoped3A_910 = tpu.sem_alloc : memref<!tpu.dma_semaphore, #tpu.memory_space<semaphore_mem>>
        %dma_start3A_911 = arith.constant 0 : i32
        %dma_start3A_912 = tpu.memref_slice %arg7[%run_scoped3A, %dma_start3A_911] : memref<8x128xi32, #tpu.memory_space<vmem>> -> memref<1x128xi32, #tpu.memory_space<vmem>>
        %dma_start3A_913 = tpu.memref_squeeze %dma_start3A_912 : memref<1x128xi32, #tpu.memory_space<vmem>> -> memref<128xi32, #tpu.memory_space<vmem>>
        %dma_start3A_914 = arith.constant 0 : i32
        %dma_start3A_915 = arith.constant 0 : i32
        %dma_start3A_916 = tpu.memref_slice %arg10[%dma_start3A_914, %dma_start3A_915] : memref<10240x128xf32, #tpu.memory_space<vmem_shared>> -> memref<10240x128xf32, #tpu.memory_space<vmem_shared>>
        tpu.enqueue_indirect_dma source(%arg8 : memref<128x128xf32, #tpu.memory_space<vmem>>) target(%dma_start3A_916 : memref<10240x128xf32, #tpu.memory_space<vmem_shared>>) offsets(%dma_start3A_913 : memref<128xi32, #tpu.memory_space<vmem>>) semaphore(%run_scoped3A_910 : memref<!tpu.dma_semaphore, #tpu.memory_space<semaphore_mem>>) {add = true}
        %dma_wait3A_917 = arith.constant 0 : i32
        %dma_wait3A_918 = tpu.memref_slice %arg7[%run_scoped3A, %dma_wait3A_917] : memref<8x128xi32, #tpu.memory_space<vmem>> -> memref<1x128xi32, #tpu.memory_space<vmem>>
        %dma_wait3A_919 = tpu.memref_squeeze %dma_wait3A_918 : memref<1x128xi32, #tpu.memory_space<vmem>> -> memref<128xi32, #tpu.memory_space<vmem>>
        %dma_wait3A_920 = arith.constant 0 : i32
        %dma_wait3A_921 = arith.constant 0 : i32
        %dma_wait3A_922 = tpu.memref_slice %arg10[%dma_wait3A_920, %dma_wait3A_921] : memref<10240x128xf32, #tpu.memory_space<vmem_shared>> -> memref<10240x128xf32, #tpu.memory_space<vmem_shared>>
        tpu.wait_indirect_dma semaphore(%run_scoped3A_910 : memref<!tpu.dma_semaphore, #tpu.memory_space<semaphore_mem>>) src(%arg8 : memref<128x128xf32, #tpu.memory_space<vmem>>) dst(%dma_wait3A_922 : memref<10240x128xf32, #tpu.memory_space<vmem_shared>>)
        tpu.yield
      }) : () -> ()
      %dma_wait3A_812 = arith.constant 1 : i32
      %dma_wait3A_813 = arith.constant 0 : i32
      %dma_wait3A_814 = tpu.memref_slice %arg6[%dma_wait3A_812, %dma_wait3A_813] : memref<8x128xi32, #tpu.memory_space<vmem>> -> memref<1x128xi32, #tpu.memory_space<vmem>>
      %dma_wait3A_815 = tpu.memref_squeeze %dma_wait3A_814 : memref<1x128xi32, #tpu.memory_space<vmem>> -> memref<128xi32, #tpu.memory_space<vmem>>
      %dma_wait3A_816 = arith.constant 0 : i32
      %dma_wait3A_817 = arith.constant 0 : i32
      %dma_wait3A_818 = tpu.memref_slice %arg2[%dma_wait3A_816, %dma_wait3A_817] : memref<10016x128xf32, #tpu.memory_space<hbm>> -> memref<10016x128xf32, #tpu.memory_space<hbm>>
      tpu.wait_indirect_dma semaphore(%arg11 : memref<!tpu.dma_semaphore, #tpu.memory_space<semaphore_mem>>) src(%dma_wait3A_818 : memref<10016x128xf32, #tpu.memory_space<hbm>>) dst(%arg9 : memref<128x128xf32, #tpu.memory_space<vmem>>)
      %dma_start3A_819 = arith.constant 2 : i32
      %dma_start3A_820 = arith.constant 0 : i32
      %dma_start3A_821 = tpu.memref_slice %arg6[%dma_start3A_819, %dma_start3A_820] : memref<8x128xi32, #tpu.memory_space<vmem>> -> memref<1x128xi32, #tpu.memory_space<vmem>>
      %dma_start3A_822 = tpu.memref_squeeze %dma_start3A_821 : memref<1x128xi32, #tpu.memory_space<vmem>> -> memref<128xi32, #tpu.memory_space<vmem>>
      %dma_start3A_823 = arith.constant 0 : i32
      %dma_start3A_824 = arith.constant 0 : i32
      %dma_start3A_825 = tpu.memref_slice %arg2[%dma_start3A_823, %dma_start3A_824] : memref<10016x128xf32, #tpu.memory_space<hbm>> -> memref<10016x128xf32, #tpu.memory_space<hbm>>
      tpu.enqueue_indirect_dma source(%dma_start3A_825 : memref<10016x128xf32, #tpu.memory_space<hbm>>) target(%arg8 : memref<128x128xf32, #tpu.memory_space<vmem>>) offsets(%dma_start3A_822 : memref<128xi32, #tpu.memory_space<vmem>>) semaphore(%arg11 : memref<!tpu.dma_semaphore, #tpu.memory_space<semaphore_mem>>)
      %run_scoped3A_826 = arith.constant 1 : i32
      "tpu.region"() ({
        %run_scoped3A_910 = tpu.sem_alloc : memref<!tpu.dma_semaphore, #tpu.memory_space<semaphore_mem>>
        %dma_start3A_911 = arith.constant 0 : i32
        %dma_start3A_912 = tpu.memref_slice %arg7[%run_scoped3A_826, %dma_start3A_911] : memref<8x128xi32, #tpu.memory_space<vmem>> -> memref<1x128xi32, #tpu.memory_space<vmem>>
        %dma_start3A_913 = tpu.memref_squeeze %dma_start3A_912 : memref<1x128xi32, #tpu.memory_space<vmem>> -> memref<128xi32, #tpu.memory_space<vmem>>
        %dma_start3A_914 = arith.constant 0 : i32
        %dma_start3A_915 = arith.constant 0 : i32
        %dma_start3A_916 = tpu.memref_slice %arg10[%dma_start3A_914, %dma_start3A_915] : memref<10240x128xf32, #tpu.memory_space<vmem_shared>> -> memref<10240x128xf32, #tpu.memory_space<vmem_shared>>
        tpu.enqueue_indirect_dma source(%arg9 : memref<128x128xf32, #tpu.memory_space<vmem>>) target(%dma_start3A_916 : memref<10240x128xf32, #tpu.memory_space<vmem_shared>>) offsets(%dma_start3A_913 : memref<128xi32, #tpu.memory_space<vmem>>) semaphore(%run_scoped3A_910 : memref<!tpu.dma_semaphore, #tpu.memory_space<semaphore_mem>>) {add = true}
        %dma_wait3A_917 = arith.constant 0 : i32
        %dma_wait3A_918 = tpu.memref_slice %arg7[%run_scoped3A_826, %dma_wait3A_917] : memref<8x128xi32, #tpu.memory_space<vmem>> -> memref<1x128xi32, #tpu.memory_space<vmem>>
        %dma_wait3A_919 = tpu.memref_squeeze %dma_wait3A_918 : memref<1x128xi32, #tpu.memory_space<vmem>> -> memref<128xi32, #tpu.memory_space<vmem>>
        %dma_wait3A_920 = arith.constant 0 : i32
        %dma_wait3A_921 = arith.constant 0 : i32
        %dma_wait3A_922 = tpu.memref_slice %arg10[%dma_wait3A_920, %dma_wait3A_921] : memref<10240x128xf32, #tpu.memory_space<vmem_shared>> -> memref<10240x128xf32, #tpu.memory_space<vmem_shared>>
        tpu.wait_indirect_dma semaphore(%run_scoped3A_910 : memref<!tpu.dma_semaphore, #tpu.memory_space<semaphore_mem>>) src(%arg9 : memref<128x128xf32, #tpu.memory_space<vmem>>) dst(%dma_wait3A_922 : memref<10240x128xf32, #tpu.memory_space<vmem_shared>>)
        tpu.yield
      }) : () -> ()
      %dma_wait3A_827 = arith.constant 2 : i32
      %dma_wait3A_828 = arith.constant 0 : i32
      %dma_wait3A_829 = tpu.memref_slice %arg6[%dma_wait3A_827, %dma_wait3A_828] : memref<8x128xi32, #tpu.memory_space<vmem>> -> memref<1x128xi32, #tpu.memory_space<vmem>>
      %dma_wait3A_830 = tpu.memref_squeeze %dma_wait3A_829 : memref<1x128xi32, #tpu.memory_space<vmem>> -> memref<128xi32, #tpu.memory_space<vmem>>
      %dma_wait3A_831 = arith.constant 0 : i32
      %dma_wait3A_832 = arith.constant 0 : i32
      %dma_wait3A_833 = tpu.memref_slice %arg2[%dma_wait3A_831, %dma_wait3A_832] : memref<10016x128xf32, #tpu.memory_space<hbm>> -> memref<10016x128xf32, #tpu.memory_space<hbm>>
      tpu.wait_indirect_dma semaphore(%arg11 : memref<!tpu.dma_semaphore, #tpu.memory_space<semaphore_mem>>) src(%dma_wait3A_833 : memref<10016x128xf32, #tpu.memory_space<hbm>>) dst(%arg8 : memref<128x128xf32, #tpu.memory_space<vmem>>)
      %dma_start3A_834 = arith.constant 3 : i32
      %dma_start3A_835 = arith.constant 0 : i32
      %dma_start3A_836 = tpu.memref_slice %arg6[%dma_start3A_834, %dma_start3A_835] : memref<8x128xi32, #tpu.memory_space<vmem>> -> memref<1x128xi32, #tpu.memory_space<vmem>>
      %dma_start3A_837 = tpu.memref_squeeze %dma_start3A_836 : memref<1x128xi32, #tpu.memory_space<vmem>> -> memref<128xi32, #tpu.memory_space<vmem>>
      %dma_start3A_838 = arith.constant 0 : i32
      %dma_start3A_839 = arith.constant 0 : i32
      %dma_start3A_840 = tpu.memref_slice %arg2[%dma_start3A_838, %dma_start3A_839] : memref<10016x128xf32, #tpu.memory_space<hbm>> -> memref<10016x128xf32, #tpu.memory_space<hbm>>
      tpu.enqueue_indirect_dma source(%dma_start3A_840 : memref<10016x128xf32, #tpu.memory_space<hbm>>) target(%arg9 : memref<128x128xf32, #tpu.memory_space<vmem>>) offsets(%dma_start3A_837 : memref<128xi32, #tpu.memory_space<vmem>>) semaphore(%arg11 : memref<!tpu.dma_semaphore, #tpu.memory_space<semaphore_mem>>)
      %run_scoped3A_841 = arith.constant 2 : i32
      "tpu.region"() ({
        %run_scoped3A_910 = tpu.sem_alloc : memref<!tpu.dma_semaphore, #tpu.memory_space<semaphore_mem>>
        %dma_start3A_911 = arith.constant 0 : i32
        %dma_start3A_912 = tpu.memref_slice %arg7[%run_scoped3A_841, %dma_start3A_911] : memref<8x128xi32, #tpu.memory_space<vmem>> -> memref<1x128xi32, #tpu.memory_space<vmem>>
        %dma_start3A_913 = tpu.memref_squeeze %dma_start3A_912 : memref<1x128xi32, #tpu.memory_space<vmem>> -> memref<128xi32, #tpu.memory_space<vmem>>
        %dma_start3A_914 = arith.constant 0 : i32
        %dma_start3A_915 = arith.constant 0 : i32
        %dma_start3A_916 = tpu.memref_slice %arg10[%dma_start3A_914, %dma_start3A_915] : memref<10240x128xf32, #tpu.memory_space<vmem_shared>> -> memref<10240x128xf32, #tpu.memory_space<vmem_shared>>
        tpu.enqueue_indirect_dma source(%arg8 : memref<128x128xf32, #tpu.memory_space<vmem>>) target(%dma_start3A_916 : memref<10240x128xf32, #tpu.memory_space<vmem_shared>>) offsets(%dma_start3A_913 : memref<128xi32, #tpu.memory_space<vmem>>) semaphore(%run_scoped3A_910 : memref<!tpu.dma_semaphore, #tpu.memory_space<semaphore_mem>>) {add = true}
        %dma_wait3A_917 = arith.constant 0 : i32
        %dma_wait3A_918 = tpu.memref_slice %arg7[%run_scoped3A_841, %dma_wait3A_917] : memref<8x128xi32, #tpu.memory_space<vmem>> -> memref<1x128xi32, #tpu.memory_space<vmem>>
        %dma_wait3A_919 = tpu.memref_squeeze %dma_wait3A_918 : memref<1x128xi32, #tpu.memory_space<vmem>> -> memref<128xi32, #tpu.memory_space<vmem>>
        %dma_wait3A_920 = arith.constant 0 : i32
        %dma_wait3A_921 = arith.constant 0 : i32
        %dma_wait3A_922 = tpu.memref_slice %arg10[%dma_wait3A_920, %dma_wait3A_921] : memref<10240x128xf32, #tpu.memory_space<vmem_shared>> -> memref<10240x128xf32, #tpu.memory_space<vmem_shared>>
        tpu.wait_indirect_dma semaphore(%run_scoped3A_910 : memref<!tpu.dma_semaphore, #tpu.memory_space<semaphore_mem>>) src(%arg8 : memref<128x128xf32, #tpu.memory_space<vmem>>) dst(%dma_wait3A_922 : memref<10240x128xf32, #tpu.memory_space<vmem_shared>>)
        tpu.yield
      }) : () -> ()
      %dma_wait3A_842 = arith.constant 3 : i32
      %dma_wait3A_843 = arith.constant 0 : i32
      %dma_wait3A_844 = tpu.memref_slice %arg6[%dma_wait3A_842, %dma_wait3A_843] : memref<8x128xi32, #tpu.memory_space<vmem>> -> memref<1x128xi32, #tpu.memory_space<vmem>>
      %dma_wait3A_845 = tpu.memref_squeeze %dma_wait3A_844 : memref<1x128xi32, #tpu.memory_space<vmem>> -> memref<128xi32, #tpu.memory_space<vmem>>
      %dma_wait3A_846 = arith.constant 0 : i32
      %dma_wait3A_847 = arith.constant 0 : i32
      %dma_wait3A_848 = tpu.memref_slice %arg2[%dma_wait3A_846, %dma_wait3A_847] : memref<10016x128xf32, #tpu.memory_space<hbm>> -> memref<10016x128xf32, #tpu.memory_space<hbm>>
      tpu.wait_indirect_dma semaphore(%arg11 : memref<!tpu.dma_semaphore, #tpu.memory_space<semaphore_mem>>) src(%dma_wait3A_848 : memref<10016x128xf32, #tpu.memory_space<hbm>>) dst(%arg9 : memref<128x128xf32, #tpu.memory_space<vmem>>)
      %dma_start3A_849 = arith.constant 4 : i32
      %dma_start3A_850 = arith.constant 0 : i32
      %dma_start3A_851 = tpu.memref_slice %arg6[%dma_start3A_849, %dma_start3A_850] : memref<8x128xi32, #tpu.memory_space<vmem>> -> memref<1x128xi32, #tpu.memory_space<vmem>>
      %dma_start3A_852 = tpu.memref_squeeze %dma_start3A_851 : memref<1x128xi32, #tpu.memory_space<vmem>> -> memref<128xi32, #tpu.memory_space<vmem>>
      %dma_start3A_853 = arith.constant 0 : i32
      %dma_start3A_854 = arith.constant 0 : i32
      %dma_start3A_855 = tpu.memref_slice %arg2[%dma_start3A_853, %dma_start3A_854] : memref<10016x128xf32, #tpu.memory_space<hbm>> -> memref<10016x128xf32, #tpu.memory_space<hbm>>
      tpu.enqueue_indirect_dma source(%dma_start3A_855 : memref<10016x128xf32, #tpu.memory_space<hbm>>) target(%arg8 : memref<128x128xf32, #tpu.memory_space<vmem>>) offsets(%dma_start3A_852 : memref<128xi32, #tpu.memory_space<vmem>>) semaphore(%arg11 : memref<!tpu.dma_semaphore, #tpu.memory_space<semaphore_mem>>)
      %run_scoped3A_856 = arith.constant 3 : i32
      "tpu.region"() ({
        %run_scoped3A_910 = tpu.sem_alloc : memref<!tpu.dma_semaphore, #tpu.memory_space<semaphore_mem>>
        %dma_start3A_911 = arith.constant 0 : i32
        %dma_start3A_912 = tpu.memref_slice %arg7[%run_scoped3A_856, %dma_start3A_911] : memref<8x128xi32, #tpu.memory_space<vmem>> -> memref<1x128xi32, #tpu.memory_space<vmem>>
        %dma_start3A_913 = tpu.memref_squeeze %dma_start3A_912 : memref<1x128xi32, #tpu.memory_space<vmem>> -> memref<128xi32, #tpu.memory_space<vmem>>
        %dma_start3A_914 = arith.constant 0 : i32
        %dma_start3A_915 = arith.constant 0 : i32
        %dma_start3A_916 = tpu.memref_slice %arg10[%dma_start3A_914, %dma_start3A_915] : memref<10240x128xf32, #tpu.memory_space<vmem_shared>> -> memref<10240x128xf32, #tpu.memory_space<vmem_shared>>
        tpu.enqueue_indirect_dma source(%arg9 : memref<128x128xf32, #tpu.memory_space<vmem>>) target(%dma_start3A_916 : memref<10240x128xf32, #tpu.memory_space<vmem_shared>>) offsets(%dma_start3A_913 : memref<128xi32, #tpu.memory_space<vmem>>) semaphore(%run_scoped3A_910 : memref<!tpu.dma_semaphore, #tpu.memory_space<semaphore_mem>>) {add = true}
        %dma_wait3A_917 = arith.constant 0 : i32
        %dma_wait3A_918 = tpu.memref_slice %arg7[%run_scoped3A_856, %dma_wait3A_917] : memref<8x128xi32, #tpu.memory_space<vmem>> -> memref<1x128xi32, #tpu.memory_space<vmem>>
        %dma_wait3A_919 = tpu.memref_squeeze %dma_wait3A_918 : memref<1x128xi32, #tpu.memory_space<vmem>> -> memref<128xi32, #tpu.memory_space<vmem>>
        %dma_wait3A_920 = arith.constant 0 : i32
        %dma_wait3A_921 = arith.constant 0 : i32
        %dma_wait3A_922 = tpu.memref_slice %arg10[%dma_wait3A_920, %dma_wait3A_921] : memref<10240x128xf32, #tpu.memory_space<vmem_shared>> -> memref<10240x128xf32, #tpu.memory_space<vmem_shared>>
        tpu.wait_indirect_dma semaphore(%run_scoped3A_910 : memref<!tpu.dma_semaphore, #tpu.memory_space<semaphore_mem>>) src(%arg9 : memref<128x128xf32, #tpu.memory_space<vmem>>) dst(%dma_wait3A_922 : memref<10240x128xf32, #tpu.memory_space<vmem_shared>>)
        tpu.yield
      }) : () -> ()
      %dma_wait3A_857 = arith.constant 4 : i32
      %dma_wait3A_858 = arith.constant 0 : i32
      %dma_wait3A_859 = tpu.memref_slice %arg6[%dma_wait3A_857, %dma_wait3A_858] : memref<8x128xi32, #tpu.memory_space<vmem>> -> memref<1x128xi32, #tpu.memory_space<vmem>>
      %dma_wait3A_860 = tpu.memref_squeeze %dma_wait3A_859 : memref<1x128xi32, #tpu.memory_space<vmem>> -> memref<128xi32, #tpu.memory_space<vmem>>
      %dma_wait3A_861 = arith.constant 0 : i32
      %dma_wait3A_862 = arith.constant 0 : i32
      %dma_wait3A_863 = tpu.memref_slice %arg2[%dma_wait3A_861, %dma_wait3A_862] : memref<10016x128xf32, #tpu.memory_space<hbm>> -> memref<10016x128xf32, #tpu.memory_space<hbm>>
      tpu.wait_indirect_dma semaphore(%arg11 : memref<!tpu.dma_semaphore, #tpu.memory_space<semaphore_mem>>) src(%dma_wait3A_863 : memref<10016x128xf32, #tpu.memory_space<hbm>>) dst(%arg8 : memref<128x128xf32, #tpu.memory_space<vmem>>)
      %dma_start3A_864 = arith.constant 5 : i32
      %dma_start3A_865 = arith.constant 0 : i32
      %dma_start3A_866 = tpu.memref_slice %arg6[%dma_start3A_864, %dma_start3A_865] : memref<8x128xi32, #tpu.memory_space<vmem>> -> memref<1x128xi32, #tpu.memory_space<vmem>>
      %dma_start3A_867 = tpu.memref_squeeze %dma_start3A_866 : memref<1x128xi32, #tpu.memory_space<vmem>> -> memref<128xi32, #tpu.memory_space<vmem>>
      %dma_start3A_868 = arith.constant 0 : i32
      %dma_start3A_869 = arith.constant 0 : i32
      %dma_start3A_870 = tpu.memref_slice %arg2[%dma_start3A_868, %dma_start3A_869] : memref<10016x128xf32, #tpu.memory_space<hbm>> -> memref<10016x128xf32, #tpu.memory_space<hbm>>
      tpu.enqueue_indirect_dma source(%dma_start3A_870 : memref<10016x128xf32, #tpu.memory_space<hbm>>) target(%arg9 : memref<128x128xf32, #tpu.memory_space<vmem>>) offsets(%dma_start3A_867 : memref<128xi32, #tpu.memory_space<vmem>>) semaphore(%arg11 : memref<!tpu.dma_semaphore, #tpu.memory_space<semaphore_mem>>)
      %run_scoped3A_871 = arith.constant 4 : i32
      "tpu.region"() ({
        %run_scoped3A_910 = tpu.sem_alloc : memref<!tpu.dma_semaphore, #tpu.memory_space<semaphore_mem>>
        %dma_start3A_911 = arith.constant 0 : i32
        %dma_start3A_912 = tpu.memref_slice %arg7[%run_scoped3A_871, %dma_start3A_911] : memref<8x128xi32, #tpu.memory_space<vmem>> -> memref<1x128xi32, #tpu.memory_space<vmem>>
        %dma_start3A_913 = tpu.memref_squeeze %dma_start3A_912 : memref<1x128xi32, #tpu.memory_space<vmem>> -> memref<128xi32, #tpu.memory_space<vmem>>
        %dma_start3A_914 = arith.constant 0 : i32
        %dma_start3A_915 = arith.constant 0 : i32
        %dma_start3A_916 = tpu.memref_slice %arg10[%dma_start3A_914, %dma_start3A_915] : memref<10240x128xf32, #tpu.memory_space<vmem_shared>> -> memref<10240x128xf32, #tpu.memory_space<vmem_shared>>
        tpu.enqueue_indirect_dma source(%arg8 : memref<128x128xf32, #tpu.memory_space<vmem>>) target(%dma_start3A_916 : memref<10240x128xf32, #tpu.memory_space<vmem_shared>>) offsets(%dma_start3A_913 : memref<128xi32, #tpu.memory_space<vmem>>) semaphore(%run_scoped3A_910 : memref<!tpu.dma_semaphore, #tpu.memory_space<semaphore_mem>>) {add = true}
        %dma_wait3A_917 = arith.constant 0 : i32
        %dma_wait3A_918 = tpu.memref_slice %arg7[%run_scoped3A_871, %dma_wait3A_917] : memref<8x128xi32, #tpu.memory_space<vmem>> -> memref<1x128xi32, #tpu.memory_space<vmem>>
        %dma_wait3A_919 = tpu.memref_squeeze %dma_wait3A_918 : memref<1x128xi32, #tpu.memory_space<vmem>> -> memref<128xi32, #tpu.memory_space<vmem>>
        %dma_wait3A_920 = arith.constant 0 : i32
        %dma_wait3A_921 = arith.constant 0 : i32
        %dma_wait3A_922 = tpu.memref_slice %arg10[%dma_wait3A_920, %dma_wait3A_921] : memref<10240x128xf32, #tpu.memory_space<vmem_shared>> -> memref<10240x128xf32, #tpu.memory_space<vmem_shared>>
        tpu.wait_indirect_dma semaphore(%run_scoped3A_910 : memref<!tpu.dma_semaphore, #tpu.memory_space<semaphore_mem>>) src(%arg8 : memref<128x128xf32, #tpu.memory_space<vmem>>) dst(%dma_wait3A_922 : memref<10240x128xf32, #tpu.memory_space<vmem_shared>>)
        tpu.yield
      }) : () -> ()
      %dma_wait3A_872 = arith.constant 5 : i32
      %dma_wait3A_873 = arith.constant 0 : i32
      %dma_wait3A_874 = tpu.memref_slice %arg6[%dma_wait3A_872, %dma_wait3A_873] : memref<8x128xi32, #tpu.memory_space<vmem>> -> memref<1x128xi32, #tpu.memory_space<vmem>>
      %dma_wait3A_875 = tpu.memref_squeeze %dma_wait3A_874 : memref<1x128xi32, #tpu.memory_space<vmem>> -> memref<128xi32, #tpu.memory_space<vmem>>
      %dma_wait3A_876 = arith.constant 0 : i32
      %dma_wait3A_877 = arith.constant 0 : i32
      %dma_wait3A_878 = tpu.memref_slice %arg2[%dma_wait3A_876, %dma_wait3A_877] : memref<10016x128xf32, #tpu.memory_space<hbm>> -> memref<10016x128xf32, #tpu.memory_space<hbm>>
      tpu.wait_indirect_dma semaphore(%arg11 : memref<!tpu.dma_semaphore, #tpu.memory_space<semaphore_mem>>) src(%dma_wait3A_878 : memref<10016x128xf32, #tpu.memory_space<hbm>>) dst(%arg9 : memref<128x128xf32, #tpu.memory_space<vmem>>)
      %dma_start3A_879 = arith.constant 6 : i32
      %dma_start3A_880 = arith.constant 0 : i32
      %dma_start3A_881 = tpu.memref_slice %arg6[%dma_start3A_879, %dma_start3A_880] : memref<8x128xi32, #tpu.memory_space<vmem>> -> memref<1x128xi32, #tpu.memory_space<vmem>>
      %dma_start3A_882 = tpu.memref_squeeze %dma_start3A_881 : memref<1x128xi32, #tpu.memory_space<vmem>> -> memref<128xi32, #tpu.memory_space<vmem>>
      %dma_start3A_883 = arith.constant 0 : i32
      %dma_start3A_884 = arith.constant 0 : i32
      %dma_start3A_885 = tpu.memref_slice %arg2[%dma_start3A_883, %dma_start3A_884] : memref<10016x128xf32, #tpu.memory_space<hbm>> -> memref<10016x128xf32, #tpu.memory_space<hbm>>
      tpu.enqueue_indirect_dma source(%dma_start3A_885 : memref<10016x128xf32, #tpu.memory_space<hbm>>) target(%arg8 : memref<128x128xf32, #tpu.memory_space<vmem>>) offsets(%dma_start3A_882 : memref<128xi32, #tpu.memory_space<vmem>>) semaphore(%arg11 : memref<!tpu.dma_semaphore, #tpu.memory_space<semaphore_mem>>)
      %run_scoped3A_886 = arith.constant 5 : i32
      "tpu.region"() ({
        %run_scoped3A_910 = tpu.sem_alloc : memref<!tpu.dma_semaphore, #tpu.memory_space<semaphore_mem>>
        %dma_start3A_911 = arith.constant 0 : i32
        %dma_start3A_912 = tpu.memref_slice %arg7[%run_scoped3A_886, %dma_start3A_911] : memref<8x128xi32, #tpu.memory_space<vmem>> -> memref<1x128xi32, #tpu.memory_space<vmem>>
        %dma_start3A_913 = tpu.memref_squeeze %dma_start3A_912 : memref<1x128xi32, #tpu.memory_space<vmem>> -> memref<128xi32, #tpu.memory_space<vmem>>
        %dma_start3A_914 = arith.constant 0 : i32
        %dma_start3A_915 = arith.constant 0 : i32
        %dma_start3A_916 = tpu.memref_slice %arg10[%dma_start3A_914, %dma_start3A_915] : memref<10240x128xf32, #tpu.memory_space<vmem_shared>> -> memref<10240x128xf32, #tpu.memory_space<vmem_shared>>
        tpu.enqueue_indirect_dma source(%arg9 : memref<128x128xf32, #tpu.memory_space<vmem>>) target(%dma_start3A_916 : memref<10240x128xf32, #tpu.memory_space<vmem_shared>>) offsets(%dma_start3A_913 : memref<128xi32, #tpu.memory_space<vmem>>) semaphore(%run_scoped3A_910 : memref<!tpu.dma_semaphore, #tpu.memory_space<semaphore_mem>>) {add = true}
        %dma_wait3A_917 = arith.constant 0 : i32
        %dma_wait3A_918 = tpu.memref_slice %arg7[%run_scoped3A_886, %dma_wait3A_917] : memref<8x128xi32, #tpu.memory_space<vmem>> -> memref<1x128xi32, #tpu.memory_space<vmem>>
        %dma_wait3A_919 = tpu.memref_squeeze %dma_wait3A_918 : memref<1x128xi32, #tpu.memory_space<vmem>> -> memref<128xi32, #tpu.memory_space<vmem>>
        %dma_wait3A_920 = arith.constant 0 : i32
        %dma_wait3A_921 = arith.constant 0 : i32
        %dma_wait3A_922 = tpu.memref_slice %arg10[%dma_wait3A_920, %dma_wait3A_921] : memref<10240x128xf32, #tpu.memory_space<vmem_shared>> -> memref<10240x128xf32, #tpu.memory_space<vmem_shared>>
        tpu.wait_indirect_dma semaphore(%run_scoped3A_910 : memref<!tpu.dma_semaphore, #tpu.memory_space<semaphore_mem>>) src(%arg9 : memref<128x128xf32, #tpu.memory_space<vmem>>) dst(%dma_wait3A_922 : memref<10240x128xf32, #tpu.memory_space<vmem_shared>>)
        tpu.yield
      }) : () -> ()
      %dma_wait3A_887 = arith.constant 6 : i32
      %dma_wait3A_888 = arith.constant 0 : i32
      %dma_wait3A_889 = tpu.memref_slice %arg6[%dma_wait3A_887, %dma_wait3A_888] : memref<8x128xi32, #tpu.memory_space<vmem>> -> memref<1x128xi32, #tpu.memory_space<vmem>>
      %dma_wait3A_890 = tpu.memref_squeeze %dma_wait3A_889 : memref<1x128xi32, #tpu.memory_space<vmem>> -> memref<128xi32, #tpu.memory_space<vmem>>
      %dma_wait3A_891 = arith.constant 0 : i32
      %dma_wait3A_892 = arith.constant 0 : i32
      %dma_wait3A_893 = tpu.memref_slice %arg2[%dma_wait3A_891, %dma_wait3A_892] : memref<10016x128xf32, #tpu.memory_space<hbm>> -> memref<10016x128xf32, #tpu.memory_space<hbm>>
      tpu.wait_indirect_dma semaphore(%arg11 : memref<!tpu.dma_semaphore, #tpu.memory_space<semaphore_mem>>) src(%dma_wait3A_893 : memref<10016x128xf32, #tpu.memory_space<hbm>>) dst(%arg8 : memref<128x128xf32, #tpu.memory_space<vmem>>)
      %dma_start3A_894 = arith.constant 7 : i32
      %dma_start3A_895 = arith.constant 0 : i32
      %dma_start3A_896 = tpu.memref_slice %arg6[%dma_start3A_894, %dma_start3A_895] : memref<8x128xi32, #tpu.memory_space<vmem>> -> memref<1x128xi32, #tpu.memory_space<vmem>>
      %dma_start3A_897 = tpu.memref_squeeze %dma_start3A_896 : memref<1x128xi32, #tpu.memory_space<vmem>> -> memref<128xi32, #tpu.memory_space<vmem>>
      %dma_start3A_898 = arith.constant 0 : i32
      %dma_start3A_899 = arith.constant 0 : i32
      %dma_start3A_900 = tpu.memref_slice %arg2[%dma_start3A_898, %dma_start3A_899] : memref<10016x128xf32, #tpu.memory_space<hbm>> -> memref<10016x128xf32, #tpu.memory_space<hbm>>
      tpu.enqueue_indirect_dma source(%dma_start3A_900 : memref<10016x128xf32, #tpu.memory_space<hbm>>) target(%arg9 : memref<128x128xf32, #tpu.memory_space<vmem>>) offsets(%dma_start3A_897 : memref<128xi32, #tpu.memory_space<vmem>>) semaphore(%arg11 : memref<!tpu.dma_semaphore, #tpu.memory_space<semaphore_mem>>)
      %run_scoped3A_901 = arith.constant 6 : i32
      "tpu.region"() ({
        %run_scoped3A_910 = tpu.sem_alloc : memref<!tpu.dma_semaphore, #tpu.memory_space<semaphore_mem>>
        %dma_start3A_911 = arith.constant 0 : i32
        %dma_start3A_912 = tpu.memref_slice %arg7[%run_scoped3A_901, %dma_start3A_911] : memref<8x128xi32, #tpu.memory_space<vmem>> -> memref<1x128xi32, #tpu.memory_space<vmem>>
        %dma_start3A_913 = tpu.memref_squeeze %dma_start3A_912 : memref<1x128xi32, #tpu.memory_space<vmem>> -> memref<128xi32, #tpu.memory_space<vmem>>
        %dma_start3A_914 = arith.constant 0 : i32
        %dma_start3A_915 = arith.constant 0 : i32
        %dma_start3A_916 = tpu.memref_slice %arg10[%dma_start3A_914, %dma_start3A_915] : memref<10240x128xf32, #tpu.memory_space<vmem_shared>> -> memref<10240x128xf32, #tpu.memory_space<vmem_shared>>
        tpu.enqueue_indirect_dma source(%arg8 : memref<128x128xf32, #tpu.memory_space<vmem>>) target(%dma_start3A_916 : memref<10240x128xf32, #tpu.memory_space<vmem_shared>>) offsets(%dma_start3A_913 : memref<128xi32, #tpu.memory_space<vmem>>) semaphore(%run_scoped3A_910 : memref<!tpu.dma_semaphore, #tpu.memory_space<semaphore_mem>>) {add = true}
        %dma_wait3A_917 = arith.constant 0 : i32
        %dma_wait3A_918 = tpu.memref_slice %arg7[%run_scoped3A_901, %dma_wait3A_917] : memref<8x128xi32, #tpu.memory_space<vmem>> -> memref<1x128xi32, #tpu.memory_space<vmem>>
        %dma_wait3A_919 = tpu.memref_squeeze %dma_wait3A_918 : memref<1x128xi32, #tpu.memory_space<vmem>> -> memref<128xi32, #tpu.memory_space<vmem>>
        %dma_wait3A_920 = arith.constant 0 : i32
        %dma_wait3A_921 = arith.constant 0 : i32
        %dma_wait3A_922 = tpu.memref_slice %arg10[%dma_wait3A_920, %dma_wait3A_921] : memref<10240x128xf32, #tpu.memory_space<vmem_shared>> -> memref<10240x128xf32, #tpu.memory_space<vmem_shared>>
        tpu.wait_indirect_dma semaphore(%run_scoped3A_910 : memref<!tpu.dma_semaphore, #tpu.memory_space<semaphore_mem>>) src(%arg8 : memref<128x128xf32, #tpu.memory_space<vmem>>) dst(%dma_wait3A_922 : memref<10240x128xf32, #tpu.memory_space<vmem_shared>>)
        tpu.yield
      }) : () -> ()
      %dma_wait3A_902 = arith.constant 7 : i32
      %dma_wait3A_903 = arith.constant 0 : i32
      %dma_wait3A_904 = tpu.memref_slice %arg6[%dma_wait3A_902, %dma_wait3A_903] : memref<8x128xi32, #tpu.memory_space<vmem>> -> memref<1x128xi32, #tpu.memory_space<vmem>>
      %dma_wait3A_905 = tpu.memref_squeeze %dma_wait3A_904 : memref<1x128xi32, #tpu.memory_space<vmem>> -> memref<128xi32, #tpu.memory_space<vmem>>
      %dma_wait3A_906 = arith.constant 0 : i32
      %dma_wait3A_907 = arith.constant 0 : i32
      %dma_wait3A_908 = tpu.memref_slice %arg2[%dma_wait3A_906, %dma_wait3A_907] : memref<10016x128xf32, #tpu.memory_space<hbm>> -> memref<10016x128xf32, #tpu.memory_space<hbm>>
      tpu.wait_indirect_dma semaphore(%arg11 : memref<!tpu.dma_semaphore, #tpu.memory_space<semaphore_mem>>) src(%dma_wait3A_908 : memref<10016x128xf32, #tpu.memory_space<hbm>>) dst(%arg9 : memref<128x128xf32, #tpu.memory_space<vmem>>)
      %run_scoped3A_909 = arith.constant 7 : i32
      "tpu.region"() ({
        %run_scoped3A_910 = tpu.sem_alloc : memref<!tpu.dma_semaphore, #tpu.memory_space<semaphore_mem>>
        %dma_start3A_911 = arith.constant 0 : i32
        %dma_start3A_912 = tpu.memref_slice %arg7[%run_scoped3A_909, %dma_start3A_911] : memref<8x128xi32, #tpu.memory_space<vmem>> -> memref<1x128xi32, #tpu.memory_space<vmem>>
        %dma_start3A_913 = tpu.memref_squeeze %dma_start3A_912 : memref<1x128xi32, #tpu.memory_space<vmem>> -> memref<128xi32, #tpu.memory_space<vmem>>
        %dma_start3A_914 = arith.constant 0 : i32
        %dma_start3A_915 = arith.constant 0 : i32
        %dma_start3A_916 = tpu.memref_slice %arg10[%dma_start3A_914, %dma_start3A_915] : memref<10240x128xf32, #tpu.memory_space<vmem_shared>> -> memref<10240x128xf32, #tpu.memory_space<vmem_shared>>
        tpu.enqueue_indirect_dma source(%arg9 : memref<128x128xf32, #tpu.memory_space<vmem>>) target(%dma_start3A_916 : memref<10240x128xf32, #tpu.memory_space<vmem_shared>>) offsets(%dma_start3A_913 : memref<128xi32, #tpu.memory_space<vmem>>) semaphore(%run_scoped3A_910 : memref<!tpu.dma_semaphore, #tpu.memory_space<semaphore_mem>>) {add = true}
        %dma_wait3A_917 = arith.constant 0 : i32
        %dma_wait3A_918 = tpu.memref_slice %arg7[%run_scoped3A_909, %dma_wait3A_917] : memref<8x128xi32, #tpu.memory_space<vmem>> -> memref<1x128xi32, #tpu.memory_space<vmem>>
        %dma_wait3A_919 = tpu.memref_squeeze %dma_wait3A_918 : memref<1x128xi32, #tpu.memory_space<vmem>> -> memref<128xi32, #tpu.memory_space<vmem>>
        %dma_wait3A_920 = arith.constant 0 : i32
        %dma_wait3A_921 = arith.constant 0 : i32
        %dma_wait3A_922 = tpu.memref_slice %arg10[%dma_wait3A_920, %dma_wait3A_921] : memref<10240x128xf32, #tpu.memory_space<vmem_shared>> -> memref<10240x128xf32, #tpu.memory_space<vmem_shared>>
        tpu.wait_indirect_dma semaphore(%run_scoped3A_910 : memref<!tpu.dma_semaphore, #tpu.memory_space<semaphore_mem>>) src(%arg9 : memref<128x128xf32, #tpu.memory_space<vmem>>) dst(%dma_wait3A_922 : memref<10240x128xf32, #tpu.memory_space<vmem_shared>>)
        tpu.yield
      }) : () -> ()
    }
    %scan3A_777 = arith.constant 10 : i32
    %barrier3A_778 = arith.constant 0 : index
    tpu.barrier barrier_id(%barrier3A_778)
    %scan3A_779 = arith.constant 0 : i32
    %scan3A_780 = arith.constant 5 : i32
    %scan3A_781 = arith.addi %scan3A_779, %scan3A_780 : i32
    %scan3A_782 = arith.constant 1 : i32
    scf.for %scan3A_784 = %scan3A_779 to %scan3A_781 step %scan3A_782  : i32 {
      %mul3A_785 = arith.constant 1 : i32
      %mul3A_786 = arith.muli %scan3A_784, %mul3A_785 : i32
      %add3A_787 = arith.constant 0 : i32
      %add3A_788 = arith.addi %add3A_787, %mul3A_786 : i32
      %mul3A_789 = arith.constant 640 : i32
      %mul3A_790 = arith.muli %arg1, %mul3A_789 : i32
      %mul3A_791 = arith.constant 128 : i32
      %mul3A_792 = arith.muli %add3A_788, %mul3A_791 : i32
      %add3A_793 = arith.addi %mul3A_790, %mul3A_792 : i32
      "tpu.region"() ({
        %run_scoped3A = tpu.sem_alloc : memref<!tpu.dma_semaphore, #tpu.memory_space<semaphore_mem>>
        %dma_start3A = arith.constant 0 : i32
        %dma_start3A_794 = tpu.memref_slice %arg5[%arg0, %add3A_793, %dma_start3A] : memref<2x10240x128xf32, #tpu.memory_space<hbm>> -> memref<1x128x128xf32, #tpu.memory_space<hbm>>
        %dma_start3A_795 = tpu.memref_squeeze %dma_start3A_794 : memref<1x128x128xf32, #tpu.memory_space<hbm>> -> memref<128x128xf32, #tpu.memory_space<hbm>>
        %dma_start3A_796 = arith.constant 0 : i32
        %dma_start3A_797 = tpu.memref_slice %arg10[%add3A_793, %dma_start3A_796] : memref<10240x128xf32, #tpu.memory_space<vmem_shared>> -> memref<128x128xf32, #tpu.memory_space<vmem_shared>>
        tpu.enqueue_dma source(%dma_start3A_797 : memref<128x128xf32, #tpu.memory_space<vmem_shared>>) target(%dma_start3A_795 : memref<128x128xf32, #tpu.memory_space<hbm>>) target_semaphore(%run_scoped3A : memref<!tpu.dma_semaphore, #tpu.memory_space<semaphore_mem>>)
        %dma_wait3A = arith.constant 0 : i32
        %dma_wait3A_798 = tpu.memref_slice %arg5[%arg0, %add3A_793, %dma_wait3A] : memref<2x10240x128xf32, #tpu.memory_space<hbm>> -> memref<1x128x128xf32, #tpu.memory_space<hbm>>
        %dma_wait3A_799 = tpu.memref_squeeze %dma_wait3A_798 : memref<1x128x128xf32, #tpu.memory_space<hbm>> -> memref<128x128xf32, #tpu.memory_space<hbm>>
        %dma_wait3A_800 = arith.constant 0 : i32
        %dma_wait3A_801 = tpu.memref_slice %arg10[%add3A_793, %dma_wait3A_800] : memref<10240x128xf32, #tpu.memory_space<vmem_shared>> -> memref<128x128xf32, #tpu.memory_space<vmem_shared>>
        tpu.wait_dma2 semaphore(%run_scoped3A : memref<!tpu.dma_semaphore, #tpu.memory_space<semaphore_mem>>) src(%dma_wait3A_801 : memref<128x128xf32, #tpu.memory_space<vmem_shared>>) dst(%dma_wait3A_799 : memref<128x128xf32, #tpu.memory_space<hbm>>)
        tpu.yield
      }) : () -> ()
    }
    %scan3A_783 = arith.constant 5 : i32
    return
  }
}

#map = affine_map<(d0, d1) -> (0, 0)>
#map1 = affine_map<(d0, d1) -> (0, 0, 0)>
module attributes {stable_mosaic.version = 14 : i64} {
  func.func @_prop_body(%arg0: i32, %arg1: i32, %arg2: memref<10016x128xf32, #tpu.memory_space<hbm>>, %arg3: memref<32x80x128xi32, #tpu.memory_space<hbm>>, %arg4: memref<32x80x128xi32, #tpu.memory_space<hbm>>, %arg5: memref<2x10240x128xf32, #tpu.memory_space<hbm>>, %arg6: memref<8x128xi32, #tpu.memory_space<vmem>>, %arg7: memref<8x128xi32, #tpu.memory_space<vmem>>, %arg8: memref<128x128xf32, #tpu.memory_space<vmem>>, %arg9: memref<128x128xf32, #tpu.memory_space<vmem>>, %arg10: memref<10240x128xf32, #tpu.memory_space<vmem_shared>>, %arg11: memref<!tpu.dma_semaphore, #tpu.memory_space<semaphore_mem>>) attributes {dimension_semantics = [#tpu.dimension_semantics<core_parallel>, #tpu.dimension_semantics<subcore_parallel>], iteration_bounds = array<i64: 2, 16>, scalar_prefetch = 0 : i64, scratch_operands = 6 : i64, tpu.core_type = #tpu.core_type<sc_vector_subcore>, window_params = [{transform_indices = #map}, {transform_indices = #map1}, {transform_indices = #map1}, {transform_indices = #map1}]} {
    %mul3A = arith.constant 16 : i32
    %mul3A_0 = arith.muli %arg0, %mul3A : i32
    %add3A = arith.addi %mul3A_0, %arg1 : i32
    %broadcast_in_dim3A = arith.constant 0.000000e+00 : f32
    %broadcast_in_dim3A_1 = vector.broadcast %broadcast_in_dim3A : f32 to vector<16xf32>
    %swap3A = arith.constant 0 : i32
    %swap3A_2 = arith.index_cast %swap3A : i32 to index
    %swap3A_3 = arith.constant 0 : index
    %swap3A_4 = tpu.vector_load %arg8[%swap3A_2, %swap3A_3] {strides = array<i32>} : memref<128x128xf32, #tpu.memory_space<vmem>>, vector<1x16xf32>,
    %swap3A_5 = vector.shape_cast %swap3A_4 : vector<1x16xf32> to vector<16xf32>
    %swap3A_6 = vector.shape_cast %broadcast_in_dim3A_1 : vector<16xf32> to vector<1x16xf32>
    tpu.vector_store %arg8[%swap3A_2, %swap3A_3], %swap3A_6 {strides = array<i32>} : memref<128x128xf32, #tpu.memory_space<vmem>>, vector<1x16xf32>,
    %swap3A_7 = arith.constant 0 : i32
    %swap3A_8 = arith.index_cast %swap3A_7 : i32 to index
    %swap3A_9 = arith.constant 16 : index
    %swap3A_10 = tpu.vector_load %arg8[%swap3A_8, %swap3A_9] {strides = array<i32>} : memref<128x128xf32, #tpu.memory_space<vmem>>, vector<1x16xf32>,
    %swap3A_11 = vector.shape_cast %swap3A_10 : vector<1x16xf32> to vector<16xf32>
    %swap3A_12 = vector.shape_cast %broadcast_in_dim3A_1 : vector<16xf32> to vector<1x16xf32>
    tpu.vector_store %arg8[%swap3A_8, %swap3A_9], %swap3A_12 {strides = array<i32>} : memref<128x128xf32, #tpu.memory_space<vmem>>, vector<1x16xf32>,
    %swap3A_13 = arith.constant 0 : i32
    %swap3A_14 = arith.index_cast %swap3A_13 : i32 to index
    %swap3A_15 = arith.constant 32 : index
    %swap3A_16 = tpu.vector_load %arg8[%swap3A_14, %swap3A_15] {strides = array<i32>} : memref<128x128xf32, #tpu.memory_space<vmem>>, vector<1x16xf32>,
    %swap3A_17 = vector.shape_cast %swap3A_16 : vector<1x16xf32> to vector<16xf32>
    %swap3A_18 = vector.shape_cast %broadcast_in_dim3A_1 : vector<16xf32> to vector<1x16xf32>
    tpu.vector_store %arg8[%swap3A_14, %swap3A_15], %swap3A_18 {strides = array<i32>} : memref<128x128xf32, #tpu.memory_space<vmem>>, vector<1x16xf32>,
    %swap3A_19 = arith.constant 0 : i32
    %swap3A_20 = arith.index_cast %swap3A_19 : i32 to index
    %swap3A_21 = arith.constant 48 : index
    %swap3A_22 = tpu.vector_load %arg8[%swap3A_20, %swap3A_21] {strides = array<i32>} : memref<128x128xf32, #tpu.memory_space<vmem>>, vector<1x16xf32>,
    %swap3A_23 = vector.shape_cast %swap3A_22 : vector<1x16xf32> to vector<16xf32>
    %swap3A_24 = vector.shape_cast %broadcast_in_dim3A_1 : vector<16xf32> to vector<1x16xf32>
    tpu.vector_store %arg8[%swap3A_20, %swap3A_21], %swap3A_24 {strides = array<i32>} : memref<128x128xf32, #tpu.memory_space<vmem>>, vector<1x16xf32>,
    %swap3A_25 = arith.constant 0 : i32
    %swap3A_26 = arith.index_cast %swap3A_25 : i32 to index
    %swap3A_27 = arith.constant 64 : index
    %swap3A_28 = tpu.vector_load %arg8[%swap3A_26, %swap3A_27] {strides = array<i32>} : memref<128x128xf32, #tpu.memory_space<vmem>>, vector<1x16xf32>,
    %swap3A_29 = vector.shape_cast %swap3A_28 : vector<1x16xf32> to vector<16xf32>
    %swap3A_30 = vector.shape_cast %broadcast_in_dim3A_1 : vector<16xf32> to vector<1x16xf32>
    tpu.vector_store %arg8[%swap3A_26, %swap3A_27], %swap3A_30 {strides = array<i32>} : memref<128x128xf32, #tpu.memory_space<vmem>>, vector<1x16xf32>,
    %swap3A_31 = arith.constant 0 : i32
    %swap3A_32 = arith.index_cast %swap3A_31 : i32 to index
    %swap3A_33 = arith.constant 80 : index
    %swap3A_34 = tpu.vector_load %arg8[%swap3A_32, %swap3A_33] {strides = array<i32>} : memref<128x128xf32, #tpu.memory_space<vmem>>, vector<1x16xf32>,
    %swap3A_35 = vector.shape_cast %swap3A_34 : vector<1x16xf32> to vector<16xf32>
    %swap3A_36 = vector.shape_cast %broadcast_in_dim3A_1 : vector<16xf32> to vector<1x16xf32>
    tpu.vector_store %arg8[%swap3A_32, %swap3A_33], %swap3A_36 {strides = array<i32>} : memref<128x128xf32, #tpu.memory_space<vmem>>, vector<1x16xf32>,
    %swap3A_37 = arith.constant 0 : i32
    %swap3A_38 = arith.index_cast %swap3A_37 : i32 to index
    %swap3A_39 = arith.constant 96 : index
    %swap3A_40 = tpu.vector_load %arg8[%swap3A_38, %swap3A_39] {strides = array<i32>} : memref<128x128xf32, #tpu.memory_space<vmem>>, vector<1x16xf32>,
    %swap3A_41 = vector.shape_cast %swap3A_40 : vector<1x16xf32> to vector<16xf32>
    %swap3A_42 = vector.shape_cast %broadcast_in_dim3A_1 : vector<16xf32> to vector<1x16xf32>
    tpu.vector_store %arg8[%swap3A_38, %swap3A_39], %swap3A_42 {strides = array<i32>} : memref<128x128xf32, #tpu.memory_space<vmem>>, vector<1x16xf32>,
    %swap3A_43 = arith.constant 0 : i32
    %swap3A_44 = arith.index_cast %swap3A_43 : i32 to index
    %swap3A_45 = arith.constant 112 : index
    %swap3A_46 = tpu.vector_load %arg8[%swap3A_44, %swap3A_45] {strides = array<i32>} : memref<128x128xf32, #tpu.memory_space<vmem>>, vector<1x16xf32>,
    %swap3A_47 = vector.shape_cast %swap3A_46 : vector<1x16xf32> to vector<16xf32>
    %swap3A_48 = vector.shape_cast %broadcast_in_dim3A_1 : vector<16xf32> to vector<1x16xf32>
    tpu.vector_store %arg8[%swap3A_44, %swap3A_45], %swap3A_48 {strides = array<i32>} : memref<128x128xf32, #tpu.memory_space<vmem>>, vector<1x16xf32>,
    %swap3A_49 = arith.constant 1 : i32
    %swap3A_50 = arith.index_cast %swap3A_49 : i32 to index
    %swap3A_51 = arith.constant 0 : index
    %swap3A_52 = tpu.vector_load %arg8[%swap3A_50, %swap3A_51] {strides = array<i32>} : memref<128x128xf32, #tpu.memory_space<vmem>>, vector<1x16xf32>,
    %swap3A_53 = vector.shape_cast %swap3A_52 : vector<1x16xf32> to vector<16xf32>
    %swap3A_54 = vector.shape_cast %broadcast_in_dim3A_1 : vector<16xf32> to vector<1x16xf32>
    tpu.vector_store %arg8[%swap3A_50, %swap3A_51], %swap3A_54 {strides = array<i32>} : memref<128x128xf32, #tpu.memory_space<vmem>>, vector<1x16xf32>,
    %swap3A_55 = arith.constant 1 : i32
    %swap3A_56 = arith.index_cast %swap3A_55 : i32 to index
    %swap3A_57 = arith.constant 16 : index
    %swap3A_58 = tpu.vector_load %arg8[%swap3A_56, %swap3A_57] {strides = array<i32>} : memref<128x128xf32, #tpu.memory_space<vmem>>, vector<1x16xf32>,
    %swap3A_59 = vector.shape_cast %swap3A_58 : vector<1x16xf32> to vector<16xf32>
    %swap3A_60 = vector.shape_cast %broadcast_in_dim3A_1 : vector<16xf32> to vector<1x16xf32>
    tpu.vector_store %arg8[%swap3A_56, %swap3A_57], %swap3A_60 {strides = array<i32>} : memref<128x128xf32, #tpu.memory_space<vmem>>, vector<1x16xf32>,
    %swap3A_61 = arith.constant 1 : i32
    %swap3A_62 = arith.index_cast %swap3A_61 : i32 to index
    %swap3A_63 = arith.constant 32 : index
    %swap3A_64 = tpu.vector_load %arg8[%swap3A_62, %swap3A_63] {strides = array<i32>} : memref<128x128xf32, #tpu.memory_space<vmem>>, vector<1x16xf32>,
    %swap3A_65 = vector.shape_cast %swap3A_64 : vector<1x16xf32> to vector<16xf32>
    %swap3A_66 = vector.shape_cast %broadcast_in_dim3A_1 : vector<16xf32> to vector<1x16xf32>
    tpu.vector_store %arg8[%swap3A_62, %swap3A_63], %swap3A_66 {strides = array<i32>} : memref<128x128xf32, #tpu.memory_space<vmem>>, vector<1x16xf32>,
    %swap3A_67 = arith.constant 1 : i32
    %swap3A_68 = arith.index_cast %swap3A_67 : i32 to index
    %swap3A_69 = arith.constant 48 : index
    %swap3A_70 = tpu.vector_load %arg8[%swap3A_68, %swap3A_69] {strides = array<i32>} : memref<128x128xf32, #tpu.memory_space<vmem>>, vector<1x16xf32>,
    %swap3A_71 = vector.shape_cast %swap3A_70 : vector<1x16xf32> to vector<16xf32>
    %swap3A_72 = vector.shape_cast %broadcast_in_dim3A_1 : vector<16xf32> to vector<1x16xf32>
    tpu.vector_store %arg8[%swap3A_68, %swap3A_69], %swap3A_72 {strides = array<i32>} : memref<128x128xf32, #tpu.memory_space<vmem>>, vector<1x16xf32>,
    %swap3A_73 = arith.constant 1 : i32
    %swap3A_74 = arith.index_cast %swap3A_73 : i32 to index
    %swap3A_75 = arith.constant 64 : index
    %swap3A_76 = tpu.vector_load %arg8[%swap3A_74, %swap3A_75] {strides = array<i32>} : memref<128x128xf32, #tpu.memory_space<vmem>>, vector<1x16xf32>,
    %swap3A_77 = vector.shape_cast %swap3A_76 : vector<1x16xf32> to vector<16xf32>
    %swap3A_78 = vector.shape_cast %broadcast_in_dim3A_1 : vector<16xf32> to vector<1x16xf32>
    tpu.vector_store %arg8[%swap3A_74, %swap3A_75], %swap3A_78 {strides = array<i32>} : memref<128x128xf32, #tpu.memory_space<vmem>>, vector<1x16xf32>,
    %swap3A_79 = arith.constant 1 : i32
    %swap3A_80 = arith.index_cast %swap3A_79 : i32 to index
    %swap3A_81 = arith.constant 80 : index
    %swap3A_82 = tpu.vector_load %arg8[%swap3A_80, %swap3A_81] {strides = array<i32>} : memref<128x128xf32, #tpu.memory_space<vmem>>, vector<1x16xf32>,
    %swap3A_83 = vector.shape_cast %swap3A_82 : vector<1x16xf32> to vector<16xf32>
    %swap3A_84 = vector.shape_cast %broadcast_in_dim3A_1 : vector<16xf32> to vector<1x16xf32>
    tpu.vector_store %arg8[%swap3A_80, %swap3A_81], %swap3A_84 {strides = array<i32>} : memref<128x128xf32, #tpu.memory_space<vmem>>, vector<1x16xf32>,
    %swap3A_85 = arith.constant 1 : i32
    %swap3A_86 = arith.index_cast %swap3A_85 : i32 to index
    %swap3A_87 = arith.constant 96 : index
    %swap3A_88 = tpu.vector_load %arg8[%swap3A_86, %swap3A_87] {strides = array<i32>} : memref<128x128xf32, #tpu.memory_space<vmem>>, vector<1x16xf32>,
    %swap3A_89 = vector.shape_cast %swap3A_88 : vector<1x16xf32> to vector<16xf32>
    %swap3A_90 = vector.shape_cast %broadcast_in_dim3A_1 : vector<16xf32> to vector<1x16xf32>
    tpu.vector_store %arg8[%swap3A_86, %swap3A_87], %swap3A_90 {strides = array<i32>} : memref<128x128xf32, #tpu.memory_space<vmem>>, vector<1x16xf32>,
    %swap3A_91 = arith.constant 1 : i32
    %swap3A_92 = arith.index_cast %swap3A_91 : i32 to index
    %swap3A_93 = arith.constant 112 : index
    %swap3A_94 = tpu.vector_load %arg8[%swap3A_92, %swap3A_93] {strides = array<i32>} : memref<128x128xf32, #tpu.memory_space<vmem>>, vector<1x16xf32>,
    %swap3A_95 = vector.shape_cast %swap3A_94 : vector<1x16xf32> to vector<16xf32>
    %swap3A_96 = vector.shape_cast %broadcast_in_dim3A_1 : vector<16xf32> to vector<1x16xf32>
    tpu.vector_store %arg8[%swap3A_92, %swap3A_93], %swap3A_96 {strides = array<i32>} : memref<128x128xf32, #tpu.memory_space<vmem>>, vector<1x16xf32>,
    %swap3A_97 = arith.constant 2 : i32
    %swap3A_98 = arith.index_cast %swap3A_97 : i32 to index
    %swap3A_99 = arith.constant 0 : index
    %swap3A_100 = tpu.vector_load %arg8[%swap3A_98, %swap3A_99] {strides = array<i32>} : memref<128x128xf32, #tpu.memory_space<vmem>>, vector<1x16xf32>,
    %swap3A_101 = vector.shape_cast %swap3A_100 : vector<1x16xf32> to vector<16xf32>
    %swap3A_102 = vector.shape_cast %broadcast_in_dim3A_1 : vector<16xf32> to vector<1x16xf32>
    tpu.vector_store %arg8[%swap3A_98, %swap3A_99], %swap3A_102 {strides = array<i32>} : memref<128x128xf32, #tpu.memory_space<vmem>>, vector<1x16xf32>,
    %swap3A_103 = arith.constant 2 : i32
    %swap3A_104 = arith.index_cast %swap3A_103 : i32 to index
    %swap3A_105 = arith.constant 16 : index
    %swap3A_106 = tpu.vector_load %arg8[%swap3A_104, %swap3A_105] {strides = array<i32>} : memref<128x128xf32, #tpu.memory_space<vmem>>, vector<1x16xf32>,
    %swap3A_107 = vector.shape_cast %swap3A_106 : vector<1x16xf32> to vector<16xf32>
    %swap3A_108 = vector.shape_cast %broadcast_in_dim3A_1 : vector<16xf32> to vector<1x16xf32>
    tpu.vector_store %arg8[%swap3A_104, %swap3A_105], %swap3A_108 {strides = array<i32>} : memref<128x128xf32, #tpu.memory_space<vmem>>, vector<1x16xf32>,
    %swap3A_109 = arith.constant 2 : i32
    %swap3A_110 = arith.index_cast %swap3A_109 : i32 to index
    %swap3A_111 = arith.constant 32 : index
    %swap3A_112 = tpu.vector_load %arg8[%swap3A_110, %swap3A_111] {strides = array<i32>} : memref<128x128xf32, #tpu.memory_space<vmem>>, vector<1x16xf32>,
    %swap3A_113 = vector.shape_cast %swap3A_112 : vector<1x16xf32> to vector<16xf32>
    %swap3A_114 = vector.shape_cast %broadcast_in_dim3A_1 : vector<16xf32> to vector<1x16xf32>
    tpu.vector_store %arg8[%swap3A_110, %swap3A_111], %swap3A_114 {strides = array<i32>} : memref<128x128xf32, #tpu.memory_space<vmem>>, vector<1x16xf32>,
    %swap3A_115 = arith.constant 2 : i32
    %swap3A_116 = arith.index_cast %swap3A_115 : i32 to index
    %swap3A_117 = arith.constant 48 : index
    %swap3A_118 = tpu.vector_load %arg8[%swap3A_116, %swap3A_117] {strides = array<i32>} : memref<128x128xf32, #tpu.memory_space<vmem>>, vector<1x16xf32>,
    %swap3A_119 = vector.shape_cast %swap3A_118 : vector<1x16xf32> to vector<16xf32>
    %swap3A_120 = vector.shape_cast %broadcast_in_dim3A_1 : vector<16xf32> to vector<1x16xf32>
    tpu.vector_store %arg8[%swap3A_116, %swap3A_117], %swap3A_120 {strides = array<i32>} : memref<128x128xf32, #tpu.memory_space<vmem>>, vector<1x16xf32>,
    %swap3A_121 = arith.constant 2 : i32
    %swap3A_122 = arith.index_cast %swap3A_121 : i32 to index
    %swap3A_123 = arith.constant 64 : index
    %swap3A_124 = tpu.vector_load %arg8[%swap3A_122, %swap3A_123] {strides = array<i32>} : memref<128x128xf32, #tpu.memory_space<vmem>>, vector<1x16xf32>,
    %swap3A_125 = vector.shape_cast %swap3A_124 : vector<1x16xf32> to vector<16xf32>
    %swap3A_126 = vector.shape_cast %broadcast_in_dim3A_1 : vector<16xf32> to vector<1x16xf32>
    tpu.vector_store %arg8[%swap3A_122, %swap3A_123], %swap3A_126 {strides = array<i32>} : memref<128x128xf32, #tpu.memory_space<vmem>>, vector<1x16xf32>,
    %swap3A_127 = arith.constant 2 : i32
    %swap3A_128 = arith.index_cast %swap3A_127 : i32 to index
    %swap3A_129 = arith.constant 80 : index
    %swap3A_130 = tpu.vector_load %arg8[%swap3A_128, %swap3A_129] {strides = array<i32>} : memref<128x128xf32, #tpu.memory_space<vmem>>, vector<1x16xf32>,
    %swap3A_131 = vector.shape_cast %swap3A_130 : vector<1x16xf32> to vector<16xf32>
    %swap3A_132 = vector.shape_cast %broadcast_in_dim3A_1 : vector<16xf32> to vector<1x16xf32>
    tpu.vector_store %arg8[%swap3A_128, %swap3A_129], %swap3A_132 {strides = array<i32>} : memref<128x128xf32, #tpu.memory_space<vmem>>, vector<1x16xf32>,
    %swap3A_133 = arith.constant 2 : i32
    %swap3A_134 = arith.index_cast %swap3A_133 : i32 to index
    %swap3A_135 = arith.constant 96 : index
    %swap3A_136 = tpu.vector_load %arg8[%swap3A_134, %swap3A_135] {strides = array<i32>} : memref<128x128xf32, #tpu.memory_space<vmem>>, vector<1x16xf32>,
    %swap3A_137 = vector.shape_cast %swap3A_136 : vector<1x16xf32> to vector<16xf32>
    %swap3A_138 = vector.shape_cast %broadcast_in_dim3A_1 : vector<16xf32> to vector<1x16xf32>
    tpu.vector_store %arg8[%swap3A_134, %swap3A_135], %swap3A_138 {strides = array<i32>} : memref<128x128xf32, #tpu.memory_space<vmem>>, vector<1x16xf32>,
    %swap3A_139 = arith.constant 2 : i32
    %swap3A_140 = arith.index_cast %swap3A_139 : i32 to index
    %swap3A_141 = arith.constant 112 : index
    %swap3A_142 = tpu.vector_load %arg8[%swap3A_140, %swap3A_141] {strides = array<i32>} : memref<128x128xf32, #tpu.memory_space<vmem>>, vector<1x16xf32>,
    %swap3A_143 = vector.shape_cast %swap3A_142 : vector<1x16xf32> to vector<16xf32>
    %swap3A_144 = vector.shape_cast %broadcast_in_dim3A_1 : vector<16xf32> to vector<1x16xf32>
    tpu.vector_store %arg8[%swap3A_140, %swap3A_141], %swap3A_144 {strides = array<i32>} : memref<128x128xf32, #tpu.memory_space<vmem>>, vector<1x16xf32>,
    %swap3A_145 = arith.constant 3 : i32
    %swap3A_146 = arith.index_cast %swap3A_145 : i32 to index
    %swap3A_147 = arith.constant 0 : index
    %swap3A_148 = tpu.vector_load %arg8[%swap3A_146, %swap3A_147] {strides = array<i32>} : memref<128x128xf32, #tpu.memory_space<vmem>>, vector<1x16xf32>,
    %swap3A_149 = vector.shape_cast %swap3A_148 : vector<1x16xf32> to vector<16xf32>
    %swap3A_150 = vector.shape_cast %broadcast_in_dim3A_1 : vector<16xf32> to vector<1x16xf32>
    tpu.vector_store %arg8[%swap3A_146, %swap3A_147], %swap3A_150 {strides = array<i32>} : memref<128x128xf32, #tpu.memory_space<vmem>>, vector<1x16xf32>,
    %swap3A_151 = arith.constant 3 : i32
    %swap3A_152 = arith.index_cast %swap3A_151 : i32 to index
    %swap3A_153 = arith.constant 16 : index
    %swap3A_154 = tpu.vector_load %arg8[%swap3A_152, %swap3A_153] {strides = array<i32>} : memref<128x128xf32, #tpu.memory_space<vmem>>, vector<1x16xf32>,
    %swap3A_155 = vector.shape_cast %swap3A_154 : vector<1x16xf32> to vector<16xf32>
    %swap3A_156 = vector.shape_cast %broadcast_in_dim3A_1 : vector<16xf32> to vector<1x16xf32>
    tpu.vector_store %arg8[%swap3A_152, %swap3A_153], %swap3A_156 {strides = array<i32>} : memref<128x128xf32, #tpu.memory_space<vmem>>, vector<1x16xf32>,
    %swap3A_157 = arith.constant 3 : i32
    %swap3A_158 = arith.index_cast %swap3A_157 : i32 to index
    %swap3A_159 = arith.constant 32 : index
    %swap3A_160 = tpu.vector_load %arg8[%swap3A_158, %swap3A_159] {strides = array<i32>} : memref<128x128xf32, #tpu.memory_space<vmem>>, vector<1x16xf32>,
    %swap3A_161 = vector.shape_cast %swap3A_160 : vector<1x16xf32> to vector<16xf32>
    %swap3A_162 = vector.shape_cast %broadcast_in_dim3A_1 : vector<16xf32> to vector<1x16xf32>
    tpu.vector_store %arg8[%swap3A_158, %swap3A_159], %swap3A_162 {strides = array<i32>} : memref<128x128xf32, #tpu.memory_space<vmem>>, vector<1x16xf32>,
    %swap3A_163 = arith.constant 3 : i32
    %swap3A_164 = arith.index_cast %swap3A_163 : i32 to index
    %swap3A_165 = arith.constant 48 : index
    %swap3A_166 = tpu.vector_load %arg8[%swap3A_164, %swap3A_165] {strides = array<i32>} : memref<128x128xf32, #tpu.memory_space<vmem>>, vector<1x16xf32>,
    %swap3A_167 = vector.shape_cast %swap3A_166 : vector<1x16xf32> to vector<16xf32>
    %swap3A_168 = vector.shape_cast %broadcast_in_dim3A_1 : vector<16xf32> to vector<1x16xf32>
    tpu.vector_store %arg8[%swap3A_164, %swap3A_165], %swap3A_168 {strides = array<i32>} : memref<128x128xf32, #tpu.memory_space<vmem>>, vector<1x16xf32>,
    %swap3A_169 = arith.constant 3 : i32
    %swap3A_170 = arith.index_cast %swap3A_169 : i32 to index
    %swap3A_171 = arith.constant 64 : index
    %swap3A_172 = tpu.vector_load %arg8[%swap3A_170, %swap3A_171] {strides = array<i32>} : memref<128x128xf32, #tpu.memory_space<vmem>>, vector<1x16xf32>,
    %swap3A_173 = vector.shape_cast %swap3A_172 : vector<1x16xf32> to vector<16xf32>
    %swap3A_174 = vector.shape_cast %broadcast_in_dim3A_1 : vector<16xf32> to vector<1x16xf32>
    tpu.vector_store %arg8[%swap3A_170, %swap3A_171], %swap3A_174 {strides = array<i32>} : memref<128x128xf32, #tpu.memory_space<vmem>>, vector<1x16xf32>,
    %swap3A_175 = arith.constant 3 : i32
    %swap3A_176 = arith.index_cast %swap3A_175 : i32 to index
    %swap3A_177 = arith.constant 80 : index
    %swap3A_178 = tpu.vector_load %arg8[%swap3A_176, %swap3A_177] {strides = array<i32>} : memref<128x128xf32, #tpu.memory_space<vmem>>, vector<1x16xf32>,
    %swap3A_179 = vector.shape_cast %swap3A_178 : vector<1x16xf32> to vector<16xf32>
    %swap3A_180 = vector.shape_cast %broadcast_in_dim3A_1 : vector<16xf32> to vector<1x16xf32>
    tpu.vector_store %arg8[%swap3A_176, %swap3A_177], %swap3A_180 {strides = array<i32>} : memref<128x128xf32, #tpu.memory_space<vmem>>, vector<1x16xf32>,
    %swap3A_181 = arith.constant 3 : i32
    %swap3A_182 = arith.index_cast %swap3A_181 : i32 to index
    %swap3A_183 = arith.constant 96 : index
    %swap3A_184 = tpu.vector_load %arg8[%swap3A_182, %swap3A_183] {strides = array<i32>} : memref<128x128xf32, #tpu.memory_space<vmem>>, vector<1x16xf32>,
    %swap3A_185 = vector.shape_cast %swap3A_184 : vector<1x16xf32> to vector<16xf32>
    %swap3A_186 = vector.shape_cast %broadcast_in_dim3A_1 : vector<16xf32> to vector<1x16xf32>
    tpu.vector_store %arg8[%swap3A_182, %swap3A_183], %swap3A_186 {strides = array<i32>} : memref<128x128xf32, #tpu.memory_space<vmem>>, vector<1x16xf32>,
    %swap3A_187 = arith.constant 3 : i32
    %swap3A_188 = arith.index_cast %swap3A_187 : i32 to index
    %swap3A_189 = arith.constant 112 : index
    %swap3A_190 = tpu.vector_load %arg8[%swap3A_188, %swap3A_189] {strides = array<i32>} : memref<128x128xf32, #tpu.memory_space<vmem>>, vector<1x16xf32>,
    %swap3A_191 = vector.shape_cast %swap3A_190 : vector<1x16xf32> to vector<16xf32>
    %swap3A_192 = vector.shape_cast %broadcast_in_dim3A_1 : vector<16xf32> to vector<1x16xf32>
    tpu.vector_store %arg8[%swap3A_188, %swap3A_189], %swap3A_192 {strides = array<i32>} : memref<128x128xf32, #tpu.memory_space<vmem>>, vector<1x16xf32>,
    %swap3A_193 = arith.constant 4 : i32
    %swap3A_194 = arith.index_cast %swap3A_193 : i32 to index
    %swap3A_195 = arith.constant 0 : index
    %swap3A_196 = tpu.vector_load %arg8[%swap3A_194, %swap3A_195] {strides = array<i32>} : memref<128x128xf32, #tpu.memory_space<vmem>>, vector<1x16xf32>,
    %swap3A_197 = vector.shape_cast %swap3A_196 : vector<1x16xf32> to vector<16xf32>
    %swap3A_198 = vector.shape_cast %broadcast_in_dim3A_1 : vector<16xf32> to vector<1x16xf32>
    tpu.vector_store %arg8[%swap3A_194, %swap3A_195], %swap3A_198 {strides = array<i32>} : memref<128x128xf32, #tpu.memory_space<vmem>>, vector<1x16xf32>,
    %swap3A_199 = arith.constant 4 : i32
    %swap3A_200 = arith.index_cast %swap3A_199 : i32 to index
    %swap3A_201 = arith.constant 16 : index
    %swap3A_202 = tpu.vector_load %arg8[%swap3A_200, %swap3A_201] {strides = array<i32>} : memref<128x128xf32, #tpu.memory_space<vmem>>, vector<1x16xf32>,
    %swap3A_203 = vector.shape_cast %swap3A_202 : vector<1x16xf32> to vector<16xf32>
    %swap3A_204 = vector.shape_cast %broadcast_in_dim3A_1 : vector<16xf32> to vector<1x16xf32>
    tpu.vector_store %arg8[%swap3A_200, %swap3A_201], %swap3A_204 {strides = array<i32>} : memref<128x128xf32, #tpu.memory_space<vmem>>, vector<1x16xf32>,
    %swap3A_205 = arith.constant 4 : i32
    %swap3A_206 = arith.index_cast %swap3A_205 : i32 to index
    %swap3A_207 = arith.constant 32 : index
    %swap3A_208 = tpu.vector_load %arg8[%swap3A_206, %swap3A_207] {strides = array<i32>} : memref<128x128xf32, #tpu.memory_space<vmem>>, vector<1x16xf32>,
    %swap3A_209 = vector.shape_cast %swap3A_208 : vector<1x16xf32> to vector<16xf32>
    %swap3A_210 = vector.shape_cast %broadcast_in_dim3A_1 : vector<16xf32> to vector<1x16xf32>
    tpu.vector_store %arg8[%swap3A_206, %swap3A_207], %swap3A_210 {strides = array<i32>} : memref<128x128xf32, #tpu.memory_space<vmem>>, vector<1x16xf32>,
    %swap3A_211 = arith.constant 4 : i32
    %swap3A_212 = arith.index_cast %swap3A_211 : i32 to index
    %swap3A_213 = arith.constant 48 : index
    %swap3A_214 = tpu.vector_load %arg8[%swap3A_212, %swap3A_213] {strides = array<i32>} : memref<128x128xf32, #tpu.memory_space<vmem>>, vector<1x16xf32>,
    %swap3A_215 = vector.shape_cast %swap3A_214 : vector<1x16xf32> to vector<16xf32>
    %swap3A_216 = vector.shape_cast %broadcast_in_dim3A_1 : vector<16xf32> to vector<1x16xf32>
    tpu.vector_store %arg8[%swap3A_212, %swap3A_213], %swap3A_216 {strides = array<i32>} : memref<128x128xf32, #tpu.memory_space<vmem>>, vector<1x16xf32>,
    %swap3A_217 = arith.constant 4 : i32
    %swap3A_218 = arith.index_cast %swap3A_217 : i32 to index
    %swap3A_219 = arith.constant 64 : index
    %swap3A_220 = tpu.vector_load %arg8[%swap3A_218, %swap3A_219] {strides = array<i32>} : memref<128x128xf32, #tpu.memory_space<vmem>>, vector<1x16xf32>,
    %swap3A_221 = vector.shape_cast %swap3A_220 : vector<1x16xf32> to vector<16xf32>
    %swap3A_222 = vector.shape_cast %broadcast_in_dim3A_1 : vector<16xf32> to vector<1x16xf32>
    tpu.vector_store %arg8[%swap3A_218, %swap3A_219], %swap3A_222 {strides = array<i32>} : memref<128x128xf32, #tpu.memory_space<vmem>>, vector<1x16xf32>,
    %swap3A_223 = arith.constant 4 : i32
    %swap3A_224 = arith.index_cast %swap3A_223 : i32 to index
    %swap3A_225 = arith.constant 80 : index
    %swap3A_226 = tpu.vector_load %arg8[%swap3A_224, %swap3A_225] {strides = array<i32>} : memref<128x128xf32, #tpu.memory_space<vmem>>, vector<1x16xf32>,
    %swap3A_227 = vector.shape_cast %swap3A_226 : vector<1x16xf32> to vector<16xf32>
    %swap3A_228 = vector.shape_cast %broadcast_in_dim3A_1 : vector<16xf32> to vector<1x16xf32>
    tpu.vector_store %arg8[%swap3A_224, %swap3A_225], %swap3A_228 {strides = array<i32>} : memref<128x128xf32, #tpu.memory_space<vmem>>, vector<1x16xf32>,
    %swap3A_229 = arith.constant 4 : i32
    %swap3A_230 = arith.index_cast %swap3A_229 : i32 to index
    %swap3A_231 = arith.constant 96 : index
    %swap3A_232 = tpu.vector_load %arg8[%swap3A_230, %swap3A_231] {strides = array<i32>} : memref<128x128xf32, #tpu.memory_space<vmem>>, vector<1x16xf32>,
    %swap3A_233 = vector.shape_cast %swap3A_232 : vector<1x16xf32> to vector<16xf32>
    %swap3A_234 = vector.shape_cast %broadcast_in_dim3A_1 : vector<16xf32> to vector<1x16xf32>
    tpu.vector_store %arg8[%swap3A_230, %swap3A_231], %swap3A_234 {strides = array<i32>} : memref<128x128xf32, #tpu.memory_space<vmem>>, vector<1x16xf32>,
    %swap3A_235 = arith.constant 4 : i32
    %swap3A_236 = arith.index_cast %swap3A_235 : i32 to index
    %swap3A_237 = arith.constant 112 : index
    %swap3A_238 = tpu.vector_load %arg8[%swap3A_236, %swap3A_237] {strides = array<i32>} : memref<128x128xf32, #tpu.memory_space<vmem>>, vector<1x16xf32>,
    %swap3A_239 = vector.shape_cast %swap3A_238 : vector<1x16xf32> to vector<16xf32>
    %swap3A_240 = vector.shape_cast %broadcast_in_dim3A_1 : vector<16xf32> to vector<1x16xf32>
    tpu.vector_store %arg8[%swap3A_236, %swap3A_237], %swap3A_240 {strides = array<i32>} : memref<128x128xf32, #tpu.memory_space<vmem>>, vector<1x16xf32>,
    %swap3A_241 = arith.constant 5 : i32
    %swap3A_242 = arith.index_cast %swap3A_241 : i32 to index
    %swap3A_243 = arith.constant 0 : index
    %swap3A_244 = tpu.vector_load %arg8[%swap3A_242, %swap3A_243] {strides = array<i32>} : memref<128x128xf32, #tpu.memory_space<vmem>>, vector<1x16xf32>,
    %swap3A_245 = vector.shape_cast %swap3A_244 : vector<1x16xf32> to vector<16xf32>
    %swap3A_246 = vector.shape_cast %broadcast_in_dim3A_1 : vector<16xf32> to vector<1x16xf32>
    tpu.vector_store %arg8[%swap3A_242, %swap3A_243], %swap3A_246 {strides = array<i32>} : memref<128x128xf32, #tpu.memory_space<vmem>>, vector<1x16xf32>,
    %swap3A_247 = arith.constant 5 : i32
    %swap3A_248 = arith.index_cast %swap3A_247 : i32 to index
    %swap3A_249 = arith.constant 16 : index
    %swap3A_250 = tpu.vector_load %arg8[%swap3A_248, %swap3A_249] {strides = array<i32>} : memref<128x128xf32, #tpu.memory_space<vmem>>, vector<1x16xf32>,
    %swap3A_251 = vector.shape_cast %swap3A_250 : vector<1x16xf32> to vector<16xf32>
    %swap3A_252 = vector.shape_cast %broadcast_in_dim3A_1 : vector<16xf32> to vector<1x16xf32>
    tpu.vector_store %arg8[%swap3A_248, %swap3A_249], %swap3A_252 {strides = array<i32>} : memref<128x128xf32, #tpu.memory_space<vmem>>, vector<1x16xf32>,
    %swap3A_253 = arith.constant 5 : i32
    %swap3A_254 = arith.index_cast %swap3A_253 : i32 to index
    %swap3A_255 = arith.constant 32 : index
    %swap3A_256 = tpu.vector_load %arg8[%swap3A_254, %swap3A_255] {strides = array<i32>} : memref<128x128xf32, #tpu.memory_space<vmem>>, vector<1x16xf32>,
    %swap3A_257 = vector.shape_cast %swap3A_256 : vector<1x16xf32> to vector<16xf32>
    %swap3A_258 = vector.shape_cast %broadcast_in_dim3A_1 : vector<16xf32> to vector<1x16xf32>
    tpu.vector_store %arg8[%swap3A_254, %swap3A_255], %swap3A_258 {strides = array<i32>} : memref<128x128xf32, #tpu.memory_space<vmem>>, vector<1x16xf32>,
    %swap3A_259 = arith.constant 5 : i32
    %swap3A_260 = arith.index_cast %swap3A_259 : i32 to index
    %swap3A_261 = arith.constant 48 : index
    %swap3A_262 = tpu.vector_load %arg8[%swap3A_260, %swap3A_261] {strides = array<i32>} : memref<128x128xf32, #tpu.memory_space<vmem>>, vector<1x16xf32>,
    %swap3A_263 = vector.shape_cast %swap3A_262 : vector<1x16xf32> to vector<16xf32>
    %swap3A_264 = vector.shape_cast %broadcast_in_dim3A_1 : vector<16xf32> to vector<1x16xf32>
    tpu.vector_store %arg8[%swap3A_260, %swap3A_261], %swap3A_264 {strides = array<i32>} : memref<128x128xf32, #tpu.memory_space<vmem>>, vector<1x16xf32>,
    %swap3A_265 = arith.constant 5 : i32
    %swap3A_266 = arith.index_cast %swap3A_265 : i32 to index
    %swap3A_267 = arith.constant 64 : index
    %swap3A_268 = tpu.vector_load %arg8[%swap3A_266, %swap3A_267] {strides = array<i32>} : memref<128x128xf32, #tpu.memory_space<vmem>>, vector<1x16xf32>,
    %swap3A_269 = vector.shape_cast %swap3A_268 : vector<1x16xf32> to vector<16xf32>
    %swap3A_270 = vector.shape_cast %broadcast_in_dim3A_1 : vector<16xf32> to vector<1x16xf32>
    tpu.vector_store %arg8[%swap3A_266, %swap3A_267], %swap3A_270 {strides = array<i32>} : memref<128x128xf32, #tpu.memory_space<vmem>>, vector<1x16xf32>,
    %swap3A_271 = arith.constant 5 : i32
    %swap3A_272 = arith.index_cast %swap3A_271 : i32 to index
    %swap3A_273 = arith.constant 80 : index
    %swap3A_274 = tpu.vector_load %arg8[%swap3A_272, %swap3A_273] {strides = array<i32>} : memref<128x128xf32, #tpu.memory_space<vmem>>, vector<1x16xf32>,
    %swap3A_275 = vector.shape_cast %swap3A_274 : vector<1x16xf32> to vector<16xf32>
    %swap3A_276 = vector.shape_cast %broadcast_in_dim3A_1 : vector<16xf32> to vector<1x16xf32>
    tpu.vector_store %arg8[%swap3A_272, %swap3A_273], %swap3A_276 {strides = array<i32>} : memref<128x128xf32, #tpu.memory_space<vmem>>, vector<1x16xf32>,
    %swap3A_277 = arith.constant 5 : i32
    %swap3A_278 = arith.index_cast %swap3A_277 : i32 to index
    %swap3A_279 = arith.constant 96 : index
    %swap3A_280 = tpu.vector_load %arg8[%swap3A_278, %swap3A_279] {strides = array<i32>} : memref<128x128xf32, #tpu.memory_space<vmem>>, vector<1x16xf32>,
    %swap3A_281 = vector.shape_cast %swap3A_280 : vector<1x16xf32> to vector<16xf32>
    %swap3A_282 = vector.shape_cast %broadcast_in_dim3A_1 : vector<16xf32> to vector<1x16xf32>
    tpu.vector_store %arg8[%swap3A_278, %swap3A_279], %swap3A_282 {strides = array<i32>} : memref<128x128xf32, #tpu.memory_space<vmem>>, vector<1x16xf32>,
    %swap3A_283 = arith.constant 5 : i32
    %swap3A_284 = arith.index_cast %swap3A_283 : i32 to index
    %swap3A_285 = arith.constant 112 : index
    %swap3A_286 = tpu.vector_load %arg8[%swap3A_284, %swap3A_285] {strides = array<i32>} : memref<128x128xf32, #tpu.memory_space<vmem>>, vector<1x16xf32>,
    %swap3A_287 = vector.shape_cast %swap3A_286 : vector<1x16xf32> to vector<16xf32>
    %swap3A_288 = vector.shape_cast %broadcast_in_dim3A_1 : vector<16xf32> to vector<1x16xf32>
    tpu.vector_store %arg8[%swap3A_284, %swap3A_285], %swap3A_288 {strides = array<i32>} : memref<128x128xf32, #tpu.memory_space<vmem>>, vector<1x16xf32>,
    %swap3A_289 = arith.constant 6 : i32
    %swap3A_290 = arith.index_cast %swap3A_289 : i32 to index
    %swap3A_291 = arith.constant 0 : index
    %swap3A_292 = tpu.vector_load %arg8[%swap3A_290, %swap3A_291] {strides = array<i32>} : memref<128x128xf32, #tpu.memory_space<vmem>>, vector<1x16xf32>,
    %swap3A_293 = vector.shape_cast %swap3A_292 : vector<1x16xf32> to vector<16xf32>
    %swap3A_294 = vector.shape_cast %broadcast_in_dim3A_1 : vector<16xf32> to vector<1x16xf32>
    tpu.vector_store %arg8[%swap3A_290, %swap3A_291], %swap3A_294 {strides = array<i32>} : memref<128x128xf32, #tpu.memory_space<vmem>>, vector<1x16xf32>,
    %swap3A_295 = arith.constant 6 : i32
    %swap3A_296 = arith.index_cast %swap3A_295 : i32 to index
    %swap3A_297 = arith.constant 16 : index
    %swap3A_298 = tpu.vector_load %arg8[%swap3A_296, %swap3A_297] {strides = array<i32>} : memref<128x128xf32, #tpu.memory_space<vmem>>, vector<1x16xf32>,
    %swap3A_299 = vector.shape_cast %swap3A_298 : vector<1x16xf32> to vector<16xf32>
    %swap3A_300 = vector.shape_cast %broadcast_in_dim3A_1 : vector<16xf32> to vector<1x16xf32>
    tpu.vector_store %arg8[%swap3A_296, %swap3A_297], %swap3A_300 {strides = array<i32>} : memref<128x128xf32, #tpu.memory_space<vmem>>, vector<1x16xf32>,
    %swap3A_301 = arith.constant 6 : i32
    %swap3A_302 = arith.index_cast %swap3A_301 : i32 to index
    %swap3A_303 = arith.constant 32 : index
    %swap3A_304 = tpu.vector_load %arg8[%swap3A_302, %swap3A_303] {strides = array<i32>} : memref<128x128xf32, #tpu.memory_space<vmem>>, vector<1x16xf32>,
    %swap3A_305 = vector.shape_cast %swap3A_304 : vector<1x16xf32> to vector<16xf32>
    %swap3A_306 = vector.shape_cast %broadcast_in_dim3A_1 : vector<16xf32> to vector<1x16xf32>
    tpu.vector_store %arg8[%swap3A_302, %swap3A_303], %swap3A_306 {strides = array<i32>} : memref<128x128xf32, #tpu.memory_space<vmem>>, vector<1x16xf32>,
    %swap3A_307 = arith.constant 6 : i32
    %swap3A_308 = arith.index_cast %swap3A_307 : i32 to index
    %swap3A_309 = arith.constant 48 : index
    %swap3A_310 = tpu.vector_load %arg8[%swap3A_308, %swap3A_309] {strides = array<i32>} : memref<128x128xf32, #tpu.memory_space<vmem>>, vector<1x16xf32>,
    %swap3A_311 = vector.shape_cast %swap3A_310 : vector<1x16xf32> to vector<16xf32>
    %swap3A_312 = vector.shape_cast %broadcast_in_dim3A_1 : vector<16xf32> to vector<1x16xf32>
    tpu.vector_store %arg8[%swap3A_308, %swap3A_309], %swap3A_312 {strides = array<i32>} : memref<128x128xf32, #tpu.memory_space<vmem>>, vector<1x16xf32>,
    %swap3A_313 = arith.constant 6 : i32
    %swap3A_314 = arith.index_cast %swap3A_313 : i32 to index
    %swap3A_315 = arith.constant 64 : index
    %swap3A_316 = tpu.vector_load %arg8[%swap3A_314, %swap3A_315] {strides = array<i32>} : memref<128x128xf32, #tpu.memory_space<vmem>>, vector<1x16xf32>,
    %swap3A_317 = vector.shape_cast %swap3A_316 : vector<1x16xf32> to vector<16xf32>
    %swap3A_318 = vector.shape_cast %broadcast_in_dim3A_1 : vector<16xf32> to vector<1x16xf32>
    tpu.vector_store %arg8[%swap3A_314, %swap3A_315], %swap3A_318 {strides = array<i32>} : memref<128x128xf32, #tpu.memory_space<vmem>>, vector<1x16xf32>,
    %swap3A_319 = arith.constant 6 : i32
    %swap3A_320 = arith.index_cast %swap3A_319 : i32 to index
    %swap3A_321 = arith.constant 80 : index
    %swap3A_322 = tpu.vector_load %arg8[%swap3A_320, %swap3A_321] {strides = array<i32>} : memref<128x128xf32, #tpu.memory_space<vmem>>, vector<1x16xf32>,
    %swap3A_323 = vector.shape_cast %swap3A_322 : vector<1x16xf32> to vector<16xf32>
    %swap3A_324 = vector.shape_cast %broadcast_in_dim3A_1 : vector<16xf32> to vector<1x16xf32>
    tpu.vector_store %arg8[%swap3A_320, %swap3A_321], %swap3A_324 {strides = array<i32>} : memref<128x128xf32, #tpu.memory_space<vmem>>, vector<1x16xf32>,
    %swap3A_325 = arith.constant 6 : i32
    %swap3A_326 = arith.index_cast %swap3A_325 : i32 to index
    %swap3A_327 = arith.constant 96 : index
    %swap3A_328 = tpu.vector_load %arg8[%swap3A_326, %swap3A_327] {strides = array<i32>} : memref<128x128xf32, #tpu.memory_space<vmem>>, vector<1x16xf32>,
    %swap3A_329 = vector.shape_cast %swap3A_328 : vector<1x16xf32> to vector<16xf32>
    %swap3A_330 = vector.shape_cast %broadcast_in_dim3A_1 : vector<16xf32> to vector<1x16xf32>
    tpu.vector_store %arg8[%swap3A_326, %swap3A_327], %swap3A_330 {strides = array<i32>} : memref<128x128xf32, #tpu.memory_space<vmem>>, vector<1x16xf32>,
    %swap3A_331 = arith.constant 6 : i32
    %swap3A_332 = arith.index_cast %swap3A_331 : i32 to index
    %swap3A_333 = arith.constant 112 : index
    %swap3A_334 = tpu.vector_load %arg8[%swap3A_332, %swap3A_333] {strides = array<i32>} : memref<128x128xf32, #tpu.memory_space<vmem>>, vector<1x16xf32>,
    %swap3A_335 = vector.shape_cast %swap3A_334 : vector<1x16xf32> to vector<16xf32>
    %swap3A_336 = vector.shape_cast %broadcast_in_dim3A_1 : vector<16xf32> to vector<1x16xf32>
    tpu.vector_store %arg8[%swap3A_332, %swap3A_333], %swap3A_336 {strides = array<i32>} : memref<128x128xf32, #tpu.memory_space<vmem>>, vector<1x16xf32>,
    %swap3A_337 = arith.constant 7 : i32
    %swap3A_338 = arith.index_cast %swap3A_337 : i32 to index
    %swap3A_339 = arith.constant 0 : index
    %swap3A_340 = tpu.vector_load %arg8[%swap3A_338, %swap3A_339] {strides = array<i32>} : memref<128x128xf32, #tpu.memory_space<vmem>>, vector<1x16xf32>,
    %swap3A_341 = vector.shape_cast %swap3A_340 : vector<1x16xf32> to vector<16xf32>
    %swap3A_342 = vector.shape_cast %broadcast_in_dim3A_1 : vector<16xf32> to vector<1x16xf32>
    tpu.vector_store %arg8[%swap3A_338, %swap3A_339], %swap3A_342 {strides = array<i32>} : memref<128x128xf32, #tpu.memory_space<vmem>>, vector<1x16xf32>,
    %swap3A_343 = arith.constant 7 : i32
    %swap3A_344 = arith.index_cast %swap3A_343 : i32 to index
    %swap3A_345 = arith.constant 16 : index
    %swap3A_346 = tpu.vector_load %arg8[%swap3A_344, %swap3A_345] {strides = array<i32>} : memref<128x128xf32, #tpu.memory_space<vmem>>, vector<1x16xf32>,
    %swap3A_347 = vector.shape_cast %swap3A_346 : vector<1x16xf32> to vector<16xf32>
    %swap3A_348 = vector.shape_cast %broadcast_in_dim3A_1 : vector<16xf32> to vector<1x16xf32>
    tpu.vector_store %arg8[%swap3A_344, %swap3A_345], %swap3A_348 {strides = array<i32>} : memref<128x128xf32, #tpu.memory_space<vmem>>, vector<1x16xf32>,
    %swap3A_349 = arith.constant 7 : i32
    %swap3A_350 = arith.index_cast %swap3A_349 : i32 to index
    %swap3A_351 = arith.constant 32 : index
    %swap3A_352 = tpu.vector_load %arg8[%swap3A_350, %swap3A_351] {strides = array<i32>} : memref<128x128xf32, #tpu.memory_space<vmem>>, vector<1x16xf32>,
    %swap3A_353 = vector.shape_cast %swap3A_352 : vector<1x16xf32> to vector<16xf32>
    %swap3A_354 = vector.shape_cast %broadcast_in_dim3A_1 : vector<16xf32> to vector<1x16xf32>
    tpu.vector_store %arg8[%swap3A_350, %swap3A_351], %swap3A_354 {strides = array<i32>} : memref<128x128xf32, #tpu.memory_space<vmem>>, vector<1x16xf32>,
    %swap3A_355 = arith.constant 7 : i32
    %swap3A_356 = arith.index_cast %swap3A_355 : i32 to index
    %swap3A_357 = arith.constant 48 : index
    %swap3A_358 = tpu.vector_load %arg8[%swap3A_356, %swap3A_357] {strides = array<i32>} : memref<128x128xf32, #tpu.memory_space<vmem>>, vector<1x16xf32>,
    %swap3A_359 = vector.shape_cast %swap3A_358 : vector<1x16xf32> to vector<16xf32>
    %swap3A_360 = vector.shape_cast %broadcast_in_dim3A_1 : vector<16xf32> to vector<1x16xf32>
    tpu.vector_store %arg8[%swap3A_356, %swap3A_357], %swap3A_360 {strides = array<i32>} : memref<128x128xf32, #tpu.memory_space<vmem>>, vector<1x16xf32>,
    %swap3A_361 = arith.constant 7 : i32
    %swap3A_362 = arith.index_cast %swap3A_361 : i32 to index
    %swap3A_363 = arith.constant 64 : index
    %swap3A_364 = tpu.vector_load %arg8[%swap3A_362, %swap3A_363] {strides = array<i32>} : memref<128x128xf32, #tpu.memory_space<vmem>>, vector<1x16xf32>,
    %swap3A_365 = vector.shape_cast %swap3A_364 : vector<1x16xf32> to vector<16xf32>
    %swap3A_366 = vector.shape_cast %broadcast_in_dim3A_1 : vector<16xf32> to vector<1x16xf32>
    tpu.vector_store %arg8[%swap3A_362, %swap3A_363], %swap3A_366 {strides = array<i32>} : memref<128x128xf32, #tpu.memory_space<vmem>>, vector<1x16xf32>,
    %swap3A_367 = arith.constant 7 : i32
    %swap3A_368 = arith.index_cast %swap3A_367 : i32 to index
    %swap3A_369 = arith.constant 80 : index
    %swap3A_370 = tpu.vector_load %arg8[%swap3A_368, %swap3A_369] {strides = array<i32>} : memref<128x128xf32, #tpu.memory_space<vmem>>, vector<1x16xf32>,
    %swap3A_371 = vector.shape_cast %swap3A_370 : vector<1x16xf32> to vector<16xf32>
    %swap3A_372 = vector.shape_cast %broadcast_in_dim3A_1 : vector<16xf32> to vector<1x16xf32>
    tpu.vector_store %arg8[%swap3A_368, %swap3A_369], %swap3A_372 {strides = array<i32>} : memref<128x128xf32, #tpu.memory_space<vmem>>, vector<1x16xf32>,
    %swap3A_373 = arith.constant 7 : i32
    %swap3A_374 = arith.index_cast %swap3A_373 : i32 to index
    %swap3A_375 = arith.constant 96 : index
    %swap3A_376 = tpu.vector_load %arg8[%swap3A_374, %swap3A_375] {strides = array<i32>} : memref<128x128xf32, #tpu.memory_space<vmem>>, vector<1x16xf32>,
    %swap3A_377 = vector.shape_cast %swap3A_376 : vector<1x16xf32> to vector<16xf32>
    %swap3A_378 = vector.shape_cast %broadcast_in_dim3A_1 : vector<16xf32> to vector<1x16xf32>
    tpu.vector_store %arg8[%swap3A_374, %swap3A_375], %swap3A_378 {strides = array<i32>} : memref<128x128xf32, #tpu.memory_space<vmem>>, vector<1x16xf32>,
    %swap3A_379 = arith.constant 7 : i32
    %swap3A_380 = arith.index_cast %swap3A_379 : i32 to index
    %swap3A_381 = arith.constant 112 : index
    %swap3A_382 = tpu.vector_load %arg8[%swap3A_380, %swap3A_381] {strides = array<i32>} : memref<128x128xf32, #tpu.memory_space<vmem>>, vector<1x16xf32>,
    %swap3A_383 = vector.shape_cast %swap3A_382 : vector<1x16xf32> to vector<16xf32>
    %swap3A_384 = vector.shape_cast %broadcast_in_dim3A_1 : vector<16xf32> to vector<1x16xf32>
    tpu.vector_store %arg8[%swap3A_380, %swap3A_381], %swap3A_384 {strides = array<i32>} : memref<128x128xf32, #tpu.memory_space<vmem>>, vector<1x16xf32>,
    %swap3A_385 = arith.constant 8 : i32
    %swap3A_386 = arith.index_cast %swap3A_385 : i32 to index
    %swap3A_387 = arith.constant 0 : index
    %swap3A_388 = tpu.vector_load %arg8[%swap3A_386, %swap3A_387] {strides = array<i32>} : memref<128x128xf32, #tpu.memory_space<vmem>>, vector<1x16xf32>,
    %swap3A_389 = vector.shape_cast %swap3A_388 : vector<1x16xf32> to vector<16xf32>
    %swap3A_390 = vector.shape_cast %broadcast_in_dim3A_1 : vector<16xf32> to vector<1x16xf32>
    tpu.vector_store %arg8[%swap3A_386, %swap3A_387], %swap3A_390 {strides = array<i32>} : memref<128x128xf32, #tpu.memory_space<vmem>>, vector<1x16xf32>,
    %swap3A_391 = arith.constant 8 : i32
    %swap3A_392 = arith.index_cast %swap3A_391 : i32 to index
    %swap3A_393 = arith.constant 16 : index
    %swap3A_394 = tpu.vector_load %arg8[%swap3A_392, %swap3A_393] {strides = array<i32>} : memref<128x128xf32, #tpu.memory_space<vmem>>, vector<1x16xf32>,
    %swap3A_395 = vector.shape_cast %swap3A_394 : vector<1x16xf32> to vector<16xf32>
    %swap3A_396 = vector.shape_cast %broadcast_in_dim3A_1 : vector<16xf32> to vector<1x16xf32>
    tpu.vector_store %arg8[%swap3A_392, %swap3A_393], %swap3A_396 {strides = array<i32>} : memref<128x128xf32, #tpu.memory_space<vmem>>, vector<1x16xf32>,
    %swap3A_397 = arith.constant 8 : i32
    %swap3A_398 = arith.index_cast %swap3A_397 : i32 to index
    %swap3A_399 = arith.constant 32 : index
    %swap3A_400 = tpu.vector_load %arg8[%swap3A_398, %swap3A_399] {strides = array<i32>} : memref<128x128xf32, #tpu.memory_space<vmem>>, vector<1x16xf32>,
    %swap3A_401 = vector.shape_cast %swap3A_400 : vector<1x16xf32> to vector<16xf32>
    %swap3A_402 = vector.shape_cast %broadcast_in_dim3A_1 : vector<16xf32> to vector<1x16xf32>
    tpu.vector_store %arg8[%swap3A_398, %swap3A_399], %swap3A_402 {strides = array<i32>} : memref<128x128xf32, #tpu.memory_space<vmem>>, vector<1x16xf32>,
    %swap3A_403 = arith.constant 8 : i32
    %swap3A_404 = arith.index_cast %swap3A_403 : i32 to index
    %swap3A_405 = arith.constant 48 : index
    %swap3A_406 = tpu.vector_load %arg8[%swap3A_404, %swap3A_405] {strides = array<i32>} : memref<128x128xf32, #tpu.memory_space<vmem>>, vector<1x16xf32>,
    %swap3A_407 = vector.shape_cast %swap3A_406 : vector<1x16xf32> to vector<16xf32>
    %swap3A_408 = vector.shape_cast %broadcast_in_dim3A_1 : vector<16xf32> to vector<1x16xf32>
    tpu.vector_store %arg8[%swap3A_404, %swap3A_405], %swap3A_408 {strides = array<i32>} : memref<128x128xf32, #tpu.memory_space<vmem>>, vector<1x16xf32>,
    %swap3A_409 = arith.constant 8 : i32
    %swap3A_410 = arith.index_cast %swap3A_409 : i32 to index
    %swap3A_411 = arith.constant 64 : index
    %swap3A_412 = tpu.vector_load %arg8[%swap3A_410, %swap3A_411] {strides = array<i32>} : memref<128x128xf32, #tpu.memory_space<vmem>>, vector<1x16xf32>,
    %swap3A_413 = vector.shape_cast %swap3A_412 : vector<1x16xf32> to vector<16xf32>
    %swap3A_414 = vector.shape_cast %broadcast_in_dim3A_1 : vector<16xf32> to vector<1x16xf32>
    tpu.vector_store %arg8[%swap3A_410, %swap3A_411], %swap3A_414 {strides = array<i32>} : memref<128x128xf32, #tpu.memory_space<vmem>>, vector<1x16xf32>,
    %swap3A_415 = arith.constant 8 : i32
    %swap3A_416 = arith.index_cast %swap3A_415 : i32 to index
    %swap3A_417 = arith.constant 80 : index
    %swap3A_418 = tpu.vector_load %arg8[%swap3A_416, %swap3A_417] {strides = array<i32>} : memref<128x128xf32, #tpu.memory_space<vmem>>, vector<1x16xf32>,
    %swap3A_419 = vector.shape_cast %swap3A_418 : vector<1x16xf32> to vector<16xf32>
    %swap3A_420 = vector.shape_cast %broadcast_in_dim3A_1 : vector<16xf32> to vector<1x16xf32>
    tpu.vector_store %arg8[%swap3A_416, %swap3A_417], %swap3A_420 {strides = array<i32>} : memref<128x128xf32, #tpu.memory_space<vmem>>, vector<1x16xf32>,
    %swap3A_421 = arith.constant 8 : i32
    %swap3A_422 = arith.index_cast %swap3A_421 : i32 to index
    %swap3A_423 = arith.constant 96 : index
    %swap3A_424 = tpu.vector_load %arg8[%swap3A_422, %swap3A_423] {strides = array<i32>} : memref<128x128xf32, #tpu.memory_space<vmem>>, vector<1x16xf32>,
    %swap3A_425 = vector.shape_cast %swap3A_424 : vector<1x16xf32> to vector<16xf32>
    %swap3A_426 = vector.shape_cast %broadcast_in_dim3A_1 : vector<16xf32> to vector<1x16xf32>
    tpu.vector_store %arg8[%swap3A_422, %swap3A_423], %swap3A_426 {strides = array<i32>} : memref<128x128xf32, #tpu.memory_space<vmem>>, vector<1x16xf32>,
    %swap3A_427 = arith.constant 8 : i32
    %swap3A_428 = arith.index_cast %swap3A_427 : i32 to index
    %swap3A_429 = arith.constant 112 : index
    %swap3A_430 = tpu.vector_load %arg8[%swap3A_428, %swap3A_429] {strides = array<i32>} : memref<128x128xf32, #tpu.memory_space<vmem>>, vector<1x16xf32>,
    %swap3A_431 = vector.shape_cast %swap3A_430 : vector<1x16xf32> to vector<16xf32>
    %swap3A_432 = vector.shape_cast %broadcast_in_dim3A_1 : vector<16xf32> to vector<1x16xf32>
    tpu.vector_store %arg8[%swap3A_428, %swap3A_429], %swap3A_432 {strides = array<i32>} : memref<128x128xf32, #tpu.memory_space<vmem>>, vector<1x16xf32>,
    %swap3A_433 = arith.constant 9 : i32
    %swap3A_434 = arith.index_cast %swap3A_433 : i32 to index
    %swap3A_435 = arith.constant 0 : index
    %swap3A_436 = tpu.vector_load %arg8[%swap3A_434, %swap3A_435] {strides = array<i32>} : memref<128x128xf32, #tpu.memory_space<vmem>>, vector<1x16xf32>,
    %swap3A_437 = vector.shape_cast %swap3A_436 : vector<1x16xf32> to vector<16xf32>
    %swap3A_438 = vector.shape_cast %broadcast_in_dim3A_1 : vector<16xf32> to vector<1x16xf32>
    tpu.vector_store %arg8[%swap3A_434, %swap3A_435], %swap3A_438 {strides = array<i32>} : memref<128x128xf32, #tpu.memory_space<vmem>>, vector<1x16xf32>,
    %swap3A_439 = arith.constant 9 : i32
    %swap3A_440 = arith.index_cast %swap3A_439 : i32 to index
    %swap3A_441 = arith.constant 16 : index
    %swap3A_442 = tpu.vector_load %arg8[%swap3A_440, %swap3A_441] {strides = array<i32>} : memref<128x128xf32, #tpu.memory_space<vmem>>, vector<1x16xf32>,
    %swap3A_443 = vector.shape_cast %swap3A_442 : vector<1x16xf32> to vector<16xf32>
    %swap3A_444 = vector.shape_cast %broadcast_in_dim3A_1 : vector<16xf32> to vector<1x16xf32>
    tpu.vector_store %arg8[%swap3A_440, %swap3A_441], %swap3A_444 {strides = array<i32>} : memref<128x128xf32, #tpu.memory_space<vmem>>, vector<1x16xf32>,
    %swap3A_445 = arith.constant 9 : i32
    %swap3A_446 = arith.index_cast %swap3A_445 : i32 to index
    %swap3A_447 = arith.constant 32 : index
    %swap3A_448 = tpu.vector_load %arg8[%swap3A_446, %swap3A_447] {strides = array<i32>} : memref<128x128xf32, #tpu.memory_space<vmem>>, vector<1x16xf32>,
    %swap3A_449 = vector.shape_cast %swap3A_448 : vector<1x16xf32> to vector<16xf32>
    %swap3A_450 = vector.shape_cast %broadcast_in_dim3A_1 : vector<16xf32> to vector<1x16xf32>
    tpu.vector_store %arg8[%swap3A_446, %swap3A_447], %swap3A_450 {strides = array<i32>} : memref<128x128xf32, #tpu.memory_space<vmem>>, vector<1x16xf32>,
    %swap3A_451 = arith.constant 9 : i32
    %swap3A_452 = arith.index_cast %swap3A_451 : i32 to index
    %swap3A_453 = arith.constant 48 : index
    %swap3A_454 = tpu.vector_load %arg8[%swap3A_452, %swap3A_453] {strides = array<i32>} : memref<128x128xf32, #tpu.memory_space<vmem>>, vector<1x16xf32>,
    %swap3A_455 = vector.shape_cast %swap3A_454 : vector<1x16xf32> to vector<16xf32>
    %swap3A_456 = vector.shape_cast %broadcast_in_dim3A_1 : vector<16xf32> to vector<1x16xf32>
    tpu.vector_store %arg8[%swap3A_452, %swap3A_453], %swap3A_456 {strides = array<i32>} : memref<128x128xf32, #tpu.memory_space<vmem>>, vector<1x16xf32>,
    %swap3A_457 = arith.constant 9 : i32
    %swap3A_458 = arith.index_cast %swap3A_457 : i32 to index
    %swap3A_459 = arith.constant 64 : index
    %swap3A_460 = tpu.vector_load %arg8[%swap3A_458, %swap3A_459] {strides = array<i32>} : memref<128x128xf32, #tpu.memory_space<vmem>>, vector<1x16xf32>,
    %swap3A_461 = vector.shape_cast %swap3A_460 : vector<1x16xf32> to vector<16xf32>
    %swap3A_462 = vector.shape_cast %broadcast_in_dim3A_1 : vector<16xf32> to vector<1x16xf32>
    tpu.vector_store %arg8[%swap3A_458, %swap3A_459], %swap3A_462 {strides = array<i32>} : memref<128x128xf32, #tpu.memory_space<vmem>>, vector<1x16xf32>,
    %swap3A_463 = arith.constant 9 : i32
    %swap3A_464 = arith.index_cast %swap3A_463 : i32 to index
    %swap3A_465 = arith.constant 80 : index
    %swap3A_466 = tpu.vector_load %arg8[%swap3A_464, %swap3A_465] {strides = array<i32>} : memref<128x128xf32, #tpu.memory_space<vmem>>, vector<1x16xf32>,
    %swap3A_467 = vector.shape_cast %swap3A_466 : vector<1x16xf32> to vector<16xf32>
    %swap3A_468 = vector.shape_cast %broadcast_in_dim3A_1 : vector<16xf32> to vector<1x16xf32>
    tpu.vector_store %arg8[%swap3A_464, %swap3A_465], %swap3A_468 {strides = array<i32>} : memref<128x128xf32, #tpu.memory_space<vmem>>, vector<1x16xf32>,
    %swap3A_469 = arith.constant 9 : i32
    %swap3A_470 = arith.index_cast %swap3A_469 : i32 to index
    %swap3A_471 = arith.constant 96 : index
    %swap3A_472 = tpu.vector_load %arg8[%swap3A_470, %swap3A_471] {strides = array<i32>} : memref<128x128xf32, #tpu.memory_space<vmem>>, vector<1x16xf32>,
    %swap3A_473 = vector.shape_cast %swap3A_472 : vector<1x16xf32> to vector<16xf32>
    %swap3A_474 = vector.shape_cast %broadcast_in_dim3A_1 : vector<16xf32> to vector<1x16xf32>
    tpu.vector_store %arg8[%swap3A_470, %swap3A_471], %swap3A_474 {strides = array<i32>} : memref<128x128xf32, #tpu.memory_space<vmem>>, vector<1x16xf32>,
    %swap3A_475 = arith.constant 9 : i32
    %swap3A_476 = arith.index_cast %swap3A_475 : i32 to index
    %swap3A_477 = arith.constant 112 : index
    %swap3A_478 = tpu.vector_load %arg8[%swap3A_476, %swap3A_477] {strides = array<i32>} : memref<128x128xf32, #tpu.memory_space<vmem>>, vector<1x16xf32>,
    %swap3A_479 = vector.shape_cast %swap3A_478 : vector<1x16xf32> to vector<16xf32>
    %swap3A_480 = vector.shape_cast %broadcast_in_dim3A_1 : vector<16xf32> to vector<1x16xf32>
    tpu.vector_store %arg8[%swap3A_476, %swap3A_477], %swap3A_480 {strides = array<i32>} : memref<128x128xf32, #tpu.memory_space<vmem>>, vector<1x16xf32>,
    %swap3A_481 = arith.constant 10 : i32
    %swap3A_482 = arith.index_cast %swap3A_481 : i32 to index
    %swap3A_483 = arith.constant 0 : index
    %swap3A_484 = tpu.vector_load %arg8[%swap3A_482, %swap3A_483] {strides = array<i32>} : memref<128x128xf32, #tpu.memory_space<vmem>>, vector<1x16xf32>,
    %swap3A_485 = vector.shape_cast %swap3A_484 : vector<1x16xf32> to vector<16xf32>
    %swap3A_486 = vector.shape_cast %broadcast_in_dim3A_1 : vector<16xf32> to vector<1x16xf32>
    tpu.vector_store %arg8[%swap3A_482, %swap3A_483], %swap3A_486 {strides = array<i32>} : memref<128x128xf32, #tpu.memory_space<vmem>>, vector<1x16xf32>,
    %swap3A_487 = arith.constant 10 : i32
    %swap3A_488 = arith.index_cast %swap3A_487 : i32 to index
    %swap3A_489 = arith.constant 16 : index
    %swap3A_490 = tpu.vector_load %arg8[%swap3A_488, %swap3A_489] {strides = array<i32>} : memref<128x128xf32, #tpu.memory_space<vmem>>, vector<1x16xf32>,
    %swap3A_491 = vector.shape_cast %swap3A_490 : vector<1x16xf32> to vector<16xf32>
    %swap3A_492 = vector.shape_cast %broadcast_in_dim3A_1 : vector<16xf32> to vector<1x16xf32>
    tpu.vector_store %arg8[%swap3A_488, %swap3A_489], %swap3A_492 {strides = array<i32>} : memref<128x128xf32, #tpu.memory_space<vmem>>, vector<1x16xf32>,
    %swap3A_493 = arith.constant 10 : i32
    %swap3A_494 = arith.index_cast %swap3A_493 : i32 to index
    %swap3A_495 = arith.constant 32 : index
    %swap3A_496 = tpu.vector_load %arg8[%swap3A_494, %swap3A_495] {strides = array<i32>} : memref<128x128xf32, #tpu.memory_space<vmem>>, vector<1x16xf32>,
    %swap3A_497 = vector.shape_cast %swap3A_496 : vector<1x16xf32> to vector<16xf32>
    %swap3A_498 = vector.shape_cast %broadcast_in_dim3A_1 : vector<16xf32> to vector<1x16xf32>
    tpu.vector_store %arg8[%swap3A_494, %swap3A_495], %swap3A_498 {strides = array<i32>} : memref<128x128xf32, #tpu.memory_space<vmem>>, vector<1x16xf32>,
    %swap3A_499 = arith.constant 10 : i32
    %swap3A_500 = arith.index_cast %swap3A_499 : i32 to index
    %swap3A_501 = arith.constant 48 : index
    %swap3A_502 = tpu.vector_load %arg8[%swap3A_500, %swap3A_501] {strides = array<i32>} : memref<128x128xf32, #tpu.memory_space<vmem>>, vector<1x16xf32>,
    %swap3A_503 = vector.shape_cast %swap3A_502 : vector<1x16xf32> to vector<16xf32>
    %swap3A_504 = vector.shape_cast %broadcast_in_dim3A_1 : vector<16xf32> to vector<1x16xf32>
    tpu.vector_store %arg8[%swap3A_500, %swap3A_501], %swap3A_504 {strides = array<i32>} : memref<128x128xf32, #tpu.memory_space<vmem>>, vector<1x16xf32>,
    %swap3A_505 = arith.constant 10 : i32
    %swap3A_506 = arith.index_cast %swap3A_505 : i32 to index
    %swap3A_507 = arith.constant 64 : index
    %swap3A_508 = tpu.vector_load %arg8[%swap3A_506, %swap3A_507] {strides = array<i32>} : memref<128x128xf32, #tpu.memory_space<vmem>>, vector<1x16xf32>,
    %swap3A_509 = vector.shape_cast %swap3A_508 : vector<1x16xf32> to vector<16xf32>
    %swap3A_510 = vector.shape_cast %broadcast_in_dim3A_1 : vector<16xf32> to vector<1x16xf32>
    tpu.vector_store %arg8[%swap3A_506, %swap3A_507], %swap3A_510 {strides = array<i32>} : memref<128x128xf32, #tpu.memory_space<vmem>>, vector<1x16xf32>,
    %swap3A_511 = arith.constant 10 : i32
    %swap3A_512 = arith.index_cast %swap3A_511 : i32 to index
    %swap3A_513 = arith.constant 80 : index
    %swap3A_514 = tpu.vector_load %arg8[%swap3A_512, %swap3A_513] {strides = array<i32>} : memref<128x128xf32, #tpu.memory_space<vmem>>, vector<1x16xf32>,
    %swap3A_515 = vector.shape_cast %swap3A_514 : vector<1x16xf32> to vector<16xf32>
    %swap3A_516 = vector.shape_cast %broadcast_in_dim3A_1 : vector<16xf32> to vector<1x16xf32>
    tpu.vector_store %arg8[%swap3A_512, %swap3A_513], %swap3A_516 {strides = array<i32>} : memref<128x128xf32, #tpu.memory_space<vmem>>, vector<1x16xf32>,
    %swap3A_517 = arith.constant 10 : i32
    %swap3A_518 = arith.index_cast %swap3A_517 : i32 to index
    %swap3A_519 = arith.constant 96 : index
    %swap3A_520 = tpu.vector_load %arg8[%swap3A_518, %swap3A_519] {strides = array<i32>} : memref<128x128xf32, #tpu.memory_space<vmem>>, vector<1x16xf32>,
    %swap3A_521 = vector.shape_cast %swap3A_520 : vector<1x16xf32> to vector<16xf32>
    %swap3A_522 = vector.shape_cast %broadcast_in_dim3A_1 : vector<16xf32> to vector<1x16xf32>
    tpu.vector_store %arg8[%swap3A_518, %swap3A_519], %swap3A_522 {strides = array<i32>} : memref<128x128xf32, #tpu.memory_space<vmem>>, vector<1x16xf32>,
    %swap3A_523 = arith.constant 10 : i32
    %swap3A_524 = arith.index_cast %swap3A_523 : i32 to index
    %swap3A_525 = arith.constant 112 : index
    %swap3A_526 = tpu.vector_load %arg8[%swap3A_524, %swap3A_525] {strides = array<i32>} : memref<128x128xf32, #tpu.memory_space<vmem>>, vector<1x16xf32>,
    %swap3A_527 = vector.shape_cast %swap3A_526 : vector<1x16xf32> to vector<16xf32>
    %swap3A_528 = vector.shape_cast %broadcast_in_dim3A_1 : vector<16xf32> to vector<1x16xf32>
    tpu.vector_store %arg8[%swap3A_524, %swap3A_525], %swap3A_528 {strides = array<i32>} : memref<128x128xf32, #tpu.memory_space<vmem>>, vector<1x16xf32>,
    %swap3A_529 = arith.constant 11 : i32
    %swap3A_530 = arith.index_cast %swap3A_529 : i32 to index
    %swap3A_531 = arith.constant 0 : index
    %swap3A_532 = tpu.vector_load %arg8[%swap3A_530, %swap3A_531] {strides = array<i32>} : memref<128x128xf32, #tpu.memory_space<vmem>>, vector<1x16xf32>,
    %swap3A_533 = vector.shape_cast %swap3A_532 : vector<1x16xf32> to vector<16xf32>
    %swap3A_534 = vector.shape_cast %broadcast_in_dim3A_1 : vector<16xf32> to vector<1x16xf32>
    tpu.vector_store %arg8[%swap3A_530, %swap3A_531], %swap3A_534 {strides = array<i32>} : memref<128x128xf32, #tpu.memory_space<vmem>>, vector<1x16xf32>,
    %swap3A_535 = arith.constant 11 : i32
    %swap3A_536 = arith.index_cast %swap3A_535 : i32 to index
    %swap3A_537 = arith.constant 16 : index
    %swap3A_538 = tpu.vector_load %arg8[%swap3A_536, %swap3A_537] {strides = array<i32>} : memref<128x128xf32, #tpu.memory_space<vmem>>, vector<1x16xf32>,
    %swap3A_539 = vector.shape_cast %swap3A_538 : vector<1x16xf32> to vector<16xf32>
    %swap3A_540 = vector.shape_cast %broadcast_in_dim3A_1 : vector<16xf32> to vector<1x16xf32>
    tpu.vector_store %arg8[%swap3A_536, %swap3A_537], %swap3A_540 {strides = array<i32>} : memref<128x128xf32, #tpu.memory_space<vmem>>, vector<1x16xf32>,
    %swap3A_541 = arith.constant 11 : i32
    %swap3A_542 = arith.index_cast %swap3A_541 : i32 to index
    %swap3A_543 = arith.constant 32 : index
    %swap3A_544 = tpu.vector_load %arg8[%swap3A_542, %swap3A_543] {strides = array<i32>} : memref<128x128xf32, #tpu.memory_space<vmem>>, vector<1x16xf32>,
    %swap3A_545 = vector.shape_cast %swap3A_544 : vector<1x16xf32> to vector<16xf32>
    %swap3A_546 = vector.shape_cast %broadcast_in_dim3A_1 : vector<16xf32> to vector<1x16xf32>
    tpu.vector_store %arg8[%swap3A_542, %swap3A_543], %swap3A_546 {strides = array<i32>} : memref<128x128xf32, #tpu.memory_space<vmem>>, vector<1x16xf32>,
    %swap3A_547 = arith.constant 11 : i32
    %swap3A_548 = arith.index_cast %swap3A_547 : i32 to index
    %swap3A_549 = arith.constant 48 : index
    %swap3A_550 = tpu.vector_load %arg8[%swap3A_548, %swap3A_549] {strides = array<i32>} : memref<128x128xf32, #tpu.memory_space<vmem>>, vector<1x16xf32>,
    %swap3A_551 = vector.shape_cast %swap3A_550 : vector<1x16xf32> to vector<16xf32>
    %swap3A_552 = vector.shape_cast %broadcast_in_dim3A_1 : vector<16xf32> to vector<1x16xf32>
    tpu.vector_store %arg8[%swap3A_548, %swap3A_549], %swap3A_552 {strides = array<i32>} : memref<128x128xf32, #tpu.memory_space<vmem>>, vector<1x16xf32>,
    %swap3A_553 = arith.constant 11 : i32
    %swap3A_554 = arith.index_cast %swap3A_553 : i32 to index
    %swap3A_555 = arith.constant 64 : index
    %swap3A_556 = tpu.vector_load %arg8[%swap3A_554, %swap3A_555] {strides = array<i32>} : memref<128x128xf32, #tpu.memory_space<vmem>>, vector<1x16xf32>,
    %swap3A_557 = vector.shape_cast %swap3A_556 : vector<1x16xf32> to vector<16xf32>
    %swap3A_558 = vector.shape_cast %broadcast_in_dim3A_1 : vector<16xf32> to vector<1x16xf32>
    tpu.vector_store %arg8[%swap3A_554, %swap3A_555], %swap3A_558 {strides = array<i32>} : memref<128x128xf32, #tpu.memory_space<vmem>>, vector<1x16xf32>,
    %swap3A_559 = arith.constant 11 : i32
    %swap3A_560 = arith.index_cast %swap3A_559 : i32 to index
    %swap3A_561 = arith.constant 80 : index
    %swap3A_562 = tpu.vector_load %arg8[%swap3A_560, %swap3A_561] {strides = array<i32>} : memref<128x128xf32, #tpu.memory_space<vmem>>, vector<1x16xf32>,
    %swap3A_563 = vector.shape_cast %swap3A_562 : vector<1x16xf32> to vector<16xf32>
    %swap3A_564 = vector.shape_cast %broadcast_in_dim3A_1 : vector<16xf32> to vector<1x16xf32>
    tpu.vector_store %arg8[%swap3A_560, %swap3A_561], %swap3A_564 {strides = array<i32>} : memref<128x128xf32, #tpu.memory_space<vmem>>, vector<1x16xf32>,
    %swap3A_565 = arith.constant 11 : i32
    %swap3A_566 = arith.index_cast %swap3A_565 : i32 to index
    %swap3A_567 = arith.constant 96 : index
    %swap3A_568 = tpu.vector_load %arg8[%swap3A_566, %swap3A_567] {strides = array<i32>} : memref<128x128xf32, #tpu.memory_space<vmem>>, vector<1x16xf32>,
    %swap3A_569 = vector.shape_cast %swap3A_568 : vector<1x16xf32> to vector<16xf32>
    %swap3A_570 = vector.shape_cast %broadcast_in_dim3A_1 : vector<16xf32> to vector<1x16xf32>
    tpu.vector_store %arg8[%swap3A_566, %swap3A_567], %swap3A_570 {strides = array<i32>} : memref<128x128xf32, #tpu.memory_space<vmem>>, vector<1x16xf32>,
    %swap3A_571 = arith.constant 11 : i32
    %swap3A_572 = arith.index_cast %swap3A_571 : i32 to index
    %swap3A_573 = arith.constant 112 : index
    %swap3A_574 = tpu.vector_load %arg8[%swap3A_572, %swap3A_573] {strides = array<i32>} : memref<128x128xf32, #tpu.memory_space<vmem>>, vector<1x16xf32>,
    %swap3A_575 = vector.shape_cast %swap3A_574 : vector<1x16xf32> to vector<16xf32>
    %swap3A_576 = vector.shape_cast %broadcast_in_dim3A_1 : vector<16xf32> to vector<1x16xf32>
    tpu.vector_store %arg8[%swap3A_572, %swap3A_573], %swap3A_576 {strides = array<i32>} : memref<128x128xf32, #tpu.memory_space<vmem>>, vector<1x16xf32>,
    %swap3A_577 = arith.constant 12 : i32
    %swap3A_578 = arith.index_cast %swap3A_577 : i32 to index
    %swap3A_579 = arith.constant 0 : index
    %swap3A_580 = tpu.vector_load %arg8[%swap3A_578, %swap3A_579] {strides = array<i32>} : memref<128x128xf32, #tpu.memory_space<vmem>>, vector<1x16xf32>,
    %swap3A_581 = vector.shape_cast %swap3A_580 : vector<1x16xf32> to vector<16xf32>
    %swap3A_582 = vector.shape_cast %broadcast_in_dim3A_1 : vector<16xf32> to vector<1x16xf32>
    tpu.vector_store %arg8[%swap3A_578, %swap3A_579], %swap3A_582 {strides = array<i32>} : memref<128x128xf32, #tpu.memory_space<vmem>>, vector<1x16xf32>,
    %swap3A_583 = arith.constant 12 : i32
    %swap3A_584 = arith.index_cast %swap3A_583 : i32 to index
    %swap3A_585 = arith.constant 16 : index
    %swap3A_586 = tpu.vector_load %arg8[%swap3A_584, %swap3A_585] {strides = array<i32>} : memref<128x128xf32, #tpu.memory_space<vmem>>, vector<1x16xf32>,
    %swap3A_587 = vector.shape_cast %swap3A_586 : vector<1x16xf32> to vector<16xf32>
    %swap3A_588 = vector.shape_cast %broadcast_in_dim3A_1 : vector<16xf32> to vector<1x16xf32>
    tpu.vector_store %arg8[%swap3A_584, %swap3A_585], %swap3A_588 {strides = array<i32>} : memref<128x128xf32, #tpu.memory_space<vmem>>, vector<1x16xf32>,
    %swap3A_589 = arith.constant 12 : i32
    %swap3A_590 = arith.index_cast %swap3A_589 : i32 to index
    %swap3A_591 = arith.constant 32 : index
    %swap3A_592 = tpu.vector_load %arg8[%swap3A_590, %swap3A_591] {strides = array<i32>} : memref<128x128xf32, #tpu.memory_space<vmem>>, vector<1x16xf32>,
    %swap3A_593 = vector.shape_cast %swap3A_592 : vector<1x16xf32> to vector<16xf32>
    %swap3A_594 = vector.shape_cast %broadcast_in_dim3A_1 : vector<16xf32> to vector<1x16xf32>
    tpu.vector_store %arg8[%swap3A_590, %swap3A_591], %swap3A_594 {strides = array<i32>} : memref<128x128xf32, #tpu.memory_space<vmem>>, vector<1x16xf32>,
    %swap3A_595 = arith.constant 12 : i32
    %swap3A_596 = arith.index_cast %swap3A_595 : i32 to index
    %swap3A_597 = arith.constant 48 : index
    %swap3A_598 = tpu.vector_load %arg8[%swap3A_596, %swap3A_597] {strides = array<i32>} : memref<128x128xf32, #tpu.memory_space<vmem>>, vector<1x16xf32>,
    %swap3A_599 = vector.shape_cast %swap3A_598 : vector<1x16xf32> to vector<16xf32>
    %swap3A_600 = vector.shape_cast %broadcast_in_dim3A_1 : vector<16xf32> to vector<1x16xf32>
    tpu.vector_store %arg8[%swap3A_596, %swap3A_597], %swap3A_600 {strides = array<i32>} : memref<128x128xf32, #tpu.memory_space<vmem>>, vector<1x16xf32>,
    %swap3A_601 = arith.constant 12 : i32
    %swap3A_602 = arith.index_cast %swap3A_601 : i32 to index
    %swap3A_603 = arith.constant 64 : index
    %swap3A_604 = tpu.vector_load %arg8[%swap3A_602, %swap3A_603] {strides = array<i32>} : memref<128x128xf32, #tpu.memory_space<vmem>>, vector<1x16xf32>,
    %swap3A_605 = vector.shape_cast %swap3A_604 : vector<1x16xf32> to vector<16xf32>
    %swap3A_606 = vector.shape_cast %broadcast_in_dim3A_1 : vector<16xf32> to vector<1x16xf32>
    tpu.vector_store %arg8[%swap3A_602, %swap3A_603], %swap3A_606 {strides = array<i32>} : memref<128x128xf32, #tpu.memory_space<vmem>>, vector<1x16xf32>,
    %swap3A_607 = arith.constant 12 : i32
    %swap3A_608 = arith.index_cast %swap3A_607 : i32 to index
    %swap3A_609 = arith.constant 80 : index
    %swap3A_610 = tpu.vector_load %arg8[%swap3A_608, %swap3A_609] {strides = array<i32>} : memref<128x128xf32, #tpu.memory_space<vmem>>, vector<1x16xf32>,
    %swap3A_611 = vector.shape_cast %swap3A_610 : vector<1x16xf32> to vector<16xf32>
    %swap3A_612 = vector.shape_cast %broadcast_in_dim3A_1 : vector<16xf32> to vector<1x16xf32>
    tpu.vector_store %arg8[%swap3A_608, %swap3A_609], %swap3A_612 {strides = array<i32>} : memref<128x128xf32, #tpu.memory_space<vmem>>, vector<1x16xf32>,
    %swap3A_613 = arith.constant 12 : i32
    %swap3A_614 = arith.index_cast %swap3A_613 : i32 to index
    %swap3A_615 = arith.constant 96 : index
    %swap3A_616 = tpu.vector_load %arg8[%swap3A_614, %swap3A_615] {strides = array<i32>} : memref<128x128xf32, #tpu.memory_space<vmem>>, vector<1x16xf32>,
    %swap3A_617 = vector.shape_cast %swap3A_616 : vector<1x16xf32> to vector<16xf32>
    %swap3A_618 = vector.shape_cast %broadcast_in_dim3A_1 : vector<16xf32> to vector<1x16xf32>
    tpu.vector_store %arg8[%swap3A_614, %swap3A_615], %swap3A_618 {strides = array<i32>} : memref<128x128xf32, #tpu.memory_space<vmem>>, vector<1x16xf32>,
    %swap3A_619 = arith.constant 12 : i32
    %swap3A_620 = arith.index_cast %swap3A_619 : i32 to index
    %swap3A_621 = arith.constant 112 : index
    %swap3A_622 = tpu.vector_load %arg8[%swap3A_620, %swap3A_621] {strides = array<i32>} : memref<128x128xf32, #tpu.memory_space<vmem>>, vector<1x16xf32>,
    %swap3A_623 = vector.shape_cast %swap3A_622 : vector<1x16xf32> to vector<16xf32>
    %swap3A_624 = vector.shape_cast %broadcast_in_dim3A_1 : vector<16xf32> to vector<1x16xf32>
    tpu.vector_store %arg8[%swap3A_620, %swap3A_621], %swap3A_624 {strides = array<i32>} : memref<128x128xf32, #tpu.memory_space<vmem>>, vector<1x16xf32>,
    %swap3A_625 = arith.constant 13 : i32
    %swap3A_626 = arith.index_cast %swap3A_625 : i32 to index
    %swap3A_627 = arith.constant 0 : index
    %swap3A_628 = tpu.vector_load %arg8[%swap3A_626, %swap3A_627] {strides = array<i32>} : memref<128x128xf32, #tpu.memory_space<vmem>>, vector<1x16xf32>,
    %swap3A_629 = vector.shape_cast %swap3A_628 : vector<1x16xf32> to vector<16xf32>
    %swap3A_630 = vector.shape_cast %broadcast_in_dim3A_1 : vector<16xf32> to vector<1x16xf32>
    tpu.vector_store %arg8[%swap3A_626, %swap3A_627], %swap3A_630 {strides = array<i32>} : memref<128x128xf32, #tpu.memory_space<vmem>>, vector<1x16xf32>,
    %swap3A_631 = arith.constant 13 : i32
    %swap3A_632 = arith.index_cast %swap3A_631 : i32 to index
    %swap3A_633 = arith.constant 16 : index
    %swap3A_634 = tpu.vector_load %arg8[%swap3A_632, %swap3A_633] {strides = array<i32>} : memref<128x128xf32, #tpu.memory_space<vmem>>, vector<1x16xf32>,
    %swap3A_635 = vector.shape_cast %swap3A_634 : vector<1x16xf32> to vector<16xf32>
    %swap3A_636 = vector.shape_cast %broadcast_in_dim3A_1 : vector<16xf32> to vector<1x16xf32>
    tpu.vector_store %arg8[%swap3A_632, %swap3A_633], %swap3A_636 {strides = array<i32>} : memref<128x128xf32, #tpu.memory_space<vmem>>, vector<1x16xf32>,
    %swap3A_637 = arith.constant 13 : i32
    %swap3A_638 = arith.index_cast %swap3A_637 : i32 to index
    %swap3A_639 = arith.constant 32 : index
    %swap3A_640 = tpu.vector_load %arg8[%swap3A_638, %swap3A_639] {strides = array<i32>} : memref<128x128xf32, #tpu.memory_space<vmem>>, vector<1x16xf32>,
    %swap3A_641 = vector.shape_cast %swap3A_640 : vector<1x16xf32> to vector<16xf32>
    %swap3A_642 = vector.shape_cast %broadcast_in_dim3A_1 : vector<16xf32> to vector<1x16xf32>
    tpu.vector_store %arg8[%swap3A_638, %swap3A_639], %swap3A_642 {strides = array<i32>} : memref<128x128xf32, #tpu.memory_space<vmem>>, vector<1x16xf32>,
    %swap3A_643 = arith.constant 13 : i32
    %swap3A_644 = arith.index_cast %swap3A_643 : i32 to index
    %swap3A_645 = arith.constant 48 : index
    %swap3A_646 = tpu.vector_load %arg8[%swap3A_644, %swap3A_645] {strides = array<i32>} : memref<128x128xf32, #tpu.memory_space<vmem>>, vector<1x16xf32>,
    %swap3A_647 = vector.shape_cast %swap3A_646 : vector<1x16xf32> to vector<16xf32>
    %swap3A_648 = vector.shape_cast %broadcast_in_dim3A_1 : vector<16xf32> to vector<1x16xf32>
    tpu.vector_store %arg8[%swap3A_644, %swap3A_645], %swap3A_648 {strides = array<i32>} : memref<128x128xf32, #tpu.memory_space<vmem>>, vector<1x16xf32>,
    %swap3A_649 = arith.constant 13 : i32
    %swap3A_650 = arith.index_cast %swap3A_649 : i32 to index
    %swap3A_651 = arith.constant 64 : index
    %swap3A_652 = tpu.vector_load %arg8[%swap3A_650, %swap3A_651] {strides = array<i32>} : memref<128x128xf32, #tpu.memory_space<vmem>>, vector<1x16xf32>,
    %swap3A_653 = vector.shape_cast %swap3A_652 : vector<1x16xf32> to vector<16xf32>
    %swap3A_654 = vector.shape_cast %broadcast_in_dim3A_1 : vector<16xf32> to vector<1x16xf32>
    tpu.vector_store %arg8[%swap3A_650, %swap3A_651], %swap3A_654 {strides = array<i32>} : memref<128x128xf32, #tpu.memory_space<vmem>>, vector<1x16xf32>,
    %swap3A_655 = arith.constant 13 : i32
    %swap3A_656 = arith.index_cast %swap3A_655 : i32 to index
    %swap3A_657 = arith.constant 80 : index
    %swap3A_658 = tpu.vector_load %arg8[%swap3A_656, %swap3A_657] {strides = array<i32>} : memref<128x128xf32, #tpu.memory_space<vmem>>, vector<1x16xf32>,
    %swap3A_659 = vector.shape_cast %swap3A_658 : vector<1x16xf32> to vector<16xf32>
    %swap3A_660 = vector.shape_cast %broadcast_in_dim3A_1 : vector<16xf32> to vector<1x16xf32>
    tpu.vector_store %arg8[%swap3A_656, %swap3A_657], %swap3A_660 {strides = array<i32>} : memref<128x128xf32, #tpu.memory_space<vmem>>, vector<1x16xf32>,
    %swap3A_661 = arith.constant 13 : i32
    %swap3A_662 = arith.index_cast %swap3A_661 : i32 to index
    %swap3A_663 = arith.constant 96 : index
    %swap3A_664 = tpu.vector_load %arg8[%swap3A_662, %swap3A_663] {strides = array<i32>} : memref<128x128xf32, #tpu.memory_space<vmem>>, vector<1x16xf32>,
    %swap3A_665 = vector.shape_cast %swap3A_664 : vector<1x16xf32> to vector<16xf32>
    %swap3A_666 = vector.shape_cast %broadcast_in_dim3A_1 : vector<16xf32> to vector<1x16xf32>
    tpu.vector_store %arg8[%swap3A_662, %swap3A_663], %swap3A_666 {strides = array<i32>} : memref<128x128xf32, #tpu.memory_space<vmem>>, vector<1x16xf32>,
    %swap3A_667 = arith.constant 13 : i32
    %swap3A_668 = arith.index_cast %swap3A_667 : i32 to index
    %swap3A_669 = arith.constant 112 : index
    %swap3A_670 = tpu.vector_load %arg8[%swap3A_668, %swap3A_669] {strides = array<i32>} : memref<128x128xf32, #tpu.memory_space<vmem>>, vector<1x16xf32>,
    %swap3A_671 = vector.shape_cast %swap3A_670 : vector<1x16xf32> to vector<16xf32>
    %swap3A_672 = vector.shape_cast %broadcast_in_dim3A_1 : vector<16xf32> to vector<1x16xf32>
    tpu.vector_store %arg8[%swap3A_668, %swap3A_669], %swap3A_672 {strides = array<i32>} : memref<128x128xf32, #tpu.memory_space<vmem>>, vector<1x16xf32>,
    %swap3A_673 = arith.constant 14 : i32
    %swap3A_674 = arith.index_cast %swap3A_673 : i32 to index
    %swap3A_675 = arith.constant 0 : index
    %swap3A_676 = tpu.vector_load %arg8[%swap3A_674, %swap3A_675] {strides = array<i32>} : memref<128x128xf32, #tpu.memory_space<vmem>>, vector<1x16xf32>,
    %swap3A_677 = vector.shape_cast %swap3A_676 : vector<1x16xf32> to vector<16xf32>
    %swap3A_678 = vector.shape_cast %broadcast_in_dim3A_1 : vector<16xf32> to vector<1x16xf32>
    tpu.vector_store %arg8[%swap3A_674, %swap3A_675], %swap3A_678 {strides = array<i32>} : memref<128x128xf32, #tpu.memory_space<vmem>>, vector<1x16xf32>,
    %swap3A_679 = arith.constant 14 : i32
    %swap3A_680 = arith.index_cast %swap3A_679 : i32 to index
    %swap3A_681 = arith.constant 16 : index
    %swap3A_682 = tpu.vector_load %arg8[%swap3A_680, %swap3A_681] {strides = array<i32>} : memref<128x128xf32, #tpu.memory_space<vmem>>, vector<1x16xf32>,
    %swap3A_683 = vector.shape_cast %swap3A_682 : vector<1x16xf32> to vector<16xf32>
    %swap3A_684 = vector.shape_cast %broadcast_in_dim3A_1 : vector<16xf32> to vector<1x16xf32>
    tpu.vector_store %arg8[%swap3A_680, %swap3A_681], %swap3A_684 {strides = array<i32>} : memref<128x128xf32, #tpu.memory_space<vmem>>, vector<1x16xf32>,
    %swap3A_685 = arith.constant 14 : i32
    %swap3A_686 = arith.index_cast %swap3A_685 : i32 to index
    %swap3A_687 = arith.constant 32 : index
    %swap3A_688 = tpu.vector_load %arg8[%swap3A_686, %swap3A_687] {strides = array<i32>} : memref<128x128xf32, #tpu.memory_space<vmem>>, vector<1x16xf32>,
    %swap3A_689 = vector.shape_cast %swap3A_688 : vector<1x16xf32> to vector<16xf32>
    %swap3A_690 = vector.shape_cast %broadcast_in_dim3A_1 : vector<16xf32> to vector<1x16xf32>
    tpu.vector_store %arg8[%swap3A_686, %swap3A_687], %swap3A_690 {strides = array<i32>} : memref<128x128xf32, #tpu.memory_space<vmem>>, vector<1x16xf32>,
    %swap3A_691 = arith.constant 14 : i32
    %swap3A_692 = arith.index_cast %swap3A_691 : i32 to index
    %swap3A_693 = arith.constant 48 : index
    %swap3A_694 = tpu.vector_load %arg8[%swap3A_692, %swap3A_693] {strides = array<i32>} : memref<128x128xf32, #tpu.memory_space<vmem>>, vector<1x16xf32>,
    %swap3A_695 = vector.shape_cast %swap3A_694 : vector<1x16xf32> to vector<16xf32>
    %swap3A_696 = vector.shape_cast %broadcast_in_dim3A_1 : vector<16xf32> to vector<1x16xf32>
    tpu.vector_store %arg8[%swap3A_692, %swap3A_693], %swap3A_696 {strides = array<i32>} : memref<128x128xf32, #tpu.memory_space<vmem>>, vector<1x16xf32>,
    %swap3A_697 = arith.constant 14 : i32
    %swap3A_698 = arith.index_cast %swap3A_697 : i32 to index
    %swap3A_699 = arith.constant 64 : index
    %swap3A_700 = tpu.vector_load %arg8[%swap3A_698, %swap3A_699] {strides = array<i32>} : memref<128x128xf32, #tpu.memory_space<vmem>>, vector<1x16xf32>,
    %swap3A_701 = vector.shape_cast %swap3A_700 : vector<1x16xf32> to vector<16xf32>
    %swap3A_702 = vector.shape_cast %broadcast_in_dim3A_1 : vector<16xf32> to vector<1x16xf32>
    tpu.vector_store %arg8[%swap3A_698, %swap3A_699], %swap3A_702 {strides = array<i32>} : memref<128x128xf32, #tpu.memory_space<vmem>>, vector<1x16xf32>,
    %swap3A_703 = arith.constant 14 : i32
    %swap3A_704 = arith.index_cast %swap3A_703 : i32 to index
    %swap3A_705 = arith.constant 80 : index
    %swap3A_706 = tpu.vector_load %arg8[%swap3A_704, %swap3A_705] {strides = array<i32>} : memref<128x128xf32, #tpu.memory_space<vmem>>, vector<1x16xf32>,
    %swap3A_707 = vector.shape_cast %swap3A_706 : vector<1x16xf32> to vector<16xf32>
    %swap3A_708 = vector.shape_cast %broadcast_in_dim3A_1 : vector<16xf32> to vector<1x16xf32>
    tpu.vector_store %arg8[%swap3A_704, %swap3A_705], %swap3A_708 {strides = array<i32>} : memref<128x128xf32, #tpu.memory_space<vmem>>, vector<1x16xf32>,
    %swap3A_709 = arith.constant 14 : i32
    %swap3A_710 = arith.index_cast %swap3A_709 : i32 to index
    %swap3A_711 = arith.constant 96 : index
    %swap3A_712 = tpu.vector_load %arg8[%swap3A_710, %swap3A_711] {strides = array<i32>} : memref<128x128xf32, #tpu.memory_space<vmem>>, vector<1x16xf32>,
    %swap3A_713 = vector.shape_cast %swap3A_712 : vector<1x16xf32> to vector<16xf32>
    %swap3A_714 = vector.shape_cast %broadcast_in_dim3A_1 : vector<16xf32> to vector<1x16xf32>
    tpu.vector_store %arg8[%swap3A_710, %swap3A_711], %swap3A_714 {strides = array<i32>} : memref<128x128xf32, #tpu.memory_space<vmem>>, vector<1x16xf32>,
    %swap3A_715 = arith.constant 14 : i32
    %swap3A_716 = arith.index_cast %swap3A_715 : i32 to index
    %swap3A_717 = arith.constant 112 : index
    %swap3A_718 = tpu.vector_load %arg8[%swap3A_716, %swap3A_717] {strides = array<i32>} : memref<128x128xf32, #tpu.memory_space<vmem>>, vector<1x16xf32>,
    %swap3A_719 = vector.shape_cast %swap3A_718 : vector<1x16xf32> to vector<16xf32>
    %swap3A_720 = vector.shape_cast %broadcast_in_dim3A_1 : vector<16xf32> to vector<1x16xf32>
    tpu.vector_store %arg8[%swap3A_716, %swap3A_717], %swap3A_720 {strides = array<i32>} : memref<128x128xf32, #tpu.memory_space<vmem>>, vector<1x16xf32>,
    %swap3A_721 = arith.constant 15 : i32
    %swap3A_722 = arith.index_cast %swap3A_721 : i32 to index
    %swap3A_723 = arith.constant 0 : index
    %swap3A_724 = tpu.vector_load %arg8[%swap3A_722, %swap3A_723] {strides = array<i32>} : memref<128x128xf32, #tpu.memory_space<vmem>>, vector<1x16xf32>,
    %swap3A_725 = vector.shape_cast %swap3A_724 : vector<1x16xf32> to vector<16xf32>
    %swap3A_726 = vector.shape_cast %broadcast_in_dim3A_1 : vector<16xf32> to vector<1x16xf32>
    tpu.vector_store %arg8[%swap3A_722, %swap3A_723], %swap3A_726 {strides = array<i32>} : memref<128x128xf32, #tpu.memory_space<vmem>>, vector<1x16xf32>,
    %swap3A_727 = arith.constant 15 : i32
    %swap3A_728 = arith.index_cast %swap3A_727 : i32 to index
    %swap3A_729 = arith.constant 16 : index
    %swap3A_730 = tpu.vector_load %arg8[%swap3A_728, %swap3A_729] {strides = array<i32>} : memref<128x128xf32, #tpu.memory_space<vmem>>, vector<1x16xf32>,
    %swap3A_731 = vector.shape_cast %swap3A_730 : vector<1x16xf32> to vector<16xf32>
    %swap3A_732 = vector.shape_cast %broadcast_in_dim3A_1 : vector<16xf32> to vector<1x16xf32>
    tpu.vector_store %arg8[%swap3A_728, %swap3A_729], %swap3A_732 {strides = array<i32>} : memref<128x128xf32, #tpu.memory_space<vmem>>, vector<1x16xf32>,
    %swap3A_733 = arith.constant 15 : i32
    %swap3A_734 = arith.index_cast %swap3A_733 : i32 to index
    %swap3A_735 = arith.constant 32 : index
    %swap3A_736 = tpu.vector_load %arg8[%swap3A_734, %swap3A_735] {strides = array<i32>} : memref<128x128xf32, #tpu.memory_space<vmem>>, vector<1x16xf32>,
    %swap3A_737 = vector.shape_cast %swap3A_736 : vector<1x16xf32> to vector<16xf32>
    %swap3A_738 = vector.shape_cast %broadcast_in_dim3A_1 : vector<16xf32> to vector<1x16xf32>
    tpu.vector_store %arg8[%swap3A_734, %swap3A_735], %swap3A_738 {strides = array<i32>} : memref<128x128xf32, #tpu.memory_space<vmem>>, vector<1x16xf32>,
    %swap3A_739 = arith.constant 15 : i32
    %swap3A_740 = arith.index_cast %swap3A_739 : i32 to index
    %swap3A_741 = arith.constant 48 : index
    %swap3A_742 = tpu.vector_load %arg8[%swap3A_740, %swap3A_741] {strides = array<i32>} : memref<128x128xf32, #tpu.memory_space<vmem>>, vector<1x16xf32>,
    %swap3A_743 = vector.shape_cast %swap3A_742 : vector<1x16xf32> to vector<16xf32>
    %swap3A_744 = vector.shape_cast %broadcast_in_dim3A_1 : vector<16xf32> to vector<1x16xf32>
    tpu.vector_store %arg8[%swap3A_740, %swap3A_741], %swap3A_744 {strides = array<i32>} : memref<128x128xf32, #tpu.memory_space<vmem>>, vector<1x16xf32>,
    %swap3A_745 = arith.constant 15 : i32
    %swap3A_746 = arith.index_cast %swap3A_745 : i32 to index
    %swap3A_747 = arith.constant 64 : index
    %swap3A_748 = tpu.vector_load %arg8[%swap3A_746, %swap3A_747] {strides = array<i32>} : memref<128x128xf32, #tpu.memory_space<vmem>>, vector<1x16xf32>,
    %swap3A_749 = vector.shape_cast %swap3A_748 : vector<1x16xf32> to vector<16xf32>
    %swap3A_750 = vector.shape_cast %broadcast_in_dim3A_1 : vector<16xf32> to vector<1x16xf32>
    tpu.vector_store %arg8[%swap3A_746, %swap3A_747], %swap3A_750 {strides = array<i32>} : memref<128x128xf32, #tpu.memory_space<vmem>>, vector<1x16xf32>,
    %swap3A_751 = arith.constant 15 : i32
    %swap3A_752 = arith.index_cast %swap3A_751 : i32 to index
    %swap3A_753 = arith.constant 80 : index
    %swap3A_754 = tpu.vector_load %arg8[%swap3A_752, %swap3A_753] {strides = array<i32>} : memref<128x128xf32, #tpu.memory_space<vmem>>, vector<1x16xf32>,
    %swap3A_755 = vector.shape_cast %swap3A_754 : vector<1x16xf32> to vector<16xf32>
    %swap3A_756 = vector.shape_cast %broadcast_in_dim3A_1 : vector<16xf32> to vector<1x16xf32>
    tpu.vector_store %arg8[%swap3A_752, %swap3A_753], %swap3A_756 {strides = array<i32>} : memref<128x128xf32, #tpu.memory_space<vmem>>, vector<1x16xf32>,
    %swap3A_757 = arith.constant 15 : i32
    %swap3A_758 = arith.index_cast %swap3A_757 : i32 to index
    %swap3A_759 = arith.constant 96 : index
    %swap3A_760 = tpu.vector_load %arg8[%swap3A_758, %swap3A_759] {strides = array<i32>} : memref<128x128xf32, #tpu.memory_space<vmem>>, vector<1x16xf32>,
    %swap3A_761 = vector.shape_cast %swap3A_760 : vector<1x16xf32> to vector<16xf32>
    %swap3A_762 = vector.shape_cast %broadcast_in_dim3A_1 : vector<16xf32> to vector<1x16xf32>
    tpu.vector_store %arg8[%swap3A_758, %swap3A_759], %swap3A_762 {strides = array<i32>} : memref<128x128xf32, #tpu.memory_space<vmem>>, vector<1x16xf32>,
    %swap3A_763 = arith.constant 15 : i32
    %swap3A_764 = arith.index_cast %swap3A_763 : i32 to index
    %swap3A_765 = arith.constant 112 : index
    %swap3A_766 = tpu.vector_load %arg8[%swap3A_764, %swap3A_765] {strides = array<i32>} : memref<128x128xf32, #tpu.memory_space<vmem>>, vector<1x16xf32>,
    %swap3A_767 = vector.shape_cast %swap3A_766 : vector<1x16xf32> to vector<16xf32>
    %swap3A_768 = vector.shape_cast %broadcast_in_dim3A_1 : vector<16xf32> to vector<1x16xf32>
    tpu.vector_store %arg8[%swap3A_764, %swap3A_765], %swap3A_768 {strides = array<i32>} : memref<128x128xf32, #tpu.memory_space<vmem>>, vector<1x16xf32>,
    %scan3A = arith.constant 0 : i32
    %scan3A_769 = arith.constant 40 : i32
    %scan3A_770 = arith.addi %scan3A, %scan3A_769 : i32
    %scan3A_771 = arith.constant 1 : i32
    scf.for %scan3A_784 = %scan3A to %scan3A_770 step %scan3A_771  : i32 {
      %mul3A_785 = arith.constant 1 : i32
      %mul3A_786 = arith.muli %scan3A_784, %mul3A_785 : i32
      %add3A_787 = arith.constant 0 : i32
      %add3A_788 = arith.addi %add3A_787, %mul3A_786 : i32
      %mul3A_789 = arith.constant 640 : i32
      %mul3A_790 = arith.muli %arg1, %mul3A_789 : i32
      %mul3A_791 = arith.constant 16 : i32
      %mul3A_792 = arith.muli %add3A_788, %mul3A_791 : i32
      %add3A_793 = arith.addi %mul3A_790, %mul3A_792 : i32
      "tpu.region"() ({
        %run_scoped3A = tpu.sem_alloc : memref<!tpu.dma_semaphore, #tpu.memory_space<semaphore_mem>>
        %dma_start3A = arith.constant 0 : i32
        %dma_start3A_794 = arith.constant 0 : i32
        %dma_start3A_795 = tpu.memref_slice %arg8[%dma_start3A, %dma_start3A_794] : memref<128x128xf32, #tpu.memory_space<vmem>> -> memref<16x128xf32, #tpu.memory_space<vmem>>
        %dma_start3A_796 = arith.constant 0 : i32
        %dma_start3A_797 = tpu.memref_slice %arg10[%add3A_793, %dma_start3A_796] : memref<10240x128xf32, #tpu.memory_space<vmem_shared>> -> memref<16x128xf32, #tpu.memory_space<vmem_shared>>
        %dma_start3A_798 = arith.constant 0 : i32
        %dma_start3A_799 = tpu.memref_slice %arg10[%add3A_793, %dma_start3A_798] : memref<10240x128xf32, #tpu.memory_space<vmem_shared>> -> memref<16x128xf32, #tpu.memory_space<vmem_shared>>
        %dma_start3A_800 = arith.constant 0 : i32
        %dma_start3A_801 = arith.constant 0 : i32
        %dma_start3A_802 = tpu.memref_slice %arg8[%dma_start3A_800, %dma_start3A_801] : memref<128x128xf32, #tpu.memory_space<vmem>> -> memref<16x128xf32, #tpu.memory_space<vmem>>
        tpu.enqueue_dma source(%dma_start3A_802 : memref<16x128xf32, #tpu.memory_space<vmem>>) target(%dma_start3A_799 : memref<16x128xf32, #tpu.memory_space<vmem_shared>>) target_semaphore(%run_scoped3A : memref<!tpu.dma_semaphore, #tpu.memory_space<semaphore_mem>>)
        %dma_wait3A = arith.constant 0 : i32
        %dma_wait3A_803 = arith.constant 0 : i32
        %dma_wait3A_804 = tpu.memref_slice %arg8[%dma_wait3A, %dma_wait3A_803] : memref<128x128xf32, #tpu.memory_space<vmem>> -> memref<16x128xf32, #tpu.memory_space<vmem>>
        %dma_wait3A_805 = arith.constant 0 : i32
        %dma_wait3A_806 = tpu.memref_slice %arg10[%add3A_793, %dma_wait3A_805] : memref<10240x128xf32, #tpu.memory_space<vmem_shared>> -> memref<16x128xf32, #tpu.memory_space<vmem_shared>>
        %dma_wait3A_807 = arith.constant 0 : i32
        %dma_wait3A_808 = tpu.memref_slice %arg10[%add3A_793, %dma_wait3A_807] : memref<10240x128xf32, #tpu.memory_space<vmem_shared>> -> memref<16x128xf32, #tpu.memory_space<vmem_shared>>
        %dma_wait3A_809 = arith.constant 0 : i32
        %dma_wait3A_810 = arith.constant 0 : i32
        %dma_wait3A_811 = tpu.memref_slice %arg8[%dma_wait3A_809, %dma_wait3A_810] : memref<128x128xf32, #tpu.memory_space<vmem>> -> memref<16x128xf32, #tpu.memory_space<vmem>>
        tpu.wait_dma2 semaphore(%run_scoped3A : memref<!tpu.dma_semaphore, #tpu.memory_space<semaphore_mem>>) src(%dma_wait3A_811 : memref<16x128xf32, #tpu.memory_space<vmem>>) dst(%dma_wait3A_808 : memref<16x128xf32, #tpu.memory_space<vmem_shared>>)
        tpu.yield
      }) : () -> ()
    }
    %scan3A_772 = arith.constant 40 : i32
    %barrier3A = arith.constant 0 : index
    tpu.barrier barrier_id(%barrier3A)
    %scan3A_773 = arith.constant 0 : i32
    %scan3A_774 = arith.constant 10 : i32
    %scan3A_775 = arith.addi %scan3A_773, %scan3A_774 : i32
    %scan3A_776 = arith.constant 1 : i32
    scf.for %scan3A_784 = %scan3A_773 to %scan3A_775 step %scan3A_776  : i32 {
      %mul3A_785 = arith.constant 1 : i32
      %mul3A_786 = arith.muli %scan3A_784, %mul3A_785 : i32
      %add3A_787 = arith.constant 0 : i32
      %add3A_788 = arith.addi %add3A_787, %mul3A_786 : i32
      %mul3A_789 = arith.constant 8 : i32
      %mul3A_790 = arith.muli %add3A_788, %mul3A_789 : i32
      "tpu.region"() ({
        %run_scoped3A_910 = tpu.sem_alloc : memref<!tpu.dma_semaphore, #tpu.memory_space<semaphore_mem>>
        %dma_start3A_911 = arith.constant 0 : i32
        %dma_start3A_912 = tpu.memref_slice %arg3[%add3A, %mul3A_790, %dma_start3A_911] : memref<32x80x128xi32, #tpu.memory_space<hbm>> -> memref<1x8x128xi32, #tpu.memory_space<hbm>>
        %dma_start3A_913 = tpu.memref_squeeze %dma_start3A_912 : memref<1x8x128xi32, #tpu.memory_space<hbm>> -> memref<8x128xi32, #tpu.memory_space<hbm>>
        %dma_start3A_914 = arith.constant 0 : i32
        %dma_start3A_915 = tpu.memref_slice %arg3[%add3A, %mul3A_790, %dma_start3A_914] : memref<32x80x128xi32, #tpu.memory_space<hbm>> -> memref<1x8x128xi32, #tpu.memory_space<hbm>>
        %dma_start3A_916 = tpu.memref_squeeze %dma_start3A_915 : memref<1x8x128xi32, #tpu.memory_space<hbm>> -> memref<8x128xi32, #tpu.memory_space<hbm>>
        tpu.enqueue_dma source(%dma_start3A_916 : memref<8x128xi32, #tpu.memory_space<hbm>>) target(%arg6 : memref<8x128xi32, #tpu.memory_space<vmem>>) target_semaphore(%run_scoped3A_910 : memref<!tpu.dma_semaphore, #tpu.memory_space<semaphore_mem>>)
        %dma_wait3A_917 = arith.constant 0 : i32
        %dma_wait3A_918 = tpu.memref_slice %arg3[%add3A, %mul3A_790, %dma_wait3A_917] : memref<32x80x128xi32, #tpu.memory_space<hbm>> -> memref<1x8x128xi32, #tpu.memory_space<hbm>>
        %dma_wait3A_919 = tpu.memref_squeeze %dma_wait3A_918 : memref<1x8x128xi32, #tpu.memory_space<hbm>> -> memref<8x128xi32, #tpu.memory_space<hbm>>
        %dma_wait3A_920 = arith.constant 0 : i32
        %dma_wait3A_921 = tpu.memref_slice %arg3[%add3A, %mul3A_790, %dma_wait3A_920] : memref<32x80x128xi32, #tpu.memory_space<hbm>> -> memref<1x8x128xi32, #tpu.memory_space<hbm>>
        %dma_wait3A_922 = tpu.memref_squeeze %dma_wait3A_921 : memref<1x8x128xi32, #tpu.memory_space<hbm>> -> memref<8x128xi32, #tpu.memory_space<hbm>>
        tpu.wait_dma2 semaphore(%run_scoped3A_910 : memref<!tpu.dma_semaphore, #tpu.memory_space<semaphore_mem>>) src(%dma_wait3A_922 : memref<8x128xi32, #tpu.memory_space<hbm>>) dst(%arg6 : memref<8x128xi32, #tpu.memory_space<vmem>>)
        tpu.yield
      }) : () -> ()
      %mul3A_791 = arith.constant 8 : i32
      %mul3A_792 = arith.muli %add3A_788, %mul3A_791 : i32
      "tpu.region"() ({
        %run_scoped3A_910 = tpu.sem_alloc : memref<!tpu.dma_semaphore, #tpu.memory_space<semaphore_mem>>
        %dma_start3A_911 = arith.constant 0 : i32
        %dma_start3A_912 = tpu.memref_slice %arg4[%add3A, %mul3A_792, %dma_start3A_911] : memref<32x80x128xi32, #tpu.memory_space<hbm>> -> memref<1x8x128xi32, #tpu.memory_space<hbm>>
        %dma_start3A_913 = tpu.memref_squeeze %dma_start3A_912 : memref<1x8x128xi32, #tpu.memory_space<hbm>> -> memref<8x128xi32, #tpu.memory_space<hbm>>
        %dma_start3A_914 = arith.constant 0 : i32
        %dma_start3A_915 = tpu.memref_slice %arg4[%add3A, %mul3A_792, %dma_start3A_914] : memref<32x80x128xi32, #tpu.memory_space<hbm>> -> memref<1x8x128xi32, #tpu.memory_space<hbm>>
        %dma_start3A_916 = tpu.memref_squeeze %dma_start3A_915 : memref<1x8x128xi32, #tpu.memory_space<hbm>> -> memref<8x128xi32, #tpu.memory_space<hbm>>
        tpu.enqueue_dma source(%dma_start3A_916 : memref<8x128xi32, #tpu.memory_space<hbm>>) target(%arg7 : memref<8x128xi32, #tpu.memory_space<vmem>>) target_semaphore(%run_scoped3A_910 : memref<!tpu.dma_semaphore, #tpu.memory_space<semaphore_mem>>)
        %dma_wait3A_917 = arith.constant 0 : i32
        %dma_wait3A_918 = tpu.memref_slice %arg4[%add3A, %mul3A_792, %dma_wait3A_917] : memref<32x80x128xi32, #tpu.memory_space<hbm>> -> memref<1x8x128xi32, #tpu.memory_space<hbm>>
        %dma_wait3A_919 = tpu.memref_squeeze %dma_wait3A_918 : memref<1x8x128xi32, #tpu.memory_space<hbm>> -> memref<8x128xi32, #tpu.memory_space<hbm>>
        %dma_wait3A_920 = arith.constant 0 : i32
        %dma_wait3A_921 = tpu.memref_slice %arg4[%add3A, %mul3A_792, %dma_wait3A_920] : memref<32x80x128xi32, #tpu.memory_space<hbm>> -> memref<1x8x128xi32, #tpu.memory_space<hbm>>
        %dma_wait3A_922 = tpu.memref_squeeze %dma_wait3A_921 : memref<1x8x128xi32, #tpu.memory_space<hbm>> -> memref<8x128xi32, #tpu.memory_space<hbm>>
        tpu.wait_dma2 semaphore(%run_scoped3A_910 : memref<!tpu.dma_semaphore, #tpu.memory_space<semaphore_mem>>) src(%dma_wait3A_922 : memref<8x128xi32, #tpu.memory_space<hbm>>) dst(%arg7 : memref<8x128xi32, #tpu.memory_space<vmem>>)
        tpu.yield
      }) : () -> ()
      %dma_start3A = arith.constant 0 : i32
      %dma_start3A_793 = arith.constant 0 : i32
      %dma_start3A_794 = tpu.memref_slice %arg6[%dma_start3A, %dma_start3A_793] : memref<8x128xi32, #tpu.memory_space<vmem>> -> memref<1x128xi32, #tpu.memory_space<vmem>>
      %dma_start3A_795 = tpu.memref_squeeze %dma_start3A_794 : memref<1x128xi32, #tpu.memory_space<vmem>> -> memref<128xi32, #tpu.memory_space<vmem>>
      %dma_start3A_796 = arith.constant 0 : i32
      %dma_start3A_797 = arith.constant 0 : i32
      %dma_start3A_798 = tpu.memref_slice %arg2[%dma_start3A_796, %dma_start3A_797] : memref<10016x128xf32, #tpu.memory_space<hbm>> -> memref<10016x128xf32, #tpu.memory_space<hbm>>
      tpu.enqueue_indirect_dma source(%dma_start3A_798 : memref<10016x128xf32, #tpu.memory_space<hbm>>) target(%arg8 : memref<128x128xf32, #tpu.memory_space<vmem>>) offsets(%dma_start3A_795 : memref<128xi32, #tpu.memory_space<vmem>>) semaphore(%arg11 : memref<!tpu.dma_semaphore, #tpu.memory_space<semaphore_mem>>)
      %dma_wait3A = arith.constant 0 : i32
      %dma_wait3A_799 = arith.constant 0 : i32
      %dma_wait3A_800 = tpu.memref_slice %arg6[%dma_wait3A, %dma_wait3A_799] : memref<8x128xi32, #tpu.memory_space<vmem>> -> memref<1x128xi32, #tpu.memory_space<vmem>>
      %dma_wait3A_801 = tpu.memref_squeeze %dma_wait3A_800 : memref<1x128xi32, #tpu.memory_space<vmem>> -> memref<128xi32, #tpu.memory_space<vmem>>
      %dma_wait3A_802 = arith.constant 0 : i32
      %dma_wait3A_803 = arith.constant 0 : i32
      %dma_wait3A_804 = tpu.memref_slice %arg2[%dma_wait3A_802, %dma_wait3A_803] : memref<10016x128xf32, #tpu.memory_space<hbm>> -> memref<10016x128xf32, #tpu.memory_space<hbm>>
      tpu.wait_indirect_dma semaphore(%arg11 : memref<!tpu.dma_semaphore, #tpu.memory_space<semaphore_mem>>) src(%dma_wait3A_804 : memref<10016x128xf32, #tpu.memory_space<hbm>>) dst(%arg8 : memref<128x128xf32, #tpu.memory_space<vmem>>)
      %dma_start3A_805 = arith.constant 1 : i32
      %dma_start3A_806 = arith.constant 0 : i32
      %dma_start3A_807 = tpu.memref_slice %arg6[%dma_start3A_805, %dma_start3A_806] : memref<8x128xi32, #tpu.memory_space<vmem>> -> memref<1x128xi32, #tpu.memory_space<vmem>>
      %dma_start3A_808 = tpu.memref_squeeze %dma_start3A_807 : memref<1x128xi32, #tpu.memory_space<vmem>> -> memref<128xi32, #tpu.memory_space<vmem>>
      %dma_start3A_809 = arith.constant 0 : i32
      %dma_start3A_810 = arith.constant 0 : i32
      %dma_start3A_811 = tpu.memref_slice %arg2[%dma_start3A_809, %dma_start3A_810] : memref<10016x128xf32, #tpu.memory_space<hbm>> -> memref<10016x128xf32, #tpu.memory_space<hbm>>
      tpu.enqueue_indirect_dma source(%dma_start3A_811 : memref<10016x128xf32, #tpu.memory_space<hbm>>) target(%arg9 : memref<128x128xf32, #tpu.memory_space<vmem>>) offsets(%dma_start3A_808 : memref<128xi32, #tpu.memory_space<vmem>>) semaphore(%arg11 : memref<!tpu.dma_semaphore, #tpu.memory_space<semaphore_mem>>)
      %run_scoped3A = arith.constant 0 : i32
      "tpu.region"() ({
        %run_scoped3A_910 = tpu.sem_alloc : memref<!tpu.dma_semaphore, #tpu.memory_space<semaphore_mem>>
        %dma_start3A_911 = arith.constant 0 : i32
        %dma_start3A_912 = tpu.memref_slice %arg7[%run_scoped3A, %dma_start3A_911] : memref<8x128xi32, #tpu.memory_space<vmem>> -> memref<1x128xi32, #tpu.memory_space<vmem>>
        %dma_start3A_913 = tpu.memref_squeeze %dma_start3A_912 : memref<1x128xi32, #tpu.memory_space<vmem>> -> memref<128xi32, #tpu.memory_space<vmem>>
        %dma_start3A_914 = arith.constant 0 : i32
        %dma_start3A_915 = arith.constant 0 : i32
        %dma_start3A_916 = tpu.memref_slice %arg10[%dma_start3A_914, %dma_start3A_915] : memref<10240x128xf32, #tpu.memory_space<vmem_shared>> -> memref<10240x128xf32, #tpu.memory_space<vmem_shared>>
        tpu.enqueue_indirect_dma source(%arg8 : memref<128x128xf32, #tpu.memory_space<vmem>>) target(%dma_start3A_916 : memref<10240x128xf32, #tpu.memory_space<vmem_shared>>) offsets(%dma_start3A_913 : memref<128xi32, #tpu.memory_space<vmem>>) semaphore(%run_scoped3A_910 : memref<!tpu.dma_semaphore, #tpu.memory_space<semaphore_mem>>) {add = true}
        %dma_wait3A_917 = arith.constant 0 : i32
        %dma_wait3A_918 = tpu.memref_slice %arg7[%run_scoped3A, %dma_wait3A_917] : memref<8x128xi32, #tpu.memory_space<vmem>> -> memref<1x128xi32, #tpu.memory_space<vmem>>
        %dma_wait3A_919 = tpu.memref_squeeze %dma_wait3A_918 : memref<1x128xi32, #tpu.memory_space<vmem>> -> memref<128xi32, #tpu.memory_space<vmem>>
        %dma_wait3A_920 = arith.constant 0 : i32
        %dma_wait3A_921 = arith.constant 0 : i32
        %dma_wait3A_922 = tpu.memref_slice %arg10[%dma_wait3A_920, %dma_wait3A_921] : memref<10240x128xf32, #tpu.memory_space<vmem_shared>> -> memref<10240x128xf32, #tpu.memory_space<vmem_shared>>
        tpu.wait_indirect_dma semaphore(%run_scoped3A_910 : memref<!tpu.dma_semaphore, #tpu.memory_space<semaphore_mem>>) src(%arg8 : memref<128x128xf32, #tpu.memory_space<vmem>>) dst(%dma_wait3A_922 : memref<10240x128xf32, #tpu.memory_space<vmem_shared>>)
        tpu.yield
      }) : () -> ()
      %dma_wait3A_812 = arith.constant 1 : i32
      %dma_wait3A_813 = arith.constant 0 : i32
      %dma_wait3A_814 = tpu.memref_slice %arg6[%dma_wait3A_812, %dma_wait3A_813] : memref<8x128xi32, #tpu.memory_space<vmem>> -> memref<1x128xi32, #tpu.memory_space<vmem>>
      %dma_wait3A_815 = tpu.memref_squeeze %dma_wait3A_814 : memref<1x128xi32, #tpu.memory_space<vmem>> -> memref<128xi32, #tpu.memory_space<vmem>>
      %dma_wait3A_816 = arith.constant 0 : i32
      %dma_wait3A_817 = arith.constant 0 : i32
      %dma_wait3A_818 = tpu.memref_slice %arg2[%dma_wait3A_816, %dma_wait3A_817] : memref<10016x128xf32, #tpu.memory_space<hbm>> -> memref<10016x128xf32, #tpu.memory_space<hbm>>
      tpu.wait_indirect_dma semaphore(%arg11 : memref<!tpu.dma_semaphore, #tpu.memory_space<semaphore_mem>>) src(%dma_wait3A_818 : memref<10016x128xf32, #tpu.memory_space<hbm>>) dst(%arg9 : memref<128x128xf32, #tpu.memory_space<vmem>>)
      %dma_start3A_819 = arith.constant 2 : i32
      %dma_start3A_820 = arith.constant 0 : i32
      %dma_start3A_821 = tpu.memref_slice %arg6[%dma_start3A_819, %dma_start3A_820] : memref<8x128xi32, #tpu.memory_space<vmem>> -> memref<1x128xi32, #tpu.memory_space<vmem>>
      %dma_start3A_822 = tpu.memref_squeeze %dma_start3A_821 : memref<1x128xi32, #tpu.memory_space<vmem>> -> memref<128xi32, #tpu.memory_space<vmem>>
      %dma_start3A_823 = arith.constant 0 : i32
      %dma_start3A_824 = arith.constant 0 : i32
      %dma_start3A_825 = tpu.memref_slice %arg2[%dma_start3A_823, %dma_start3A_824] : memref<10016x128xf32, #tpu.memory_space<hbm>> -> memref<10016x128xf32, #tpu.memory_space<hbm>>
      tpu.enqueue_indirect_dma source(%dma_start3A_825 : memref<10016x128xf32, #tpu.memory_space<hbm>>) target(%arg8 : memref<128x128xf32, #tpu.memory_space<vmem>>) offsets(%dma_start3A_822 : memref<128xi32, #tpu.memory_space<vmem>>) semaphore(%arg11 : memref<!tpu.dma_semaphore, #tpu.memory_space<semaphore_mem>>)
      %run_scoped3A_826 = arith.constant 1 : i32
      "tpu.region"() ({
        %run_scoped3A_910 = tpu.sem_alloc : memref<!tpu.dma_semaphore, #tpu.memory_space<semaphore_mem>>
        %dma_start3A_911 = arith.constant 0 : i32
        %dma_start3A_912 = tpu.memref_slice %arg7[%run_scoped3A_826, %dma_start3A_911] : memref<8x128xi32, #tpu.memory_space<vmem>> -> memref<1x128xi32, #tpu.memory_space<vmem>>
        %dma_start3A_913 = tpu.memref_squeeze %dma_start3A_912 : memref<1x128xi32, #tpu.memory_space<vmem>> -> memref<128xi32, #tpu.memory_space<vmem>>
        %dma_start3A_914 = arith.constant 0 : i32
        %dma_start3A_915 = arith.constant 0 : i32
        %dma_start3A_916 = tpu.memref_slice %arg10[%dma_start3A_914, %dma_start3A_915] : memref<10240x128xf32, #tpu.memory_space<vmem_shared>> -> memref<10240x128xf32, #tpu.memory_space<vmem_shared>>
        tpu.enqueue_indirect_dma source(%arg9 : memref<128x128xf32, #tpu.memory_space<vmem>>) target(%dma_start3A_916 : memref<10240x128xf32, #tpu.memory_space<vmem_shared>>) offsets(%dma_start3A_913 : memref<128xi32, #tpu.memory_space<vmem>>) semaphore(%run_scoped3A_910 : memref<!tpu.dma_semaphore, #tpu.memory_space<semaphore_mem>>) {add = true}
        %dma_wait3A_917 = arith.constant 0 : i32
        %dma_wait3A_918 = tpu.memref_slice %arg7[%run_scoped3A_826, %dma_wait3A_917] : memref<8x128xi32, #tpu.memory_space<vmem>> -> memref<1x128xi32, #tpu.memory_space<vmem>>
        %dma_wait3A_919 = tpu.memref_squeeze %dma_wait3A_918 : memref<1x128xi32, #tpu.memory_space<vmem>> -> memref<128xi32, #tpu.memory_space<vmem>>
        %dma_wait3A_920 = arith.constant 0 : i32
        %dma_wait3A_921 = arith.constant 0 : i32
        %dma_wait3A_922 = tpu.memref_slice %arg10[%dma_wait3A_920, %dma_wait3A_921] : memref<10240x128xf32, #tpu.memory_space<vmem_shared>> -> memref<10240x128xf32, #tpu.memory_space<vmem_shared>>
        tpu.wait_indirect_dma semaphore(%run_scoped3A_910 : memref<!tpu.dma_semaphore, #tpu.memory_space<semaphore_mem>>) src(%arg9 : memref<128x128xf32, #tpu.memory_space<vmem>>) dst(%dma_wait3A_922 : memref<10240x128xf32, #tpu.memory_space<vmem_shared>>)
        tpu.yield
      }) : () -> ()
      %dma_wait3A_827 = arith.constant 2 : i32
      %dma_wait3A_828 = arith.constant 0 : i32
      %dma_wait3A_829 = tpu.memref_slice %arg6[%dma_wait3A_827, %dma_wait3A_828] : memref<8x128xi32, #tpu.memory_space<vmem>> -> memref<1x128xi32, #tpu.memory_space<vmem>>
      %dma_wait3A_830 = tpu.memref_squeeze %dma_wait3A_829 : memref<1x128xi32, #tpu.memory_space<vmem>> -> memref<128xi32, #tpu.memory_space<vmem>>
      %dma_wait3A_831 = arith.constant 0 : i32
      %dma_wait3A_832 = arith.constant 0 : i32
      %dma_wait3A_833 = tpu.memref_slice %arg2[%dma_wait3A_831, %dma_wait3A_832] : memref<10016x128xf32, #tpu.memory_space<hbm>> -> memref<10016x128xf32, #tpu.memory_space<hbm>>
      tpu.wait_indirect_dma semaphore(%arg11 : memref<!tpu.dma_semaphore, #tpu.memory_space<semaphore_mem>>) src(%dma_wait3A_833 : memref<10016x128xf32, #tpu.memory_space<hbm>>) dst(%arg8 : memref<128x128xf32, #tpu.memory_space<vmem>>)
      %dma_start3A_834 = arith.constant 3 : i32
      %dma_start3A_835 = arith.constant 0 : i32
      %dma_start3A_836 = tpu.memref_slice %arg6[%dma_start3A_834, %dma_start3A_835] : memref<8x128xi32, #tpu.memory_space<vmem>> -> memref<1x128xi32, #tpu.memory_space<vmem>>
      %dma_start3A_837 = tpu.memref_squeeze %dma_start3A_836 : memref<1x128xi32, #tpu.memory_space<vmem>> -> memref<128xi32, #tpu.memory_space<vmem>>
      %dma_start3A_838 = arith.constant 0 : i32
      %dma_start3A_839 = arith.constant 0 : i32
      %dma_start3A_840 = tpu.memref_slice %arg2[%dma_start3A_838, %dma_start3A_839] : memref<10016x128xf32, #tpu.memory_space<hbm>> -> memref<10016x128xf32, #tpu.memory_space<hbm>>
      tpu.enqueue_indirect_dma source(%dma_start3A_840 : memref<10016x128xf32, #tpu.memory_space<hbm>>) target(%arg9 : memref<128x128xf32, #tpu.memory_space<vmem>>) offsets(%dma_start3A_837 : memref<128xi32, #tpu.memory_space<vmem>>) semaphore(%arg11 : memref<!tpu.dma_semaphore, #tpu.memory_space<semaphore_mem>>)
      %run_scoped3A_841 = arith.constant 2 : i32
      "tpu.region"() ({
        %run_scoped3A_910 = tpu.sem_alloc : memref<!tpu.dma_semaphore, #tpu.memory_space<semaphore_mem>>
        %dma_start3A_911 = arith.constant 0 : i32
        %dma_start3A_912 = tpu.memref_slice %arg7[%run_scoped3A_841, %dma_start3A_911] : memref<8x128xi32, #tpu.memory_space<vmem>> -> memref<1x128xi32, #tpu.memory_space<vmem>>
        %dma_start3A_913 = tpu.memref_squeeze %dma_start3A_912 : memref<1x128xi32, #tpu.memory_space<vmem>> -> memref<128xi32, #tpu.memory_space<vmem>>
        %dma_start3A_914 = arith.constant 0 : i32
        %dma_start3A_915 = arith.constant 0 : i32
        %dma_start3A_916 = tpu.memref_slice %arg10[%dma_start3A_914, %dma_start3A_915] : memref<10240x128xf32, #tpu.memory_space<vmem_shared>> -> memref<10240x128xf32, #tpu.memory_space<vmem_shared>>
        tpu.enqueue_indirect_dma source(%arg8 : memref<128x128xf32, #tpu.memory_space<vmem>>) target(%dma_start3A_916 : memref<10240x128xf32, #tpu.memory_space<vmem_shared>>) offsets(%dma_start3A_913 : memref<128xi32, #tpu.memory_space<vmem>>) semaphore(%run_scoped3A_910 : memref<!tpu.dma_semaphore, #tpu.memory_space<semaphore_mem>>) {add = true}
        %dma_wait3A_917 = arith.constant 0 : i32
        %dma_wait3A_918 = tpu.memref_slice %arg7[%run_scoped3A_841, %dma_wait3A_917] : memref<8x128xi32, #tpu.memory_space<vmem>> -> memref<1x128xi32, #tpu.memory_space<vmem>>
        %dma_wait3A_919 = tpu.memref_squeeze %dma_wait3A_918 : memref<1x128xi32, #tpu.memory_space<vmem>> -> memref<128xi32, #tpu.memory_space<vmem>>
        %dma_wait3A_920 = arith.constant 0 : i32
        %dma_wait3A_921 = arith.constant 0 : i32
        %dma_wait3A_922 = tpu.memref_slice %arg10[%dma_wait3A_920, %dma_wait3A_921] : memref<10240x128xf32, #tpu.memory_space<vmem_shared>> -> memref<10240x128xf32, #tpu.memory_space<vmem_shared>>
        tpu.wait_indirect_dma semaphore(%run_scoped3A_910 : memref<!tpu.dma_semaphore, #tpu.memory_space<semaphore_mem>>) src(%arg8 : memref<128x128xf32, #tpu.memory_space<vmem>>) dst(%dma_wait3A_922 : memref<10240x128xf32, #tpu.memory_space<vmem_shared>>)
        tpu.yield
      }) : () -> ()
      %dma_wait3A_842 = arith.constant 3 : i32
      %dma_wait3A_843 = arith.constant 0 : i32
      %dma_wait3A_844 = tpu.memref_slice %arg6[%dma_wait3A_842, %dma_wait3A_843] : memref<8x128xi32, #tpu.memory_space<vmem>> -> memref<1x128xi32, #tpu.memory_space<vmem>>
      %dma_wait3A_845 = tpu.memref_squeeze %dma_wait3A_844 : memref<1x128xi32, #tpu.memory_space<vmem>> -> memref<128xi32, #tpu.memory_space<vmem>>
      %dma_wait3A_846 = arith.constant 0 : i32
      %dma_wait3A_847 = arith.constant 0 : i32
      %dma_wait3A_848 = tpu.memref_slice %arg2[%dma_wait3A_846, %dma_wait3A_847] : memref<10016x128xf32, #tpu.memory_space<hbm>> -> memref<10016x128xf32, #tpu.memory_space<hbm>>
      tpu.wait_indirect_dma semaphore(%arg11 : memref<!tpu.dma_semaphore, #tpu.memory_space<semaphore_mem>>) src(%dma_wait3A_848 : memref<10016x128xf32, #tpu.memory_space<hbm>>) dst(%arg9 : memref<128x128xf32, #tpu.memory_space<vmem>>)
      %dma_start3A_849 = arith.constant 4 : i32
      %dma_start3A_850 = arith.constant 0 : i32
      %dma_start3A_851 = tpu.memref_slice %arg6[%dma_start3A_849, %dma_start3A_850] : memref<8x128xi32, #tpu.memory_space<vmem>> -> memref<1x128xi32, #tpu.memory_space<vmem>>
      %dma_start3A_852 = tpu.memref_squeeze %dma_start3A_851 : memref<1x128xi32, #tpu.memory_space<vmem>> -> memref<128xi32, #tpu.memory_space<vmem>>
      %dma_start3A_853 = arith.constant 0 : i32
      %dma_start3A_854 = arith.constant 0 : i32
      %dma_start3A_855 = tpu.memref_slice %arg2[%dma_start3A_853, %dma_start3A_854] : memref<10016x128xf32, #tpu.memory_space<hbm>> -> memref<10016x128xf32, #tpu.memory_space<hbm>>
      tpu.enqueue_indirect_dma source(%dma_start3A_855 : memref<10016x128xf32, #tpu.memory_space<hbm>>) target(%arg8 : memref<128x128xf32, #tpu.memory_space<vmem>>) offsets(%dma_start3A_852 : memref<128xi32, #tpu.memory_space<vmem>>) semaphore(%arg11 : memref<!tpu.dma_semaphore, #tpu.memory_space<semaphore_mem>>)
      %run_scoped3A_856 = arith.constant 3 : i32
      "tpu.region"() ({
        %run_scoped3A_910 = tpu.sem_alloc : memref<!tpu.dma_semaphore, #tpu.memory_space<semaphore_mem>>
        %dma_start3A_911 = arith.constant 0 : i32
        %dma_start3A_912 = tpu.memref_slice %arg7[%run_scoped3A_856, %dma_start3A_911] : memref<8x128xi32, #tpu.memory_space<vmem>> -> memref<1x128xi32, #tpu.memory_space<vmem>>
        %dma_start3A_913 = tpu.memref_squeeze %dma_start3A_912 : memref<1x128xi32, #tpu.memory_space<vmem>> -> memref<128xi32, #tpu.memory_space<vmem>>
        %dma_start3A_914 = arith.constant 0 : i32
        %dma_start3A_915 = arith.constant 0 : i32
        %dma_start3A_916 = tpu.memref_slice %arg10[%dma_start3A_914, %dma_start3A_915] : memref<10240x128xf32, #tpu.memory_space<vmem_shared>> -> memref<10240x128xf32, #tpu.memory_space<vmem_shared>>
        tpu.enqueue_indirect_dma source(%arg9 : memref<128x128xf32, #tpu.memory_space<vmem>>) target(%dma_start3A_916 : memref<10240x128xf32, #tpu.memory_space<vmem_shared>>) offsets(%dma_start3A_913 : memref<128xi32, #tpu.memory_space<vmem>>) semaphore(%run_scoped3A_910 : memref<!tpu.dma_semaphore, #tpu.memory_space<semaphore_mem>>) {add = true}
        %dma_wait3A_917 = arith.constant 0 : i32
        %dma_wait3A_918 = tpu.memref_slice %arg7[%run_scoped3A_856, %dma_wait3A_917] : memref<8x128xi32, #tpu.memory_space<vmem>> -> memref<1x128xi32, #tpu.memory_space<vmem>>
        %dma_wait3A_919 = tpu.memref_squeeze %dma_wait3A_918 : memref<1x128xi32, #tpu.memory_space<vmem>> -> memref<128xi32, #tpu.memory_space<vmem>>
        %dma_wait3A_920 = arith.constant 0 : i32
        %dma_wait3A_921 = arith.constant 0 : i32
        %dma_wait3A_922 = tpu.memref_slice %arg10[%dma_wait3A_920, %dma_wait3A_921] : memref<10240x128xf32, #tpu.memory_space<vmem_shared>> -> memref<10240x128xf32, #tpu.memory_space<vmem_shared>>
        tpu.wait_indirect_dma semaphore(%run_scoped3A_910 : memref<!tpu.dma_semaphore, #tpu.memory_space<semaphore_mem>>) src(%arg9 : memref<128x128xf32, #tpu.memory_space<vmem>>) dst(%dma_wait3A_922 : memref<10240x128xf32, #tpu.memory_space<vmem_shared>>)
        tpu.yield
      }) : () -> ()
      %dma_wait3A_857 = arith.constant 4 : i32
      %dma_wait3A_858 = arith.constant 0 : i32
      %dma_wait3A_859 = tpu.memref_slice %arg6[%dma_wait3A_857, %dma_wait3A_858] : memref<8x128xi32, #tpu.memory_space<vmem>> -> memref<1x128xi32, #tpu.memory_space<vmem>>
      %dma_wait3A_860 = tpu.memref_squeeze %dma_wait3A_859 : memref<1x128xi32, #tpu.memory_space<vmem>> -> memref<128xi32, #tpu.memory_space<vmem>>
      %dma_wait3A_861 = arith.constant 0 : i32
      %dma_wait3A_862 = arith.constant 0 : i32
      %dma_wait3A_863 = tpu.memref_slice %arg2[%dma_wait3A_861, %dma_wait3A_862] : memref<10016x128xf32, #tpu.memory_space<hbm>> -> memref<10016x128xf32, #tpu.memory_space<hbm>>
      tpu.wait_indirect_dma semaphore(%arg11 : memref<!tpu.dma_semaphore, #tpu.memory_space<semaphore_mem>>) src(%dma_wait3A_863 : memref<10016x128xf32, #tpu.memory_space<hbm>>) dst(%arg8 : memref<128x128xf32, #tpu.memory_space<vmem>>)
      %dma_start3A_864 = arith.constant 5 : i32
      %dma_start3A_865 = arith.constant 0 : i32
      %dma_start3A_866 = tpu.memref_slice %arg6[%dma_start3A_864, %dma_start3A_865] : memref<8x128xi32, #tpu.memory_space<vmem>> -> memref<1x128xi32, #tpu.memory_space<vmem>>
      %dma_start3A_867 = tpu.memref_squeeze %dma_start3A_866 : memref<1x128xi32, #tpu.memory_space<vmem>> -> memref<128xi32, #tpu.memory_space<vmem>>
      %dma_start3A_868 = arith.constant 0 : i32
      %dma_start3A_869 = arith.constant 0 : i32
      %dma_start3A_870 = tpu.memref_slice %arg2[%dma_start3A_868, %dma_start3A_869] : memref<10016x128xf32, #tpu.memory_space<hbm>> -> memref<10016x128xf32, #tpu.memory_space<hbm>>
      tpu.enqueue_indirect_dma source(%dma_start3A_870 : memref<10016x128xf32, #tpu.memory_space<hbm>>) target(%arg9 : memref<128x128xf32, #tpu.memory_space<vmem>>) offsets(%dma_start3A_867 : memref<128xi32, #tpu.memory_space<vmem>>) semaphore(%arg11 : memref<!tpu.dma_semaphore, #tpu.memory_space<semaphore_mem>>)
      %run_scoped3A_871 = arith.constant 4 : i32
      "tpu.region"() ({
        %run_scoped3A_910 = tpu.sem_alloc : memref<!tpu.dma_semaphore, #tpu.memory_space<semaphore_mem>>
        %dma_start3A_911 = arith.constant 0 : i32
        %dma_start3A_912 = tpu.memref_slice %arg7[%run_scoped3A_871, %dma_start3A_911] : memref<8x128xi32, #tpu.memory_space<vmem>> -> memref<1x128xi32, #tpu.memory_space<vmem>>
        %dma_start3A_913 = tpu.memref_squeeze %dma_start3A_912 : memref<1x128xi32, #tpu.memory_space<vmem>> -> memref<128xi32, #tpu.memory_space<vmem>>
        %dma_start3A_914 = arith.constant 0 : i32
        %dma_start3A_915 = arith.constant 0 : i32
        %dma_start3A_916 = tpu.memref_slice %arg10[%dma_start3A_914, %dma_start3A_915] : memref<10240x128xf32, #tpu.memory_space<vmem_shared>> -> memref<10240x128xf32, #tpu.memory_space<vmem_shared>>
        tpu.enqueue_indirect_dma source(%arg8 : memref<128x128xf32, #tpu.memory_space<vmem>>) target(%dma_start3A_916 : memref<10240x128xf32, #tpu.memory_space<vmem_shared>>) offsets(%dma_start3A_913 : memref<128xi32, #tpu.memory_space<vmem>>) semaphore(%run_scoped3A_910 : memref<!tpu.dma_semaphore, #tpu.memory_space<semaphore_mem>>) {add = true}
        %dma_wait3A_917 = arith.constant 0 : i32
        %dma_wait3A_918 = tpu.memref_slice %arg7[%run_scoped3A_871, %dma_wait3A_917] : memref<8x128xi32, #tpu.memory_space<vmem>> -> memref<1x128xi32, #tpu.memory_space<vmem>>
        %dma_wait3A_919 = tpu.memref_squeeze %dma_wait3A_918 : memref<1x128xi32, #tpu.memory_space<vmem>> -> memref<128xi32, #tpu.memory_space<vmem>>
        %dma_wait3A_920 = arith.constant 0 : i32
        %dma_wait3A_921 = arith.constant 0 : i32
        %dma_wait3A_922 = tpu.memref_slice %arg10[%dma_wait3A_920, %dma_wait3A_921] : memref<10240x128xf32, #tpu.memory_space<vmem_shared>> -> memref<10240x128xf32, #tpu.memory_space<vmem_shared>>
        tpu.wait_indirect_dma semaphore(%run_scoped3A_910 : memref<!tpu.dma_semaphore, #tpu.memory_space<semaphore_mem>>) src(%arg8 : memref<128x128xf32, #tpu.memory_space<vmem>>) dst(%dma_wait3A_922 : memref<10240x128xf32, #tpu.memory_space<vmem_shared>>)
        tpu.yield
      }) : () -> ()
      %dma_wait3A_872 = arith.constant 5 : i32
      %dma_wait3A_873 = arith.constant 0 : i32
      %dma_wait3A_874 = tpu.memref_slice %arg6[%dma_wait3A_872, %dma_wait3A_873] : memref<8x128xi32, #tpu.memory_space<vmem>> -> memref<1x128xi32, #tpu.memory_space<vmem>>
      %dma_wait3A_875 = tpu.memref_squeeze %dma_wait3A_874 : memref<1x128xi32, #tpu.memory_space<vmem>> -> memref<128xi32, #tpu.memory_space<vmem>>
      %dma_wait3A_876 = arith.constant 0 : i32
      %dma_wait3A_877 = arith.constant 0 : i32
      %dma_wait3A_878 = tpu.memref_slice %arg2[%dma_wait3A_876, %dma_wait3A_877] : memref<10016x128xf32, #tpu.memory_space<hbm>> -> memref<10016x128xf32, #tpu.memory_space<hbm>>
      tpu.wait_indirect_dma semaphore(%arg11 : memref<!tpu.dma_semaphore, #tpu.memory_space<semaphore_mem>>) src(%dma_wait3A_878 : memref<10016x128xf32, #tpu.memory_space<hbm>>) dst(%arg9 : memref<128x128xf32, #tpu.memory_space<vmem>>)
      %dma_start3A_879 = arith.constant 6 : i32
      %dma_start3A_880 = arith.constant 0 : i32
      %dma_start3A_881 = tpu.memref_slice %arg6[%dma_start3A_879, %dma_start3A_880] : memref<8x128xi32, #tpu.memory_space<vmem>> -> memref<1x128xi32, #tpu.memory_space<vmem>>
      %dma_start3A_882 = tpu.memref_squeeze %dma_start3A_881 : memref<1x128xi32, #tpu.memory_space<vmem>> -> memref<128xi32, #tpu.memory_space<vmem>>
      %dma_start3A_883 = arith.constant 0 : i32
      %dma_start3A_884 = arith.constant 0 : i32
      %dma_start3A_885 = tpu.memref_slice %arg2[%dma_start3A_883, %dma_start3A_884] : memref<10016x128xf32, #tpu.memory_space<hbm>> -> memref<10016x128xf32, #tpu.memory_space<hbm>>
      tpu.enqueue_indirect_dma source(%dma_start3A_885 : memref<10016x128xf32, #tpu.memory_space<hbm>>) target(%arg8 : memref<128x128xf32, #tpu.memory_space<vmem>>) offsets(%dma_start3A_882 : memref<128xi32, #tpu.memory_space<vmem>>) semaphore(%arg11 : memref<!tpu.dma_semaphore, #tpu.memory_space<semaphore_mem>>)
      %run_scoped3A_886 = arith.constant 5 : i32
      "tpu.region"() ({
        %run_scoped3A_910 = tpu.sem_alloc : memref<!tpu.dma_semaphore, #tpu.memory_space<semaphore_mem>>
        %dma_start3A_911 = arith.constant 0 : i32
        %dma_start3A_912 = tpu.memref_slice %arg7[%run_scoped3A_886, %dma_start3A_911] : memref<8x128xi32, #tpu.memory_space<vmem>> -> memref<1x128xi32, #tpu.memory_space<vmem>>
        %dma_start3A_913 = tpu.memref_squeeze %dma_start3A_912 : memref<1x128xi32, #tpu.memory_space<vmem>> -> memref<128xi32, #tpu.memory_space<vmem>>
        %dma_start3A_914 = arith.constant 0 : i32
        %dma_start3A_915 = arith.constant 0 : i32
        %dma_start3A_916 = tpu.memref_slice %arg10[%dma_start3A_914, %dma_start3A_915] : memref<10240x128xf32, #tpu.memory_space<vmem_shared>> -> memref<10240x128xf32, #tpu.memory_space<vmem_shared>>
        tpu.enqueue_indirect_dma source(%arg9 : memref<128x128xf32, #tpu.memory_space<vmem>>) target(%dma_start3A_916 : memref<10240x128xf32, #tpu.memory_space<vmem_shared>>) offsets(%dma_start3A_913 : memref<128xi32, #tpu.memory_space<vmem>>) semaphore(%run_scoped3A_910 : memref<!tpu.dma_semaphore, #tpu.memory_space<semaphore_mem>>) {add = true}
        %dma_wait3A_917 = arith.constant 0 : i32
        %dma_wait3A_918 = tpu.memref_slice %arg7[%run_scoped3A_886, %dma_wait3A_917] : memref<8x128xi32, #tpu.memory_space<vmem>> -> memref<1x128xi32, #tpu.memory_space<vmem>>
        %dma_wait3A_919 = tpu.memref_squeeze %dma_wait3A_918 : memref<1x128xi32, #tpu.memory_space<vmem>> -> memref<128xi32, #tpu.memory_space<vmem>>
        %dma_wait3A_920 = arith.constant 0 : i32
        %dma_wait3A_921 = arith.constant 0 : i32
        %dma_wait3A_922 = tpu.memref_slice %arg10[%dma_wait3A_920, %dma_wait3A_921] : memref<10240x128xf32, #tpu.memory_space<vmem_shared>> -> memref<10240x128xf32, #tpu.memory_space<vmem_shared>>
        tpu.wait_indirect_dma semaphore(%run_scoped3A_910 : memref<!tpu.dma_semaphore, #tpu.memory_space<semaphore_mem>>) src(%arg9 : memref<128x128xf32, #tpu.memory_space<vmem>>) dst(%dma_wait3A_922 : memref<10240x128xf32, #tpu.memory_space<vmem_shared>>)
        tpu.yield
      }) : () -> ()
      %dma_wait3A_887 = arith.constant 6 : i32
      %dma_wait3A_888 = arith.constant 0 : i32
      %dma_wait3A_889 = tpu.memref_slice %arg6[%dma_wait3A_887, %dma_wait3A_888] : memref<8x128xi32, #tpu.memory_space<vmem>> -> memref<1x128xi32, #tpu.memory_space<vmem>>
      %dma_wait3A_890 = tpu.memref_squeeze %dma_wait3A_889 : memref<1x128xi32, #tpu.memory_space<vmem>> -> memref<128xi32, #tpu.memory_space<vmem>>
      %dma_wait3A_891 = arith.constant 0 : i32
      %dma_wait3A_892 = arith.constant 0 : i32
      %dma_wait3A_893 = tpu.memref_slice %arg2[%dma_wait3A_891, %dma_wait3A_892] : memref<10016x128xf32, #tpu.memory_space<hbm>> -> memref<10016x128xf32, #tpu.memory_space<hbm>>
      tpu.wait_indirect_dma semaphore(%arg11 : memref<!tpu.dma_semaphore, #tpu.memory_space<semaphore_mem>>) src(%dma_wait3A_893 : memref<10016x128xf32, #tpu.memory_space<hbm>>) dst(%arg8 : memref<128x128xf32, #tpu.memory_space<vmem>>)
      %dma_start3A_894 = arith.constant 7 : i32
      %dma_start3A_895 = arith.constant 0 : i32
      %dma_start3A_896 = tpu.memref_slice %arg6[%dma_start3A_894, %dma_start3A_895] : memref<8x128xi32, #tpu.memory_space<vmem>> -> memref<1x128xi32, #tpu.memory_space<vmem>>
      %dma_start3A_897 = tpu.memref_squeeze %dma_start3A_896 : memref<1x128xi32, #tpu.memory_space<vmem>> -> memref<128xi32, #tpu.memory_space<vmem>>
      %dma_start3A_898 = arith.constant 0 : i32
      %dma_start3A_899 = arith.constant 0 : i32
      %dma_start3A_900 = tpu.memref_slice %arg2[%dma_start3A_898, %dma_start3A_899] : memref<10016x128xf32, #tpu.memory_space<hbm>> -> memref<10016x128xf32, #tpu.memory_space<hbm>>
      tpu.enqueue_indirect_dma source(%dma_start3A_900 : memref<10016x128xf32, #tpu.memory_space<hbm>>) target(%arg9 : memref<128x128xf32, #tpu.memory_space<vmem>>) offsets(%dma_start3A_897 : memref<128xi32, #tpu.memory_space<vmem>>) semaphore(%arg11 : memref<!tpu.dma_semaphore, #tpu.memory_space<semaphore_mem>>)
      %run_scoped3A_901 = arith.constant 6 : i32
      "tpu.region"() ({
        %run_scoped3A_910 = tpu.sem_alloc : memref<!tpu.dma_semaphore, #tpu.memory_space<semaphore_mem>>
        %dma_start3A_911 = arith.constant 0 : i32
        %dma_start3A_912 = tpu.memref_slice %arg7[%run_scoped3A_901, %dma_start3A_911] : memref<8x128xi32, #tpu.memory_space<vmem>> -> memref<1x128xi32, #tpu.memory_space<vmem>>
        %dma_start3A_913 = tpu.memref_squeeze %dma_start3A_912 : memref<1x128xi32, #tpu.memory_space<vmem>> -> memref<128xi32, #tpu.memory_space<vmem>>
        %dma_start3A_914 = arith.constant 0 : i32
        %dma_start3A_915 = arith.constant 0 : i32
        %dma_start3A_916 = tpu.memref_slice %arg10[%dma_start3A_914, %dma_start3A_915] : memref<10240x128xf32, #tpu.memory_space<vmem_shared>> -> memref<10240x128xf32, #tpu.memory_space<vmem_shared>>
        tpu.enqueue_indirect_dma source(%arg8 : memref<128x128xf32, #tpu.memory_space<vmem>>) target(%dma_start3A_916 : memref<10240x128xf32, #tpu.memory_space<vmem_shared>>) offsets(%dma_start3A_913 : memref<128xi32, #tpu.memory_space<vmem>>) semaphore(%run_scoped3A_910 : memref<!tpu.dma_semaphore, #tpu.memory_space<semaphore_mem>>) {add = true}
        %dma_wait3A_917 = arith.constant 0 : i32
        %dma_wait3A_918 = tpu.memref_slice %arg7[%run_scoped3A_901, %dma_wait3A_917] : memref<8x128xi32, #tpu.memory_space<vmem>> -> memref<1x128xi32, #tpu.memory_space<vmem>>
        %dma_wait3A_919 = tpu.memref_squeeze %dma_wait3A_918 : memref<1x128xi32, #tpu.memory_space<vmem>> -> memref<128xi32, #tpu.memory_space<vmem>>
        %dma_wait3A_920 = arith.constant 0 : i32
        %dma_wait3A_921 = arith.constant 0 : i32
        %dma_wait3A_922 = tpu.memref_slice %arg10[%dma_wait3A_920, %dma_wait3A_921] : memref<10240x128xf32, #tpu.memory_space<vmem_shared>> -> memref<10240x128xf32, #tpu.memory_space<vmem_shared>>
        tpu.wait_indirect_dma semaphore(%run_scoped3A_910 : memref<!tpu.dma_semaphore, #tpu.memory_space<semaphore_mem>>) src(%arg8 : memref<128x128xf32, #tpu.memory_space<vmem>>) dst(%dma_wait3A_922 : memref<10240x128xf32, #tpu.memory_space<vmem_shared>>)
        tpu.yield
      }) : () -> ()
      %dma_wait3A_902 = arith.constant 7 : i32
      %dma_wait3A_903 = arith.constant 0 : i32
      %dma_wait3A_904 = tpu.memref_slice %arg6[%dma_wait3A_902, %dma_wait3A_903] : memref<8x128xi32, #tpu.memory_space<vmem>> -> memref<1x128xi32, #tpu.memory_space<vmem>>
      %dma_wait3A_905 = tpu.memref_squeeze %dma_wait3A_904 : memref<1x128xi32, #tpu.memory_space<vmem>> -> memref<128xi32, #tpu.memory_space<vmem>>
      %dma_wait3A_906 = arith.constant 0 : i32
      %dma_wait3A_907 = arith.constant 0 : i32
      %dma_wait3A_908 = tpu.memref_slice %arg2[%dma_wait3A_906, %dma_wait3A_907] : memref<10016x128xf32, #tpu.memory_space<hbm>> -> memref<10016x128xf32, #tpu.memory_space<hbm>>
      tpu.wait_indirect_dma semaphore(%arg11 : memref<!tpu.dma_semaphore, #tpu.memory_space<semaphore_mem>>) src(%dma_wait3A_908 : memref<10016x128xf32, #tpu.memory_space<hbm>>) dst(%arg9 : memref<128x128xf32, #tpu.memory_space<vmem>>)
      %run_scoped3A_909 = arith.constant 7 : i32
      "tpu.region"() ({
        %run_scoped3A_910 = tpu.sem_alloc : memref<!tpu.dma_semaphore, #tpu.memory_space<semaphore_mem>>
        %dma_start3A_911 = arith.constant 0 : i32
        %dma_start3A_912 = tpu.memref_slice %arg7[%run_scoped3A_909, %dma_start3A_911] : memref<8x128xi32, #tpu.memory_space<vmem>> -> memref<1x128xi32, #tpu.memory_space<vmem>>
        %dma_start3A_913 = tpu.memref_squeeze %dma_start3A_912 : memref<1x128xi32, #tpu.memory_space<vmem>> -> memref<128xi32, #tpu.memory_space<vmem>>
        %dma_start3A_914 = arith.constant 0 : i32
        %dma_start3A_915 = arith.constant 0 : i32
        %dma_start3A_916 = tpu.memref_slice %arg10[%dma_start3A_914, %dma_start3A_915] : memref<10240x128xf32, #tpu.memory_space<vmem_shared>> -> memref<10240x128xf32, #tpu.memory_space<vmem_shared>>
        tpu.enqueue_indirect_dma source(%arg9 : memref<128x128xf32, #tpu.memory_space<vmem>>) target(%dma_start3A_916 : memref<10240x128xf32, #tpu.memory_space<vmem_shared>>) offsets(%dma_start3A_913 : memref<128xi32, #tpu.memory_space<vmem>>) semaphore(%run_scoped3A_910 : memref<!tpu.dma_semaphore, #tpu.memory_space<semaphore_mem>>) {add = true}
        %dma_wait3A_917 = arith.constant 0 : i32
        %dma_wait3A_918 = tpu.memref_slice %arg7[%run_scoped3A_909, %dma_wait3A_917] : memref<8x128xi32, #tpu.memory_space<vmem>> -> memref<1x128xi32, #tpu.memory_space<vmem>>
        %dma_wait3A_919 = tpu.memref_squeeze %dma_wait3A_918 : memref<1x128xi32, #tpu.memory_space<vmem>> -> memref<128xi32, #tpu.memory_space<vmem>>
        %dma_wait3A_920 = arith.constant 0 : i32
        %dma_wait3A_921 = arith.constant 0 : i32
        %dma_wait3A_922 = tpu.memref_slice %arg10[%dma_wait3A_920, %dma_wait3A_921] : memref<10240x128xf32, #tpu.memory_space<vmem_shared>> -> memref<10240x128xf32, #tpu.memory_space<vmem_shared>>
        tpu.wait_indirect_dma semaphore(%run_scoped3A_910 : memref<!tpu.dma_semaphore, #tpu.memory_space<semaphore_mem>>) src(%arg9 : memref<128x128xf32, #tpu.memory_space<vmem>>) dst(%dma_wait3A_922 : memref<10240x128xf32, #tpu.memory_space<vmem_shared>>)
        tpu.yield
      }) : () -> ()
    }
    %scan3A_777 = arith.constant 10 : i32
    %barrier3A_778 = arith.constant 0 : index
    tpu.barrier barrier_id(%barrier3A_778)
    %scan3A_779 = arith.constant 0 : i32
    %scan3A_780 = arith.constant 5 : i32
    %scan3A_781 = arith.addi %scan3A_779, %scan3A_780 : i32
    %scan3A_782 = arith.constant 1 : i32
    scf.for %scan3A_784 = %scan3A_779 to %scan3A_781 step %scan3A_782  : i32 {
      %mul3A_785 = arith.constant 1 : i32
      %mul3A_786 = arith.muli %scan3A_784, %mul3A_785 : i32
      %add3A_787 = arith.constant 0 : i32
      %add3A_788 = arith.addi %add3A_787, %mul3A_786 : i32
      %mul3A_789 = arith.constant 640 : i32
      %mul3A_790 = arith.muli %arg1, %mul3A_789 : i32
      %mul3A_791 = arith.constant 128 : i32
      %mul3A_792 = arith.muli %add3A_788, %mul3A_791 : i32
      %add3A_793 = arith.addi %mul3A_790, %mul3A_792 : i32
      "tpu.region"() ({
        %run_scoped3A = tpu.sem_alloc : memref<!tpu.dma_semaphore, #tpu.memory_space<semaphore_mem>>
        %dma_start3A = arith.constant 0 : i32
        %dma_start3A_794 = tpu.memref_slice %arg5[%arg0, %add3A_793, %dma_start3A] : memref<2x10240x128xf32, #tpu.memory_space<hbm>> -> memref<1x128x128xf32, #tpu.memory_space<hbm>>
        %dma_start3A_795 = tpu.memref_squeeze %dma_start3A_794 : memref<1x128x128xf32, #tpu.memory_space<hbm>> -> memref<128x128xf32, #tpu.memory_space<hbm>>
        %dma_start3A_796 = arith.constant 0 : i32
        %dma_start3A_797 = tpu.memref_slice %arg10[%add3A_793, %dma_start3A_796] : memref<10240x128xf32, #tpu.memory_space<vmem_shared>> -> memref<128x128xf32, #tpu.memory_space<vmem_shared>>
        tpu.enqueue_dma source(%dma_start3A_797 : memref<128x128xf32, #tpu.memory_space<vmem_shared>>) target(%dma_start3A_795 : memref<128x128xf32, #tpu.memory_space<hbm>>) target_semaphore(%run_scoped3A : memref<!tpu.dma_semaphore, #tpu.memory_space<semaphore_mem>>)
        %dma_wait3A = arith.constant 0 : i32
        %dma_wait3A_798 = tpu.memref_slice %arg5[%arg0, %add3A_793, %dma_wait3A] : memref<2x10240x128xf32, #tpu.memory_space<hbm>> -> memref<1x128x128xf32, #tpu.memory_space<hbm>>
        %dma_wait3A_799 = tpu.memref_squeeze %dma_wait3A_798 : memref<1x128x128xf32, #tpu.memory_space<hbm>> -> memref<128x128xf32, #tpu.memory_space<hbm>>
        %dma_wait3A_800 = arith.constant 0 : i32
        %dma_wait3A_801 = tpu.memref_slice %arg10[%add3A_793, %dma_wait3A_800] : memref<10240x128xf32, #tpu.memory_space<vmem_shared>> -> memref<128x128xf32, #tpu.memory_space<vmem_shared>>
        tpu.wait_dma2 semaphore(%run_scoped3A : memref<!tpu.dma_semaphore, #tpu.memory_space<semaphore_mem>>) src(%dma_wait3A_801 : memref<128x128xf32, #tpu.memory_space<vmem_shared>>) dst(%dma_wait3A_799 : memref<128x128xf32, #tpu.memory_space<hbm>>)
        tpu.yield
      }) : () -> ()
    }
    %scan3A_783 = arith.constant 5 : i32
    return
  }
}

module attributes {stable_mosaic.version = 14 : i64} {
  func.func @_scale_body(%arg0: memref<10000x128xf32, #tpu.memory_space<vmem>>, %arg1: memref<2x10240xf32, #tpu.memory_space<vmem>>, %arg2: memref<10016x128xf32, #tpu.memory_space<vmem>>) attributes {dimension_semantics = [], scalar_prefetch = 0 : i64, scratch_operands = 0 : i64, tpu.core_type = #tpu.core_type<tc>} {
    %get3A = arith.constant 0 : index
    %get3A_0 = arith.constant 0 : index
    %get3A_1 = vector.load %arg0[%get3A, %get3A_0] : memref<10000x128xf32, #tpu.memory_space<vmem>>, vector<10000x128xf32>
    %get3A_2 = arith.constant 0 : index
    %get3A_3 = arith.constant 0 : index
    %get3A_4 = vector.load %arg1[%get3A_2, %get3A_3] : memref<2x10240xf32, #tpu.memory_space<vmem>>, vector<2x10240xf32>
    %slice3A = vector.extract_strided_slice %get3A_4 {offsets = [0, 0], sizes = [1, 10000], strides = [1, 1]} : vector<2x10240xf32> to vector<1x10000xf32>
    %squeeze3A = vector.shape_cast %slice3A : vector<1x10000xf32> to vector<10000xf32>
    %slice3A_5 = vector.extract_strided_slice %get3A_4 {offsets = [1, 0], sizes = [1, 10000], strides = [1, 1]} : vector<2x10240xf32> to vector<1x10000xf32>
    %squeeze3A_6 = vector.shape_cast %slice3A_5 : vector<1x10000xf32> to vector<10000xf32>
    %add3A = arith.addf %squeeze3A, %squeeze3A_6 : vector<10000xf32>
    %max3A = arith.constant 1.000000e+00 : f32
    %max3A_7 = vector.broadcast %max3A : f32 to vector<10000xf32>
    %max3A_8 = arith.maximumf %add3A, %max3A_7 : vector<10000xf32>
    %rsqrt3A = math.rsqrt %max3A_8 : vector<10000xf32>
    %broadcast_in_dim3A = vector.shape_cast %rsqrt3A : vector<10000xf32> to vector<10000x1xf32>
    %mul3A = vector.broadcast %broadcast_in_dim3A : vector<10000x1xf32> to vector<10000x128xf32>
    %mul3A_9 = arith.mulf %get3A_1, %mul3A : vector<10000x128xf32>
    %swap3A = arith.constant 0 : index
    %swap3A_10 = arith.constant 0 : index
    %swap3A_11 = vector.load %arg2[%swap3A, %swap3A_10] : memref<10016x128xf32, #tpu.memory_space<vmem>>, vector<10000x128xf32>
    tpu.vector_store %arg2[%swap3A, %swap3A_10], %mul3A_9 {strides = array<i32>} : memref<10016x128xf32, #tpu.memory_space<vmem>>, vector<10000x128xf32>,
    %broadcast_in_dim3A_12 = arith.constant 0.000000e+00 : f32
    %broadcast_in_dim3A_13 = vector.broadcast %broadcast_in_dim3A_12 : f32 to vector<16x128xf32>
    %swap3A_14 = arith.constant 10000 : index
    %swap3A_15 = arith.constant 0 : index
    %swap3A_16 = vector.load %arg2[%swap3A_14, %swap3A_15] : memref<10016x128xf32, #tpu.memory_space<vmem>>, vector<16x128xf32>
    tpu.vector_store %arg2[%swap3A_14, %swap3A_15], %broadcast_in_dim3A_13 {strides = array<i32>} : memref<10016x128xf32, #tpu.memory_space<vmem>>, vector<16x128xf32>,
    return
  }
}

module attributes {stable_mosaic.version = 14 : i64} {
  func.func @_mid_body(%arg0: memref<2x10240x128xf32, #tpu.memory_space<vmem>>, %arg1: memref<2x10240xf32, #tpu.memory_space<vmem>>, %arg2: memref<2x10240xf32, #tpu.memory_space<vmem>>, %arg3: memref<128x128xf32, #tpu.memory_space<vmem>>, %arg4: memref<1x128xf32, #tpu.memory_space<vmem>>, %arg5: memref<10016x128xf32, #tpu.memory_space<vmem>>) attributes {dimension_semantics = [], scalar_prefetch = 0 : i64, scratch_operands = 0 : i64, tpu.core_type = #tpu.core_type<tc>} {
    %get3A = arith.constant 0 : index
    %get3A_0 = arith.constant 0 : index
    %get3A_1 = arith.constant 0 : index
    %get3A_2 = vector.load %arg0[%get3A, %get3A_0, %get3A_1] : memref<2x10240x128xf32, #tpu.memory_space<vmem>>, vector<2x10240x128xf32>
    %slice3A = vector.extract_strided_slice %get3A_2 {offsets = [0, 0, 0], sizes = [1, 10000, 128], strides = [1, 1, 1]} : vector<2x10240x128xf32> to vector<1x10000x128xf32>
    %squeeze3A = vector.shape_cast %slice3A : vector<1x10000x128xf32> to vector<10000x128xf32>
    %slice3A_3 = vector.extract_strided_slice %get3A_2 {offsets = [1, 0, 0], sizes = [1, 10000, 128], strides = [1, 1, 1]} : vector<2x10240x128xf32> to vector<1x10000x128xf32>
    %squeeze3A_4 = vector.shape_cast %slice3A_3 : vector<1x10000x128xf32> to vector<10000x128xf32>
    %add3A = arith.addf %squeeze3A, %squeeze3A_4 : vector<10000x128xf32>
    %get3A_5 = arith.constant 0 : index
    %get3A_6 = arith.constant 0 : index
    %get3A_7 = vector.load %arg1[%get3A_5, %get3A_6] : memref<2x10240xf32, #tpu.memory_space<vmem>>, vector<2x10240xf32>
    %slice3A_8 = vector.extract_strided_slice %get3A_7 {offsets = [0, 0], sizes = [1, 10000], strides = [1, 1]} : vector<2x10240xf32> to vector<1x10000xf32>
    %squeeze3A_9 = vector.shape_cast %slice3A_8 : vector<1x10000xf32> to vector<10000xf32>
    %slice3A_10 = vector.extract_strided_slice %get3A_7 {offsets = [1, 0], sizes = [1, 10000], strides = [1, 1]} : vector<2x10240xf32> to vector<1x10000xf32>
    %squeeze3A_11 = vector.shape_cast %slice3A_10 : vector<1x10000xf32> to vector<10000xf32>
    %add3A_12 = arith.addf %squeeze3A_9, %squeeze3A_11 : vector<10000xf32>
    %max3A = arith.constant 1.000000e+00 : f32
    %max3A_13 = vector.broadcast %max3A : f32 to vector<10000xf32>
    %max3A_14 = arith.maximumf %add3A_12, %max3A_13 : vector<10000xf32>
    %rsqrt3A = math.rsqrt %max3A_14 : vector<10000xf32>
    %broadcast_in_dim3A = vector.shape_cast %rsqrt3A : vector<10000xf32> to vector<10000x1xf32>
    %mul3A = vector.broadcast %broadcast_in_dim3A : vector<10000x1xf32> to vector<10000x128xf32>
    %mul3A_15 = arith.mulf %add3A, %mul3A : vector<10000x128xf32>
    %get3A_16 = arith.constant 0 : index
    %get3A_17 = arith.constant 0 : index
    %get3A_18 = vector.load %arg3[%get3A_16, %get3A_17] : memref<128x128xf32, #tpu.memory_space<vmem>>, vector<128x128xf32>
    %dot_general3A = arith.constant dense<0.000000e+00> : vector<10000x128xf32>
    %dot_general3A_19 = tpu.matmul %mul3A_15, %get3A_18, %dot_general3A {dimension_numbers = #tpu.dot_dimension_numbers<[1], [0], [0], [1], [0, 0, 1, 1], [], []>, transpose_lhs_hint = false} : vector<10000x128xf32>, vector<128x128xf32>, vector<10000x128xf32> -> vector<10000x128xf32>
    %get3A_20 = arith.constant 0 : index
    %get3A_21 = arith.constant 0 : index
    %get3A_22 = vector.load %arg4[%get3A_20, %get3A_21] : memref<1x128xf32, #tpu.memory_space<vmem>>, vector<1x128xf32>
    %add3A_23 = vector.broadcast %get3A_22 : vector<1x128xf32> to vector<10000x128xf32>
    %add3A_24 = arith.addf %dot_general3A_19, %add3A_23 : vector<10000x128xf32>
    %max3A_25 = arith.constant 0.000000e+00 : f32
    %max3A_26 = vector.broadcast %max3A_25 : f32 to vector<10000x128xf32>
    %max3A_27 = arith.maximumf %add3A_24, %max3A_26 : vector<10000x128xf32>
    %get3A_28 = arith.constant 0 : index
    %get3A_29 = arith.constant 0 : index
    %get3A_30 = vector.load %arg2[%get3A_28, %get3A_29] : memref<2x10240xf32, #tpu.memory_space<vmem>>, vector<2x10240xf32>
    %slice3A_31 = vector.extract_strided_slice %get3A_30 {offsets = [0, 0], sizes = [1, 10000], strides = [1, 1]} : vector<2x10240xf32> to vector<1x10000xf32>
    %squeeze3A_32 = vector.shape_cast %slice3A_31 : vector<1x10000xf32> to vector<10000xf32>
    %slice3A_33 = vector.extract_strided_slice %get3A_30 {offsets = [1, 0], sizes = [1, 10000], strides = [1, 1]} : vector<2x10240xf32> to vector<1x10000xf32>
    %squeeze3A_34 = vector.shape_cast %slice3A_33 : vector<1x10000xf32> to vector<10000xf32>
    %add3A_35 = arith.addf %squeeze3A_32, %squeeze3A_34 : vector<10000xf32>
    %max3A_36 = arith.constant 1.000000e+00 : f32
    %max3A_37 = vector.broadcast %max3A_36 : f32 to vector<10000xf32>
    %max3A_38 = arith.maximumf %add3A_35, %max3A_37 : vector<10000xf32>
    %rsqrt3A_39 = math.rsqrt %max3A_38 : vector<10000xf32>
    %broadcast_in_dim3A_40 = vector.shape_cast %rsqrt3A_39 : vector<10000xf32> to vector<10000x1xf32>
    %mul3A_41 = vector.broadcast %broadcast_in_dim3A_40 : vector<10000x1xf32> to vector<10000x128xf32>
    %mul3A_42 = arith.mulf %max3A_27, %mul3A_41 : vector<10000x128xf32>
    %swap3A = arith.constant 0 : index
    %swap3A_43 = arith.constant 0 : index
    %swap3A_44 = vector.load %arg5[%swap3A, %swap3A_43] : memref<10016x128xf32, #tpu.memory_space<vmem>>, vector<10000x128xf32>
    tpu.vector_store %arg5[%swap3A, %swap3A_43], %mul3A_42 {strides = array<i32>} : memref<10016x128xf32, #tpu.memory_space<vmem>>, vector<10000x128xf32>,
    %broadcast_in_dim3A_45 = arith.constant 0.000000e+00 : f32
    %broadcast_in_dim3A_46 = vector.broadcast %broadcast_in_dim3A_45 : f32 to vector<16x128xf32>
    %swap3A_47 = arith.constant 10000 : index
    %swap3A_48 = arith.constant 0 : index
    %swap3A_49 = vector.load %arg5[%swap3A_47, %swap3A_48] : memref<10016x128xf32, #tpu.memory_space<vmem>>, vector<16x128xf32>
    tpu.vector_store %arg5[%swap3A_47, %swap3A_48], %broadcast_in_dim3A_46 {strides = array<i32>} : memref<10016x128xf32, #tpu.memory_space<vmem>>, vector<16x128xf32>,
    return
  }
}

module attributes {stable_mosaic.version = 14 : i64} {
  func.func @_fin_body(%arg0: memref<2x10240x128xf32, #tpu.memory_space<vmem>>, %arg1: memref<2x10240xf32, #tpu.memory_space<vmem>>, %arg2: memref<128x128xf32, #tpu.memory_space<vmem>>, %arg3: memref<1x128xf32, #tpu.memory_space<vmem>>, %arg4: memref<10000x128xf32, #tpu.memory_space<vmem>>) attributes {dimension_semantics = [], scalar_prefetch = 0 : i64, scratch_operands = 0 : i64, tpu.core_type = #tpu.core_type<tc>} {
    %get3A = arith.constant 0 : index
    %get3A_0 = arith.constant 0 : index
    %get3A_1 = arith.constant 0 : index
    %get3A_2 = vector.load %arg0[%get3A, %get3A_0, %get3A_1] : memref<2x10240x128xf32, #tpu.memory_space<vmem>>, vector<2x10240x128xf32>
    %slice3A = vector.extract_strided_slice %get3A_2 {offsets = [0, 0, 0], sizes = [1, 10000, 128], strides = [1, 1, 1]} : vector<2x10240x128xf32> to vector<1x10000x128xf32>
    %squeeze3A = vector.shape_cast %slice3A : vector<1x10000x128xf32> to vector<10000x128xf32>
    %slice3A_3 = vector.extract_strided_slice %get3A_2 {offsets = [1, 0, 0], sizes = [1, 10000, 128], strides = [1, 1, 1]} : vector<2x10240x128xf32> to vector<1x10000x128xf32>
    %squeeze3A_4 = vector.shape_cast %slice3A_3 : vector<1x10000x128xf32> to vector<10000x128xf32>
    %add3A = arith.addf %squeeze3A, %squeeze3A_4 : vector<10000x128xf32>
    %get3A_5 = arith.constant 0 : index
    %get3A_6 = arith.constant 0 : index
    %get3A_7 = vector.load %arg1[%get3A_5, %get3A_6] : memref<2x10240xf32, #tpu.memory_space<vmem>>, vector<2x10240xf32>
    %slice3A_8 = vector.extract_strided_slice %get3A_7 {offsets = [0, 0], sizes = [1, 10000], strides = [1, 1]} : vector<2x10240xf32> to vector<1x10000xf32>
    %squeeze3A_9 = vector.shape_cast %slice3A_8 : vector<1x10000xf32> to vector<10000xf32>
    %slice3A_10 = vector.extract_strided_slice %get3A_7 {offsets = [1, 0], sizes = [1, 10000], strides = [1, 1]} : vector<2x10240xf32> to vector<1x10000xf32>
    %squeeze3A_11 = vector.shape_cast %slice3A_10 : vector<1x10000xf32> to vector<10000xf32>
    %add3A_12 = arith.addf %squeeze3A_9, %squeeze3A_11 : vector<10000xf32>
    %max3A = arith.constant 1.000000e+00 : f32
    %max3A_13 = vector.broadcast %max3A : f32 to vector<10000xf32>
    %max3A_14 = arith.maximumf %add3A_12, %max3A_13 : vector<10000xf32>
    %rsqrt3A = math.rsqrt %max3A_14 : vector<10000xf32>
    %broadcast_in_dim3A = vector.shape_cast %rsqrt3A : vector<10000xf32> to vector<10000x1xf32>
    %mul3A = vector.broadcast %broadcast_in_dim3A : vector<10000x1xf32> to vector<10000x128xf32>
    %mul3A_15 = arith.mulf %add3A, %mul3A : vector<10000x128xf32>
    %get3A_16 = arith.constant 0 : index
    %get3A_17 = arith.constant 0 : index
    %get3A_18 = vector.load %arg2[%get3A_16, %get3A_17] : memref<128x128xf32, #tpu.memory_space<vmem>>, vector<128x128xf32>
    %dot_general3A = arith.constant dense<0.000000e+00> : vector<10000x128xf32>
    %dot_general3A_19 = tpu.matmul %mul3A_15, %get3A_18, %dot_general3A {dimension_numbers = #tpu.dot_dimension_numbers<[1], [0], [0], [1], [0, 0, 1, 1], [], []>, transpose_lhs_hint = false} : vector<10000x128xf32>, vector<128x128xf32>, vector<10000x128xf32> -> vector<10000x128xf32>
    %get3A_20 = arith.constant 0 : index
    %get3A_21 = arith.constant 0 : index
    %get3A_22 = vector.load %arg3[%get3A_20, %get3A_21] : memref<1x128xf32, #tpu.memory_space<vmem>>, vector<1x128xf32>
    %add3A_23 = vector.broadcast %get3A_22 : vector<1x128xf32> to vector<10000x128xf32>
    %add3A_24 = arith.addf %dot_general3A_19, %add3A_23 : vector<10000x128xf32>
    %swap3A = arith.constant 0 : index
    %swap3A_25 = arith.constant 0 : index
    %swap3A_26 = vector.load %arg4[%swap3A, %swap3A_25] : memref<10000x128xf32, #tpu.memory_space<vmem>>, vector<10000x128xf32>
    tpu.vector_store %arg4[%swap3A, %swap3A_25], %add3A_24 {strides = array<i32>} : memref<10000x128xf32, #tpu.memory_space<vmem>>, vector<10000x128xf32>,
    return
  }
}

</mosaic_0001>

<sc_bundles>
// kernel: kernel.11.cloned.1.call-start
scs
__scs_entry_jumppad:
0x0: {  	(pc) =	sbr.rel $0x88, $3  }
0x1: {  	(tag) =	ssettag $0x0;
	lr =	simm.s32 $0x1  }
0x2: {  	[smem:$0x3F9B] =	sst lr;
	_ =	strace $0xD0000000  }
0x3: {  	_ = 	snop  }
0x4: {  	_ = 	snop  }
0x5: {  	_ = 	snop  }
0x6: {  	_ = 	snop  }
0x7: {  	_ = 	snop  }
__scs_overlays_trampoline_lowered:
0x8: {  	[smem:$0x3FAA] =	sst s0  }
0x9: {  	[smem:$0x3FAB] =	sst s1  }
0xa: {  	[smem:$0x3FAC] =	sst s2  }
0xb: {  	[smem:$0x3FAD] =	sst s3  }
0xc: {  	[smem:$0x3FAE] =	sst s4  }
0xd: {  	[smem:$0x3FAF] =	sst s5  }
0xe: {  	[smem:$0x3FB0] =	sst s6  }
0xf: {  	[smem:$0x3FB1] =	sst s7  }
0x10: {  	[smem:$0x3FB2] =	sst s8  }
0x11: {  	[smem:$0x3FB3] =	sst s9;
	s0 =	simm.s32 @!p0 $0x0  }
0x12: {  	s1 =	sld [smem:$0x3F99];
	s0 =	simm.s32 @p0 $0x1  }
0x13: {  	[smem:$0x3FB4] =	sst s0;
	s0 =	simm.s32 @!p1 $0x0  }
0x14: {  	s2 =	sld [smem:$0x3F98];
	s0 =	simm.s32 @p1 $0x1  }
0x15: {  	[smem:$0x3FB5] =	sst s0;
	s0 =	simm.s32 @!p2 $0x0  }
0x16: {  	s3 =	sld [smem:$0x3FDB];
	s0 =	simm.s32 @p2 $0x1  }
0x17: {  	s4 =	simm.s32 $0x1BF5;
	[smem:$0x3FB7] =	sst s0  }
0x18: {  	s0 =	sld [smem:$0x3F9A];
	_ =	swait.ge [sflag:s4], $0x0  }
0x19: {  	s7 =	sld [smem:$0x3F9B]  }
0x1a: {  	s8 =	sadd.s32 $0xFFFFE003, lr  }
0x1b: {  	s9 =	sadd.s32 $0xFFFFFEF7, lr;
	s5 =	simm.s32 $0xFFFFFFFF;
	p2 =	slt.u32 s8, $0xFFFFF086  }
0x1c: {  	p1 =	slt.u32 s9, $0xF7A;
	s5 =	simm.s32 @!p2 $0x0  }
0x1d: {  	s5 =	simm.s32 @p1 $0x1;
	p0 =	seq.s32 s7, s2  }
0x1e: {  	s7 =	smul.u32 @!p0 $0xF7A, s2;
	p2 =	seq.s32 @!p0 s5, $0x0  }
0x1f: {  	s9 =	smul.u32 $0xF7A, s1;
	s8 =	simm.s32 @!p0 $0x1BF5;
	p2 =	por !p2, p0  }
0x20: {  	[sflag:s8] =	ssyncset.s32 @!p0 $0xFFFFF086;
	s6 =	sadd.s32 @!p0 s3, s7;
	s7 =	simm.s32 @!p0 $0x108  }
0x21: {  	s3 =	sadd.s32 s3, s9;
	s6 =	sadd.s32 @!p0 $0x88, s6;
	s7 =	simm.s32 @p2 $0x1082  }
0x22: {  	[simem:s7], [sflag:s8] =	dma.local @!p0 [hbm:s6], $0xF7A  }
0x23: {  	s9 =	sor.u32 $0xD0000000, s2;
	s6 =	simm.s32 $0x108;
	_ =	swait.ge @!p0 [sflag:s8], $0x0  }
0x24: {  	s3 =	sadd.s32 $0x88, s3;
	s6 =	simm.s32 @!p1 $0x1082;
	[sflag:s4] =	ssyncset.s32 $0xFFFFF086  }
0x25: {  	[simem:s6], [sflag:s4] =	dma.local [hbm:s3], $0xF7A  }
0x26: {  	[smem:$0x3F9B] =	sst s1;
	(tag) =	ssettag s2;
	_ =	strace s9  }
0x27: {  	s1 =	sld [smem:$0x3FAB]  }
0x28: {  	s2 =	sld [smem:$0x3FAC]  }
0x29: {  	s4 =	sld [smem:$0x3FAE]  }
0x2a: {  	p0 =	seq.s32 s5, $0x0;
	s5 =	sld [smem:$0x3FAF]  }
0x2b: {  	s6 =	sld [smem:$0x3FB0]  }
0x2c: {  	s7 =	sld [smem:$0x3FB1]  }
0x2d: {  	s3 =	simm.s32 $0x108;
	s8 =	sld [smem:$0x3FB2]  }
0x2e: {  	s3 =	simm.s32 @!p0 $0x1082;
	s9 =	sld [smem:$0x3FB3]  }
0x2f: {  	lr =	sadd.s32 s0, s3;
	s0 =	sld [smem:$0x3FAA]  }
0x30: {  	s3 =	sld [smem:$0x3FAD]  }
0x31: {  	[smem:$0x3FB6] =	sst s10  }
0x32: {  	s10 =	sld [smem:$0x3FB4];
	_ =	sdelay $0x3  }
0x33: {  	p0 =	seq.s32 s10, $0x1;
	s10 =	sld [smem:$0x3FB6];
	_ =	sdelay $0x3  }
0x34: {  	[smem:$0x3FB6] =	sst s10  }
0x35: {  	s10 =	sld [smem:$0x3FB5];
	_ =	sdelay $0x3  }
0x36: {  	p1 =	seq.s32 s10, $0x1;
	s10 =	sld [smem:$0x3FB6];
	_ =	sdelay $0x3  }
0x37: {  	[smem:$0x3FB6] =	sst s10  }
0x38: {  	s10 =	sld [smem:$0x3FB7]  }
0x39: {  	_ = 	snop;
	(pc) =	sbr.ind lr, $3  }
0x3a: {  	_ = 	snop  }
0x3b: {  	_ = 	snop  }
0x3c: {  	p2 =	seq.s32 s10, $0x1;
	s10 =	sld [smem:$0x3FB6]  }
0x3d: {  	_ =	shalt  }
0x3e: {  	_ =	shalt  }
0x3f: {  	_ =	shalt  }
0x40: {  	_ =	shalt  }
0x41: {  	_ =	shalt  }
0x42: {  	_ =	shalt  }
0x43: {  	_ =	shalt  }
0x44: {  	_ =	shalt  }
0x45: {  	_ =	shalt  }
0x46: {  	_ =	shalt  }
0x47: {  	_ =	shalt  }
0x48: {  	_ =	shalt  }
0x49: {  	_ =	shalt  }
0x4a: {  	_ =	shalt  }
0x4b: {  	_ =	shalt  }
0x4c: {  	_ =	shalt  }
0x4d: {  	_ =	shalt  }
0x4e: {  	_ =	shalt  }
0x4f: {  	_ =	shalt  }
0x50: {  	_ =	shalt  }
0x51: {  	_ =	shalt  }
0x52: {  	_ =	shalt  }
0x53: {  	_ =	shalt  }
0x54: {  	_ =	shalt  }
0x55: {  	_ =	shalt  }
0x56: {  	_ =	shalt  }
0x57: {  	_ =	shalt  }
0x58: {  	_ =	shalt  }
0x59: {  	_ =	shalt  }
0x5a: {  	_ =	shalt  }
0x5b: {  	_ =	shalt  }
0x5c: {  	_ =	shalt  }
0x5d: {  	_ =	shalt  }
0x5e: {  	_ =	shalt  }
0x5f: {  	_ =	shalt  }
0x60: {  	_ =	shalt  }
0x61: {  	_ =	shalt  }
0x62: {  	_ =	shalt  }
0x63: {  	_ =	shalt  }
0x64: {  	_ =	shalt  }
0x65: {  	_ =	shalt  }
0x66: {  	_ =	shalt  }
0x67: {  	_ =	shalt  }
0x68: {  	_ =	shalt  }
0x69: {  	_ =	shalt  }
0x6a: {  	_ =	shalt  }
0x6b: {  	_ =	shalt  }
0x6c: {  	_ =	shalt  }
0x6d: {  	_ =	shalt  }
0x6e: {  	_ =	shalt  }
0x6f: {  	_ =	shalt  }
0x70: {  	_ =	shalt  }
0x71: {  	_ =	shalt  }
0x72: {  	_ =	shalt  }
0x73: {  	_ =	shalt  }
0x74: {  	_ =	shalt  }
0x75: {  	_ =	shalt  }
0x76: {  	_ =	shalt  }
0x77: {  	_ =	shalt  }
0x78: {  	_ =	shalt  }
0x79: {  	_ =	shalt  }
0x7a: {  	_ =	shalt  }
0x7b: {  	_ =	shalt  }
0x7c: {  	_ =	shalt  }
0x7d: {  	_ =	shalt  }
0x7e: {  	_ =	shalt  }
0x7f: {  	_ =	shalt  }
0x80: {  	_ =	shalt  }
0x81: {  	_ =	shalt  }
0x82: {  	_ =	shalt  }
0x83: {  	_ =	shalt  }
0x84: {  	_ =	shalt  }
0x85: {  	_ =	shalt  }
0x86: {  	_ =	shalt  }
0x87: {  	_ =	shalt  }
.Lfunc_end0:
.L_simem_size_0:
called_computation.1_lowered:
.L_overlay_start_0:
0x88: {  	s2 =	sld [smem:$0x3FD9]  }
0x89: {  	s3 =	sld [smem:$0x3FFE];
	_ =	sdelay $0x1  }
0x8a: {  	s1 =	srdreg.scid  }
0x8b: {  	s0 =	sand.u32 $0x1, s1  }
0x8c: {  	s17 =	sshll.u32 s0, $0xA;
	s2 =	sadd.s32 s3, s2  }
0x8d: {  	s2 =	sadd.s32 s2, s17  }
0x8e: {  	[smem:$0x3FC2] =	sst s2  }
0x8f: {  	_ = 	snop  }
0x90: {  	s2 =	sld [smem:$0x3FD0];
	(tm) =	ssettm $0x1  }
0x91: {  	s18 =	sld [smem:$0x3FFB];
	_ =	sdelay $0x3  }
0x92: {  	_ =	strace s18  }
0x93: {  	s3 =	sld [smem:$0x3FFC];
	_ =	sdelay $0x3  }
0x94: {  	_ =	strace s3  }
0x95: {  	s3 =	sld [smem:$0x3FFD];
	_ =	sdelay $0x3  }
0x96: {  	_ =	strace s3  }
0x97: {  	_ =	strace $0x8FFFFFFF  }
0x98: {  	s19 =	sld [smem:$0x3FDB];
	_ =	sdelay $0x1  }
0x99: {  	s4 =	simm.s32 $_scs_section_size  }
0x9a: {  	s5 =	simm.s32 $_size__tile_overlayer_lowered;
	s6 =	simm.s32 $_tile_overlayer_lowered  }
0x9b: {  	s22 =	simm.s32 $0x1BFF;
	s21 =	sshll.u32 s6, $0x1;
	s3 =	sadd.s32 s4, s19  }
0x9c: {  	s7 =	simm.s32 $0x0;
	s20 =	sshll.u32 s5, $0x1;
	s5 =	sadd.s32 s21, s3  }
0x9d: {  	[timem:s7], [sflag:s22] =	dma.local [hbm:s5], s20  }
0x9e: {  	_ =	swait.ge [sflag:s22], s20  }
0x9f: {  	s4 =	ssub.s32 $0x0, s20;
	[sflag:s22] =	ssyncset.done $0x0  }
0xa0: {  	[sflag:s22] =	ssyncadd.s32 s4;
	_ =	sdelay $0x1  }
0xa1: {  	s23 =	simm.s32 $0x1B8B  }
0xa2: {  	_ =	swait.ge [sflag:s23], $0x1  }
0xa3: {  	[sflag:s23] =	ssyncset.done $0x0  }
0xa4: {  	s25 =	simm.s32 $0x1B8E;
	s24 =	sld [smem:$0x3FFE];
	[sflag:s23] =	ssyncadd.s32 $0xFFFFFFFF  }
0xa5: {  	s26 =	simm.s32 $execute0_lowered;
	[smem:$0x3FD2] =	sst s25  }
0xa6: {  	s5 =	sshll.u32 s26, $0x1;
	_ =	strace $0x80000049;
	[dreg:$0x1] =	wrdreg $0xFFFFFFFF  }
0xa7: {  	s28 =	simm.s32 $_size_execute0_lowered;
	s3 =	sadd.s32 s3, s5;
	[dreg:$0x0] =	wrdreg $0x0  }
0xa8: {  	s5 =	sshll.u32 s28, $0x1;
	[dreg:$0x2] =	wrdreg s3  }
0xa9: {  	[dreg:$0x3] =	wrdreg s5  }
0xaa: {  	[dreg:$0x4] =	wrdreg $0xC0  }
0xab: {  	_ =	task [dreg:s7], $0x5FFFF  }
0xac: {  	[dreg:$0x1] =	wrdreg $0xFFFFFFFF  }
0xad: {  	[dreg:$0x0] =	wrdreg $0x60  }
0xae: {  	[dreg:$0x2] =	wrdreg s24  }
0xaf: {  	[dreg:$0x3] =	wrdreg s2  }
0xb0: {  	[dreg:$0x4] =	wrdreg $0x88000  }
0xb1: {  	[dreg:$0x5] =	wrdreg $0x9  }
0xb2: {  	_ =	task.clear_ibuf [dreg:s7], $0x6FFFF;
	_ =	strace $0x90000049  }
0xb3: {  	s29 =	simm.s32 $0x9;
	_ =	strace $0x8000004B  }
0xb4: {  	_ =	swait.ge [sflag:s29], $0x1  }
0xb5: {  	[sflag:s29] =	ssyncadd.s32 $0xFFFFFFFF  }
0xb6: {  	_ =	strace $0x9000004B  }
0xb7: {  	_ =	sfence  }
0xb8: {  	s30 =	sld [smem:$0x0];
	_ =	sdelay $0x2  }
0xb9: {  	s31 =	sshll.u32 s1, $0xD;
	s1 =	sshrl.u32 s1, $0x2  }
0xba: {  	s3 =	sand.u32 $0x4000, s31;
	s1 =	sadd.s32 s1, s30  }
0xbb: {  	s0 =	sor.u32 s3, s0;
	s1 =	sshll.u32 s1, $0x11  }
0xbc: {  	s0 =	sor.u32 s1, s0  }
0xbd: {  	s0 =	sadd.s32 $0x8F2B, s0  }
0xbe: {  	[sflag:s0] =	ssyncadd.remote.s32 $0x1  }
0xbf: {  	_ =	sfence.sel $0xFFFF  }
0xc0: {  	[dreg:$0x0] =	wrdreg $0xFFFFFFFF;
	(pc) =	sbr.abs _section_cstart, $3  }
0xc1: {  	[dreg:$0x1] =	wrdreg $0xFFFFFFFF  }
0xc2: {  	_ =	task.clear_ibuf [dreg:s7], $0x2FFFF;
	_ =	strace $0x9FFFFFFF  }
0xc3: {  	(tm) =	ssettm $0x7FFFFFFF  }
tec
execute0_lowered:
.L_overlay_start_1:
0x0: {  	(tag) =	ssettag $0x1  }
0x1: {  	s0 =	rddreg [dreg:$0x0]  }
0x2: {  	s2 =	rddreg [dreg:$0x1]  }
0x3: {  	s1 =	rddreg [dreg:$0x2]  }
0x4: {  	s3 =	srdreg.scid;
	s11 =	stileid.u32;
	s14 =	simm.s32 $0x800  }
0x5: {  	s15 =	simm.s32 $0x2;
	s16 =	simm.s32 $0x400;
	s17 =	simm.s32 $0x80  }
0x6: {  	s18 =	simm.s32 $0x1;
	s28 =	simm.s32 $0x500;
	s7 =	smul.u32 $0x2800, s11  }
0x7: {  	s29 =	simm.s32 $0x200;
	s30 =	simm.s32 $0x580;
	s8 =	smul.u32 $0x14000, s11  }
0x8: {  	s31 =	simm.s32 $0x280;
	s5 =	sand.u32 $0x1, s3;
	s11 =	smul.u32 $0x50000, s11  }
0x9: {  	s3 =	simm.s32 $0x0;
	s4 =	sadd.s32 $0xD800, s0;
	s6 =	smul.u32 $0x28000, s5  }
0xa: {  	[smem:$0x7FF] =	sst s3;
	s19 =	smul.u32 $0x140000, s5;
	s5 =	ssub.s32 $0x2, s5  }
0xb: {  	_ =	strace $0x8000004A;
	s10 =	sshrl.u32 s5, $0x1;
	s11 =	sshrl.u32 s11, $0x2  }
0xc: {  	s13 =	sadd.s32 $0x4000, s8;
	s25 =	sadd.s32 $0x8000, s8;
	s6 =	sadd.s32 s7, s6  }
0xd: {  	s10 =	ssub.s32 s5, s10;
	s21 =	sadd.s32 s19, s8;
	s5 =	sadd.s32 s11, s1  }
0xe: {  	s23 =	sadd.s32 s19, s13;
	s26 =	sadd.s32 s13, s1;
	s20 =	sadd.s32 s19, s25  }
0xf: {  	s11 =	sadd.s32 s25, s1;
	s6 =	sshrl.u32 s6, $0x3;
	s12 =	sshrl.u32 s21, $0x3  }
0x10: {  	s10 =	smax.u32 s10, $0x1;
	s24 =	sshrl.u32 s23, $0x3;
	s21 =	sadd.s32 $0xC000, s8  }
0x11: {  	s8 =	sadd.s32 $0x10000, s8;
	s25 =	sshrl.u32 s11, $0x3;
	s9 =	sadd.s32 s6, s0  }
0x12: {  	s0 =	sadd.s32 $0x34A00, s0;
	[dreg:$0x5] =	wrdreg s10;
	s7 =	sadd.s32 s19, s8  }
0x13: {  	s23 =	sadd.s32 s8, s1;
	s13 =	sadd.s32 s6, s2;
	[dreg:$0xb] =	wrdreg s25  }
0x14: {  	s2 =	simm.s32 $0x300;
	s6 =	simm.s32 $0x680;
	s8 =	simm.s32 $0x700  }
0x15: {  	s22 =	sadd.s32 s0, s12;
	s10 =	sadd.s32 s0, s24;
	s12 =	sshrl.u32 s20, $0x3  }
0x16: {  	s7 =	sshrl.u32 s7, $0x3;
	s20 =	simm.s32 $0x100;
	[dreg:$0x4] =	wrdreg s22  }
0x17: {  	s24 =	sshrl.u32 s26, $0x3;
	[dreg:$0x6] =	wrdreg s10;
	s12 =	sadd.s32 s0, s12  }
0x18: {  	s22 =	sadd.s32 s19, s21;
	s19 =	simm.s32 $0x4800;
	[dreg:$0xa] =	wrdreg s24  }
0x19: {  	s10 =	simm.s32 $0x0;
	[dreg:$0x7] =	wrdreg s12;
	s12 =	sshrl.u32 s22, $0x3  }
0x1a: {  	s22 =	sadd.s32 s21, s1;
	s21 =	simm.s32 $0x480;
	s12 =	sadd.s32 s0, s12  }
0x1b: {  	s0 =	sadd.s32 s0, s7;
	s26 =	sshrl.u32 s22, $0x3;
	[dreg:$0x8] =	wrdreg s12  }
0x1c: {  	s7 =	simm.s32 $0x380;
	[dreg:$0x9] =	wrdreg s0;
	s12 =	sadd.s32 $0x2400, s9  }
0x1d: {  	[dreg:$0xc] =	wrdreg s26;
	s0 =	sshrl.u32 s23, $0x3;
	s26 =	simm.s32 $0x180  }
0x1e: {  	v0 =	vimm.f32 $0.0e+00;
	s9 =	simm.s32 $0x780;
	[dreg:$0xd] =	wrdreg s0;
	s0 =	simm.s32 $0x600  }
.LBB2_1:
0x1f: {  	[tilespmem:$0x800] =	vst v0  }
0x20: {  	[tilespmem:$0x810] =	vst v0  }
0x21: {  	[tilespmem:$0x820] =	vst v0  }
0x22: {  	[tilespmem:$0x830] =	vst v0  }
0x23: {  	[tilespmem:$0x840] =	vst v0  }
0x24: {  	[tilespmem:$0x850] =	vst v0  }
0x25: {  	[tilespmem:$0x860] =	vst v0  }
0x26: {  	[tilespmem:$0x870] =	vst v0  }
0x27: {  	[tilespmem:$0x880] =	vst v0  }
0x28: {  	[tilespmem:$0x890] =	vst v0  }
0x29: {  	[tilespmem:$0x8A0] =	vst v0  }
0x2a: {  	[tilespmem:$0x8B0] =	vst v0  }
0x2b: {  	[tilespmem:$0x8C0] =	vst v0  }
0x2c: {  	[tilespmem:$0x8D0] =	vst v0  }
0x2d: {  	[tilespmem:$0x8E0] =	vst v0  }
0x2e: {  	[tilespmem:$0x8F0] =	vst v0  }
0x2f: {  	[tilespmem:$0x900] =	vst v0  }
0x30: {  	[tilespmem:$0x910] =	vst v0  }
0x31: {  	[tilespmem:$0x920] =	vst v0  }
0x32: {  	[tilespmem:$0x930] =	vst v0  }
0x33: {  	[tilespmem:$0x940] =	vst v0  }
0x34: {  	[tilespmem:$0x950] =	vst v0  }
0x35: {  	[tilespmem:$0x960] =	vst v0  }
0x36: {  	[tilespmem:$0x970] =	vst v0  }
0x37: {  	[tilespmem:$0x980] =	vst v0  }
0x38: {  	[tilespmem:$0x990] =	vst v0  }
0x39: {  	[tilespmem:$0x9A0] =	vst v0  }
0x3a: {  	[tilespmem:$0x9B0] =	vst v0  }
0x3b: {  	[tilespmem:$0x9C0] =	vst v0  }
0x3c: {  	[tilespmem:$0x9D0] =	vst v0  }
0x3d: {  	[tilespmem:$0x9E0] =	vst v0  }
0x3e: {  	[tilespmem:$0x9F0] =	vst v0  }
0x3f: {  	[tilespmem:$0xA00] =	vst v0  }
0x40: {  	[tilespmem:$0xA10] =	vst v0  }
0x41: {  	[tilespmem:$0xA20] =	vst v0  }
0x42: {  	[tilespmem:$0xA30] =	vst v0  }
0x43: {  	[tilespmem:$0xA40] =	vst v0  }
0x44: {  	[tilespmem:$0xA50] =	vst v0  }
0x45: {  	[tilespmem:$0xA60] =	vst v0  }
0x46: {  	[tilespmem:$0xA70] =	vst v0  }
0x47: {  	[tilespmem:$0xA80] =	vst v0  }
0x48: {  	[tilespmem:$0xA90] =	vst v0  }
0x49: {  	[tilespmem:$0xAA0] =	vst v0  }
0x4a: {  	[tilespmem:$0xAB0] =	vst v0  }
0x4b: {  	[tilespmem:$0xAC0] =	vst v0  }
0x4c: {  	[tilespmem:$0xAD0] =	vst v0  }
0x4d: {  	[tilespmem:$0xAE0] =	vst v0  }
0x4e: {  	[tilespmem:$0xAF0] =	vst v0  }
0x4f: {  	[tilespmem:$0xB00] =	vst v0  }
0x50: {  	[tilespmem:$0xB10] =	vst v0  }
0x51: {  	[tilespmem:$0xB20] =	vst v0  }
0x52: {  	[tilespmem:$0xB30] =	vst v0  }
0x53: {  	[tilespmem:$0xB40] =	vst v0  }
0x54: {  	[tilespmem:$0xB50] =	vst v0  }
0x55: {  	[tilespmem:$0xB60] =	vst v0  }
0x56: {  	[tilespmem:$0xB70] =	vst v0  }
0x57: {  	[tilespmem:$0xB80] =	vst v0  }
0x58: {  	[tilespmem:$0xB90] =	vst v0  }
0x59: {  	[tilespmem:$0xBA0] =	vst v0  }
0x5a: {  	[tilespmem:$0xBB0] =	vst v0  }
0x5b: {  	[tilespmem:$0xBC0] =	vst v0  }
0x5c: {  	[tilespmem:$0xBD0] =	vst v0  }
0x5d: {  	[tilespmem:$0xBE0] =	vst v0  }
0x5e: {  	[tilespmem:$0xBF0] =	vst v0  }
0x5f: {  	[tilespmem:$0xC00] =	vst v0  }
0x60: {  	[tilespmem:$0xC10] =	vst v0  }
0x61: {  	[tilespmem:$0xC20] =	vst v0  }
0x62: {  	[tilespmem:$0xC30] =	vst v0  }
0x63: {  	[tilespmem:$0xC40] =	vst v0  }
0x64: {  	[tilespmem:$0xC50] =	vst v0  }
0x65: {  	[tilespmem:$0xC60] =	vst v0  }
0x66: {  	[tilespmem:$0xC70] =	vst v0  }
0x67: {  	[tilespmem:$0xC80] =	vst v0  }
0x68: {  	[tilespmem:$0xC90] =	vst v0  }
0x69: {  	[tilespmem:$0xCA0] =	vst v0  }
0x6a: {  	[tilespmem:$0xCB0] =	vst v0  }
0x6b: {  	[tilespmem:$0xCC0] =	vst v0  }
0x6c: {  	[tilespmem:$0xCD0] =	vst v0  }
0x6d: {  	[tilespmem:$0xCE0] =	vst v0  }
0x6e: {  	[tilespmem:$0xCF0] =	vst v0  }
0x6f: {  	[tilespmem:$0xD00] =	vst v0  }
0x70: {  	[tilespmem:$0xD10] =	vst v0  }
0x71: {  	[tilespmem:$0xD20] =	vst v0  }
0x72: {  	[tilespmem:$0xD30] =	vst v0  }
0x73: {  	[tilespmem:$0xD40] =	vst v0  }
0x74: {  	[tilespmem:$0xD50] =	vst v0  }
0x75: {  	[tilespmem:$0xD60] =	vst v0  }
0x76: {  	[tilespmem:$0xD70] =	vst v0  }
0x77: {  	[tilespmem:$0xD80] =	vst v0  }
0x78: {  	[tilespmem:$0xD90] =	vst v0  }
0x79: {  	[tilespmem:$0xDA0] =	vst v0  }
0x7a: {  	[tilespmem:$0xDB0] =	vst v0  }
0x7b: {  	[tilespmem:$0xDC0] =	vst v0  }
0x7c: {  	[tilespmem:$0xDD0] =	vst v0  }
0x7d: {  	[tilespmem:$0xDE0] =	vst v0  }
0x7e: {  	[tilespmem:$0xDF0] =	vst v0  }
0x7f: {  	[tilespmem:$0xE00] =	vst v0  }
0x80: {  	[tilespmem:$0xE10] =	vst v0  }
0x81: {  	[tilespmem:$0xE20] =	vst v0  }
0x82: {  	[tilespmem:$0xE30] =	vst v0  }
0x83: {  	[tilespmem:$0xE40] =	vst v0  }
0x84: {  	[tilespmem:$0xE50] =	vst v0  }
0x85: {  	[tilespmem:$0xE60] =	vst v0  }
0x86: {  	[tilespmem:$0xE70] =	vst v0  }
0x87: {  	[tilespmem:$0xE80] =	vst v0  }
0x88: {  	[tilespmem:$0xE90] =	vst v0  }
0x89: {  	[tilespmem:$0xEA0] =	vst v0  }
0x8a: {  	[tilespmem:$0xEB0] =	vst v0  }
0x8b: {  	[tilespmem:$0xEC0] =	vst v0  }
0x8c: {  	[tilespmem:$0xED0] =	vst v0  }
0x8d: {  	[tilespmem:$0xEE0] =	vst v0  }
0x8e: {  	[tilespmem:$0xEF0] =	vst v0  }
0x8f: {  	[tilespmem:$0xF00] =	vst v0  }
0x90: {  	[tilespmem:$0xF10] =	vst v0  }
0x91: {  	[tilespmem:$0xF20] =	vst v0  }
0x92: {  	[tilespmem:$0xF30] =	vst v0  }
0x93: {  	[tilespmem:$0xF40] =	vst v0  }
0x94: {  	[tilespmem:$0xF50] =	vst v0  }
0x95: {  	[tilespmem:$0xF60] =	vst v0  }
0x96: {  	[tilespmem:$0xF70] =	vst v0  }
0x97: {  	[tilespmem:$0xF80] =	vst v0  }
0x98: {  	[tilespmem:$0xF90] =	vst v0  }
0x99: {  	[tilespmem:$0xFA0] =	vst v0  }
0x9a: {  	[tilespmem:$0xFB0] =	vst v0  }
0x9b: {  	[tilespmem:$0xFC0] =	vst v0  }
0x9c: {  	[tilespmem:$0xFD0] =	vst v0  }
0x9d: {  	[tilespmem:$0xFE0] =	vst v0  }
0x9e: {  	[tilespmem:$0xFF0] =	vst v0;
	s11 =	sadd.s32 $0x0, s5  }
0x9f: {  	[spmem:s11] =	stream.linear.scatter [tilespmem:s14], [sflag:$0x2], $0x800, $0x38;
	[tilespmem:$0x1C800] =	vst v63  }
0xa0: {  	s11 =	simm.s32 $0x2000;
	_ =	swait.ge [sflag:s15], $0x800  }
.LBB2_2:
0xa1: {  	s22 =	sshra.s32 s11, $0x2;
	[sflag:s15] =	ssyncset.done $0x0;
	p0 =	sne.s32 s11, $0x4E000  }
.Ltmp0:
0xa2: {  	s22 =	sadd.s32 s22, s5;
	[sflag:s15] =	ssyncadd.s32 $0xFFFFF800;
	(pc) =	sbr.rel @p0 .LBB2_2-.Ltmp0, $3  }
0xa3: {  	[spmem:s22] =	stream.linear.scatter [tilespmem:s14], [sflag:$0x2], $0x800, $0x38;
	[tilespmem:$0x1C800] =	vst v63  }
0xa4: {  	s11 =	sadd.s32 $0x2000, s11;
	_ =	sdelay $0x1  }
0xa5: {  	_ =	swait.ge [sflag:s15], $0x800  }
0xa6: {  	[sflag:s15] =	ssyncset.done $0x0  }
0xa7: {  	[sflag:s15] =	ssyncadd.s32 $0xFFFFF800  }
0xa8: {  	s11 =	sadd.s32 $0x0, s13;
	[bflag:$0x0] =	sbarrier.arrive $0xFFFF  }
0xa9: {  	[tilespmem:s3], [sflag:$0x2] =	stream.linear.gather [hbm4b:s11+s3], $0x400, $0x38;
	[tilespmem:$0x1C800] =	vst v63  }
0xaa: {  	_ =	swait.ge [sflag:s15], $0x400  }
0xab: {  	[sflag:s15] =	ssyncset.done $0x0  }
0xac: {  	s25 =	sadd.s32 $0x0, s12;
	[sflag:s15] =	ssyncadd.s32 $0xFFFFFC00  }
0xad: {  	[tilespmem:s16], [sflag:$0x2] =	stream.linear.gather [hbm4b:s25+s3], $0x400, $0x38;
	[tilespmem:$0x1C800] =	vst v63  }
0xae: {  	_ =	swait.ge [sflag:s15], $0x400  }
0xaf: {  	[sflag:s15] =	ssyncset.done $0x0  }
0xb0: {  	[sflag:s15] =	ssyncadd.s32 $0xFFFFFC00  }
0xb1: {  	[tilespmem:s14], [sflag:$0x1] =	stream.indirect.gather [hbm4b:s4+s17], $0x80, s3, s17, $0xb8;
	[tilespmem:$0x1C800] =	vst v63  }
0xb2: {  	_ =	swait.ge [sflag:s18], $0x4000  }
0xb3: {  	[sflag:s18] =	ssyncset.done $0x0  }
0xb4: {  	[sflag:s18] =	ssyncadd.s32 $0xFFFFC000  }
0xb5: {  	[tilespmem:s19], [sflag:$0x1] =	stream.indirect.gather [hbm4b:s4+s17], $0x80, s17, s17, $0xb8;
	[tilespmem:$0x1C800] =	vst v63  }
0xb6: {  	_ = 	snop  }
0xb7: {  	[spmem:s1] =	stream.indirect.scatter.add.f32 [tilespmem:s14], [sflag:$0x2], $0x80, s16, s17, $0xb8;
	[tilespmem:$0x1C800] =	vst v63  }
0xb8: {  	_ =	swait.ge [sflag:s15], $0x4000  }
0xb9: {  	[sflag:s15] =	ssyncset.done $0x0  }
0xba: {  	[sflag:s15] =	ssyncadd.s32 $0xFFFFC000  }
0xbb: {  	_ =	swait.ge [sflag:s18], $0x4000  }
0xbc: {  	[sflag:s18] =	ssyncset.done $0x0  }
0xbd: {  	[sflag:s18] =	ssyncadd.s32 $0xFFFFC000  }
0xbe: {  	[tilespmem:s14], [sflag:$0x1] =	stream.indirect.gather [hbm4b:s4+s17], $0x80, s20, s17, $0xb8;
	[tilespmem:$0x1C800] =	vst v63  }
0xbf: {  	_ = 	snop  }
0xc0: {  	[spmem:s1] =	stream.indirect.scatter.add.f32 [tilespmem:s19], [sflag:$0x2], $0x80, s21, s17, $0xb8;
	[tilespmem:$0x1C800] =	vst v63  }
0xc1: {  	_ =	swait.ge [sflag:s15], $0x4000  }
0xc2: {  	[sflag:s15] =	ssyncset.done $0x0  }
0xc3: {  	[sflag:s15] =	ssyncadd.s32 $0xFFFFC000  }
0xc4: {  	_ =	swait.ge [sflag:s18], $0x4000  }
0xc5: {  	[sflag:s18] =	ssyncset.done $0x0  }
0xc6: {  	[sflag:s18] =	ssyncadd.s32 $0xFFFFC000  }
0xc7: {  	[tilespmem:s19], [sflag:$0x1] =	stream.indirect.gather [hbm4b:s4+s17], $0x80, s26, s17, $0xb8;
	[tilespmem:$0x1C800] =	vst v63  }
0xc8: {  	_ = 	snop  }
0xc9: {  	[spmem:s1] =	stream.indirect.scatter.add.f32 [tilespmem:s14], [sflag:$0x2], $0x80, s28, s17, $0xb8;
	[tilespmem:$0x1C800] =	vst v63  }
0xca: {  	_ =	swait.ge [sflag:s15], $0x4000  }
0xcb: {  	[sflag:s15] =	ssyncset.done $0x0  }
0xcc: {  	[sflag:s15] =	ssyncadd.s32 $0xFFFFC000  }
0xcd: {  	_ =	swait.ge [sflag:s18], $0x4000  }
0xce: {  	[sflag:s18] =	ssyncset.done $0x0  }
0xcf: {  	[sflag:s18] =	ssyncadd.s32 $0xFFFFC000  }
0xd0: {  	[tilespmem:s14], [sflag:$0x1] =	stream.indirect.gather [hbm4b:s4+s17], $0x80, s29, s17, $0xb8;
	[tilespmem:$0x1C800] =	vst v63  }
0xd1: {  	_ = 	snop  }
0xd2: {  	[spmem:s1] =	stream.indirect.scatter.add.f32 [tilespmem:s19], [sflag:$0x2], $0x80, s30, s17, $0xb8;
	[tilespmem:$0x1C800] =	vst v63  }
0xd3: {  	_ =	swait.ge [sflag:s15], $0x4000  }
0xd4: {  	[sflag:s15] =	ssyncset.done $0x0  }
0xd5: {  	[sflag:s15] =	ssyncadd.s32 $0xFFFFC000  }
0xd6: {  	_ =	swait.ge [sflag:s18], $0x4000  }
0xd7: {  	[sflag:s18] =	ssyncset.done $0x0  }
0xd8: {  	[sflag:s18] =	ssyncadd.s32 $0xFFFFC000  }
0xd9: {  	[tilespmem:s19], [sflag:$0x1] =	stream.indirect.gather [hbm4b:s4+s17], $0x80, s31, s17, $0xb8;
	[tilespmem:$0x1C800] =	vst v63  }
0xda: {  	_ = 	snop  }
0xdb: {  	[spmem:s1] =	stream.indirect.scatter.add.f32 [tilespmem:s14], [sflag:$0x2], $0x80, s0, s17, $0xb8;
	[tilespmem:$0x1C800] =	vst v63  }
0xdc: {  	_ =	swait.ge [sflag:s15], $0x4000  }
0xdd: {  	[sflag:s15] =	ssyncset.done $0x0  }
0xde: {  	[sflag:s15] =	ssyncadd.s32 $0xFFFFC000  }
0xdf: {  	_ =	swait.ge [sflag:s18], $0x4000  }
0xe0: {  	[sflag:s18] =	ssyncset.done $0x0  }
0xe1: {  	[sflag:s18] =	ssyncadd.s32 $0xFFFFC000  }
0xe2: {  	[tilespmem:s14], [sflag:$0x1] =	stream.indirect.gather [hbm4b:s4+s17], $0x80, s2, s17, $0xb8;
	[tilespmem:$0x1C800] =	vst v63  }
0xe3: {  	_ = 	snop  }
0xe4: {  	[spmem:s1] =	stream.indirect.scatter.add.f32 [tilespmem:s19], [sflag:$0x2], $0x80, s6, s17, $0xb8;
	[tilespmem:$0x1C800] =	vst v63  }
0xe5: {  	_ =	swait.ge [sflag:s15], $0x4000  }
0xe6: {  	[sflag:s15] =	ssyncset.done $0x0  }
0xe7: {  	[sflag:s15] =	ssyncadd.s32 $0xFFFFC000  }
0xe8: {  	_ =	swait.ge [sflag:s18], $0x4000  }
0xe9: {  	[sflag:s18] =	ssyncset.done $0x0  }
0xea: {  	[sflag:s18] =	ssyncadd.s32 $0xFFFFC000  }
0xeb: {  	[tilespmem:s19], [sflag:$0x1] =	stream.indirect.gather [hbm4b:s4+s17], $0x80, s7, s17, $0xb8;
	[tilespmem:$0x1C800] =	vst v63  }
0xec: {  	_ = 	snop  }
0xed: {  	[spmem:s1] =	stream.indirect.scatter.add.f32 [tilespmem:s14], [sflag:$0x2], $0x80, s8, s17, $0xb8;
	[tilespmem:$0x1C800] =	vst v63  }
0xee: {  	_ =	swait.ge [sflag:s15], $0x4000  }
0xef: {  	[sflag:s15] =	ssyncset.done $0x0  }
0xf0: {  	[sflag:s15] =	ssyncadd.s32 $0xFFFFC000  }
0xf1: {  	_ =	swait.ge [sflag:s18], $0x4000  }
0xf2: {  	[sflag:s18] =	ssyncset.done $0x0  }
0xf3: {  	[sflag:s18] =	ssyncadd.s32 $0xFFFFC000  }
0xf4: {  	[spmem:s1] =	stream.indirect.scatter.add.f32 [tilespmem:s19], [sflag:$0x2], $0x80, s9, s17, $0xb8;
	[tilespmem:$0x1C800] =	vst v63  }
0xf5: {  	_ =	swait.ge [sflag:s15], $0x4000  }
0xf6: {  	s22 =	simm.s32 $0x100;
	s11 =	simm.s32 $0x80;
	[sflag:s15] =	ssyncset.done $0x0  }
.LBB2_4:
0xf7: {  	s24 =	sadd.s32 s11, s13  }
0xf8: {  	[sflag:s15] =	ssyncadd.s32 $0xFFFFC000;
	s25 =	smov.u32 s22;
	s23 =	sadd.s32 $0x80, s22  }
0xf9: {  	[tilespmem:s3], [sflag:$0x2] =	stream.linear.gather [hbm4b:s24+s3], $0x400, $0x38;
	[tilespmem:$0x1C800] =	vst v63  }
0xfa: {  	p0 =	sne.s32 s22, $0x480;
	_ =	swait.ge [sflag:s15], $0x400  }
0xfb: {  	[sflag:s15] =	ssyncset.done $0x0  }
0xfc: {  	s22 =	sadd.s32 s11, s12;
	s11 =	smov.u32 s25;
	[sflag:s15] =	ssyncadd.s32 $0xFFFFFC00  }
0xfd: {  	[tilespmem:s16], [sflag:$0x2] =	stream.linear.gather [hbm4b:s22+s3], $0x400, $0x38;
	[tilespmem:$0x1C800] =	vst v63  }
0xfe: {  	_ =	swait.ge [sflag:s15], $0x400  }
0xff: {  	[sflag:s15] =	ssyncset.done $0x0  }
0x100: {  	[sflag:s15] =	ssyncadd.s32 $0xFFFFFC00  }
0x101: {  	[tilespmem:s14], [sflag:$0x1] =	stream.indirect.gather [hbm4b:s4+s17], $0x80, s3, s17, $0xb8;
	[tilespmem:$0x1C800] =	vst v63  }
0x102: {  	_ =	swait.ge [sflag:s18], $0x4000  }
0x103: {  	[sflag:s18] =	ssyncset.done $0x0  }
0x104: {  	[sflag:s18] =	ssyncadd.s32 $0xFFFFC000  }
0x105: {  	[tilespmem:s19], [sflag:$0x1] =	stream.indirect.gather [hbm4b:s4+s17], $0x80, s17, s17, $0xb8;
	[tilespmem:$0x1C800] =	vst v63  }
0x106: {  	_ = 	snop  }
0x107: {  	[spmem:s1] =	stream.indirect.scatter.add.f32 [tilespmem:s14], [sflag:$0x2], $0x80, s16, s17, $0xb8;
	[tilespmem:$0x1C800] =	vst v63  }
0x108: {  	_ =	swait.ge [sflag:s15], $0x4000  }
0x109: {  	[sflag:s15] =	ssyncset.done $0x0  }
0x10a: {  	[sflag:s15] =	ssyncadd.s32 $0xFFFFC000  }
0x10b: {  	_ =	swait.ge [sflag:s18], $0x4000  }
0x10c: {  	[sflag:s18] =	ssyncset.done $0x0  }
0x10d: {  	[sflag:s18] =	ssyncadd.s32 $0xFFFFC000  }
0x10e: {  	[tilespmem:s14], [sflag:$0x1] =	stream.indirect.gather [hbm4b:s4+s17], $0x80, s20, s17, $0xb8;
	[tilespmem:$0x1C800] =	vst v63  }
0x10f: {  	_ = 	snop  }
0x110: {  	[spmem:s1] =	stream.indirect.scatter.add.f32 [tilespmem:s19], [sflag:$0x2], $0x80, s21, s17, $0xb8;
	[tilespmem:$0x1C800] =	vst v63  }
0x111: {  	_ =	swait.ge [sflag:s15], $0x4000  }
0x112: {  	[sflag:s15] =	ssyncset.done $0x0  }
0x113: {  	[sflag:s15] =	ssyncadd.s32 $0xFFFFC000  }
0x114: {  	_ =	swait.ge [sflag:s18], $0x4000  }
0x115: {  	[sflag:s18] =	ssyncset.done $0x0  }
0x116: {  	[sflag:s18] =	ssyncadd.s32 $0xFFFFC000  }
0x117: {  	[tilespmem:s19], [sflag:$0x1] =	stream.indirect.gather [hbm4b:s4+s17], $0x80, s26, s17, $0xb8;
	[tilespmem:$0x1C800] =	vst v63  }
0x118: {  	_ = 	snop  }
0x119: {  	[spmem:s1] =	stream.indirect.scatter.add.f32 [tilespmem:s14], [sflag:$0x2], $0x80, s28, s17, $0xb8;
	[tilespmem:$0x1C800] =	vst v63  }
0x11a: {  	_ =	swait.ge [sflag:s15], $0x4000  }
0x11b: {  	[sflag:s15] =	ssyncset.done $0x0  }
0x11c: {  	[sflag:s15] =	ssyncadd.s32 $0xFFFFC000  }
0x11d: {  	_ =	swait.ge [sflag:s18], $0x4000  }
0x11e: {  	[sflag:s18] =	ssyncset.done $0x0  }
0x11f: {  	[sflag:s18] =	ssyncadd.s32 $0xFFFFC000  }
0x120: {  	[tilespmem:s14], [sflag:$0x1] =	stream.indirect.gather [hbm4b:s4+s17], $0x80, s29, s17, $0xb8;
	[tilespmem:$0x1C800] =	vst v63  }
0x121: {  	_ = 	snop  }
0x122: {  	[spmem:s1] =	stream.indirect.scatter.add.f32 [tilespmem:s19], [sflag:$0x2], $0x80, s30, s17, $0xb8;
	[tilespmem:$0x1C800] =	vst v63  }
0x123: {  	_ =	swait.ge [sflag:s15], $0x4000  }
0x124: {  	[sflag:s15] =	ssyncset.done $0x0  }
0x125: {  	[sflag:s15] =	ssyncadd.s32 $0xFFFFC000  }
0x126: {  	_ =	swait.ge [sflag:s18], $0x4000  }
0x127: {  	[sflag:s18] =	ssyncset.done $0x0  }
0x128: {  	[sflag:s18] =	ssyncadd.s32 $0xFFFFC000  }
0x129: {  	[tilespmem:s19], [sflag:$0x1] =	stream.indirect.gather [hbm4b:s4+s17], $0x80, s31, s17, $0xb8;
	[tilespmem:$0x1C800] =	vst v63  }
0x12a: {  	_ = 	snop  }
0x12b: {  	[spmem:s1] =	stream.indirect.scatter.add.f32 [tilespmem:s14], [sflag:$0x2], $0x80, s0, s17, $0xb8;
	[tilespmem:$0x1C800] =	vst v63  }
0x12c: {  	_ =	swait.ge [sflag:s15], $0x4000  }
0x12d: {  	[sflag:s15] =	ssyncset.done $0x0  }
0x12e: {  	[sflag:s15] =	ssyncadd.s32 $0xFFFFC000  }
0x12f: {  	_ =	swait.ge [sflag:s18], $0x4000  }
0x130: {  	[sflag:s18] =	ssyncset.done $0x0  }
0x131: {  	[sflag:s18] =	ssyncadd.s32 $0xFFFFC000  }
0x132: {  	[tilespmem:s14], [sflag:$0x1] =	stream.indirect.gather [hbm4b:s4+s17], $0x80, s2, s17, $0xb8;
	[tilespmem:$0x1C800] =	vst v63  }
0x133: {  	_ = 	snop  }
0x134: {  	[spmem:s1] =	stream.indirect.scatter.add.f32 [tilespmem:s19], [sflag:$0x2], $0x80, s6, s17, $0xb8;
	[tilespmem:$0x1C800] =	vst v63  }
0x135: {  	_ =	swait.ge [sflag:s15], $0x4000  }
0x136: {  	[sflag:s15] =	ssyncset.done $0x0  }
0x137: {  	[sflag:s15] =	ssyncadd.s32 $0xFFFFC000  }
0x138: {  	_ =	swait.ge [sflag:s18], $0x4000  }
0x139: {  	[sflag:s18] =	ssyncset.done $0x0  }
0x13a: {  	[sflag:s18] =	ssyncadd.s32 $0xFFFFC000  }
0x13b: {  	[tilespmem:s19], [sflag:$0x1] =	stream.indirect.gather [hbm4b:s4+s17], $0x80, s7, s17, $0xb8;
	[tilespmem:$0x1C800] =	vst v63  }
0x13c: {  	_ = 	snop  }
0x13d: {  	[spmem:s1] =	stream.indirect.scatter.add.f32 [tilespmem:s14], [sflag:$0x2], $0x80, s8, s17, $0xb8;
	[tilespmem:$0x1C800] =	vst v63  }
0x13e: {  	_ =	swait.ge [sflag:s15], $0x4000  }
0x13f: {  	[sflag:s15] =	ssyncset.done $0x0  }
0x140: {  	[sflag:s15] =	ssyncadd.s32 $0xFFFFC000  }
0x141: {  	_ =	swait.ge [sflag:s18], $0x4000  }
.Ltmp1:
0x142: {  	[sflag:s18] =	ssyncset.done $0x0;
	(pc) =	sbr.rel @p0 .LBB2_4-.Ltmp1, $4  }
0x143: {  	[sflag:s18] =	ssyncadd.s32 $0xFFFFC000  }
0x144: {  	[spmem:s1] =	stream.indirect.scatter.add.f32 [tilespmem:s19], [sflag:$0x2], $0x80, s9, s17, $0xb8;
	[tilespmem:$0x1C800] =	vst v63  }
0x145: {  	_ =	swait.ge [sflag:s15], $0x4000  }
0x146: {  	s22 =	smov.u32 s23;
	[sflag:s15] =	ssyncset.done $0x0  }
0x147: {  	s22 =	sadd.s32 s11, s13;
	[sflag:s15] =	ssyncadd.s32 $0xFFFFC000  }
0x148: {  	[tilespmem:s3], [sflag:$0x2] =	stream.linear.gather [hbm4b:s22+s3], $0x400, $0x38;
	[tilespmem:$0x1C800] =	vst v63  }
0x149: {  	_ =	swait.ge [sflag:s15], $0x400  }
0x14a: {  	[sflag:s15] =	ssyncset.done $0x0  }
0x14b: {  	s23 =	sadd.s32 s11, s12;
	[sflag:s15] =	ssyncadd.s32 $0xFFFFFC00  }
0x14c: {  	[tilespmem:s16], [sflag:$0x2] =	stream.linear.gather [hbm4b:s23+s3], $0x400, $0x38;
	[tilespmem:$0x1C800] =	vst v63  }
0x14d: {  	_ =	swait.ge [sflag:s15], $0x400  }
0x14e: {  	[sflag:s15] =	ssyncset.done $0x0  }
0x14f: {  	[sflag:s15] =	ssyncadd.s32 $0xFFFFFC00  }
0x150: {  	[tilespmem:s14], [sflag:$0x1] =	stream.indirect.gather [hbm4b:s4+s17], $0x80, s3, s17, $0xb8;
	[tilespmem:$0x1C800] =	vst v63  }
0x151: {  	_ =	swait.ge [sflag:s18], $0x4000  }
0x152: {  	[sflag:s18] =	ssyncset.done $0x0  }
0x153: {  	[sflag:s18] =	ssyncadd.s32 $0xFFFFC000  }
0x154: {  	[tilespmem:s19], [sflag:$0x1] =	stream.indirect.gather [hbm4b:s4+s17], $0x80, s17, s17, $0xb8;
	[tilespmem:$0x1C800] =	vst v63  }
0x155: {  	_ = 	snop  }
0x156: {  	[spmem:s1] =	stream.indirect.scatter.add.f32 [tilespmem:s14], [sflag:$0x2], $0x80, s16, s17, $0xb8;
	[tilespmem:$0x1C800] =	vst v63  }
0x157: {  	_ =	swait.ge [sflag:s15], $0x4000  }
0x158: {  	[sflag:s15] =	ssyncset.done $0x0  }
0x159: {  	[sflag:s15] =	ssyncadd.s32 $0xFFFFC000  }
0x15a: {  	_ =	swait.ge [sflag:s18], $0x4000  }
0x15b: {  	[sflag:s18] =	ssyncset.done $0x0  }
0x15c: {  	[sflag:s18] =	ssyncadd.s32 $0xFFFFC000  }
0x15d: {  	[tilespmem:s14], [sflag:$0x1] =	stream.indirect.gather [hbm4b:s4+s17], $0x80, s20, s17, $0xb8;
	[tilespmem:$0x1C800] =	vst v63  }
0x15e: {  	_ = 	snop  }
0x15f: {  	[spmem:s1] =	stream.indirect.scatter.add.f32 [tilespmem:s19], [sflag:$0x2], $0x80, s21, s17, $0xb8;
	[tilespmem:$0x1C800] =	vst v63  }
0x160: {  	_ =	swait.ge [sflag:s15], $0x4000  }
0x161: {  	[sflag:s15] =	ssyncset.done $0x0  }
0x162: {  	[sflag:s15] =	ssyncadd.s32 $0xFFFFC000  }
0x163: {  	_ =	swait.ge [sflag:s18], $0x4000  }
0x164: {  	[sflag:s18] =	ssyncset.done $0x0  }
0x165: {  	[sflag:s18] =	ssyncadd.s32 $0xFFFFC000  }
0x166: {  	[tilespmem:s19], [sflag:$0x1] =	stream.indirect.gather [hbm4b:s4+s17], $0x80, s26, s17, $0xb8;
	[tilespmem:$0x1C800] =	vst v63  }
0x167: {  	_ = 	snop  }
0x168: {  	[spmem:s1] =	stream.indirect.scatter.add.f32 [tilespmem:s14], [sflag:$0x2], $0x80, s28, s17, $0xb8;
	[tilespmem:$0x1C800] =	vst v63  }
0x169: {  	_ =	swait.ge [sflag:s15], $0x4000  }
0x16a: {  	[sflag:s15] =	ssyncset.done $0x0  }
0x16b: {  	[sflag:s15] =	ssyncadd.s32 $0xFFFFC000  }
0x16c: {  	_ =	swait.ge [sflag:s18], $0x4000  }
0x16d: {  	[sflag:s18] =	ssyncset.done $0x0  }
0x16e: {  	[sflag:s18] =	ssyncadd.s32 $0xFFFFC000  }
0x16f: {  	[tilespmem:s14], [sflag:$0x1] =	stream.indirect.gather [hbm4b:s4+s17], $0x80, s29, s17, $0xb8;
	[tilespmem:$0x1C800] =	vst v63  }
0x170: {  	_ = 	snop  }
0x171: {  	[spmem:s1] =	stream.indirect.scatter.add.f32 [tilespmem:s19], [sflag:$0x2], $0x80, s30, s17, $0xb8;
	[tilespmem:$0x1C800] =	vst v63  }
0x172: {  	_ =	swait.ge [sflag:s15], $0x4000  }
0x173: {  	[sflag:s15] =	ssyncset.done $0x0  }
0x174: {  	[sflag:s15] =	ssyncadd.s32 $0xFFFFC000  }
0x175: {  	_ =	swait.ge [sflag:s18], $0x4000  }
0x176: {  	[sflag:s18] =	ssyncset.done $0x0  }
0x177: {  	[sflag:s18] =	ssyncadd.s32 $0xFFFFC000  }
0x178: {  	[tilespmem:s19], [sflag:$0x1] =	stream.indirect.gather [hbm4b:s4+s17], $0x80, s31, s17, $0xb8;
	[tilespmem:$0x1C800] =	vst v63  }
0x179: {  	_ = 	snop  }
0x17a: {  	[spmem:s1] =	stream.indirect.scatter.add.f32 [tilespmem:s14], [sflag:$0x2], $0x80, s0, s17, $0xb8;
	[tilespmem:$0x1C800] =	vst v63  }
0x17b: {  	_ =	swait.ge [sflag:s15], $0x4000  }
0x17c: {  	[sflag:s15] =	ssyncset.done $0x0  }
0x17d: {  	[sflag:s15] =	ssyncadd.s32 $0xFFFFC000  }
0x17e: {  	_ =	swait.ge [sflag:s18], $0x4000  }
0x17f: {  	[sflag:s18] =	ssyncset.done $0x0  }
0x180: {  	[sflag:s18] =	ssyncadd.s32 $0xFFFFC000  }
0x181: {  	[tilespmem:s14], [sflag:$0x1] =	stream.indirect.gather [hbm4b:s4+s17], $0x80, s2, s17, $0xb8;
	[tilespmem:$0x1C800] =	vst v63  }
0x182: {  	_ = 	snop  }
0x183: {  	[spmem:s1] =	stream.indirect.scatter.add.f32 [tilespmem:s19], [sflag:$0x2], $0x80, s6, s17, $0xb8;
	[tilespmem:$0x1C800] =	vst v63  }
0x184: {  	_ =	swait.ge [sflag:s15], $0x4000  }
0x185: {  	[sflag:s15] =	ssyncset.done $0x0  }
0x186: {  	[sflag:s15] =	ssyncadd.s32 $0xFFFFC000  }
0x187: {  	_ =	swait.ge [sflag:s18], $0x4000  }
0x188: {  	[sflag:s18] =	ssyncset.done $0x0  }
0x189: {  	[sflag:s18] =	ssyncadd.s32 $0xFFFFC000  }
0x18a: {  	[tilespmem:s19], [sflag:$0x1] =	stream.indirect.gather [hbm4b:s4+s17], $0x80, s7, s17, $0xb8;
	[tilespmem:$0x1C800] =	vst v63  }
0x18b: {  	_ = 	snop  }
0x18c: {  	[spmem:s1] =	stream.indirect.scatter.add.f32 [tilespmem:s14], [sflag:$0x2], $0x80, s8, s17, $0xb8;
	[tilespmem:$0x1C800] =	vst v63  }
0x18d: {  	_ =	swait.ge [sflag:s15], $0x4000  }
0x18e: {  	[sflag:s15] =	ssyncset.done $0x0  }
0x18f: {  	[sflag:s15] =	ssyncadd.s32 $0xFFFFC000  }
0x190: {  	_ =	swait.ge [sflag:s18], $0x4000  }
0x191: {  	[sflag:s18] =	ssyncset.done $0x0  }
0x192: {  	[sflag:s18] =	ssyncadd.s32 $0xFFFFC000  }
0x193: {  	[spmem:s1] =	stream.indirect.scatter.add.f32 [tilespmem:s19], [sflag:$0x2], $0x80, s9, s17, $0xb8;
	[tilespmem:$0x1C800] =	vst v63  }
0x194: {  	_ =	swait.ge [sflag:s15], $0x4000  }
0x195: {  	[sflag:s15] =	ssyncset.done $0x0  }
0x196: {  	s24 =	stileid.u32;
	[sflag:s15] =	ssyncadd.s32 $0xFFFFC000  }
0x197: {  	s11 =	sshll.u32 s24, $0x6;
	[bflag:$0x0] =	sbarrier.arrive $0xFFFF  }
0x198: {  	s25 =	sshrl.u32 s5, $0x3;
	s11 =	sor.u32 $0x1C02, s11;
	s23 =	rddreg [dreg:$0x4]  }
0x199: {  	[hbm:s23], [sflag:s11] =	dma.local [spmem:s25], $0x800  }
0x19a: {  	_ =	swait.ge [sflag:s15], $0x800  }
0x19b: {  	[sflag:s15] =	ssyncset.done $0x0;
	s24 =	rddreg [dreg:$0x6]  }
0x19c: {  	s25 =	rddreg [dreg:$0xa];
	[sflag:s15] =	ssyncadd.s32 $0xFFFFF800  }
0x19d: {  	[hbm:s24], [sflag:s11] =	dma.local [spmem:s25], $0x800  }
0x19e: {  	_ =	swait.ge [sflag:s15], $0x800  }
0x19f: {  	[sflag:s15] =	ssyncset.done $0x0;
	s24 =	rddreg [dreg:$0x7]  }
0x1a0: {  	s25 =	rddreg [dreg:$0xb];
	[sflag:s15] =	ssyncadd.s32 $0xFFFFF800  }
0x1a1: {  	[hbm:s24], [sflag:s11] =	dma.local [spmem:s25], $0x800  }
0x1a2: {  	_ =	swait.ge [sflag:s15], $0x800  }
0x1a3: {  	[sflag:s15] =	ssyncset.done $0x0;
	s24 =	rddreg [dreg:$0x8]  }
0x1a4: {  	s25 =	rddreg [dreg:$0xc];
	[sflag:s15] =	ssyncadd.s32 $0xFFFFF800  }
0x1a5: {  	[hbm:s24], [sflag:s11] =	dma.local [spmem:s25], $0x800  }
0x1a6: {  	_ =	swait.ge [sflag:s15], $0x800  }
0x1a7: {  	[sflag:s15] =	ssyncset.done $0x0;
	s23 =	rddreg [dreg:$0x9]  }
0x1a8: {  	s24 =	rddreg [dreg:$0xd];
	[sflag:s15] =	ssyncadd.s32 $0xFFFFF800  }
0x1a9: {  	[hbm:s23], [sflag:s11] =	dma.local [spmem:s24], $0x800  }
0x1aa: {  	_ =	swait.ge [sflag:s15], $0x800  }
0x1ab: {  	s10 =	sadd.s32 $0x1, s10;
	s25 =	rddreg [dreg:$0x5]  }
0x1ac: {  	p0 =	sne.s32 s10, s25  }
.Ltmp2:
0x1ad: {  	_ = 	snop;
	(pc) =	sbr.rel @p0 .LBB2_1-.Ltmp2, $3  }
0x1ae: {  	_ =	sdelay $0x1  }
0x1af: {  	[sflag:s15] =	ssyncset.done $0x0  }
0x1b0: {  	[sflag:s15] =	ssyncadd.s32 $0xFFFFF800  }
0x1b1: {  	_ =	sfence.sel $0x180000  }
0x1b2: {  	[bflag:$0x0] =	sbarrier.arrive $0xFFFF  }
0x1b3: {  	_ =	strace $0x9000004A  }
0x1b4: {  	s0 =	stileid.u32;
	[bflag:$0x2] =	sbarrier.arrive $0xFFFF  }
0x1b5: {  	p0 =	sne.s32 s0, $0x0;
	s0 =	rddreg [dreg:$0x3]  }
0x1b6: {  	s0 =	sadd.s32 @!p0 $0x100000, s0  }
0x1b7: {  	[sflag:s0] =	ssyncadd.tile.s32 @!p0 $0x1;
	_ =	shalt  }
.Lfunc_end2:
_tile_overlayer_lowered:
.L_overlay_start_2:
0x1b8: {  	(tag) =	ssettag $0x2  }
0x1b9: {  	s0 =	rddreg [dreg:$0x0];
	s2 =	stileid.u32  }
0x1ba: {  	s1 =	rddreg [dreg:$0x1];
	p0 =	sne.s32 s2, $0x0  }
0x1bb: {  	s3 =	rddreg [dreg:$0x2];
	[bflag:$0x3] =	sbarrier.arrive $0xFFFF;
	s2 =	simm.s32 @!p0 $0x1C02  }
0x1bc: {  	[timem:s3], [sflag:s2] =	dma.local @!p0 [hbm:s0], s1  }
0x1bd: {  	s0 =	simm.s32 @!p0 $0x2  }
0x1be: {  	_ =	swait.ge @!p0 [sflag:s0], s1  }
0x1bf: {  	s1 =	ssub.s32 @!p0 $0x0, s1;
	[sflag:s0] =	ssyncset.done @!p0 $0x0  }
0x1c0: {  	[sflag:s0] =	ssyncadd.s32 @!p0 s1  }
0x1c1: {  	[bflag:$0x3] =	sbarrier.arrive $0xFFFF  }
0x1c2: {  	_ =	shalt  }

// kernel: kernel.14.cloned.1.call-start
scs
__scs_entry_jumppad:
0x0: {  	(pc) =	sbr.rel $0x88, $3  }
0x1: {  	(tag) =	ssettag $0x0;
	lr =	simm.s32 $0x1  }
0x2: {  	[smem:$0x3F9B] =	sst lr;
	_ =	strace $0xD0000000  }
0x3: {  	_ = 	snop  }
0x4: {  	_ = 	snop  }
0x5: {  	_ = 	snop  }
0x6: {  	_ = 	snop  }
0x7: {  	_ = 	snop  }
__scs_overlays_trampoline_lowered:
0x8: {  	[smem:$0x3FAA] =	sst s0  }
0x9: {  	[smem:$0x3FAB] =	sst s1  }
0xa: {  	[smem:$0x3FAC] =	sst s2  }
0xb: {  	[smem:$0x3FAD] =	sst s3  }
0xc: {  	[smem:$0x3FAE] =	sst s4  }
0xd: {  	[smem:$0x3FAF] =	sst s5  }
0xe: {  	[smem:$0x3FB0] =	sst s6  }
0xf: {  	[smem:$0x3FB1] =	sst s7  }
0x10: {  	[smem:$0x3FB2] =	sst s8  }
0x11: {  	[smem:$0x3FB3] =	sst s9;
	s0 =	simm.s32 @!p0 $0x0  }
0x12: {  	s1 =	sld [smem:$0x3F99];
	s0 =	simm.s32 @p0 $0x1  }
0x13: {  	[smem:$0x3FB4] =	sst s0;
	s0 =	simm.s32 @!p1 $0x0  }
0x14: {  	s2 =	sld [smem:$0x3F98];
	s0 =	simm.s32 @p1 $0x1  }
0x15: {  	[smem:$0x3FB5] =	sst s0;
	s0 =	simm.s32 @!p2 $0x0  }
0x16: {  	s3 =	sld [smem:$0x3FDB];
	s0 =	simm.s32 @p2 $0x1  }
0x17: {  	s4 =	simm.s32 $0x1BF5;
	[smem:$0x3FB7] =	sst s0  }
0x18: {  	s0 =	sld [smem:$0x3F9A];
	_ =	swait.ge [sflag:s4], $0x0  }
0x19: {  	s7 =	sld [smem:$0x3F9B]  }
0x1a: {  	s8 =	sadd.s32 $0xFFFFE003, lr  }
0x1b: {  	s9 =	sadd.s32 $0xFFFFFEF7, lr;
	s5 =	simm.s32 $0xFFFFFFFF;
	p2 =	slt.u32 s8, $0xFFFFF086  }
0x1c: {  	p1 =	slt.u32 s9, $0xF7A;
	s5 =	simm.s32 @!p2 $0x0  }
0x1d: {  	s5 =	simm.s32 @p1 $0x1;
	p0 =	seq.s32 s7, s2  }
0x1e: {  	s7 =	smul.u32 @!p0 $0xF7A, s2;
	p2 =	seq.s32 @!p0 s5, $0x0  }
0x1f: {  	s9 =	smul.u32 $0xF7A, s1;
	s8 =	simm.s32 @!p0 $0x1BF5;
	p2 =	por !p2, p0  }
0x20: {  	[sflag:s8] =	ssyncset.s32 @!p0 $0xFFFFF086;
	s6 =	sadd.s32 @!p0 s3, s7;
	s7 =	simm.s32 @!p0 $0x108  }
0x21: {  	s3 =	sadd.s32 s3, s9;
	s6 =	sadd.s32 @!p0 $0x88, s6;
	s7 =	simm.s32 @p2 $0x1082  }
0x22: {  	[simem:s7], [sflag:s8] =	dma.local @!p0 [hbm:s6], $0xF7A  }
0x23: {  	s9 =	sor.u32 $0xD0000000, s2;
	s6 =	simm.s32 $0x108;
	_ =	swait.ge @!p0 [sflag:s8], $0x0  }
0x24: {  	s3 =	sadd.s32 $0x88, s3;
	s6 =	simm.s32 @!p1 $0x1082;
	[sflag:s4] =	ssyncset.s32 $0xFFFFF086  }
0x25: {  	[simem:s6], [sflag:s4] =	dma.local [hbm:s3], $0xF7A  }
0x26: {  	[smem:$0x3F9B] =	sst s1;
	(tag) =	ssettag s2;
	_ =	strace s9  }
0x27: {  	s1 =	sld [smem:$0x3FAB]  }
0x28: {  	s2 =	sld [smem:$0x3FAC]  }
0x29: {  	s4 =	sld [smem:$0x3FAE]  }
0x2a: {  	p0 =	seq.s32 s5, $0x0;
	s5 =	sld [smem:$0x3FAF]  }
0x2b: {  	s6 =	sld [smem:$0x3FB0]  }
0x2c: {  	s7 =	sld [smem:$0x3FB1]  }
0x2d: {  	s3 =	simm.s32 $0x108;
	s8 =	sld [smem:$0x3FB2]  }
0x2e: {  	s3 =	simm.s32 @!p0 $0x1082;
	s9 =	sld [smem:$0x3FB3]  }
0x2f: {  	lr =	sadd.s32 s0, s3;
	s0 =	sld [smem:$0x3FAA]  }
0x30: {  	s3 =	sld [smem:$0x3FAD]  }
0x31: {  	[smem:$0x3FB6] =	sst s10  }
0x32: {  	s10 =	sld [smem:$0x3FB4];
	_ =	sdelay $0x3  }
0x33: {  	p0 =	seq.s32 s10, $0x1;
	s10 =	sld [smem:$0x3FB6];
	_ =	sdelay $0x3  }
0x34: {  	[smem:$0x3FB6] =	sst s10  }
0x35: {  	s10 =	sld [smem:$0x3FB5];
	_ =	sdelay $0x3  }
0x36: {  	p1 =	seq.s32 s10, $0x1;
	s10 =	sld [smem:$0x3FB6];
	_ =	sdelay $0x3  }
0x37: {  	[smem:$0x3FB6] =	sst s10  }
0x38: {  	s10 =	sld [smem:$0x3FB7]  }
0x39: {  	_ = 	snop;
	(pc) =	sbr.ind lr, $3  }
0x3a: {  	_ = 	snop  }
0x3b: {  	_ = 	snop  }
0x3c: {  	p2 =	seq.s32 s10, $0x1;
	s10 =	sld [smem:$0x3FB6]  }
0x3d: {  	_ =	shalt  }
0x3e: {  	_ =	shalt  }
0x3f: {  	_ =	shalt  }
0x40: {  	_ =	shalt  }
0x41: {  	_ =	shalt  }
0x42: {  	_ =	shalt  }
0x43: {  	_ =	shalt  }
0x44: {  	_ =	shalt  }
0x45: {  	_ =	shalt  }
0x46: {  	_ =	shalt  }
0x47: {  	_ =	shalt  }
0x48: {  	_ =	shalt  }
0x49: {  	_ =	shalt  }
0x4a: {  	_ =	shalt  }
0x4b: {  	_ =	shalt  }
0x4c: {  	_ =	shalt  }
0x4d: {  	_ =	shalt  }
0x4e: {  	_ =	shalt  }
0x4f: {  	_ =	shalt  }
0x50: {  	_ =	shalt  }
0x51: {  	_ =	shalt  }
0x52: {  	_ =	shalt  }
0x53: {  	_ =	shalt  }
0x54: {  	_ =	shalt  }
0x55: {  	_ =	shalt  }
0x56: {  	_ =	shalt  }
0x57: {  	_ =	shalt  }
0x58: {  	_ =	shalt  }
0x59: {  	_ =	shalt  }
0x5a: {  	_ =	shalt  }
0x5b: {  	_ =	shalt  }
0x5c: {  	_ =	shalt  }
0x5d: {  	_ =	shalt  }
0x5e: {  	_ =	shalt  }
0x5f: {  	_ =	shalt  }
0x60: {  	_ =	shalt  }
0x61: {  	_ =	shalt  }
0x62: {  	_ =	shalt  }
0x63: {  	_ =	shalt  }
0x64: {  	_ =	shalt  }
0x65: {  	_ =	shalt  }
0x66: {  	_ =	shalt  }
0x67: {  	_ =	shalt  }
0x68: {  	_ =	shalt  }
0x69: {  	_ =	shalt  }
0x6a: {  	_ =	shalt  }
0x6b: {  	_ =	shalt  }
0x6c: {  	_ =	shalt  }
0x6d: {  	_ =	shalt  }
0x6e: {  	_ =	shalt  }
0x6f: {  	_ =	shalt  }
0x70: {  	_ =	shalt  }
0x71: {  	_ =	shalt  }
0x72: {  	_ =	shalt  }
0x73: {  	_ =	shalt  }
0x74: {  	_ =	shalt  }
0x75: {  	_ =	shalt  }
0x76: {  	_ =	shalt  }
0x77: {  	_ =	shalt  }
0x78: {  	_ =	shalt  }
0x79: {  	_ =	shalt  }
0x7a: {  	_ =	shalt  }
0x7b: {  	_ =	shalt  }
0x7c: {  	_ =	shalt  }
0x7d: {  	_ =	shalt  }
0x7e: {  	_ =	shalt  }
0x7f: {  	_ =	shalt  }
0x80: {  	_ =	shalt  }
0x81: {  	_ =	shalt  }
0x82: {  	_ =	shalt  }
0x83: {  	_ =	shalt  }
0x84: {  	_ =	shalt  }
0x85: {  	_ =	shalt  }
0x86: {  	_ =	shalt  }
0x87: {  	_ =	shalt  }
.Lfunc_end0:
.L_simem_size_0:
called_computation.2_lowered:
.L_overlay_start_0:
0x88: {  	s2 =	sld [smem:$0x3FD9]  }
0x89: {  	s3 =	sld [smem:$0x3FFE];
	_ =	sdelay $0x1  }
0x8a: {  	s1 =	srdreg.scid  }
0x8b: {  	s0 =	sand.u32 $0x1, s1  }
0x8c: {  	s17 =	sshll.u32 s0, $0xA;
	s2 =	sadd.s32 s3, s2  }
0x8d: {  	s2 =	sadd.s32 s2, s17  }
0x8e: {  	[smem:$0x3FC2] =	sst s2  }
0x8f: {  	_ = 	snop  }
0x90: {  	s2 =	sld [smem:$0x3FD0];
	(tm) =	ssettm $0x1  }
0x91: {  	s18 =	sld [smem:$0x3FFB];
	_ =	sdelay $0x3  }
0x92: {  	_ =	strace s18  }
0x93: {  	s3 =	sld [smem:$0x3FFC];
	_ =	sdelay $0x3  }
0x94: {  	_ =	strace s3  }
0x95: {  	s3 =	sld [smem:$0x3FFD];
	_ =	sdelay $0x3  }
0x96: {  	_ =	strace s3  }
0x97: {  	_ =	strace $0x8FFFFFFF  }
0x98: {  	s19 =	sld [smem:$0x3FDB];
	_ =	sdelay $0x1  }
0x99: {  	s4 =	simm.s32 $_scs_section_size  }
0x9a: {  	s5 =	simm.s32 $_size__tile_overlayer_lowered;
	s6 =	simm.s32 $_tile_overlayer_lowered  }
0x9b: {  	s22 =	simm.s32 $0x1BFF;
	s21 =	sshll.u32 s6, $0x1;
	s3 =	sadd.s32 s4, s19  }
0x9c: {  	s7 =	simm.s32 $0x0;
	s20 =	sshll.u32 s5, $0x1;
	s5 =	sadd.s32 s21, s3  }
0x9d: {  	[timem:s7], [sflag:s22] =	dma.local [hbm:s5], s20  }
0x9e: {  	_ =	swait.ge [sflag:s22], s20  }
0x9f: {  	s4 =	ssub.s32 $0x0, s20;
	[sflag:s22] =	ssyncset.done $0x0  }
0xa0: {  	[sflag:s22] =	ssyncadd.s32 s4;
	_ =	sdelay $0x1  }
0xa1: {  	s23 =	simm.s32 $0x1B8B  }
0xa2: {  	_ =	swait.ge [sflag:s23], $0x1  }
0xa3: {  	[sflag:s23] =	ssyncset.done $0x0  }
0xa4: {  	s25 =	simm.s32 $0x1B8E;
	s24 =	sld [smem:$0x3FFE];
	[sflag:s23] =	ssyncadd.s32 $0xFFFFFFFF  }
0xa5: {  	s26 =	simm.s32 $execute0_lowered;
	[smem:$0x3FD2] =	sst s25  }
0xa6: {  	s5 =	sshll.u32 s26, $0x1;
	_ =	strace $0x8000004C;
	[dreg:$0x1] =	wrdreg $0xFFFFFFFF  }
0xa7: {  	s28 =	simm.s32 $_size_execute0_lowered;
	s3 =	sadd.s32 s3, s5;
	[dreg:$0x0] =	wrdreg $0x0  }
0xa8: {  	s5 =	sshll.u32 s28, $0x1;
	[dreg:$0x2] =	wrdreg s3  }
0xa9: {  	[dreg:$0x3] =	wrdreg s5  }
0xaa: {  	[dreg:$0x4] =	wrdreg $0xC0  }
0xab: {  	_ =	task [dreg:s7], $0x5FFFF  }
0xac: {  	[dreg:$0x1] =	wrdreg $0xFFFFFFFF  }
0xad: {  	[dreg:$0x0] =	wrdreg $0x60  }
0xae: {  	[dreg:$0x2] =	wrdreg s24  }
0xaf: {  	[dreg:$0x3] =	wrdreg s2  }
0xb0: {  	[dreg:$0x4] =	wrdreg $0x88000  }
0xb1: {  	[dreg:$0x5] =	wrdreg $0x9  }
0xb2: {  	_ =	task.clear_ibuf [dreg:s7], $0x6FFFF;
	_ =	strace $0x9000004C  }
0xb3: {  	s29 =	simm.s32 $0x9;
	_ =	strace $0x8000004E  }
0xb4: {  	_ =	swait.ge [sflag:s29], $0x1  }
0xb5: {  	[sflag:s29] =	ssyncadd.s32 $0xFFFFFFFF  }
0xb6: {  	_ =	strace $0x9000004E  }
0xb7: {  	_ =	sfence  }
0xb8: {  	s30 =	sld [smem:$0x0];
	_ =	sdelay $0x2  }
0xb9: {  	s31 =	sshll.u32 s1, $0xD;
	s1 =	sshrl.u32 s1, $0x2  }
0xba: {  	s3 =	sand.u32 $0x4000, s31;
	s1 =	sadd.s32 s1, s30  }
0xbb: {  	s0 =	sor.u32 s3, s0;
	s1 =	sshll.u32 s1, $0x11  }
0xbc: {  	s0 =	sor.u32 s1, s0  }
0xbd: {  	s0 =	sadd.s32 $0x8F2B, s0  }
0xbe: {  	[sflag:s0] =	ssyncadd.remote.s32 $0x1  }
0xbf: {  	_ =	sfence.sel $0xFFFF  }
0xc0: {  	[dreg:$0x0] =	wrdreg $0xFFFFFFFF;
	(pc) =	sbr.abs _section_cstart, $3  }
0xc1: {  	[dreg:$0x1] =	wrdreg $0xFFFFFFFF  }
0xc2: {  	_ =	task.clear_ibuf [dreg:s7], $0x2FFFF;
	_ =	strace $0x9FFFFFFF  }
0xc3: {  	(tm) =	ssettm $0x7FFFFFFF  }
tec
execute0_lowered:
.L_overlay_start_1:
0x0: {  	(tag) =	ssettag $0x1  }
0x1: {  	s0 =	rddreg [dreg:$0x0]  }
0x2: {  	s2 =	rddreg [dreg:$0x1]  }
0x3: {  	s1 =	rddreg [dreg:$0x2]  }
0x4: {  	s3 =	srdreg.scid;
	s11 =	stileid.u32;
	s14 =	simm.s32 $0x800  }
0x5: {  	s15 =	simm.s32 $0x2;
	s16 =	simm.s32 $0x400;
	s17 =	simm.s32 $0x80  }
0x6: {  	s18 =	simm.s32 $0x1;
	s28 =	simm.s32 $0x500;
	s7 =	smul.u32 $0x2800, s11  }
0x7: {  	s29 =	simm.s32 $0x200;
	s30 =	simm.s32 $0x580;
	s8 =	smul.u32 $0x14000, s11  }
0x8: {  	s31 =	simm.s32 $0x280;
	s5 =	sand.u32 $0x1, s3;
	s11 =	smul.u32 $0x50000, s11  }
0x9: {  	s3 =	simm.s32 $0x0;
	s4 =	sadd.s32 $0xC400, s0;
	s6 =	smul.u32 $0x28000, s5  }
0xa: {  	[smem:$0x7FF] =	sst s3;
	s19 =	smul.u32 $0x140000, s5;
	s5 =	ssub.s32 $0x2, s5  }
0xb: {  	_ =	strace $0x8000004D;
	s10 =	sshrl.u32 s5, $0x1;
	s11 =	sshrl.u32 s11, $0x2  }
0xc: {  	s13 =	sadd.s32 $0x4000, s8;
	s25 =	sadd.s32 $0x8000, s8;
	s6 =	sadd.s32 s7, s6  }
0xd: {  	s10 =	ssub.s32 s5, s10;
	s21 =	sadd.s32 s19, s8;
	s5 =	sadd.s32 s11, s1  }
0xe: {  	s23 =	sadd.s32 s19, s13;
	s26 =	sadd.s32 s13, s1;
	s20 =	sadd.s32 s19, s25  }
0xf: {  	s11 =	sadd.s32 s25, s1;
	s6 =	sshrl.u32 s6, $0x3;
	s12 =	sshrl.u32 s21, $0x3  }
0x10: {  	s10 =	smax.u32 s10, $0x1;
	s24 =	sshrl.u32 s23, $0x3;
	s21 =	sadd.s32 $0xC000, s8  }
0x11: {  	s8 =	sadd.s32 $0x10000, s8;
	s25 =	sshrl.u32 s11, $0x3;
	s9 =	sadd.s32 s6, s0  }
0x12: {  	s0 =	sadd.s32 $0x33600, s0;
	[dreg:$0x5] =	wrdreg s10;
	s7 =	sadd.s32 s19, s8  }
0x13: {  	s23 =	sadd.s32 s8, s1;
	s13 =	sadd.s32 s6, s2;
	[dreg:$0xb] =	wrdreg s25  }
0x14: {  	s2 =	simm.s32 $0x300;
	s6 =	simm.s32 $0x680;
	s8 =	simm.s32 $0x700  }
0x15: {  	s22 =	sadd.s32 s0, s12;
	s10 =	sadd.s32 s0, s24;
	s12 =	sshrl.u32 s20, $0x3  }
0x16: {  	s7 =	sshrl.u32 s7, $0x3;
	s20 =	simm.s32 $0x100;
	[dreg:$0x4] =	wrdreg s22  }
0x17: {  	s24 =	sshrl.u32 s26, $0x3;
	[dreg:$0x6] =	wrdreg s10;
	s12 =	sadd.s32 s0, s12  }
0x18: {  	s22 =	sadd.s32 s19, s21;
	s19 =	simm.s32 $0x4800;
	[dreg:$0xa] =	wrdreg s24  }
0x19: {  	s10 =	simm.s32 $0x0;
	[dreg:$0x7] =	wrdreg s12;
	s12 =	sshrl.u32 s22, $0x3  }
0x1a: {  	s22 =	sadd.s32 s21, s1;
	s21 =	simm.s32 $0x480;
	s12 =	sadd.s32 s0, s12  }
0x1b: {  	s0 =	sadd.s32 s0, s7;
	s26 =	sshrl.u32 s22, $0x3;
	[dreg:$0x8] =	wrdreg s12  }
0x1c: {  	s7 =	simm.s32 $0x380;
	[dreg:$0x9] =	wrdreg s0;
	s12 =	sadd.s32 $0x2400, s9  }
0x1d: {  	[dreg:$0xc] =	wrdreg s26;
	s0 =	sshrl.u32 s23, $0x3;
	s26 =	simm.s32 $0x180  }
0x1e: {  	v0 =	vimm.f32 $0.0e+00;
	s9 =	simm.s32 $0x780;
	[dreg:$0xd] =	wrdreg s0;
	s0 =	simm.s32 $0x600  }
.LBB2_1:
0x1f: {  	[tilespmem:$0x800] =	vst v0  }
0x20: {  	[tilespmem:$0x810] =	vst v0  }
0x21: {  	[tilespmem:$0x820] =	vst v0  }
0x22: {  	[tilespmem:$0x830] =	vst v0  }
0x23: {  	[tilespmem:$0x840] =	vst v0  }
0x24: {  	[tilespmem:$0x850] =	vst v0  }
0x25: {  	[tilespmem:$0x860] =	vst v0  }
0x26: {  	[tilespmem:$0x870] =	vst v0  }
0x27: {  	[tilespmem:$0x880] =	vst v0  }
0x28: {  	[tilespmem:$0x890] =	vst v0  }
0x29: {  	[tilespmem:$0x8A0] =	vst v0  }
0x2a: {  	[tilespmem:$0x8B0] =	vst v0  }
0x2b: {  	[tilespmem:$0x8C0] =	vst v0  }
0x2c: {  	[tilespmem:$0x8D0] =	vst v0  }
0x2d: {  	[tilespmem:$0x8E0] =	vst v0  }
0x2e: {  	[tilespmem:$0x8F0] =	vst v0  }
0x2f: {  	[tilespmem:$0x900] =	vst v0  }
0x30: {  	[tilespmem:$0x910] =	vst v0  }
0x31: {  	[tilespmem:$0x920] =	vst v0  }
0x32: {  	[tilespmem:$0x930] =	vst v0  }
0x33: {  	[tilespmem:$0x940] =	vst v0  }
0x34: {  	[tilespmem:$0x950] =	vst v0  }
0x35: {  	[tilespmem:$0x960] =	vst v0  }
0x36: {  	[tilespmem:$0x970] =	vst v0  }
0x37: {  	[tilespmem:$0x980] =	vst v0  }
0x38: {  	[tilespmem:$0x990] =	vst v0  }
0x39: {  	[tilespmem:$0x9A0] =	vst v0  }
0x3a: {  	[tilespmem:$0x9B0] =	vst v0  }
0x3b: {  	[tilespmem:$0x9C0] =	vst v0  }
0x3c: {  	[tilespmem:$0x9D0] =	vst v0  }
0x3d: {  	[tilespmem:$0x9E0] =	vst v0  }
0x3e: {  	[tilespmem:$0x9F0] =	vst v0  }
0x3f: {  	[tilespmem:$0xA00] =	vst v0  }
0x40: {  	[tilespmem:$0xA10] =	vst v0  }
0x41: {  	[tilespmem:$0xA20] =	vst v0  }
0x42: {  	[tilespmem:$0xA30] =	vst v0  }
0x43: {  	[tilespmem:$0xA40] =	vst v0  }
0x44: {  	[tilespmem:$0xA50] =	vst v0  }
0x45: {  	[tilespmem:$0xA60] =	vst v0  }
0x46: {  	[tilespmem:$0xA70] =	vst v0  }
0x47: {  	[tilespmem:$0xA80] =	vst v0  }
0x48: {  	[tilespmem:$0xA90] =	vst v0  }
0x49: {  	[tilespmem:$0xAA0] =	vst v0  }
0x4a: {  	[tilespmem:$0xAB0] =	vst v0  }
0x4b: {  	[tilespmem:$0xAC0] =	vst v0  }
0x4c: {  	[tilespmem:$0xAD0] =	vst v0  }
0x4d: {  	[tilespmem:$0xAE0] =	vst v0  }
0x4e: {  	[tilespmem:$0xAF0] =	vst v0  }
0x4f: {  	[tilespmem:$0xB00] =	vst v0  }
0x50: {  	[tilespmem:$0xB10] =	vst v0  }
0x51: {  	[tilespmem:$0xB20] =	vst v0  }
0x52: {  	[tilespmem:$0xB30] =	vst v0  }
0x53: {  	[tilespmem:$0xB40] =	vst v0  }
0x54: {  	[tilespmem:$0xB50] =	vst v0  }
0x55: {  	[tilespmem:$0xB60] =	vst v0  }
0x56: {  	[tilespmem:$0xB70] =	vst v0  }
0x57: {  	[tilespmem:$0xB80] =	vst v0  }
0x58: {  	[tilespmem:$0xB90] =	vst v0  }
0x59: {  	[tilespmem:$0xBA0] =	vst v0  }
0x5a: {  	[tilespmem:$0xBB0] =	vst v0  }
0x5b: {  	[tilespmem:$0xBC0] =	vst v0  }
0x5c: {  	[tilespmem:$0xBD0] =	vst v0  }
0x5d: {  	[tilespmem:$0xBE0] =	vst v0  }
0x5e: {  	[tilespmem:$0xBF0] =	vst v0  }
0x5f: {  	[tilespmem:$0xC00] =	vst v0  }
0x60: {  	[tilespmem:$0xC10] =	vst v0  }
0x61: {  	[tilespmem:$0xC20] =	vst v0  }
0x62: {  	[tilespmem:$0xC30] =	vst v0  }
0x63: {  	[tilespmem:$0xC40] =	vst v0  }
0x64: {  	[tilespmem:$0xC50] =	vst v0  }
0x65: {  	[tilespmem:$0xC60] =	vst v0  }
0x66: {  	[tilespmem:$0xC70] =	vst v0  }
0x67: {  	[tilespmem:$0xC80] =	vst v0  }
0x68: {  	[tilespmem:$0xC90] =	vst v0  }
0x69: {  	[tilespmem:$0xCA0] =	vst v0  }
0x6a: {  	[tilespmem:$0xCB0] =	vst v0  }
0x6b: {  	[tilespmem:$0xCC0] =	vst v0  }
0x6c: {  	[tilespmem:$0xCD0] =	vst v0  }
0x6d: {  	[tilespmem:$0xCE0] =	vst v0  }
0x6e: {  	[tilespmem:$0xCF0] =	vst v0  }
0x6f: {  	[tilespmem:$0xD00] =	vst v0  }
0x70: {  	[tilespmem:$0xD10] =	vst v0  }
0x71: {  	[tilespmem:$0xD20] =	vst v0  }
0x72: {  	[tilespmem:$0xD30] =	vst v0  }
0x73: {  	[tilespmem:$0xD40] =	vst v0  }
0x74: {  	[tilespmem:$0xD50] =	vst v0  }
0x75: {  	[tilespmem:$0xD60] =	vst v0  }
0x76: {  	[tilespmem:$0xD70] =	vst v0  }
0x77: {  	[tilespmem:$0xD80] =	vst v0  }
0x78: {  	[tilespmem:$0xD90] =	vst v0  }
0x79: {  	[tilespmem:$0xDA0] =	vst v0  }
0x7a: {  	[tilespmem:$0xDB0] =	vst v0  }
0x7b: {  	[tilespmem:$0xDC0] =	vst v0  }
0x7c: {  	[tilespmem:$0xDD0] =	vst v0  }
0x7d: {  	[tilespmem:$0xDE0] =	vst v0  }
0x7e: {  	[tilespmem:$0xDF0] =	vst v0  }
0x7f: {  	[tilespmem:$0xE00] =	vst v0  }
0x80: {  	[tilespmem:$0xE10] =	vst v0  }
0x81: {  	[tilespmem:$0xE20] =	vst v0  }
0x82: {  	[tilespmem:$0xE30] =	vst v0  }
0x83: {  	[tilespmem:$0xE40] =	vst v0  }
0x84: {  	[tilespmem:$0xE50] =	vst v0  }
0x85: {  	[tilespmem:$0xE60] =	vst v0  }
0x86: {  	[tilespmem:$0xE70] =	vst v0  }
0x87: {  	[tilespmem:$0xE80] =	vst v0  }
0x88: {  	[tilespmem:$0xE90] =	vst v0  }
0x89: {  	[tilespmem:$0xEA0] =	vst v0  }
0x8a: {  	[tilespmem:$0xEB0] =	vst v0  }
0x8b: {  	[tilespmem:$0xEC0] =	vst v0  }
0x8c: {  	[tilespmem:$0xED0] =	vst v0  }
0x8d: {  	[tilespmem:$0xEE0] =	vst v0  }
0x8e: {  	[tilespmem:$0xEF0] =	vst v0  }
0x8f: {  	[tilespmem:$0xF00] =	vst v0  }
0x90: {  	[tilespmem:$0xF10] =	vst v0  }
0x91: {  	[tilespmem:$0xF20] =	vst v0  }
0x92: {  	[tilespmem:$0xF30] =	vst v0  }
0x93: {  	[tilespmem:$0xF40] =	vst v0  }
0x94: {  	[tilespmem:$0xF50] =	vst v0  }
0x95: {  	[tilespmem:$0xF60] =	vst v0  }
0x96: {  	[tilespmem:$0xF70] =	vst v0  }
0x97: {  	[tilespmem:$0xF80] =	vst v0  }
0x98: {  	[tilespmem:$0xF90] =	vst v0  }
0x99: {  	[tilespmem:$0xFA0] =	vst v0  }
0x9a: {  	[tilespmem:$0xFB0] =	vst v0  }
0x9b: {  	[tilespmem:$0xFC0] =	vst v0  }
0x9c: {  	[tilespmem:$0xFD0] =	vst v0  }
0x9d: {  	[tilespmem:$0xFE0] =	vst v0  }
0x9e: {  	[tilespmem:$0xFF0] =	vst v0;
	s11 =	sadd.s32 $0x0, s5  }
0x9f: {  	[spmem:s11] =	stream.linear.scatter [tilespmem:s14], [sflag:$0x2], $0x800, $0x38;
	[tilespmem:$0x1C800] =	vst v63  }
0xa0: {  	s11 =	simm.s32 $0x2000;
	_ =	swait.ge [sflag:s15], $0x800  }
.LBB2_2:
0xa1: {  	s22 =	sshra.s32 s11, $0x2;
	[sflag:s15] =	ssyncset.done $0x0;
	p0 =	sne.s32 s11, $0x4E000  }
.Ltmp0:
0xa2: {  	s22 =	sadd.s32 s22, s5;
	[sflag:s15] =	ssyncadd.s32 $0xFFFFF800;
	(pc) =	sbr.rel @p0 .LBB2_2-.Ltmp0, $3  }
0xa3: {  	[spmem:s22] =	stream.linear.scatter [tilespmem:s14], [sflag:$0x2], $0x800, $0x38;
	[tilespmem:$0x1C800] =	vst v63  }
0xa4: {  	s11 =	sadd.s32 $0x2000, s11;
	_ =	sdelay $0x1  }
0xa5: {  	_ =	swait.ge [sflag:s15], $0x800  }
0xa6: {  	[sflag:s15] =	ssyncset.done $0x0  }
0xa7: {  	[sflag:s15] =	ssyncadd.s32 $0xFFFFF800  }
0xa8: {  	s11 =	sadd.s32 $0x0, s13;
	[bflag:$0x0] =	sbarrier.arrive $0xFFFF  }
0xa9: {  	[tilespmem:s3], [sflag:$0x2] =	stream.linear.gather [hbm4b:s11+s3], $0x400, $0x38;
	[tilespmem:$0x1C800] =	vst v63  }
0xaa: {  	_ =	swait.ge [sflag:s15], $0x400  }
0xab: {  	[sflag:s15] =	ssyncset.done $0x0  }
0xac: {  	s25 =	sadd.s32 $0x0, s12;
	[sflag:s15] =	ssyncadd.s32 $0xFFFFFC00  }
0xad: {  	[tilespmem:s16], [sflag:$0x2] =	stream.linear.gather [hbm4b:s25+s3], $0x400, $0x38;
	[tilespmem:$0x1C800] =	vst v63  }
0xae: {  	_ =	swait.ge [sflag:s15], $0x400  }
0xaf: {  	[sflag:s15] =	ssyncset.done $0x0  }
0xb0: {  	[sflag:s15] =	ssyncadd.s32 $0xFFFFFC00  }
0xb1: {  	[tilespmem:s14], [sflag:$0x1] =	stream.indirect.gather [hbm4b:s4+s17], $0x80, s3, s17, $0xb8;
	[tilespmem:$0x1C800] =	vst v63  }
0xb2: {  	_ =	swait.ge [sflag:s18], $0x4000  }
0xb3: {  	[sflag:s18] =	ssyncset.done $0x0  }
0xb4: {  	[sflag:s18] =	ssyncadd.s32 $0xFFFFC000  }
0xb5: {  	[tilespmem:s19], [sflag:$0x1] =	stream.indirect.gather [hbm4b:s4+s17], $0x80, s17, s17, $0xb8;
	[tilespmem:$0x1C800] =	vst v63  }
0xb6: {  	_ = 	snop  }
0xb7: {  	[spmem:s1] =	stream.indirect.scatter.add.f32 [tilespmem:s14], [sflag:$0x2], $0x80, s16, s17, $0xb8;
	[tilespmem:$0x1C800] =	vst v63  }
0xb8: {  	_ =	swait.ge [sflag:s15], $0x4000  }
0xb9: {  	[sflag:s15] =	ssyncset.done $0x0  }
0xba: {  	[sflag:s15] =	ssyncadd.s32 $0xFFFFC000  }
0xbb: {  	_ =	swait.ge [sflag:s18], $0x4000  }
0xbc: {  	[sflag:s18] =	ssyncset.done $0x0  }
0xbd: {  	[sflag:s18] =	ssyncadd.s32 $0xFFFFC000  }
0xbe: {  	[tilespmem:s14], [sflag:$0x1] =	stream.indirect.gather [hbm4b:s4+s17], $0x80, s20, s17, $0xb8;
	[tilespmem:$0x1C800] =	vst v63  }
0xbf: {  	_ = 	snop  }
0xc0: {  	[spmem:s1] =	stream.indirect.scatter.add.f32 [tilespmem:s19], [sflag:$0x2], $0x80, s21, s17, $0xb8;
	[tilespmem:$0x1C800] =	vst v63  }
0xc1: {  	_ =	swait.ge [sflag:s15], $0x4000  }
0xc2: {  	[sflag:s15] =	ssyncset.done $0x0  }
0xc3: {  	[sflag:s15] =	ssyncadd.s32 $0xFFFFC000  }
0xc4: {  	_ =	swait.ge [sflag:s18], $0x4000  }
0xc5: {  	[sflag:s18] =	ssyncset.done $0x0  }
0xc6: {  	[sflag:s18] =	ssyncadd.s32 $0xFFFFC000  }
0xc7: {  	[tilespmem:s19], [sflag:$0x1] =	stream.indirect.gather [hbm4b:s4+s17], $0x80, s26, s17, $0xb8;
	[tilespmem:$0x1C800] =	vst v63  }
0xc8: {  	_ = 	snop  }
0xc9: {  	[spmem:s1] =	stream.indirect.scatter.add.f32 [tilespmem:s14], [sflag:$0x2], $0x80, s28, s17, $0xb8;
	[tilespmem:$0x1C800] =	vst v63  }
0xca: {  	_ =	swait.ge [sflag:s15], $0x4000  }
0xcb: {  	[sflag:s15] =	ssyncset.done $0x0  }
0xcc: {  	[sflag:s15] =	ssyncadd.s32 $0xFFFFC000  }
0xcd: {  	_ =	swait.ge [sflag:s18], $0x4000  }
0xce: {  	[sflag:s18] =	ssyncset.done $0x0  }
0xcf: {  	[sflag:s18] =	ssyncadd.s32 $0xFFFFC000  }
0xd0: {  	[tilespmem:s14], [sflag:$0x1] =	stream.indirect.gather [hbm4b:s4+s17], $0x80, s29, s17, $0xb8;
	[tilespmem:$0x1C800] =	vst v63  }
0xd1: {  	_ = 	snop  }
0xd2: {  	[spmem:s1] =	stream.indirect.scatter.add.f32 [tilespmem:s19], [sflag:$0x2], $0x80, s30, s17, $0xb8;
	[tilespmem:$0x1C800] =	vst v63  }
0xd3: {  	_ =	swait.ge [sflag:s15], $0x4000  }
0xd4: {  	[sflag:s15] =	ssyncset.done $0x0  }
0xd5: {  	[sflag:s15] =	ssyncadd.s32 $0xFFFFC000  }
0xd6: {  	_ =	swait.ge [sflag:s18], $0x4000  }
0xd7: {  	[sflag:s18] =	ssyncset.done $0x0  }
0xd8: {  	[sflag:s18] =	ssyncadd.s32 $0xFFFFC000  }
0xd9: {  	[tilespmem:s19], [sflag:$0x1] =	stream.indirect.gather [hbm4b:s4+s17], $0x80, s31, s17, $0xb8;
	[tilespmem:$0x1C800] =	vst v63  }
0xda: {  	_ = 	snop  }
0xdb: {  	[spmem:s1] =	stream.indirect.scatter.add.f32 [tilespmem:s14], [sflag:$0x2], $0x80, s0, s17, $0xb8;
	[tilespmem:$0x1C800] =	vst v63  }
0xdc: {  	_ =	swait.ge [sflag:s15], $0x4000  }
0xdd: {  	[sflag:s15] =	ssyncset.done $0x0  }
0xde: {  	[sflag:s15] =	ssyncadd.s32 $0xFFFFC000  }
0xdf: {  	_ =	swait.ge [sflag:s18], $0x4000  }
0xe0: {  	[sflag:s18] =	ssyncset.done $0x0  }
0xe1: {  	[sflag:s18] =	ssyncadd.s32 $0xFFFFC000  }
0xe2: {  	[tilespmem:s14], [sflag:$0x1] =	stream.indirect.gather [hbm4b:s4+s17], $0x80, s2, s17, $0xb8;
	[tilespmem:$0x1C800] =	vst v63  }
0xe3: {  	_ = 	snop  }
0xe4: {  	[spmem:s1] =	stream.indirect.scatter.add.f32 [tilespmem:s19], [sflag:$0x2], $0x80, s6, s17, $0xb8;
	[tilespmem:$0x1C800] =	vst v63  }
0xe5: {  	_ =	swait.ge [sflag:s15], $0x4000  }
0xe6: {  	[sflag:s15] =	ssyncset.done $0x0  }
0xe7: {  	[sflag:s15] =	ssyncadd.s32 $0xFFFFC000  }
0xe8: {  	_ =	swait.ge [sflag:s18], $0x4000  }
0xe9: {  	[sflag:s18] =	ssyncset.done $0x0  }
0xea: {  	[sflag:s18] =	ssyncadd.s32 $0xFFFFC000  }
0xeb: {  	[tilespmem:s19], [sflag:$0x1] =	stream.indirect.gather [hbm4b:s4+s17], $0x80, s7, s17, $0xb8;
	[tilespmem:$0x1C800] =	vst v63  }
0xec: {  	_ = 	snop  }
0xed: {  	[spmem:s1] =	stream.indirect.scatter.add.f32 [tilespmem:s14], [sflag:$0x2], $0x80, s8, s17, $0xb8;
	[tilespmem:$0x1C800] =	vst v63  }
0xee: {  	_ =	swait.ge [sflag:s15], $0x4000  }
0xef: {  	[sflag:s15] =	ssyncset.done $0x0  }
0xf0: {  	[sflag:s15] =	ssyncadd.s32 $0xFFFFC000  }
0xf1: {  	_ =	swait.ge [sflag:s18], $0x4000  }
0xf2: {  	[sflag:s18] =	ssyncset.done $0x0  }
0xf3: {  	[sflag:s18] =	ssyncadd.s32 $0xFFFFC000  }
0xf4: {  	[spmem:s1] =	stream.indirect.scatter.add.f32 [tilespmem:s19], [sflag:$0x2], $0x80, s9, s17, $0xb8;
	[tilespmem:$0x1C800] =	vst v63  }
0xf5: {  	_ =	swait.ge [sflag:s15], $0x4000  }
0xf6: {  	s22 =	simm.s32 $0x100;
	s11 =	simm.s32 $0x80;
	[sflag:s15] =	ssyncset.done $0x0  }
.LBB2_4:
0xf7: {  	s24 =	sadd.s32 s11, s13  }
0xf8: {  	[sflag:s15] =	ssyncadd.s32 $0xFFFFC000;
	s25 =	smov.u32 s22;
	s23 =	sadd.s32 $0x80, s22  }
0xf9: {  	[tilespmem:s3], [sflag:$0x2] =	stream.linear.gather [hbm4b:s24+s3], $0x400, $0x38;
	[tilespmem:$0x1C800] =	vst v63  }
0xfa: {  	p0 =	sne.s32 s22, $0x480;
	_ =	swait.ge [sflag:s15], $0x400  }
0xfb: {  	[sflag:s15] =	ssyncset.done $0x0  }
0xfc: {  	s22 =	sadd.s32 s11, s12;
	s11 =	smov.u32 s25;
	[sflag:s15] =	ssyncadd.s32 $0xFFFFFC00  }
0xfd: {  	[tilespmem:s16], [sflag:$0x2] =	stream.linear.gather [hbm4b:s22+s3], $0x400, $0x38;
	[tilespmem:$0x1C800] =	vst v63  }
0xfe: {  	_ =	swait.ge [sflag:s15], $0x400  }
0xff: {  	[sflag:s15] =	ssyncset.done $0x0  }
0x100: {  	[sflag:s15] =	ssyncadd.s32 $0xFFFFFC00  }
0x101: {  	[tilespmem:s14], [sflag:$0x1] =	stream.indirect.gather [hbm4b:s4+s17], $0x80, s3, s17, $0xb8;
	[tilespmem:$0x1C800] =	vst v63  }
0x102: {  	_ =	swait.ge [sflag:s18], $0x4000  }
0x103: {  	[sflag:s18] =	ssyncset.done $0x0  }
0x104: {  	[sflag:s18] =	ssyncadd.s32 $0xFFFFC000  }
0x105: {  	[tilespmem:s19], [sflag:$0x1] =	stream.indirect.gather [hbm4b:s4+s17], $0x80, s17, s17, $0xb8;
	[tilespmem:$0x1C800] =	vst v63  }
0x106: {  	_ = 	snop  }
0x107: {  	[spmem:s1] =	stream.indirect.scatter.add.f32 [tilespmem:s14], [sflag:$0x2], $0x80, s16, s17, $0xb8;
	[tilespmem:$0x1C800] =	vst v63  }
0x108: {  	_ =	swait.ge [sflag:s15], $0x4000  }
0x109: {  	[sflag:s15] =	ssyncset.done $0x0  }
0x10a: {  	[sflag:s15] =	ssyncadd.s32 $0xFFFFC000  }
0x10b: {  	_ =	swait.ge [sflag:s18], $0x4000  }
0x10c: {  	[sflag:s18] =	ssyncset.done $0x0  }
0x10d: {  	[sflag:s18] =	ssyncadd.s32 $0xFFFFC000  }
0x10e: {  	[tilespmem:s14], [sflag:$0x1] =	stream.indirect.gather [hbm4b:s4+s17], $0x80, s20, s17, $0xb8;
	[tilespmem:$0x1C800] =	vst v63  }
0x10f: {  	_ = 	snop  }
0x110: {  	[spmem:s1] =	stream.indirect.scatter.add.f32 [tilespmem:s19], [sflag:$0x2], $0x80, s21, s17, $0xb8;
	[tilespmem:$0x1C800] =	vst v63  }
0x111: {  	_ =	swait.ge [sflag:s15], $0x4000  }
0x112: {  	[sflag:s15] =	ssyncset.done $0x0  }
0x113: {  	[sflag:s15] =	ssyncadd.s32 $0xFFFFC000  }
0x114: {  	_ =	swait.ge [sflag:s18], $0x4000  }
0x115: {  	[sflag:s18] =	ssyncset.done $0x0  }
0x116: {  	[sflag:s18] =	ssyncadd.s32 $0xFFFFC000  }
0x117: {  	[tilespmem:s19], [sflag:$0x1] =	stream.indirect.gather [hbm4b:s4+s17], $0x80, s26, s17, $0xb8;
	[tilespmem:$0x1C800] =	vst v63  }
0x118: {  	_ = 	snop  }
0x119: {  	[spmem:s1] =	stream.indirect.scatter.add.f32 [tilespmem:s14], [sflag:$0x2], $0x80, s28, s17, $0xb8;
	[tilespmem:$0x1C800] =	vst v63  }
0x11a: {  	_ =	swait.ge [sflag:s15], $0x4000  }
0x11b: {  	[sflag:s15] =	ssyncset.done $0x0  }
0x11c: {  	[sflag:s15] =	ssyncadd.s32 $0xFFFFC000  }
0x11d: {  	_ =	swait.ge [sflag:s18], $0x4000  }
0x11e: {  	[sflag:s18] =	ssyncset.done $0x0  }
0x11f: {  	[sflag:s18] =	ssyncadd.s32 $0xFFFFC000  }
0x120: {  	[tilespmem:s14], [sflag:$0x1] =	stream.indirect.gather [hbm4b:s4+s17], $0x80, s29, s17, $0xb8;
	[tilespmem:$0x1C800] =	vst v63  }
0x121: {  	_ = 	snop  }
0x122: {  	[spmem:s1] =	stream.indirect.scatter.add.f32 [tilespmem:s19], [sflag:$0x2], $0x80, s30, s17, $0xb8;
	[tilespmem:$0x1C800] =	vst v63  }
0x123: {  	_ =	swait.ge [sflag:s15], $0x4000  }
0x124: {  	[sflag:s15] =	ssyncset.done $0x0  }
0x125: {  	[sflag:s15] =	ssyncadd.s32 $0xFFFFC000  }
0x126: {  	_ =	swait.ge [sflag:s18], $0x4000  }
0x127: {  	[sflag:s18] =	ssyncset.done $0x0  }
0x128: {  	[sflag:s18] =	ssyncadd.s32 $0xFFFFC000  }
0x129: {  	[tilespmem:s19], [sflag:$0x1] =	stream.indirect.gather [hbm4b:s4+s17], $0x80, s31, s17, $0xb8;
	[tilespmem:$0x1C800] =	vst v63  }
0x12a: {  	_ = 	snop  }
0x12b: {  	[spmem:s1] =	stream.indirect.scatter.add.f32 [tilespmem:s14], [sflag:$0x2], $0x80, s0, s17, $0xb8;
	[tilespmem:$0x1C800] =	vst v63  }
0x12c: {  	_ =	swait.ge [sflag:s15], $0x4000  }
0x12d: {  	[sflag:s15] =	ssyncset.done $0x0  }
0x12e: {  	[sflag:s15] =	ssyncadd.s32 $0xFFFFC000  }
0x12f: {  	_ =	swait.ge [sflag:s18], $0x4000  }
0x130: {  	[sflag:s18] =	ssyncset.done $0x0  }
0x131: {  	[sflag:s18] =	ssyncadd.s32 $0xFFFFC000  }
0x132: {  	[tilespmem:s14], [sflag:$0x1] =	stream.indirect.gather [hbm4b:s4+s17], $0x80, s2, s17, $0xb8;
	[tilespmem:$0x1C800] =	vst v63  }
0x133: {  	_ = 	snop  }
0x134: {  	[spmem:s1] =	stream.indirect.scatter.add.f32 [tilespmem:s19], [sflag:$0x2], $0x80, s6, s17, $0xb8;
	[tilespmem:$0x1C800] =	vst v63  }
0x135: {  	_ =	swait.ge [sflag:s15], $0x4000  }
0x136: {  	[sflag:s15] =	ssyncset.done $0x0  }
0x137: {  	[sflag:s15] =	ssyncadd.s32 $0xFFFFC000  }
0x138: {  	_ =	swait.ge [sflag:s18], $0x4000  }
0x139: {  	[sflag:s18] =	ssyncset.done $0x0  }
0x13a: {  	[sflag:s18] =	ssyncadd.s32 $0xFFFFC000  }
0x13b: {  	[tilespmem:s19], [sflag:$0x1] =	stream.indirect.gather [hbm4b:s4+s17], $0x80, s7, s17, $0xb8;
	[tilespmem:$0x1C800] =	vst v63  }
0x13c: {  	_ = 	snop  }
0x13d: {  	[spmem:s1] =	stream.indirect.scatter.add.f32 [tilespmem:s14], [sflag:$0x2], $0x80, s8, s17, $0xb8;
	[tilespmem:$0x1C800] =	vst v63  }
0x13e: {  	_ =	swait.ge [sflag:s15], $0x4000  }
0x13f: {  	[sflag:s15] =	ssyncset.done $0x0  }
0x140: {  	[sflag:s15] =	ssyncadd.s32 $0xFFFFC000  }
0x141: {  	_ =	swait.ge [sflag:s18], $0x4000  }
.Ltmp1:
0x142: {  	[sflag:s18] =	ssyncset.done $0x0;
	(pc) =	sbr.rel @p0 .LBB2_4-.Ltmp1, $4  }
0x143: {  	[sflag:s18] =	ssyncadd.s32 $0xFFFFC000  }
0x144: {  	[spmem:s1] =	stream.indirect.scatter.add.f32 [tilespmem:s19], [sflag:$0x2], $0x80, s9, s17, $0xb8;
	[tilespmem:$0x1C800] =	vst v63  }
0x145: {  	_ =	swait.ge [sflag:s15], $0x4000  }
0x146: {  	s22 =	smov.u32 s23;
	[sflag:s15] =	ssyncset.done $0x0  }
0x147: {  	s22 =	sadd.s32 s11, s13;
	[sflag:s15] =	ssyncadd.s32 $0xFFFFC000  }
0x148: {  	[tilespmem:s3], [sflag:$0x2] =	stream.linear.gather [hbm4b:s22+s3], $0x400, $0x38;
	[tilespmem:$0x1C800] =	vst v63  }
0x149: {  	_ =	swait.ge [sflag:s15], $0x400  }
0x14a: {  	[sflag:s15] =	ssyncset.done $0x0  }
0x14b: {  	s23 =	sadd.s32 s11, s12;
	[sflag:s15] =	ssyncadd.s32 $0xFFFFFC00  }
0x14c: {  	[tilespmem:s16], [sflag:$0x2] =	stream.linear.gather [hbm4b:s23+s3], $0x400, $0x38;
	[tilespmem:$0x1C800] =	vst v63  }
0x14d: {  	_ =	swait.ge [sflag:s15], $0x400  }
0x14e: {  	[sflag:s15] =	ssyncset.done $0x0  }
0x14f: {  	[sflag:s15] =	ssyncadd.s32 $0xFFFFFC00  }
0x150: {  	[tilespmem:s14], [sflag:$0x1] =	stream.indirect.gather [hbm4b:s4+s17], $0x80, s3, s17, $0xb8;
	[tilespmem:$0x1C800] =	vst v63  }
0x151: {  	_ =	swait.ge [sflag:s18], $0x4000  }
0x152: {  	[sflag:s18] =	ssyncset.done $0x0  }
0x153: {  	[sflag:s18] =	ssyncadd.s32 $0xFFFFC000  }
0x154: {  	[tilespmem:s19], [sflag:$0x1] =	stream.indirect.gather [hbm4b:s4+s17], $0x80, s17, s17, $0xb8;
	[tilespmem:$0x1C800] =	vst v63  }
0x155: {  	_ = 	snop  }
0x156: {  	[spmem:s1] =	stream.indirect.scatter.add.f32 [tilespmem:s14], [sflag:$0x2], $0x80, s16, s17, $0xb8;
	[tilespmem:$0x1C800] =	vst v63  }
0x157: {  	_ =	swait.ge [sflag:s15], $0x4000  }
0x158: {  	[sflag:s15] =	ssyncset.done $0x0  }
0x159: {  	[sflag:s15] =	ssyncadd.s32 $0xFFFFC000  }
0x15a: {  	_ =	swait.ge [sflag:s18], $0x4000  }
0x15b: {  	[sflag:s18] =	ssyncset.done $0x0  }
0x15c: {  	[sflag:s18] =	ssyncadd.s32 $0xFFFFC000  }
0x15d: {  	[tilespmem:s14], [sflag:$0x1] =	stream.indirect.gather [hbm4b:s4+s17], $0x80, s20, s17, $0xb8;
	[tilespmem:$0x1C800] =	vst v63  }
0x15e: {  	_ = 	snop  }
0x15f: {  	[spmem:s1] =	stream.indirect.scatter.add.f32 [tilespmem:s19], [sflag:$0x2], $0x80, s21, s17, $0xb8;
	[tilespmem:$0x1C800] =	vst v63  }
0x160: {  	_ =	swait.ge [sflag:s15], $0x4000  }
0x161: {  	[sflag:s15] =	ssyncset.done $0x0  }
0x162: {  	[sflag:s15] =	ssyncadd.s32 $0xFFFFC000  }
0x163: {  	_ =	swait.ge [sflag:s18], $0x4000  }
0x164: {  	[sflag:s18] =	ssyncset.done $0x0  }
0x165: {  	[sflag:s18] =	ssyncadd.s32 $0xFFFFC000  }
0x166: {  	[tilespmem:s19], [sflag:$0x1] =	stream.indirect.gather [hbm4b:s4+s17], $0x80, s26, s17, $0xb8;
	[tilespmem:$0x1C800] =	vst v63  }
0x167: {  	_ = 	snop  }
0x168: {  	[spmem:s1] =	stream.indirect.scatter.add.f32 [tilespmem:s14], [sflag:$0x2], $0x80, s28, s17, $0xb8;
	[tilespmem:$0x1C800] =	vst v63  }
0x169: {  	_ =	swait.ge [sflag:s15], $0x4000  }
0x16a: {  	[sflag:s15] =	ssyncset.done $0x0  }
0x16b: {  	[sflag:s15] =	ssyncadd.s32 $0xFFFFC000  }
0x16c: {  	_ =	swait.ge [sflag:s18], $0x4000  }
0x16d: {  	[sflag:s18] =	ssyncset.done $0x0  }
0x16e: {  	[sflag:s18] =	ssyncadd.s32 $0xFFFFC000  }
0x16f: {  	[tilespmem:s14], [sflag:$0x1] =	stream.indirect.gather [hbm4b:s4+s17], $0x80, s29, s17, $0xb8;
	[tilespmem:$0x1C800] =	vst v63  }
0x170: {  	_ = 	snop  }
0x171: {  	[spmem:s1] =	stream.indirect.scatter.add.f32 [tilespmem:s19], [sflag:$0x2], $0x80, s30, s17, $0xb8;
	[tilespmem:$0x1C800] =	vst v63  }
0x172: {  	_ =	swait.ge [sflag:s15], $0x4000  }
0x173: {  	[sflag:s15] =	ssyncset.done $0x0  }
0x174: {  	[sflag:s15] =	ssyncadd.s32 $0xFFFFC000  }
0x175: {  	_ =	swait.ge [sflag:s18], $0x4000  }
0x176: {  	[sflag:s18] =	ssyncset.done $0x0  }
0x177: {  	[sflag:s18] =	ssyncadd.s32 $0xFFFFC000  }
0x178: {  	[tilespmem:s19], [sflag:$0x1] =	stream.indirect.gather [hbm4b:s4+s17], $0x80, s31, s17, $0xb8;
	[tilespmem:$0x1C800] =	vst v63  }
0x179: {  	_ = 	snop  }
0x17a: {  	[spmem:s1] =	stream.indirect.scatter.add.f32 [tilespmem:s14], [sflag:$0x2], $0x80, s0, s17, $0xb8;
	[tilespmem:$0x1C800] =	vst v63  }
0x17b: {  	_ =	swait.ge [sflag:s15], $0x4000  }
0x17c: {  	[sflag:s15] =	ssyncset.done $0x0  }
0x17d: {  	[sflag:s15] =	ssyncadd.s32 $0xFFFFC000  }
0x17e: {  	_ =	swait.ge [sflag:s18], $0x4000  }
0x17f: {  	[sflag:s18] =	ssyncset.done $0x0  }
0x180: {  	[sflag:s18] =	ssyncadd.s32 $0xFFFFC000  }
0x181: {  	[tilespmem:s14], [sflag:$0x1] =	stream.indirect.gather [hbm4b:s4+s17], $0x80, s2, s17, $0xb8;
	[tilespmem:$0x1C800] =	vst v63  }
0x182: {  	_ = 	snop  }
0x183: {  	[spmem:s1] =	stream.indirect.scatter.add.f32 [tilespmem:s19], [sflag:$0x2], $0x80, s6, s17, $0xb8;
	[tilespmem:$0x1C800] =	vst v63  }
0x184: {  	_ =	swait.ge [sflag:s15], $0x4000  }
0x185: {  	[sflag:s15] =	ssyncset.done $0x0  }
0x186: {  	[sflag:s15] =	ssyncadd.s32 $0xFFFFC000  }
0x187: {  	_ =	swait.ge [sflag:s18], $0x4000  }
0x188: {  	[sflag:s18] =	ssyncset.done $0x0  }
0x189: {  	[sflag:s18] =	ssyncadd.s32 $0xFFFFC000  }
0x18a: {  	[tilespmem:s19], [sflag:$0x1] =	stream.indirect.gather [hbm4b:s4+s17], $0x80, s7, s17, $0xb8;
	[tilespmem:$0x1C800] =	vst v63  }
0x18b: {  	_ = 	snop  }
0x18c: {  	[spmem:s1] =	stream.indirect.scatter.add.f32 [tilespmem:s14], [sflag:$0x2], $0x80, s8, s17, $0xb8;
	[tilespmem:$0x1C800] =	vst v63  }
0x18d: {  	_ =	swait.ge [sflag:s15], $0x4000  }
0x18e: {  	[sflag:s15] =	ssyncset.done $0x0  }
0x18f: {  	[sflag:s15] =	ssyncadd.s32 $0xFFFFC000  }
0x190: {  	_ =	swait.ge [sflag:s18], $0x4000  }
0x191: {  	[sflag:s18] =	ssyncset.done $0x0  }
0x192: {  	[sflag:s18] =	ssyncadd.s32 $0xFFFFC000  }
0x193: {  	[spmem:s1] =	stream.indirect.scatter.add.f32 [tilespmem:s19], [sflag:$0x2], $0x80, s9, s17, $0xb8;
	[tilespmem:$0x1C800] =	vst v63  }
0x194: {  	_ =	swait.ge [sflag:s15], $0x4000  }
0x195: {  	[sflag:s15] =	ssyncset.done $0x0  }
0x196: {  	s24 =	stileid.u32;
	[sflag:s15] =	ssyncadd.s32 $0xFFFFC000  }
0x197: {  	s11 =	sshll.u32 s24, $0x6;
	[bflag:$0x0] =	sbarrier.arrive $0xFFFF  }
0x198: {  	s25 =	sshrl.u32 s5, $0x3;
	s11 =	sor.u32 $0x1C02, s11;
	s23 =	rddreg [dreg:$0x4]  }
0x199: {  	[hbm:s23], [sflag:s11] =	dma.local [spmem:s25], $0x800  }
0x19a: {  	_ =	swait.ge [sflag:s15], $0x800  }
0x19b: {  	[sflag:s15] =	ssyncset.done $0x0;
	s24 =	rddreg [dreg:$0x6]  }
0x19c: {  	s25 =	rddreg [dreg:$0xa];
	[sflag:s15] =	ssyncadd.s32 $0xFFFFF800  }
0x19d: {  	[hbm:s24], [sflag:s11] =	dma.local [spmem:s25], $0x800  }
0x19e: {  	_ =	swait.ge [sflag:s15], $0x800  }
0x19f: {  	[sflag:s15] =	ssyncset.done $0x0;
	s24 =	rddreg [dreg:$0x7]  }
0x1a0: {  	s25 =	rddreg [dreg:$0xb];
	[sflag:s15] =	ssyncadd.s32 $0xFFFFF800  }
0x1a1: {  	[hbm:s24], [sflag:s11] =	dma.local [spmem:s25], $0x800  }
0x1a2: {  	_ =	swait.ge [sflag:s15], $0x800  }
0x1a3: {  	[sflag:s15] =	ssyncset.done $0x0;
	s24 =	rddreg [dreg:$0x8]  }
0x1a4: {  	s25 =	rddreg [dreg:$0xc];
	[sflag:s15] =	ssyncadd.s32 $0xFFFFF800  }
0x1a5: {  	[hbm:s24], [sflag:s11] =	dma.local [spmem:s25], $0x800  }
0x1a6: {  	_ =	swait.ge [sflag:s15], $0x800  }
0x1a7: {  	[sflag:s15] =	ssyncset.done $0x0;
	s23 =	rddreg [dreg:$0x9]  }
0x1a8: {  	s24 =	rddreg [dreg:$0xd];
	[sflag:s15] =	ssyncadd.s32 $0xFFFFF800  }
0x1a9: {  	[hbm:s23], [sflag:s11] =	dma.local [spmem:s24], $0x800  }
0x1aa: {  	_ =	swait.ge [sflag:s15], $0x800  }
0x1ab: {  	s10 =	sadd.s32 $0x1, s10;
	s25 =	rddreg [dreg:$0x5]  }
0x1ac: {  	p0 =	sne.s32 s10, s25  }
.Ltmp2:
0x1ad: {  	_ = 	snop;
	(pc) =	sbr.rel @p0 .LBB2_1-.Ltmp2, $3  }
0x1ae: {  	_ =	sdelay $0x1  }
0x1af: {  	[sflag:s15] =	ssyncset.done $0x0  }
0x1b0: {  	[sflag:s15] =	ssyncadd.s32 $0xFFFFF800  }
0x1b1: {  	_ =	sfence.sel $0x180000  }
0x1b2: {  	[bflag:$0x0] =	sbarrier.arrive $0xFFFF  }
0x1b3: {  	_ =	strace $0x9000004D  }
0x1b4: {  	s0 =	stileid.u32;
	[bflag:$0x2] =	sbarrier.arrive $0xFFFF  }
0x1b5: {  	p0 =	sne.s32 s0, $0x0;
	s0 =	rddreg [dreg:$0x3]  }
0x1b6: {  	s0 =	sadd.s32 @!p0 $0x100000, s0  }
0x1b7: {  	[sflag:s0] =	ssyncadd.tile.s32 @!p0 $0x1;
	_ =	shalt  }
.Lfunc_end2:
_tile_overlayer_lowered:
.L_overlay_start_2:
0x1b8: {  	(tag) =	ssettag $0x2  }
0x1b9: {  	s0 =	rddreg [dreg:$0x0];
	s2 =	stileid.u32  }
0x1ba: {  	s1 =	rddreg [dreg:$0x1];
	p0 =	sne.s32 s2, $0x0  }
0x1bb: {  	s3 =	rddreg [dreg:$0x2];
	[bflag:$0x3] =	sbarrier.arrive $0xFFFF;
	s2 =	simm.s32 @!p0 $0x1C02  }
0x1bc: {  	[timem:s3], [sflag:s2] =	dma.local @!p0 [hbm:s0], s1  }
0x1bd: {  	s0 =	simm.s32 @!p0 $0x2  }
0x1be: {  	_ =	swait.ge @!p0 [sflag:s0], s1  }
0x1bf: {  	s1 =	ssub.s32 @!p0 $0x0, s1;
	[sflag:s0] =	ssyncset.done @!p0 $0x0  }
0x1c0: {  	[sflag:s0] =	ssyncadd.s32 @!p0 s1  }
0x1c1: {  	[bflag:$0x3] =	sbarrier.arrive $0xFFFF  }
0x1c2: {  	_ =	shalt  }

// kernel: kernel.8.cloned.1.call-start
scs
__scs_entry_jumppad:
0x0: {  	(pc) =	sbr.rel $0x88, $3  }
0x1: {  	(tag) =	ssettag $0x0;
	lr =	simm.s32 $0x1  }
0x2: {  	[smem:$0x3F9B] =	sst lr;
	_ =	strace $0xD0000000  }
0x3: {  	_ = 	snop  }
0x4: {  	_ = 	snop  }
0x5: {  	_ = 	snop  }
0x6: {  	_ = 	snop  }
0x7: {  	_ = 	snop  }
__scs_overlays_trampoline_lowered:
0x8: {  	[smem:$0x3FAA] =	sst s0  }
0x9: {  	[smem:$0x3FAB] =	sst s1  }
0xa: {  	[smem:$0x3FAC] =	sst s2  }
0xb: {  	[smem:$0x3FAD] =	sst s3  }
0xc: {  	[smem:$0x3FAE] =	sst s4  }
0xd: {  	[smem:$0x3FAF] =	sst s5  }
0xe: {  	[smem:$0x3FB0] =	sst s6  }
0xf: {  	[smem:$0x3FB1] =	sst s7  }
0x10: {  	[smem:$0x3FB2] =	sst s8  }
0x11: {  	[smem:$0x3FB3] =	sst s9;
	s0 =	simm.s32 @!p0 $0x0  }
0x12: {  	s1 =	sld [smem:$0x3F99];
	s0 =	simm.s32 @p0 $0x1  }
0x13: {  	[smem:$0x3FB4] =	sst s0;
	s0 =	simm.s32 @!p1 $0x0  }
0x14: {  	s2 =	sld [smem:$0x3F98];
	s0 =	simm.s32 @p1 $0x1  }
0x15: {  	[smem:$0x3FB5] =	sst s0;
	s0 =	simm.s32 @!p2 $0x0  }
0x16: {  	s3 =	sld [smem:$0x3FDB];
	s0 =	simm.s32 @p2 $0x1  }
0x17: {  	s4 =	simm.s32 $0x1BF5;
	[smem:$0x3FB7] =	sst s0  }
0x18: {  	s0 =	sld [smem:$0x3F9A];
	_ =	swait.ge [sflag:s4], $0x0  }
0x19: {  	s7 =	sld [smem:$0x3F9B]  }
0x1a: {  	s8 =	sadd.s32 $0xFFFFE003, lr  }
0x1b: {  	s9 =	sadd.s32 $0xFFFFFEF7, lr;
	s5 =	simm.s32 $0xFFFFFFFF;
	p2 =	slt.u32 s8, $0xFFFFF086  }
0x1c: {  	p1 =	slt.u32 s9, $0xF7A;
	s5 =	simm.s32 @!p2 $0x0  }
0x1d: {  	s5 =	simm.s32 @p1 $0x1;
	p0 =	seq.s32 s7, s2  }
0x1e: {  	s7 =	smul.u32 @!p0 $0xF7A, s2;
	p2 =	seq.s32 @!p0 s5, $0x0  }
0x1f: {  	s9 =	smul.u32 $0xF7A, s1;
	s8 =	simm.s32 @!p0 $0x1BF5;
	p2 =	por !p2, p0  }
0x20: {  	[sflag:s8] =	ssyncset.s32 @!p0 $0xFFFFF086;
	s6 =	sadd.s32 @!p0 s3, s7;
	s7 =	simm.s32 @!p0 $0x108  }
0x21: {  	s3 =	sadd.s32 s3, s9;
	s6 =	sadd.s32 @!p0 $0x88, s6;
	s7 =	simm.s32 @p2 $0x1082  }
0x22: {  	[simem:s7], [sflag:s8] =	dma.local @!p0 [hbm:s6], $0xF7A  }
0x23: {  	s9 =	sor.u32 $0xD0000000, s2;
	s6 =	simm.s32 $0x108;
	_ =	swait.ge @!p0 [sflag:s8], $0x0  }
0x24: {  	s3 =	sadd.s32 $0x88, s3;
	s6 =	simm.s32 @!p1 $0x1082;
	[sflag:s4] =	ssyncset.s32 $0xFFFFF086  }
0x25: {  	[simem:s6], [sflag:s4] =	dma.local [hbm:s3], $0xF7A  }
0x26: {  	[smem:$0x3F9B] =	sst s1;
	(tag) =	ssettag s2;
	_ =	strace s9  }
0x27: {  	s1 =	sld [smem:$0x3FAB]  }
0x28: {  	s2 =	sld [smem:$0x3FAC]  }
0x29: {  	s4 =	sld [smem:$0x3FAE]  }
0x2a: {  	p0 =	seq.s32 s5, $0x0;
	s5 =	sld [smem:$0x3FAF]  }
0x2b: {  	s6 =	sld [smem:$0x3FB0]  }
0x2c: {  	s7 =	sld [smem:$0x3FB1]  }
0x2d: {  	s3 =	simm.s32 $0x108;
	s8 =	sld [smem:$0x3FB2]  }
0x2e: {  	s3 =	simm.s32 @!p0 $0x1082;
	s9 =	sld [smem:$0x3FB3]  }
0x2f: {  	lr =	sadd.s32 s0, s3;
	s0 =	sld [smem:$0x3FAA]  }
0x30: {  	s3 =	sld [smem:$0x3FAD]  }
0x31: {  	[smem:$0x3FB6] =	sst s10  }
0x32: {  	s10 =	sld [smem:$0x3FB4];
	_ =	sdelay $0x3  }
0x33: {  	p0 =	seq.s32 s10, $0x1;
	s10 =	sld [smem:$0x3FB6];
	_ =	sdelay $0x3  }
0x34: {  	[smem:$0x3FB6] =	sst s10  }
0x35: {  	s10 =	sld [smem:$0x3FB5];
	_ =	sdelay $0x3  }
0x36: {  	p1 =	seq.s32 s10, $0x1;
	s10 =	sld [smem:$0x3FB6];
	_ =	sdelay $0x3  }
0x37: {  	[smem:$0x3FB6] =	sst s10  }
0x38: {  	s10 =	sld [smem:$0x3FB7]  }
0x39: {  	_ = 	snop;
	(pc) =	sbr.ind lr, $3  }
0x3a: {  	_ = 	snop  }
0x3b: {  	_ = 	snop  }
0x3c: {  	p2 =	seq.s32 s10, $0x1;
	s10 =	sld [smem:$0x3FB6]  }
0x3d: {  	_ =	shalt  }
0x3e: {  	_ =	shalt  }
0x3f: {  	_ =	shalt  }
0x40: {  	_ =	shalt  }
0x41: {  	_ =	shalt  }
0x42: {  	_ =	shalt  }
0x43: {  	_ =	shalt  }
0x44: {  	_ =	shalt  }
0x45: {  	_ =	shalt  }
0x46: {  	_ =	shalt  }
0x47: {  	_ =	shalt  }
0x48: {  	_ =	shalt  }
0x49: {  	_ =	shalt  }
0x4a: {  	_ =	shalt  }
0x4b: {  	_ =	shalt  }
0x4c: {  	_ =	shalt  }
0x4d: {  	_ =	shalt  }
0x4e: {  	_ =	shalt  }
0x4f: {  	_ =	shalt  }
0x50: {  	_ =	shalt  }
0x51: {  	_ =	shalt  }
0x52: {  	_ =	shalt  }
0x53: {  	_ =	shalt  }
0x54: {  	_ =	shalt  }
0x55: {  	_ =	shalt  }
0x56: {  	_ =	shalt  }
0x57: {  	_ =	shalt  }
0x58: {  	_ =	shalt  }
0x59: {  	_ =	shalt  }
0x5a: {  	_ =	shalt  }
0x5b: {  	_ =	shalt  }
0x5c: {  	_ =	shalt  }
0x5d: {  	_ =	shalt  }
0x5e: {  	_ =	shalt  }
0x5f: {  	_ =	shalt  }
0x60: {  	_ =	shalt  }
0x61: {  	_ =	shalt  }
0x62: {  	_ =	shalt  }
0x63: {  	_ =	shalt  }
0x64: {  	_ =	shalt  }
0x65: {  	_ =	shalt  }
0x66: {  	_ =	shalt  }
0x67: {  	_ =	shalt  }
0x68: {  	_ =	shalt  }
0x69: {  	_ =	shalt  }
0x6a: {  	_ =	shalt  }
0x6b: {  	_ =	shalt  }
0x6c: {  	_ =	shalt  }
0x6d: {  	_ =	shalt  }
0x6e: {  	_ =	shalt  }
0x6f: {  	_ =	shalt  }
0x70: {  	_ =	shalt  }
0x71: {  	_ =	shalt  }
0x72: {  	_ =	shalt  }
0x73: {  	_ =	shalt  }
0x74: {  	_ =	shalt  }
0x75: {  	_ =	shalt  }
0x76: {  	_ =	shalt  }
0x77: {  	_ =	shalt  }
0x78: {  	_ =	shalt  }
0x79: {  	_ =	shalt  }
0x7a: {  	_ =	shalt  }
0x7b: {  	_ =	shalt  }
0x7c: {  	_ =	shalt  }
0x7d: {  	_ =	shalt  }
0x7e: {  	_ =	shalt  }
0x7f: {  	_ =	shalt  }
0x80: {  	_ =	shalt  }
0x81: {  	_ =	shalt  }
0x82: {  	_ =	shalt  }
0x83: {  	_ =	shalt  }
0x84: {  	_ =	shalt  }
0x85: {  	_ =	shalt  }
0x86: {  	_ =	shalt  }
0x87: {  	_ =	shalt  }
.Lfunc_end0:
.L_simem_size_0:
called_computation_lowered:
.L_overlay_start_0:
0x88: {  	s2 =	sld [smem:$0x3FD9]  }
0x89: {  	s3 =	sld [smem:$0x3FFE];
	_ =	sdelay $0x1  }
0x8a: {  	s1 =	srdreg.scid  }
0x8b: {  	s0 =	sand.u32 $0x1, s1  }
0x8c: {  	s17 =	sshll.u32 s0, $0xA;
	s2 =	sadd.s32 s3, s2  }
0x8d: {  	s2 =	sadd.s32 s2, s17  }
0x8e: {  	[smem:$0x3FC2] =	sst s2  }
0x8f: {  	_ = 	snop  }
0x90: {  	s2 =	sld [smem:$0x3FD0];
	(tm) =	ssettm $0x1  }
0x91: {  	s18 =	sld [smem:$0x3FFB];
	_ =	sdelay $0x3  }
0x92: {  	_ =	strace s18  }
0x93: {  	s3 =	sld [smem:$0x3FFC];
	_ =	sdelay $0x3  }
0x94: {  	_ =	strace s3  }
0x95: {  	s3 =	sld [smem:$0x3FFD];
	_ =	sdelay $0x3  }
0x96: {  	_ =	strace s3  }
0x97: {  	_ =	strace $0x8FFFFFFF  }
0x98: {  	s19 =	sld [smem:$0x3FDB];
	_ =	sdelay $0x1  }
0x99: {  	s4 =	simm.s32 $_scs_section_size  }
0x9a: {  	s5 =	simm.s32 $_size__tile_overlayer_lowered;
	s6 =	simm.s32 $_tile_overlayer_lowered  }
0x9b: {  	s22 =	simm.s32 $0x1BFF;
	s21 =	sshll.u32 s6, $0x1;
	s3 =	sadd.s32 s4, s19  }
0x9c: {  	s7 =	simm.s32 $0x0;
	s20 =	sshll.u32 s5, $0x1;
	s5 =	sadd.s32 s21, s3  }
0x9d: {  	[timem:s7], [sflag:s22] =	dma.local [hbm:s5], s20  }
0x9e: {  	_ =	swait.ge [sflag:s22], s20  }
0x9f: {  	s4 =	ssub.s32 $0x0, s20;
	[sflag:s22] =	ssyncset.done $0x0  }
0xa0: {  	[sflag:s22] =	ssyncadd.s32 s4;
	_ =	sdelay $0x1  }
0xa1: {  	s23 =	simm.s32 $0x1B8B  }
0xa2: {  	_ =	swait.ge [sflag:s23], $0x1  }
0xa3: {  	[sflag:s23] =	ssyncset.done $0x0  }
0xa4: {  	s25 =	simm.s32 $0x1B8E;
	s24 =	sld [smem:$0x3FFE];
	[sflag:s23] =	ssyncadd.s32 $0xFFFFFFFF  }
0xa5: {  	s26 =	simm.s32 $execute0_lowered;
	[smem:$0x3FD2] =	sst s25  }
0xa6: {  	s5 =	sshll.u32 s26, $0x1;
	_ =	strace $0x80000046;
	[dreg:$0x1] =	wrdreg $0xFFFFFFFF  }
0xa7: {  	s28 =	simm.s32 $_size_execute0_lowered;
	s3 =	sadd.s32 s3, s5;
	[dreg:$0x0] =	wrdreg $0x0  }
0xa8: {  	s5 =	sshll.u32 s28, $0x1;
	[dreg:$0x2] =	wrdreg s3  }
0xa9: {  	[dreg:$0x3] =	wrdreg s5  }
0xaa: {  	[dreg:$0x4] =	wrdreg $0xC0  }
0xab: {  	_ =	task [dreg:s7], $0x5FFFF  }
0xac: {  	[dreg:$0x1] =	wrdreg $0xFFFFFFFF  }
0xad: {  	[dreg:$0x0] =	wrdreg $0x60  }
0xae: {  	[dreg:$0x2] =	wrdreg s2  }
0xaf: {  	[dreg:$0x3] =	wrdreg s24  }
0xb0: {  	[dreg:$0x4] =	wrdreg $0x9000  }
0xb1: {  	[dreg:$0x5] =	wrdreg $0xB800  }
0xb2: {  	[dreg:$0x6] =	wrdreg $0x9  }
0xb3: {  	_ =	task.clear_ibuf [dreg:s7], $0x7FFFF;
	_ =	strace $0x90000046  }
0xb4: {  	s29 =	simm.s32 $0x9;
	_ =	strace $0x80000048  }
0xb5: {  	_ =	swait.ge [sflag:s29], $0x1  }
0xb6: {  	[sflag:s29] =	ssyncadd.s32 $0xFFFFFFFF  }
0xb7: {  	_ =	strace $0x90000048  }
0xb8: {  	_ =	sfence  }
0xb9: {  	s30 =	sld [smem:$0x0];
	_ =	sdelay $0x2  }
0xba: {  	s31 =	sshll.u32 s1, $0xD;
	s1 =	sshrl.u32 s1, $0x2  }
0xbb: {  	s3 =	sand.u32 $0x4000, s31;
	s1 =	sadd.s32 s1, s30  }
0xbc: {  	s0 =	sor.u32 s3, s0;
	s1 =	sshll.u32 s1, $0x11  }
0xbd: {  	s0 =	sor.u32 s1, s0  }
0xbe: {  	s0 =	sadd.s32 $0x8F2B, s0  }
0xbf: {  	[sflag:s0] =	ssyncadd.remote.s32 $0x1  }
0xc0: {  	_ =	sfence.sel $0xFFFF  }
0xc1: {  	[dreg:$0x0] =	wrdreg $0xFFFFFFFF;
	(pc) =	sbr.abs _section_cstart, $3  }
0xc2: {  	[dreg:$0x1] =	wrdreg $0xFFFFFFFF  }
0xc3: {  	_ =	task.clear_ibuf [dreg:s7], $0x2FFFF;
	_ =	strace $0x9FFFFFFF  }
0xc4: {  	(tm) =	ssettm $0x7FFFFFFF  }
0xc5: {  	_ =	shalt  }
tec
execute0_lowered:
.L_overlay_start_1:
0x0: {  	(tag) =	ssettag $0x1  }
0x1: {  	s0 =	rddreg [dreg:$0x0]  }
0x2: {  	s1 =	rddreg [dreg:$0x1]  }
0x3: {  	s3 =	srdreg.scid;
	s13 =	stileid.u32  }
0x4: {  	s2 =	rddreg [dreg:$0x2];
	s7 =	smul.u32 $0x2800, s13  }
0x5: {  	s4 =	simm.s32 $0x0;
	s30 =	simm.s32 $0x1;
	s9 =	smul.u32 $0x5, s13  }
0x6: {  	s5 =	sand.u32 $0x1, s3;
	s3 =	rddreg [dreg:$0x3];
	s12 =	smul.u32 $0x280, s13  }
0x7: {  	s31 =	simm.s32 $0x400;
	[smem:$0x7FF] =	sst s4;
	s13 =	smul.u32 $0xA0, s13  }
0x8: {  	s10 =	sadd.s32 $0xC400, s1;
	s6 =	smul.u32 $0x28000, s5;
	s8 =	ssub.s32 $0x2, s5  }
0x9: {  	_ =	strace $0x80000047;
	s5 =	sshll.u32 s5, $0x4;
	s11 =	sshrl.u32 s8, $0x1  }
0xa: {  	s24 =	sadd.s32 s12, s2;
	s19 =	sadd.s32 $0x1, s9;
	s20 =	sadd.s32 s12, s3  }
0xb: {  	s22 =	sadd.s32 $0x2, s9;
	s14 =	sadd.s32 $0x3, s9;
	s13 =	sor.u32 s5, s13  }
0xc: {  	s9 =	sadd.s32 $0x4, s9;
	s12 =	simm.s32 $0x200;
	s6 =	sadd.s32 s7, s6  }
0xd: {  	s8 =	ssub.s32 s8, s11;
	[dreg:$0x1a] =	wrdreg s20;
	s21 =	sshll.u32 s19, $0x7  }
0xe: {  	s15 =	sadd.s32 s10, s13;
	s11 =	sshll.u32 s19, $0x5;
	s23 =	sshll.u32 s22, $0x5  }
0xf: {  	s16 =	sshll.u32 s9, $0x5;
	s19 =	sshll.u32 s22, $0x7;
	[dreg:$0x18] =	wrdreg s24  }
0x10: {  	s6 =	sshrl.u32 s6, $0x3;
	s8 =	smax.u32 s8, $0x1;
	[dreg:$0x6] =	wrdreg s15  }
0x11: {  	s11 =	sor.u32 s5, s11;
	s26 =	sor.u32 s5, s23;
	s15 =	sshll.u32 s14, $0x5  }
0x12: {  	s18 =	sadd.s32 s21, s2;
	s22 =	sadd.s32 s21, s3;
	[dreg:$0x5] =	wrdreg s8  }
0x13: {  	s21 =	sadd.s32 s19, s2;
	s23 =	sshll.u32 s14, $0x7;
	[dreg:$0x10] =	wrdreg s18  }
0x14: {  	s14 =	simm.s32 $0x280;
	s7 =	sadd.s32 s6, s1;
	[dreg:$0x11] =	wrdreg s22  }
0x15: {  	s1 =	sadd.s32 $0xCE00, s1;
	s25 =	sadd.s32 s10, s11;
	[dreg:$0x12] =	wrdreg s21  }
0x16: {  	s17 =	sor.u32 s5, s15;
	s18 =	sadd.s32 s23, s2;
	[dreg:$0x8] =	wrdreg s25  }
0x17: {  	s5 =	sor.u32 s5, s16;
	s29 =	sadd.s32 s23, s3;
	[dreg:$0x14] =	wrdreg s18  }
0x18: {  	s20 =	sadd.s32 s6, s0;
	s13 =	sadd.s32 s1, s13;
	[dreg:$0x15] =	wrdreg s29  }
0x19: {  	s0 =	simm.s32 $0x800;
	s11 =	sadd.s32 s1, s11;
	[dreg:$0x7] =	wrdreg s13  }
0x1a: {  	s6 =	simm.s32 $0x480;
	[dreg:$0x9] =	wrdreg s11;
	s13 =	sadd.s32 s10, s26  }
0x1b: {  	s8 =	simm.s32 $0x100;
	s11 =	sadd.s32 s1, s26;
	[dreg:$0xa] =	wrdreg s13  }
0x1c: {  	s26 =	sadd.s32 s19, s3;
	s19 =	simm.s32 $0x0;
	[dreg:$0xb] =	wrdreg s11  }
0x1d: {  	s15 =	simm.s32 $0x680;
	s25 =	sshll.u32 s9, $0x7;
	[dreg:$0x19] =	wrdreg s19  }
0x1e: {  	s16 =	simm.s32 $0x300;
	s22 =	sadd.s32 s25, s2;
	[dreg:$0x13] =	wrdreg s26  }
0x1f: {  	s28 =	sadd.s32 $0x2400, s7;
	s23 =	sadd.s32 s25, s3;
	[dreg:$0x16] =	wrdreg s22  }
0x20: {  	s9 =	simm.s32 $0x500;
	s13 =	sadd.s32 s10, s17;
	[dreg:$0x17] =	wrdreg s23  }
0x21: {  	s7 =	simm.s32 $0x780;
	s11 =	sadd.s32 s1, s17;
	[dreg:$0xc] =	wrdreg s13  }
0x22: {  	s25 =	simm.s32 $0x880;
	s10 =	sadd.s32 s10, s5;
	[dreg:$0xd] =	wrdreg s11  }
0x23: {  	s1 =	sadd.s32 s1, s5;
	s17 =	simm.s32 $0x700;
	[dreg:$0xe] =	wrdreg s10  }
0x24: {  	s5 =	simm.s32 $0x380;
	[dreg:$0xf] =	wrdreg s1;
	s1 =	simm.s32 $0x80  }
0x25: {  	v0 =	vimm.f32 $1.000000000e+00;
	v1 =	vimm.f32 $0.0e+00;
	s10 =	simm.s32 $0x180;
	s11 =	simm.s32 $0x580;
	s13 =	simm.s32 $0x600  }
.LBB2_1:
0x26: {  	[tilespmem:$0x800] =	vst v0  }
0x27: {  	[tilespmem:$0x810] =	vst v0  }
0x28: {  	[tilespmem:$0x820] =	vst v0  }
0x29: {  	[tilespmem:$0x830] =	vst v0  }
0x2a: {  	[tilespmem:$0x840] =	vst v0  }
0x2b: {  	[tilespmem:$0x850] =	vst v0  }
0x2c: {  	[tilespmem:$0x860] =	vst v0  }
0x2d: {  	[tilespmem:$0x870] =	vst v0  }
0x2e: {  	[tilespmem:$0x880] =	vst v1  }
0x2f: {  	[tilespmem:$0x890] =	vst v1  }
0x30: {  	[tilespmem:$0x8A0] =	vst v1  }
0x31: {  	[tilespmem:$0x8B0] =	vst v1  }
0x32: {  	[tilespmem:$0x8C0] =	vst v1  }
0x33: {  	[tilespmem:$0x8D0] =	vst v1  }
0x34: {  	[tilespmem:$0x8E0] =	vst v1  }
0x35: {  	[tilespmem:$0x8F0] =	vst v1  }
0x36: {  	[spmem:s24] =	stream.linear.scatter [tilespmem:s25], [sflag:$0x1], $0x80, $0x38;
	[tilespmem:$0xE00] =	vst v63  }
0x37: {  	_ =	swait.ge [sflag:s30], $0x80  }
0x38: {  	[sflag:s30] =	ssyncset.done $0x0  }
0x39: {  	s24 =	rddreg [dreg:$0x1a];
	[sflag:s30] =	ssyncadd.s32 $0xFFFFFF80  }
0x3a: {  	[spmem:s24] =	stream.linear.scatter [tilespmem:s25], [sflag:$0x1], $0x80, $0x38;
	[tilespmem:$0xE00] =	vst v63  }
0x3b: {  	_ =	swait.ge [sflag:s30], $0x80  }
0x3c: {  	s19 =	smov.u32 s26;
	[sflag:s30] =	ssyncset.done $0x0  }
0x3d: {  	s26 =	smov.u32 s24;
	s24 =	rddreg [dreg:$0x10];
	[sflag:s30] =	ssyncadd.s32 $0xFFFFFF80  }
0x3e: {  	[spmem:s24] =	stream.linear.scatter [tilespmem:s25], [sflag:$0x1], $0x80, $0x38;
	[tilespmem:$0xE00] =	vst v63  }
0x3f: {  	_ =	swait.ge [sflag:s30], $0x80  }
0x40: {  	[sflag:s30] =	ssyncset.done $0x0  }
0x41: {  	s24 =	rddreg [dreg:$0x11];
	[sflag:s30] =	ssyncadd.s32 $0xFFFFFF80  }
0x42: {  	[spmem:s24] =	stream.linear.scatter [tilespmem:s25], [sflag:$0x1], $0x80, $0x38;
	[tilespmem:$0xE00] =	vst v63  }
0x43: {  	_ =	swait.ge [sflag:s30], $0x80  }
0x44: {  	[sflag:s30] =	ssyncset.done $0x0  }
0x45: {  	[sflag:s30] =	ssyncadd.s32 $0xFFFFFF80  }
0x46: {  	[spmem:s21] =	stream.linear.scatter [tilespmem:s25], [sflag:$0x1], $0x80, $0x38;
	[tilespmem:$0xE00] =	vst v63  }
0x47: {  	_ =	swait.ge [sflag:s30], $0x80  }
0x48: {  	[sflag:s30] =	ssyncset.done $0x0  }
0x49: {  	[sflag:s30] =	ssyncadd.s32 $0xFFFFFF80  }
0x4a: {  	[spmem:s19] =	stream.linear.scatter [tilespmem:s25], [sflag:$0x1], $0x80, $0x38;
	[tilespmem:$0xE00] =	vst v63  }
0x4b: {  	_ =	swait.ge [sflag:s30], $0x80  }
0x4c: {  	[sflag:s30] =	ssyncset.done $0x0  }
0x4d: {  	[sflag:s30] =	ssyncadd.s32 $0xFFFFFF80  }
0x4e: {  	[spmem:s18] =	stream.linear.scatter [tilespmem:s25], [sflag:$0x1], $0x80, $0x38;
	[tilespmem:$0xE00] =	vst v63  }
0x4f: {  	_ =	swait.ge [sflag:s30], $0x80  }
0x50: {  	[sflag:s30] =	ssyncset.done $0x0  }
0x51: {  	[sflag:s30] =	ssyncadd.s32 $0xFFFFFF80  }
0x52: {  	[spmem:s29] =	stream.linear.scatter [tilespmem:s25], [sflag:$0x1], $0x80, $0x38;
	[tilespmem:$0xE00] =	vst v63  }
0x53: {  	_ =	swait.ge [sflag:s30], $0x80  }
0x54: {  	[sflag:s30] =	ssyncset.done $0x0  }
0x55: {  	[sflag:s30] =	ssyncadd.s32 $0xFFFFFF80  }
0x56: {  	[spmem:s22] =	stream.linear.scatter [tilespmem:s25], [sflag:$0x1], $0x80, $0x38;
	[tilespmem:$0xE00] =	vst v63  }
0x57: {  	_ =	swait.ge [sflag:s30], $0x80  }
0x58: {  	[sflag:s30] =	ssyncset.done $0x0  }
0x59: {  	[sflag:s30] =	ssyncadd.s32 $0xFFFFFF80  }
0x5a: {  	[spmem:s23] =	stream.linear.scatter [tilespmem:s25], [sflag:$0x1], $0x80, $0x38;
	[tilespmem:$0xE00] =	vst v63  }
0x5b: {  	_ =	swait.ge [sflag:s30], $0x80  }
0x5c: {  	[sflag:s30] =	ssyncset.done $0x0  }
0x5d: {  	[sflag:s30] =	ssyncadd.s32 $0xFFFFFF80  }
0x5e: {  	s25 =	sadd.s32 $0x0, s20;
	[bflag:$0x0] =	sbarrier.arrive $0xFFFF  }
0x5f: {  	[tilespmem:s4], [sflag:$0x1] =	stream.linear.gather [hbm4b:s25+s4], $0x400, $0x38;
	[tilespmem:$0xE00] =	vst v63  }
0x60: {  	_ =	swait.ge [sflag:s30], $0x400  }
0x61: {  	[sflag:s30] =	ssyncset.done $0x0  }
0x62: {  	s29 =	sadd.s32 $0x0, s28;
	[sflag:s30] =	ssyncadd.s32 $0xFFFFFC00  }
0x63: {  	[tilespmem:s31], [sflag:$0x1] =	stream.linear.gather [hbm4b:s29+s4], $0x400, $0x38;
	[tilespmem:$0xE00] =	vst v63  }
0x64: {  	_ =	swait.ge [sflag:s30], $0x400  }
0x65: {  	[sflag:s30] =	ssyncset.done $0x0  }
0x66: {  	[sflag:s30] =	ssyncadd.s32 $0xFFFFFC00  }
0x67: {  	[spmem:s2] =	stream.indirect.scatter.add.f32 [tilespmem:s0], [sflag:$0x1], $0x1, s4, s1, $0xb8;
	[tilespmem:$0xE00] =	vst v63  }
0x68: {  	_ =	swait.ge [sflag:s30], $0x80  }
0x69: {  	[sflag:s30] =	ssyncset.done $0x0  }
0x6a: {  	[sflag:s30] =	ssyncadd.s32 $0xFFFFFF80  }
0x6b: {  	[spmem:s3] =	stream.indirect.scatter.add.f32 [tilespmem:s0], [sflag:$0x1], $0x1, s31, s1, $0xb8;
	[tilespmem:$0xE00] =	vst v63  }
0x6c: {  	_ =	swait.ge [sflag:s30], $0x80  }
0x6d: {  	[sflag:s30] =	ssyncset.done $0x0  }
0x6e: {  	[sflag:s30] =	ssyncadd.s32 $0xFFFFFF80  }
0x6f: {  	[spmem:s2] =	stream.indirect.scatter.add.f32 [tilespmem:s0], [sflag:$0x1], $0x1, s1, s1, $0xb8;
	[tilespmem:$0xE00] =	vst v63  }
0x70: {  	_ =	swait.ge [sflag:s30], $0x80  }
0x71: {  	[sflag:s30] =	ssyncset.done $0x0  }
0x72: {  	[sflag:s30] =	ssyncadd.s32 $0xFFFFFF80  }
0x73: {  	[spmem:s3] =	stream.indirect.scatter.add.f32 [tilespmem:s0], [sflag:$0x1], $0x1, s6, s1, $0xb8;
	[tilespmem:$0xE00] =	vst v63  }
0x74: {  	_ =	swait.ge [sflag:s30], $0x80  }
0x75: {  	[sflag:s30] =	ssyncset.done $0x0  }
0x76: {  	[sflag:s30] =	ssyncadd.s32 $0xFFFFFF80  }
0x77: {  	[spmem:s2] =	stream.indirect.scatter.add.f32 [tilespmem:s0], [sflag:$0x1], $0x1, s8, s1, $0xb8;
	[tilespmem:$0xE00] =	vst v63  }
0x78: {  	_ =	swait.ge [sflag:s30], $0x80  }
0x79: {  	[sflag:s30] =	ssyncset.done $0x0  }
0x7a: {  	[sflag:s30] =	ssyncadd.s32 $0xFFFFFF80  }
0x7b: {  	[spmem:s3] =	stream.indirect.scatter.add.f32 [tilespmem:s0], [sflag:$0x1], $0x1, s9, s1, $0xb8;
	[tilespmem:$0xE00] =	vst v63  }
0x7c: {  	_ =	swait.ge [sflag:s30], $0x80  }
0x7d: {  	[sflag:s30] =	ssyncset.done $0x0  }
0x7e: {  	[sflag:s30] =	ssyncadd.s32 $0xFFFFFF80  }
0x7f: {  	[spmem:s2] =	stream.indirect.scatter.add.f32 [tilespmem:s0], [sflag:$0x1], $0x1, s10, s1, $0xb8;
	[tilespmem:$0xE00] =	vst v63  }
0x80: {  	_ =	swait.ge [sflag:s30], $0x80  }
0x81: {  	[sflag:s30] =	ssyncset.done $0x0  }
0x82: {  	[sflag:s30] =	ssyncadd.s32 $0xFFFFFF80  }
0x83: {  	[spmem:s3] =	stream.indirect.scatter.add.f32 [tilespmem:s0], [sflag:$0x1], $0x1, s11, s1, $0xb8;
	[tilespmem:$0xE00] =	vst v63  }
0x84: {  	_ =	swait.ge [sflag:s30], $0x80  }
0x85: {  	[sflag:s30] =	ssyncset.done $0x0  }
0x86: {  	[sflag:s30] =	ssyncadd.s32 $0xFFFFFF80  }
0x87: {  	[spmem:s2] =	stream.indirect.scatter.add.f32 [tilespmem:s0], [sflag:$0x1], $0x1, s12, s1, $0xb8;
	[tilespmem:$0xE00] =	vst v63  }
0x88: {  	_ =	swait.ge [sflag:s30], $0x80  }
0x89: {  	[sflag:s30] =	ssyncset.done $0x0  }
0x8a: {  	[sflag:s30] =	ssyncadd.s32 $0xFFFFFF80  }
0x8b: {  	[spmem:s3] =	stream.indirect.scatter.add.f32 [tilespmem:s0], [sflag:$0x1], $0x1, s13, s1, $0xb8;
	[tilespmem:$0xE00] =	vst v63  }
0x8c: {  	_ =	swait.ge [sflag:s30], $0x80  }
0x8d: {  	[sflag:s30] =	ssyncset.done $0x0  }
0x8e: {  	[sflag:s30] =	ssyncadd.s32 $0xFFFFFF80  }
0x8f: {  	[spmem:s2] =	stream.indirect.scatter.add.f32 [tilespmem:s0], [sflag:$0x1], $0x1, s14, s1, $0xb8;
	[tilespmem:$0xE00] =	vst v63  }
0x90: {  	_ =	swait.ge [sflag:s30], $0x80  }
0x91: {  	[sflag:s30] =	ssyncset.done $0x0  }
0x92: {  	[sflag:s30] =	ssyncadd.s32 $0xFFFFFF80  }
0x93: {  	[spmem:s3] =	stream.indirect.scatter.add.f32 [tilespmem:s0], [sflag:$0x1], $0x1, s15, s1, $0xb8;
	[tilespmem:$0xE00] =	vst v63  }
0x94: {  	_ =	swait.ge [sflag:s30], $0x80  }
0x95: {  	[sflag:s30] =	ssyncset.done $0x0  }
0x96: {  	[sflag:s30] =	ssyncadd.s32 $0xFFFFFF80  }
0x97: {  	[spmem:s2] =	stream.indirect.scatter.add.f32 [tilespmem:s0], [sflag:$0x1], $0x1, s16, s1, $0xb8;
	[tilespmem:$0xE00] =	vst v63  }
0x98: {  	_ =	swait.ge [sflag:s30], $0x80  }
0x99: {  	[sflag:s30] =	ssyncset.done $0x0  }
0x9a: {  	[sflag:s30] =	ssyncadd.s32 $0xFFFFFF80  }
0x9b: {  	[spmem:s3] =	stream.indirect.scatter.add.f32 [tilespmem:s0], [sflag:$0x1], $0x1, s17, s1, $0xb8;
	[tilespmem:$0xE00] =	vst v63  }
0x9c: {  	_ =	swait.ge [sflag:s30], $0x80  }
0x9d: {  	[sflag:s30] =	ssyncset.done $0x0  }
0x9e: {  	[sflag:s30] =	ssyncadd.s32 $0xFFFFFF80  }
0x9f: {  	[spmem:s2] =	stream.indirect.scatter.add.f32 [tilespmem:s0], [sflag:$0x1], $0x1, s5, s1, $0xb8;
	[tilespmem:$0xE00] =	vst v63  }
0xa0: {  	_ =	swait.ge [sflag:s30], $0x80  }
0xa1: {  	[sflag:s30] =	ssyncset.done $0x0  }
0xa2: {  	[sflag:s30] =	ssyncadd.s32 $0xFFFFFF80  }
0xa3: {  	[spmem:s3] =	stream.indirect.scatter.add.f32 [tilespmem:s0], [sflag:$0x1], $0x1, s7, s1, $0xb8;
	[tilespmem:$0xE00] =	vst v63  }
0xa4: {  	s21 =	simm.s32 $0x100;
	_ =	swait.ge [sflag:s30], $0x80  }
0xa5: {  	s19 =	simm.s32 $0x80;
	s18 =	simm.s32 $0x880;
	[sflag:s30] =	ssyncset.done $0x0  }
.LBB2_2:
0xa6: {  	s23 =	sadd.s32 s19, s20  }
0xa7: {  	[sflag:s30] =	ssyncadd.s32 $0xFFFFFF80;
	s24 =	smov.u32 s21;
	s22 =	sadd.s32 $0x80, s21  }
0xa8: {  	[tilespmem:s4], [sflag:$0x1] =	stream.linear.gather [hbm4b:s23+s4], $0x400, $0x38;
	[tilespmem:$0xE00] =	vst v63  }
0xa9: {  	p0 =	sne.s32 s21, $0x480;
	_ =	swait.ge [sflag:s30], $0x400  }
0xaa: {  	[sflag:s30] =	ssyncset.done $0x0  }
0xab: {  	s21 =	sadd.s32 s19, s28;
	s19 =	smov.u32 s24;
	[sflag:s30] =	ssyncadd.s32 $0xFFFFFC00  }
0xac: {  	[tilespmem:s31], [sflag:$0x1] =	stream.linear.gather [hbm4b:s21+s4], $0x400, $0x38;
	[tilespmem:$0xE00] =	vst v63  }
0xad: {  	_ =	swait.ge [sflag:s30], $0x400  }
0xae: {  	[sflag:s30] =	ssyncset.done $0x0  }
0xaf: {  	[sflag:s30] =	ssyncadd.s32 $0xFFFFFC00  }
0xb0: {  	[spmem:s2] =	stream.indirect.scatter.add.f32 [tilespmem:s0], [sflag:$0x1], $0x1, s4, s1, $0xb8;
	[tilespmem:$0xE00] =	vst v63  }
0xb1: {  	_ =	swait.ge [sflag:s30], $0x80  }
0xb2: {  	[sflag:s30] =	ssyncset.done $0x0  }
0xb3: {  	[sflag:s30] =	ssyncadd.s32 $0xFFFFFF80  }
0xb4: {  	[spmem:s3] =	stream.indirect.scatter.add.f32 [tilespmem:s0], [sflag:$0x1], $0x1, s31, s1, $0xb8;
	[tilespmem:$0xE00] =	vst v63  }
0xb5: {  	_ =	swait.ge [sflag:s30], $0x80  }
0xb6: {  	[sflag:s30] =	ssyncset.done $0x0  }
0xb7: {  	[sflag:s30] =	ssyncadd.s32 $0xFFFFFF80  }
0xb8: {  	[spmem:s2] =	stream.indirect.scatter.add.f32 [tilespmem:s0], [sflag:$0x1], $0x1, s1, s1, $0xb8;
	[tilespmem:$0xE00] =	vst v63  }
0xb9: {  	_ =	swait.ge [sflag:s30], $0x80  }
0xba: {  	[sflag:s30] =	ssyncset.done $0x0  }
0xbb: {  	[sflag:s30] =	ssyncadd.s32 $0xFFFFFF80  }
0xbc: {  	[spmem:s3] =	stream.indirect.scatter.add.f32 [tilespmem:s0], [sflag:$0x1], $0x1, s6, s1, $0xb8;
	[tilespmem:$0xE00] =	vst v63  }
0xbd: {  	_ =	swait.ge [sflag:s30], $0x80  }
0xbe: {  	[sflag:s30] =	ssyncset.done $0x0  }
0xbf: {  	[sflag:s30] =	ssyncadd.s32 $0xFFFFFF80  }
0xc0: {  	[spmem:s2] =	stream.indirect.scatter.add.f32 [tilespmem:s0], [sflag:$0x1], $0x1, s8, s1, $0xb8;
	[tilespmem:$0xE00] =	vst v63  }
0xc1: {  	_ =	swait.ge [sflag:s30], $0x80  }
0xc2: {  	[sflag:s30] =	ssyncset.done $0x0  }
0xc3: {  	[sflag:s30] =	ssyncadd.s32 $0xFFFFFF80  }
0xc4: {  	[spmem:s3] =	stream.indirect.scatter.add.f32 [tilespmem:s0], [sflag:$0x1], $0x1, s9, s1, $0xb8;
	[tilespmem:$0xE00] =	vst v63  }
0xc5: {  	_ =	swait.ge [sflag:s30], $0x80  }
0xc6: {  	[sflag:s30] =	ssyncset.done $0x0  }
0xc7: {  	[sflag:s30] =	ssyncadd.s32 $0xFFFFFF80  }
0xc8: {  	[spmem:s2] =	stream.indirect.scatter.add.f32 [tilespmem:s0], [sflag:$0x1], $0x1, s10, s1, $0xb8;
	[tilespmem:$0xE00] =	vst v63  }
0xc9: {  	_ =	swait.ge [sflag:s30], $0x80  }
0xca: {  	[sflag:s30] =	ssyncset.done $0x0  }
0xcb: {  	[sflag:s30] =	ssyncadd.s32 $0xFFFFFF80  }
0xcc: {  	[spmem:s3] =	stream.indirect.scatter.add.f32 [tilespmem:s0], [sflag:$0x1], $0x1, s11, s1, $0xb8;
	[tilespmem:$0xE00] =	vst v63  }
0xcd: {  	_ =	swait.ge [sflag:s30], $0x80  }
0xce: {  	[sflag:s30] =	ssyncset.done $0x0  }
0xcf: {  	[sflag:s30] =	ssyncadd.s32 $0xFFFFFF80  }
0xd0: {  	[spmem:s2] =	stream.indirect.scatter.add.f32 [tilespmem:s0], [sflag:$0x1], $0x1, s12, s1, $0xb8;
	[tilespmem:$0xE00] =	vst v63  }
0xd1: {  	_ =	swait.ge [sflag:s30], $0x80  }
0xd2: {  	[sflag:s30] =	ssyncset.done $0x0  }
0xd3: {  	[sflag:s30] =	ssyncadd.s32 $0xFFFFFF80  }
0xd4: {  	[spmem:s3] =	stream.indirect.scatter.add.f32 [tilespmem:s0], [sflag:$0x1], $0x1, s13, s1, $0xb8;
	[tilespmem:$0xE00] =	vst v63  }
0xd5: {  	_ =	swait.ge [sflag:s30], $0x80  }
0xd6: {  	[sflag:s30] =	ssyncset.done $0x0  }
0xd7: {  	[sflag:s30] =	ssyncadd.s32 $0xFFFFFF80  }
0xd8: {  	[spmem:s2] =	stream.indirect.scatter.add.f32 [tilespmem:s0], [sflag:$0x1], $0x1, s14, s1, $0xb8;
	[tilespmem:$0xE00] =	vst v63  }
0xd9: {  	_ =	swait.ge [sflag:s30], $0x80  }
0xda: {  	[sflag:s30] =	ssyncset.done $0x0  }
0xdb: {  	[sflag:s30] =	ssyncadd.s32 $0xFFFFFF80  }
0xdc: {  	[spmem:s3] =	stream.indirect.scatter.add.f32 [tilespmem:s0], [sflag:$0x1], $0x1, s15, s1, $0xb8;
	[tilespmem:$0xE00] =	vst v63  }
0xdd: {  	_ =	swait.ge [sflag:s30], $0x80  }
0xde: {  	[sflag:s30] =	ssyncset.done $0x0  }
0xdf: {  	[sflag:s30] =	ssyncadd.s32 $0xFFFFFF80  }
0xe0: {  	[spmem:s2] =	stream.indirect.scatter.add.f32 [tilespmem:s0], [sflag:$0x1], $0x1, s16, s1, $0xb8;
	[tilespmem:$0xE00] =	vst v63  }
0xe1: {  	_ =	swait.ge [sflag:s30], $0x80  }
0xe2: {  	[sflag:s30] =	ssyncset.done $0x0  }
0xe3: {  	[sflag:s30] =	ssyncadd.s32 $0xFFFFFF80  }
0xe4: {  	[spmem:s3] =	stream.indirect.scatter.add.f32 [tilespmem:s0], [sflag:$0x1], $0x1, s17, s1, $0xb8;
	[tilespmem:$0xE00] =	vst v63  }
0xe5: {  	_ =	swait.ge [sflag:s30], $0x80  }
0xe6: {  	[sflag:s30] =	ssyncset.done $0x0  }
0xe7: {  	[sflag:s30] =	ssyncadd.s32 $0xFFFFFF80  }
0xe8: {  	[spmem:s2] =	stream.indirect.scatter.add.f32 [tilespmem:s0], [sflag:$0x1], $0x1, s5, s1, $0xb8;
	[tilespmem:$0xE00] =	vst v63  }
0xe9: {  	_ =	swait.ge [sflag:s30], $0x80  }
.Ltmp0:
0xea: {  	[sflag:s30] =	ssyncset.done $0x0;
	(pc) =	sbr.rel @p0 .LBB2_2-.Ltmp0, $4  }
0xeb: {  	[sflag:s30] =	ssyncadd.s32 $0xFFFFFF80  }
0xec: {  	[spmem:s3] =	stream.indirect.scatter.add.f32 [tilespmem:s0], [sflag:$0x1], $0x1, s7, s1, $0xb8;
	[tilespmem:$0xE00] =	vst v63  }
0xed: {  	_ =	swait.ge [sflag:s30], $0x80  }
0xee: {  	s21 =	smov.u32 s22;
	[sflag:s30] =	ssyncset.done $0x0  }
0xef: {  	s21 =	sadd.s32 s19, s20;
	[sflag:s30] =	ssyncadd.s32 $0xFFFFFF80  }
0xf0: {  	[tilespmem:s4], [sflag:$0x1] =	stream.linear.gather [hbm4b:s21+s4], $0x400, $0x38;
	[tilespmem:$0xE00] =	vst v63  }
0xf1: {  	_ =	swait.ge [sflag:s30], $0x400  }
0xf2: {  	[sflag:s30] =	ssyncset.done $0x0  }
0xf3: {  	s25 =	sadd.s32 s19, s28;
	[sflag:s30] =	ssyncadd.s32 $0xFFFFFC00  }
0xf4: {  	[tilespmem:s31], [sflag:$0x1] =	stream.linear.gather [hbm4b:s25+s4], $0x400, $0x38;
	[tilespmem:$0xE00] =	vst v63  }
0xf5: {  	_ =	swait.ge [sflag:s30], $0x400  }
0xf6: {  	[sflag:s30] =	ssyncset.done $0x0  }
0xf7: {  	[sflag:s30] =	ssyncadd.s32 $0xFFFFFC00  }
0xf8: {  	[spmem:s2] =	stream.indirect.scatter.add.f32 [tilespmem:s0], [sflag:$0x1], $0x1, s4, s1, $0xb8;
	[tilespmem:$0xE00] =	vst v63  }
0xf9: {  	_ =	swait.ge [sflag:s30], $0x80  }
0xfa: {  	[sflag:s30] =	ssyncset.done $0x0  }
0xfb: {  	[sflag:s30] =	ssyncadd.s32 $0xFFFFFF80  }
0xfc: {  	[spmem:s3] =	stream.indirect.scatter.add.f32 [tilespmem:s0], [sflag:$0x1], $0x1, s31, s1, $0xb8;
	[tilespmem:$0xE00] =	vst v63  }
0xfd: {  	_ =	swait.ge [sflag:s30], $0x80  }
0xfe: {  	[sflag:s30] =	ssyncset.done $0x0  }
0xff: {  	[sflag:s30] =	ssyncadd.s32 $0xFFFFFF80  }
0x100: {  	[spmem:s2] =	stream.indirect.scatter.add.f32 [tilespmem:s0], [sflag:$0x1], $0x1, s1, s1, $0xb8;
	[tilespmem:$0xE00] =	vst v63  }
0x101: {  	_ =	swait.ge [sflag:s30], $0x80  }
0x102: {  	[sflag:s30] =	ssyncset.done $0x0  }
0x103: {  	[sflag:s30] =	ssyncadd.s32 $0xFFFFFF80  }
0x104: {  	[spmem:s3] =	stream.indirect.scatter.add.f32 [tilespmem:s0], [sflag:$0x1], $0x1, s6, s1, $0xb8;
	[tilespmem:$0xE00] =	vst v63  }
0x105: {  	_ =	swait.ge [sflag:s30], $0x80  }
0x106: {  	[sflag:s30] =	ssyncset.done $0x0  }
0x107: {  	[sflag:s30] =	ssyncadd.s32 $0xFFFFFF80  }
0x108: {  	[spmem:s2] =	stream.indirect.scatter.add.f32 [tilespmem:s0], [sflag:$0x1], $0x1, s8, s1, $0xb8;
	[tilespmem:$0xE00] =	vst v63  }
0x109: {  	_ =	swait.ge [sflag:s30], $0x80  }
0x10a: {  	[sflag:s30] =	ssyncset.done $0x0  }
0x10b: {  	[sflag:s30] =	ssyncadd.s32 $0xFFFFFF80  }
0x10c: {  	[spmem:s3] =	stream.indirect.scatter.add.f32 [tilespmem:s0], [sflag:$0x1], $0x1, s9, s1, $0xb8;
	[tilespmem:$0xE00] =	vst v63  }
0x10d: {  	_ =	swait.ge [sflag:s30], $0x80  }
0x10e: {  	[sflag:s30] =	ssyncset.done $0x0  }
0x10f: {  	[sflag:s30] =	ssyncadd.s32 $0xFFFFFF80  }
0x110: {  	[spmem:s2] =	stream.indirect.scatter.add.f32 [tilespmem:s0], [sflag:$0x1], $0x1, s10, s1, $0xb8;
	[tilespmem:$0xE00] =	vst v63  }
0x111: {  	_ =	swait.ge [sflag:s30], $0x80  }
0x112: {  	[sflag:s30] =	ssyncset.done $0x0  }
0x113: {  	[sflag:s30] =	ssyncadd.s32 $0xFFFFFF80  }
0x114: {  	[spmem:s3] =	stream.indirect.scatter.add.f32 [tilespmem:s0], [sflag:$0x1], $0x1, s11, s1, $0xb8;
	[tilespmem:$0xE00] =	vst v63  }
0x115: {  	_ =	swait.ge [sflag:s30], $0x80  }
0x116: {  	[sflag:s30] =	ssyncset.done $0x0  }
0x117: {  	[sflag:s30] =	ssyncadd.s32 $0xFFFFFF80  }
0x118: {  	[spmem:s2] =	stream.indirect.scatter.add.f32 [tilespmem:s0], [sflag:$0x1], $0x1, s12, s1, $0xb8;
	[tilespmem:$0xE00] =	vst v63  }
0x119: {  	_ =	swait.ge [sflag:s30], $0x80  }
0x11a: {  	[sflag:s30] =	ssyncset.done $0x0  }
0x11b: {  	[sflag:s30] =	ssyncadd.s32 $0xFFFFFF80  }
0x11c: {  	[spmem:s3] =	stream.indirect.scatter.add.f32 [tilespmem:s0], [sflag:$0x1], $0x1, s13, s1, $0xb8;
	[tilespmem:$0xE00] =	vst v63  }
0x11d: {  	_ =	swait.ge [sflag:s30], $0x80  }
0x11e: {  	[sflag:s30] =	ssyncset.done $0x0  }
0x11f: {  	[sflag:s30] =	ssyncadd.s32 $0xFFFFFF80  }
0x120: {  	[spmem:s2] =	stream.indirect.scatter.add.f32 [tilespmem:s0], [sflag:$0x1], $0x1, s14, s1, $0xb8;
	[tilespmem:$0xE00] =	vst v63  }
0x121: {  	_ =	swait.ge [sflag:s30], $0x80  }
0x122: {  	[sflag:s30] =	ssyncset.done $0x0  }
0x123: {  	[sflag:s30] =	ssyncadd.s32 $0xFFFFFF80  }
0x124: {  	[spmem:s3] =	stream.indirect.scatter.add.f32 [tilespmem:s0], [sflag:$0x1], $0x1, s15, s1, $0xb8;
	[tilespmem:$0xE00] =	vst v63  }
0x125: {  	_ =	swait.ge [sflag:s30], $0x80  }
0x126: {  	[sflag:s30] =	ssyncset.done $0x0  }
0x127: {  	[sflag:s30] =	ssyncadd.s32 $0xFFFFFF80  }
0x128: {  	[spmem:s2] =	stream.indirect.scatter.add.f32 [tilespmem:s0], [sflag:$0x1], $0x1, s16, s1, $0xb8;
	[tilespmem:$0xE00] =	vst v63  }
0x129: {  	_ =	swait.ge [sflag:s30], $0x80  }
0x12a: {  	[sflag:s30] =	ssyncset.done $0x0  }
0x12b: {  	[sflag:s30] =	ssyncadd.s32 $0xFFFFFF80  }
0x12c: {  	[spmem:s3] =	stream.indirect.scatter.add.f32 [tilespmem:s0], [sflag:$0x1], $0x1, s17, s1, $0xb8;
	[tilespmem:$0xE00] =	vst v63  }
0x12d: {  	_ =	swait.ge [sflag:s30], $0x80  }
0x12e: {  	[sflag:s30] =	ssyncset.done $0x0  }
0x12f: {  	[sflag:s30] =	ssyncadd.s32 $0xFFFFFF80  }
0x130: {  	[spmem:s2] =	stream.indirect.scatter.add.f32 [tilespmem:s0], [sflag:$0x1], $0x1, s5, s1, $0xb8;
	[tilespmem:$0xE00] =	vst v63  }
0x131: {  	_ =	swait.ge [sflag:s30], $0x80  }
0x132: {  	[sflag:s30] =	ssyncset.done $0x0  }
0x133: {  	[sflag:s30] =	ssyncadd.s32 $0xFFFFFF80  }
0x134: {  	[spmem:s3] =	stream.indirect.scatter.add.f32 [tilespmem:s0], [sflag:$0x1], $0x1, s7, s1, $0xb8;
	[tilespmem:$0xE00] =	vst v63  }
0x135: {  	_ =	swait.ge [sflag:s30], $0x80  }
0x136: {  	[sflag:s30] =	ssyncset.done $0x0  }
0x137: {  	[sflag:s30] =	ssyncadd.s32 $0xFFFFFF80  }
0x138: {  	[bflag:$0x0] =	sbarrier.arrive $0xFFFF  }
0x139: {  	s21 =	rddreg [dreg:$0x18]  }
0x13a: {  	[tilespmem:s18], [sflag:$0x1] =	stream.linear.gather [spmem:s21], $0x80, $0x38;
	[tilespmem:$0xE00] =	vst v63  }
0x13b: {  	_ =	swait.ge [sflag:s30], $0x80  }
0x13c: {  	[sflag:s30] =	ssyncset.done $0x0  }
0x13d: {  	s22 =	rddreg [dreg:$0x6];
	[sflag:s30] =	ssyncadd.s32 $0xFFFFFF80  }
0x13e: {  	[hbm4b:s22+s4] =	stream.linear.scatter [tilespmem:s18], [sflag:$0x1], $0x80, $0x38;
	[tilespmem:$0xE00] =	vst v63  }
0x13f: {  	_ =	swait.ge [sflag:s30], $0x80  }
0x140: {  	[sflag:s30] =	ssyncset.done $0x0  }
0x141: {  	[sflag:s30] =	ssyncadd.s32 $0xFFFFFF80  }
0x142: {  	[tilespmem:s18], [sflag:$0x1] =	stream.linear.gather [spmem:s26], $0x80, $0x38;
	[tilespmem:$0xE00] =	vst v63  }
0x143: {  	_ =	swait.ge [sflag:s30], $0x80  }
0x144: {  	[sflag:s30] =	ssyncset.done $0x0  }
0x145: {  	s23 =	rddreg [dreg:$0x7];
	[sflag:s30] =	ssyncadd.s32 $0xFFFFFF80  }
0x146: {  	[hbm4b:s23+s4] =	stream.linear.scatter [tilespmem:s18], [sflag:$0x1], $0x80, $0x38;
	[tilespmem:$0xE00] =	vst v63  }
0x147: {  	_ =	swait.ge [sflag:s30], $0x80  }
0x148: {  	[sflag:s30] =	ssyncset.done $0x0  }
0x149: {  	s24 =	rddreg [dreg:$0x10];
	[sflag:s30] =	ssyncadd.s32 $0xFFFFFF80  }
0x14a: {  	[tilespmem:s18], [sflag:$0x1] =	stream.linear.gather [spmem:s24], $0x80, $0x38;
	[tilespmem:$0xE00] =	vst v63  }
0x14b: {  	_ =	swait.ge [sflag:s30], $0x80  }
0x14c: {  	[sflag:s30] =	ssyncset.done $0x0  }
0x14d: {  	s25 =	rddreg [dreg:$0x8];
	[sflag:s30] =	ssyncadd.s32 $0xFFFFFF80  }
0x14e: {  	[hbm4b:s25+s4] =	stream.linear.scatter [tilespmem:s18], [sflag:$0x1], $0x80, $0x38;
	[tilespmem:$0xE00] =	vst v63  }
0x14f: {  	_ =	swait.ge [sflag:s30], $0x80  }
0x150: {  	[sflag:s30] =	ssyncset.done $0x0  }
0x151: {  	s26 =	rddreg [dreg:$0x11];
	[sflag:s30] =	ssyncadd.s32 $0xFFFFFF80  }
0x152: {  	[tilespmem:s18], [sflag:$0x1] =	stream.linear.gather [spmem:s26], $0x80, $0x38;
	[tilespmem:$0xE00] =	vst v63  }
0x153: {  	_ =	swait.ge [sflag:s30], $0x80  }
0x154: {  	[sflag:s30] =	ssyncset.done $0x0  }
0x155: {  	s19 =	rddreg [dreg:$0x9];
	[sflag:s30] =	ssyncadd.s32 $0xFFFFFF80  }
0x156: {  	[hbm4b:s19+s4] =	stream.linear.scatter [tilespmem:s18], [sflag:$0x1], $0x80, $0x38;
	[tilespmem:$0xE00] =	vst v63  }
0x157: {  	_ =	swait.ge [sflag:s30], $0x80  }
0x158: {  	[sflag:s30] =	ssyncset.done $0x0  }
0x159: {  	s19 =	rddreg [dreg:$0x12];
	[sflag:s30] =	ssyncadd.s32 $0xFFFFFF80  }
0x15a: {  	[tilespmem:s18], [sflag:$0x1] =	stream.linear.gather [spmem:s19], $0x80, $0x38;
	[tilespmem:$0xE00] =	vst v63  }
0x15b: {  	_ =	swait.ge [sflag:s30], $0x80  }
0x15c: {  	[sflag:s30] =	ssyncset.done $0x0  }
0x15d: {  	s22 =	rddreg [dreg:$0xa];
	[sflag:s30] =	ssyncadd.s32 $0xFFFFFF80  }
0x15e: {  	[hbm4b:s22+s4] =	stream.linear.scatter [tilespmem:s18], [sflag:$0x1], $0x80, $0x38;
	[tilespmem:$0xE00] =	vst v63  }
0x15f: {  	_ =	swait.ge [sflag:s30], $0x80  }
0x160: {  	[sflag:s30] =	ssyncset.done $0x0  }
0x161: {  	s26 =	rddreg [dreg:$0x13];
	[sflag:s30] =	ssyncadd.s32 $0xFFFFFF80  }
0x162: {  	[tilespmem:s18], [sflag:$0x1] =	stream.linear.gather [spmem:s26], $0x80, $0x38;
	[tilespmem:$0xE00] =	vst v63  }
0x163: {  	_ =	swait.ge [sflag:s30], $0x80  }
0x164: {  	[sflag:s30] =	ssyncset.done $0x0  }
0x165: {  	s23 =	rddreg [dreg:$0xb];
	[sflag:s30] =	ssyncadd.s32 $0xFFFFFF80  }
0x166: {  	[hbm4b:s23+s4] =	stream.linear.scatter [tilespmem:s18], [sflag:$0x1], $0x80, $0x38;
	[tilespmem:$0xE00] =	vst v63  }
0x167: {  	_ =	swait.ge [sflag:s30], $0x80  }
0x168: {  	[sflag:s30] =	ssyncset.done $0x0  }
0x169: {  	s25 =	simm.s32 $0x880;
	s18 =	rddreg [dreg:$0x14];
	[sflag:s30] =	ssyncadd.s32 $0xFFFFFF80  }
0x16a: {  	[tilespmem:s25], [sflag:$0x1] =	stream.linear.gather [spmem:s18], $0x80, $0x38;
	[tilespmem:$0xE00] =	vst v63  }
0x16b: {  	_ =	swait.ge [sflag:s30], $0x80  }
0x16c: {  	[sflag:s30] =	ssyncset.done $0x0  }
0x16d: {  	s24 =	rddreg [dreg:$0xc];
	[sflag:s30] =	ssyncadd.s32 $0xFFFFFF80  }
0x16e: {  	[hbm4b:s24+s4] =	stream.linear.scatter [tilespmem:s25], [sflag:$0x1], $0x80, $0x38;
	[tilespmem:$0xE00] =	vst v63  }
0x16f: {  	_ =	swait.ge [sflag:s30], $0x80  }
0x170: {  	[sflag:s30] =	ssyncset.done $0x0  }
0x171: {  	s29 =	rddreg [dreg:$0x15];
	[sflag:s30] =	ssyncadd.s32 $0xFFFFFF80  }
0x172: {  	[tilespmem:s25], [sflag:$0x1] =	stream.linear.gather [spmem:s29], $0x80, $0x38;
	[tilespmem:$0xE00] =	vst v63  }
0x173: {  	_ =	swait.ge [sflag:s30], $0x80  }
0x174: {  	[sflag:s30] =	ssyncset.done $0x0  }
0x175: {  	s22 =	rddreg [dreg:$0xd];
	[sflag:s30] =	ssyncadd.s32 $0xFFFFFF80  }
0x176: {  	[hbm4b:s22+s4] =	stream.linear.scatter [tilespmem:s25], [sflag:$0x1], $0x80, $0x38;
	[tilespmem:$0xE00] =	vst v63  }
0x177: {  	_ =	swait.ge [sflag:s30], $0x80  }
0x178: {  	[sflag:s30] =	ssyncset.done $0x0  }
0x179: {  	s22 =	rddreg [dreg:$0x16];
	[sflag:s30] =	ssyncadd.s32 $0xFFFFFF80  }
0x17a: {  	[tilespmem:s25], [sflag:$0x1] =	stream.linear.gather [spmem:s22], $0x80, $0x38;
	[tilespmem:$0xE00] =	vst v63  }
0x17b: {  	_ =	swait.ge [sflag:s30], $0x80  }
0x17c: {  	[sflag:s30] =	ssyncset.done $0x0  }
0x17d: {  	s23 =	rddreg [dreg:$0xe];
	[sflag:s30] =	ssyncadd.s32 $0xFFFFFF80  }
0x17e: {  	[hbm4b:s23+s4] =	stream.linear.scatter [tilespmem:s25], [sflag:$0x1], $0x80, $0x38;
	[tilespmem:$0xE00] =	vst v63  }
0x17f: {  	_ =	swait.ge [sflag:s30], $0x80  }
0x180: {  	[sflag:s30] =	ssyncset.done $0x0  }
0x181: {  	s23 =	rddreg [dreg:$0x17];
	[sflag:s30] =	ssyncadd.s32 $0xFFFFFF80  }
0x182: {  	[tilespmem:s25], [sflag:$0x1] =	stream.linear.gather [spmem:s23], $0x80, $0x38;
	[tilespmem:$0xE00] =	vst v63  }
0x183: {  	_ =	swait.ge [sflag:s30], $0x80  }
0x184: {  	[sflag:s30] =	ssyncset.done $0x0  }
0x185: {  	s24 =	rddreg [dreg:$0xf];
	[sflag:s30] =	ssyncadd.s32 $0xFFFFFF80  }
0x186: {  	[hbm4b:s24+s4] =	stream.linear.scatter [tilespmem:s25], [sflag:$0x1], $0x80, $0x38;
	[tilespmem:$0xE00] =	vst v63  }
0x187: {  	_ =	swait.ge [sflag:s30], $0x80  }
0x188: {  	s24 =	rddreg [dreg:$0x19]  }
0x189: {  	s21 =	rddreg [dreg:$0x5];
	s24 =	sadd.s32 $0x1, s24  }
0x18a: {  	p0 =	sne.s32 s24, s21  }
.Ltmp1:
0x18b: {  	_ = 	snop;
	(pc) =	sbr.rel @p0 .LBB2_1-.Ltmp1, $3  }
0x18c: {  	_ =	sdelay $0x1  }
0x18d: {  	[sflag:s30] =	ssyncset.done $0x0;
	[dreg:$0x19] =	wrdreg s24  }
0x18e: {  	[sflag:s30] =	ssyncadd.s32 $0xFFFFFF80;
	s24 =	rddreg [dreg:$0x18];
	s21 =	smov.u32 s19  }
0x18f: {  	_ =	sfence.sel $0x180000  }
0x190: {  	[bflag:$0x0] =	sbarrier.arrive $0xFFFF  }
0x191: {  	_ =	strace $0x90000047  }
0x192: {  	s0 =	stileid.u32;
	[bflag:$0x2] =	sbarrier.arrive $0xFFFF  }
0x193: {  	p0 =	sne.s32 s0, $0x0;
	s0 =	rddreg [dreg:$0x4]  }
0x194: {  	s0 =	sadd.s32 @!p0 $0x100000, s0  }
0x195: {  	[sflag:s0] =	ssyncadd.tile.s32 @!p0 $0x1;
	_ =	shalt  }
.Lfunc_end2:
_tile_overlayer_lowered:
.L_overlay_start_2:
0x196: {  	(tag) =	ssettag $0x2  }
0x197: {  	s0 =	rddreg [dreg:$0x0];
	s2 =	stileid.u32  }
0x198: {  	s1 =	rddreg [dreg:$0x1];
	p0 =	sne.s32 s2, $0x0  }
0x199: {  	s3 =	rddreg [dreg:$0x2];
	[bflag:$0x3] =	sbarrier.arrive $0xFFFF;
	s2 =	simm.s32 @!p0 $0x1C01  }
0x19a: {  	[timem:s3], [sflag:s2] =	dma.local @!p0 [hbm:s0], s1  }
0x19b: {  	s0 =	simm.s32 @!p0 $0x1  }
0x19c: {  	_ =	swait.ge @!p0 [sflag:s0], s1  }
0x19d: {  	s1 =	ssub.s32 @!p0 $0x0, s1;
	[sflag:s0] =	ssyncset.done @!p0 $0x0  }
0x19e: {  	[sflag:s0] =	ssyncadd.s32 @!p0 s1  }
0x19f: {  	[bflag:$0x3] =	sbarrier.arrive $0xFFFF  }
0x1a0: {  	_ =	shalt  }

</sc_bundles>
